<compile_context>
chip_gen: v7x
topology: tpu7x:2x2x1
jax: 0.10.2.dev20260603
libtpu: 0.0.44.dev20260713+nightly
codegen_flags: <defaults>
</compile_context>

<pallas_src>
import functools

import jax
import jax.numpy as jnp
from jax import lax
from jax.experimental import pallas as pl
from jax.experimental.pallas import tpu as pltpu
from jax.experimental.pallas import tpu_sc as plsc

_ANCHORS = [1.3221, 1.73145, 3.19275, 4.00944, 5.05587, 8.09892, 9.47112,
            4.84053, 11.2364, 10.0071]
_NA = 5
_W = 52
_H = 52
_HW = _H * _W
_G = 16
_NSC = 64
_NTC = 128 - _NSC
_PER_TILE = _NSC // 32
_R = _G * _NA


def _prep_kernel(t_ref, p_ref):
    t = t_ref[...]
    gx = t[:, 0:1] * _W
    gy = t[:, 1:2] * _H
    gw = t[:, 2:3] * _W
    gh = t[:, 3:4] * _H
    gif = jnp.floor(gx)
    gjf = jnp.floor(gy)
    garea = gw * gh
    best_iou = jnp.full_like(gx, -1.0)
    best = jnp.zeros_like(gx)
    awb = jnp.zeros_like(gx)
    ahb = jnp.zeros_like(gx)
    for a in range(_NA):
        aw = _ANCHORS[2 * a]
        ah = _ANCHORS[2 * a + 1]
        cw = jnp.minimum(gw, aw)
        ch = jnp.minimum(gh, ah)
        carea = cw * ch
        iou = carea / (garea + aw * ah - carea)
        upd = iou > best_iou
        best = jnp.where(upd, float(a), best)
        awb = jnp.where(upd, aw, awb)
        ahb = jnp.where(upd, ah, ahb)
        best_iou = jnp.where(upd, iou, best_iou)
    tx = gx - gif
    ty = gy - gjf
    tw = jnp.log(gw / awb)
    th = jnp.log(gh / ahb)
    kmatch = gjf * float(_W) + gif
    p_ref[...] = jnp.concatenate(
        [gx, gy, gw, gh, gif, gjf, tx, ty, tw, th, awb, ahb, kmatch, best,
         garea, jnp.zeros_like(gx)], axis=1)


def _dense_kernel(p_ref, x_ref, out_ref):
    g = pl.program_id(0)

    @pl.when(g == 0)
    def _init():
        out_ref[0:1, 0:1] = jnp.zeros((1, 1), jnp.float32)

    x4 = x_ref[...].reshape(_R, _NA, _HW)
    X = x4[:, 0, :]
    Y = x4[:, 1, :]
    Wc = x4[:, 2, :]
    Hc = x4[:, 3, :]
    C = x4[:, 4, :]

    rio = jax.lax.broadcasted_iota(jnp.int32, (_R, _G), 0) // _NA
    cio = jax.lax.broadcasted_iota(jnp.int32, (_R, _G), 1)
    E = (rio == cio).astype(jnp.float32)
    EP = jnp.dot(E, p_ref[...], preferred_element_type=jnp.float32)

    def col(i):
        return EP[:, i:i + 1]

    gx, gy, gw, gh = col(0), col(1), col(2), col(3)
    gif, gjf = col(4), col(5)
    tx, ty, tw, th = col(6), col(7), col(8), col(9)
    kmatch, best, garea = col(12), col(13), col(14)

    aidx = (jax.lax.broadcasted_iota(jnp.int32, (_R, 1), 0) % _NA
            ).astype(jnp.float32)
    anw = jnp.zeros((_R, 1), jnp.float32)
    anh = jnp.zeros((_R, 1), jnp.float32)
    for a in range(_NA):
        m = aidx == float(a)
        anw = jnp.where(m, _ANCHORS[2 * a], anw)
        anh = jnp.where(m, _ANCHORS[2 * a + 1], anh)

    kiof = jax.lax.broadcasted_iota(
        jnp.int32, (_R, _HW), 1).astype(jnp.float32)
    gridy = jnp.floor(kiof * (1.0 / _W))
    gridx = kiof - gridy * _W

    gx0 = gx - 0.5 * gw
    gx1 = gx + 0.5 * gw
    gy0 = gy - 0.5 * gh
    gy1 = gy + 0.5 * gh

    dx = 0.5 * jnp.tanh(0.5 * X)
    dy = 0.5 * jnp.tanh(0.5 * Y)
    pc = 0.5 + 0.5 * jnp.tanh(0.5 * C)
    pwv = jnp.exp(Wc) * anw
    phv = jnp.exp(Hc) * anh
    pxv = dx + (gridx + 0.5)
    pyv = dy + (gridy + 0.5)
    hw_ = 0.5 * pwv
    hh_ = 0.5 * phv
    uw = jnp.maximum(gx1, pxv + hw_) - jnp.minimum(gx0, pxv - hw_)
    uh = jnp.maximum(gy1, pyv + hh_) - jnp.minimum(gy0, pyv - hh_)
    cw = gw + pwv - uw
    ch = gh + phv - uh
    carea = cw * ch
    uarea = garea + pwv * phv - carea
    sil = (cw > 0.0) & (ch > 0.0) & (carea > 0.6 * uarea)
    cell = dx * dx + dy * dy + Wc * Wc + Hc * Hc \
        + jnp.where(sil, 0.0, pc * pc)
    base = jnp.sum(cell, axis=1, keepdims=True)

    rowm = best == aidx
    sel = rowm & (kiof == kmatch)
    r0 = jnp.sum(jnp.where(sel, X, 0.0), axis=1, keepdims=True)
    r1 = jnp.sum(jnp.where(sel, Y, 0.0), axis=1, keepdims=True)
    r2 = jnp.sum(jnp.where(sel, Wc, 0.0), axis=1, keepdims=True)
    r3 = jnp.sum(jnp.where(sel, Hc, 0.0), axis=1, keepdims=True)
    r4 = jnp.sum(jnp.where(sel, C, 0.0), axis=1, keepdims=True)

    sxm = 0.5 + 0.5 * jnp.tanh(0.5 * r0)
    sym = 0.5 + 0.5 * jnp.tanh(0.5 * r1)
    pcm = 0.5 + 0.5 * jnp.tanh(0.5 * r4)
    pwm = jnp.exp(r2) * anw
    phm = jnp.exp(r3) * anh
    pxm = sxm + gif
    pym = sym + gjf
    uwm = jnp.maximum(gx1, pxm + 0.5 * pwm) - jnp.minimum(gx0, pxm - 0.5 * pwm)
    uhm = jnp.maximum(gy1, pym + 0.5 * phm) - jnp.minimum(gy0, pym - 0.5 * phm)
    cwm = gw + pwm - uwm
    chm = gh + phm - uhm
    cam = cwm * chm
    uam = garea + pwm * phm - cam
    iou_t = jnp.where((cwm > 0.0) & (chm > 0.0), cam / uam, 0.0)

    coord_corr = (sxm - tx) ** 2 - (sxm - 0.5) ** 2 \
        + (sym - ty) ** 2 - (sym - 0.5) ** 2 \
        + (r2 - tw) ** 2 - r2 * r2 \
        + (r3 - th) ** 2 - r3 * r3
    dconf = pcm - iou_t
    conf_corr = 5.0 * dconf * dconf \
        - jnp.where(iou_t > 0.6, 0.0, pcm * pcm)
    corr = jnp.where(rowm, coord_corr + conf_corr, 0.0)

    step = jnp.sum(base + corr, axis=0, keepdims=True)
    out_ref[0:1, 0:1] += step[0:1, 0:1]


def _sc_kernel(pred_hbm, params_hbm, out_hbm, chunk_v, parm_v, acc_v):
    nc = 2
    wid = lax.axis_index("s") * nc + lax.axis_index("c")
    total = jnp.zeros((16,), jnp.float32)
    for si in range(_PER_TILE):
        total = total + _sc_sample(_NTC + wid * _PER_TILE + si,
                                   pred_hbm, params_hbm, chunk_v, parm_v)
    acc_v[...] = total
    pltpu.sync_copy(acc_v, out_hbm.at[pl.ds(wid * 16, 16)])


def _sc_sample(sample, pred_hbm, params_hbm, chunk_v, parm_v):
    pltpu.sync_copy(params_hbm.at[pl.ds(sample * 256, 256)], parm_v)

    def bcast(j):
        return parm_v[pl.ds(j * 16, 16)]

    gx, gy, gw, gh = bcast(0), bcast(1), bcast(2), bcast(3)
    gif, gjf = bcast(4), bcast(5)
    tx, ty, tw, th = bcast(6), bcast(7), bcast(8), bcast(9)
    awb, ahb = bcast(10), bcast(11)
    kmatch, best, garea = bcast(12), bcast(13), bcast(14)

    gx0 = gx - 0.5 * gw
    gx1 = gx + 0.5 * gw
    gy0 = gy - 0.5 * gh
    gy1 = gy + 0.5 * gh

    lane = lax.iota(jnp.int32, 16)
    zero = jnp.zeros((16,), jnp.float32)

    acc = zero
    raws = [zero] * 5
    pltpu.sync_copy(pred_hbm.at[sample], chunk_v)
    for a in range(_NA):
        anw = float(_ANCHORS[2 * a])
        anh = float(_ANCHORS[2 * a + 1])
        besteq = best == float(a)

        def body(i, carry):
            acc, rx, ry, rw, rh, rc = carry
            k = i * 16 + lane
            kf = k.astype(jnp.float32)
            gyi = ((k * 40330) >> 21).astype(jnp.float32)
            gxi = kf - gyi * _W
            xr = chunk_v[5 * a + 0, pl.ds(i * 16, 16)]
            yr = chunk_v[5 * a + 1, pl.ds(i * 16, 16)]
            wr = chunk_v[5 * a + 2, pl.ds(i * 16, 16)]
            hr = chunk_v[5 * a + 3, pl.ds(i * 16, 16)]
            cr = chunk_v[5 * a + 4, pl.ds(i * 16, 16)]
            sigx = 1.0 / (1.0 + jnp.exp(-xr))
            sigy = 1.0 / (1.0 + jnp.exp(-yr))
            pcv = 1.0 / (1.0 + jnp.exp(-cr))
            pwv = jnp.exp(wr) * anw
            phv = jnp.exp(hr) * anh
            pxv = sigx + gxi
            pyv = sigy + gyi
            hw_ = 0.5 * pwv
            hh_ = 0.5 * phv
            uw = jnp.maximum(gx1, pxv + hw_) - jnp.minimum(gx0, pxv - hw_)
            uh = jnp.maximum(gy1, pyv + hh_) - jnp.minimum(gy0, pyv - hh_)
            cwv = gw + pwv - uw
            chv = gh + phv - uh
            carea = cwv * chv
            uarea = garea + pwv * phv - carea
            sil = (cwv > 0.0) & (chv > 0.0) & (carea > 0.6 * uarea)
            ddx = sigx - 0.5
            ddy = sigy - 0.5
            cell = ddx * ddx + ddy * ddy + wr * wr + hr * hr \
                + jnp.where(sil, 0.0, pcv * pcv)
            selm = besteq & (kf == kmatch)
            rx = rx + jnp.where(selm, xr, 0.0)
            ry = ry + jnp.where(selm, yr, 0.0)
            rw = rw + jnp.where(selm, wr, 0.0)
            rh = rh + jnp.where(selm, hr, 0.0)
            rc = rc + jnp.where(selm, cr, 0.0)
            return (acc + cell, rx, ry, rw, rh, rc)

        acc, raws[0], raws[1], raws[2], raws[3], raws[4] = lax.fori_loop(
            0, _HW // 16, body, (acc, raws[0], raws[1], raws[2], raws[3],
                                 raws[4]))

    def tot(v):
        for bit in (1, 2, 4, 8):
            idx = lane ^ bit
            v = v + v.at[idx].get(mode="promise_in_bounds")
        return v

    r0, r1, r2, r3, r4 = (tot(v) for v in raws)
    sxm = 1.0 / (1.0 + jnp.exp(-r0))
    sym = 1.0 / (1.0 + jnp.exp(-r1))
    pcm = 1.0 / (1.0 + jnp.exp(-r4))
    pwm = jnp.exp(r2) * awb
    phm = jnp.exp(r3) * ahb
    pxm = sxm + gif
    pym = sym + gjf
    uwm = jnp.maximum(gx1, pxm + 0.5 * pwm) - jnp.minimum(gx0, pxm - 0.5 * pwm)
    uhm = jnp.maximum(gy1, pym + 0.5 * phm) - jnp.minimum(gy0, pym - 0.5 * phm)
    cwm = gw + pwm - uwm
    chm = gh + phm - uhm
    cam = cwm * chm
    uam = garea + pwm * phm - cam
    iou_t = jnp.where((cwm > 0.0) & (chm > 0.0), cam / uam, 0.0)

    def sq(v):
        return v * v

    coord_corr = sq(sxm - tx) - sq(sxm - 0.5) \
        + sq(sym - ty) - sq(sym - 0.5) \
        + sq(r2 - tw) - r2 * r2 \
        + sq(r3 - th) - r3 * r3
    dconf = pcm - iou_t
    conf_corr = 5.0 * dconf * dconf \
        - jnp.where(iou_t > 0.6, 0.0, pcm * pcm)
    return acc + (coord_corr + conf_corr) * (1.0 / 16.0)


def kernel(pred, target):
    bs = pred.shape[0]
    pred3 = pred.reshape(bs, _NA * 5, _HW)
    params = pl.pallas_call(
        _prep_kernel,
        out_shape=jax.ShapeDtypeStruct((bs, 16), jnp.float32),
    )(target)

    tc_total = pl.pallas_call(
        _dense_kernel,
        grid=(_NTC // _G,),
        in_specs=[
            pl.BlockSpec((_G, 16), lambda g: (g, 0)),
            pl.BlockSpec((_G, _NA * 5, _HW), lambda g: (g, 0, 0)),
        ],
        out_specs=pl.BlockSpec((1, 1), lambda g: (0, 0)),
        out_shape=jax.ShapeDtypeStruct((1, 1), jnp.float32),
    )(params, pred3)

    mesh = plsc.VectorSubcoreMesh(core_axis_name="c", subcore_axis_name="s")
    sc_part = functools.partial(
        pl.kernel, mesh=mesh,
        out_type=jax.ShapeDtypeStruct((_NSC * 16,), jnp.float32),
        scratch_types=[
            pltpu.VMEM((_NA * 5, _HW), jnp.float32),
            pltpu.VMEM((256,), jnp.float32),
            pltpu.VMEM((16,), jnp.float32),
        ],
    )(_sc_kernel)
    params_sc = jnp.broadcast_to(
        params[:, :, None], (bs, 16, 16)).reshape(-1)
    sc_out = sc_part(pred3, params_sc)

    return (tc_total[0, 0] + jnp.sum(sc_out)) * 0.5

# --- scband reference (transcript-rebuilt; emitter-appended) ---
"""Pipeline reference for scband-region-loss-no-class-1-bbox-80023830659722 (READ-ONLY COPY).

The authoritative reference and input builder live on the scoring server;
editing this copy changes nothing except your own understanding.
"""

import jax, jax.numpy as jnp
import numpy as np

ANCHORS = [1.3221, 1.73145, 3.19275, 4.00944, 5.05587, 8.09892, 9.47112, 4.84053, 11.2364, 10.0071]
NA = 5
OBJECT_SCALE = 5.0
NO_OBJECT_SCALE = 1.0
COORD_SCALE = 1.0
SIL_THRESH = 0.6


def bbox_iou(x1, y1, w1, h1, x2, y2, w2, h2):
    # darknet-style IoU on center-format boxes, broadcastable
    mx = jnp.minimum(x1 - w1 / 2.0, x2 - w2 / 2.0)
    Mx = jnp.maximum(x1 + w1 / 2.0, x2 + w2 / 2.0)
    my = jnp.minimum(y1 - h1 / 2.0, y2 - h2 / 2.0)
    My = jnp.maximum(y1 + h1 / 2.0, y2 + h2 / 2.0)
    uw = Mx - mx
    uh = My - my
    cw = w1 + w2 - uw
    ch = h1 + h2 - uh
    carea = cw * ch
    uarea = w1 * h1 + w2 * h2 - carea
    iou = carea / uarea
    return jnp.where((cw <= 0) | (ch <= 0), 0.0, iou)


def setup_inputs(seed: int = 0) -> dict:
    key = jax.random.key(seed)
    k1, k2 = jax.random.split(key)
    pred = jax.random.normal(k1, (128, NA * 5, 52, 52), dtype=jnp.float32)
    # target in (0,1); keep away from 0/1 so log(gw/anchor) is finite and grid indices are in-range
    target = jax.random.uniform(k2, (128, 4), dtype=jnp.float32, minval=0.05, maxval=0.95)
    return {"pred": pred, "target": target}


def _forward(pred, target):
    bs = pred.shape[0]
    W = pred.shape[2]
    H = pred.shape[3]
    pred = pred.reshape(bs, NA, 5, H, W)
    xy = jax.nn.sigmoid(pred[:, :, :2])
    wh = pred[:, :, 2:4]
    pred_boxes = jnp.concatenate([xy, wh], axis=2)  # (bs, na, 4, H, W)
    pred_conf = jax.nn.sigmoid(pred[:, :, 4])       # (bs, na, H, W)

    yv, xv = jnp.meshgrid(jnp.arange(H), jnp.arange(W), indexing='ij')
    grid_x = xv.astype(jnp.float32)[None, None]
    grid_y = yv.astype(jnp.float32)[None, None]
    anc = jnp.array(ANCHORS, dtype=jnp.float32).reshape(NA, 2)
    anc_w = anc[:, 0].reshape(1, NA, 1, 1)
    anc_h = anc[:, 1].reshape(1, NA, 1, 1)

    # pred_boxes_ofs = pred_boxes.clone().detach() in torch
    pb = jax.lax.stop_gradient(pred_boxes)
    px = pb[:, :, 0] + grid_x
    py = pb[:, :, 1] + grid_y
    pw = jnp.exp(pb[:, :, 2]) * anc_w
    ph = jnp.exp(pb[:, :, 3]) * anc_h

    # target scaled to grid
    gx = target[:, 0] * W
    gy = target[:, 1] * H
    gw = target[:, 2] * W
    gh = target[:, 3] * H

    # --- get_conf_mask ---
    iou_all = bbox_iou(gx[:, None, None, None], gy[:, None, None, None],
                       gw[:, None, None, None], gh[:, None, None, None],
                       px, py, pw, ph)
    iou_all = jnp.maximum(iou_all, 0.0)
    conf_mask = jnp.full((bs, NA, H, W), NO_OBJECT_SCALE, dtype=jnp.float32)
    conf_mask = jnp.where(iou_all > SIL_THRESH, 0.0, conf_mask)

    # --- get_target (epoch < 1 warmup branch active) ---
    target_box = jnp.zeros((bs, NA, 4, H, W), dtype=jnp.float32)
    target_box = target_box.at[:, :, 0].set(0.5).at[:, :, 1].set(0.5)
    coord_mask = jnp.ones((bs, NA, H, W), dtype=jnp.float32)
    target_conf = jnp.zeros((bs, NA, H, W), dtype=jnp.float32)

    gif = jnp.floor(gx)
    gjf = jnp.floor(gy)
    gi = gif.astype(jnp.int32)
    gj = gjf.astype(jnp.int32)

    # best anchor by IoU of (0,0,gw,gh) vs (0,0,aw,ah)
    anc_ious = bbox_iou(0.0, 0.0, gw[:, None], gh[:, None],
                        0.0, 0.0, anc[None, :, 0], anc[None, :, 1])
    best = jnp.argmax(anc_ious, axis=1)
    b_idx = jnp.arange(bs)

    pbx = px[b_idx, best, gj, gi]
    pby = py[b_idx, best, gj, gi]
    pbw = pw[b_idx, best, gj, gi]
    pbh = ph[b_idx, best, gj, gi]
    iou_t = bbox_iou(gx, gy, gw, gh, pbx, pby, pbw, pbh)

    aw = anc[best, 0]
    ah = anc[best, 1]
    coord_mask = coord_mask.at[b_idx, best, gj, gi].set(1.0)
    conf_mask = conf_mask.at[b_idx, best, gj, gi].set(OBJECT_SCALE)
    target_box = target_box.at[b_idx, best, 0, gj, gi].set(gx - gif)
    target_box = target_box.at[b_idx, best, 1, gj, gi].set(gy - gjf)
    target_box = target_box.at[b_idx, best, 2, gj, gi].set(jnp.log(gw / aw))
    target_box = target_box.at[b_idx, best, 3, gj, gi].set(jnp.log(gh / ah))
    target_conf = target_conf.at[b_idx, best, gj, gi].set(iou_t)

    conf_mask = jnp.sqrt(conf_mask)
    cm4 = coord_mask[:, :, None]
    loss_coord = COORD_SCALE * jnp.sum((pred_boxes * cm4 - target_box * cm4) ** 2) / 2.0
    loss_conf = jnp.sum((pred_conf * conf_mask - target_conf * conf_mask) ** 2) / 2.0
    return loss_coord + loss_conf


def reference(pred, target):
    return _forward(pred, target)

if __name__ == "__main__":
    import jax
    _d = setup_inputs()
    print(jax.jit(kernel)(*tuple(_d.values())))

</pallas_src>

<mosaic_0001>
#map = affine_map<(d0, d1) -> (0, 0, 0)>
#map1 = affine_map<(d0, d1) -> (0)>
module attributes {stable_mosaic.version = 14 : i64} {
  func.func @_sc_kernel(%arg0: i32, %arg1: i32, %arg2: memref<128x25x2704xf32, #tpu.memory_space<hbm>>, %arg3: memref<32768xf32, #tpu.memory_space<hbm>>, %arg4: memref<1024xf32, #tpu.memory_space<hbm>>, %arg5: memref<25x2704xf32, #tpu.memory_space<vmem>>, %arg6: memref<256xf32, #tpu.memory_space<vmem>>, %arg7: memref<16xf32, #tpu.memory_space<vmem>>) attributes {dimension_semantics = [#tpu.dimension_semantics<core_parallel>, #tpu.dimension_semantics<subcore_parallel>], iteration_bounds = array<i64: 2, 16>, scalar_prefetch = 0 : i64, scratch_operands = 3 : i64, tpu.core_type = #tpu.core_type<sc_vector_subcore>, window_params = [{transform_indices = #map}, {transform_indices = #map1}, {transform_indices = #map1}]} {
    %mul3A = arith.constant 2 : i32
    %mul3A_0 = arith.muli %arg1, %mul3A : i32
    %add3A = arith.addi %mul3A_0, %arg0 : i32
    %broadcast_in_dim3A = arith.constant 0.000000e+00 : f32
    %broadcast_in_dim3A_1 = vector.broadcast %broadcast_in_dim3A : f32 to vector<16xf32>
    %mul3A_2 = arith.constant 2 : i32
    %mul3A_3 = arith.muli %add3A, %mul3A_2 : i32
    %add3A_4 = arith.constant 64 : i32
    %add3A_5 = arith.addi %add3A_4, %mul3A_3 : i32
    %add3A_6 = arith.constant 0 : i32
    %add3A_7 = arith.addi %add3A_5, %add3A_6 : i32
    %mul3A_8 = arith.constant 256 : i32
    %mul3A_9 = arith.muli %add3A_7, %mul3A_8 : i32
    "tpu.region"() ({
      %run_scoped3A = tpu.sem_alloc : memref<!tpu.dma_semaphore, #tpu.memory_space<semaphore_mem>>
      %dma_start3A = tpu.memref_slice %arg3[%mul3A_9] : memref<32768xf32, #tpu.memory_space<hbm>> -> memref<256xf32, #tpu.memory_space<hbm>>
      %dma_start3A_1026 = tpu.memref_slice %arg3[%mul3A_9] : memref<32768xf32, #tpu.memory_space<hbm>> -> memref<256xf32, #tpu.memory_space<hbm>>
      tpu.enqueue_dma source(%dma_start3A_1026 : memref<256xf32, #tpu.memory_space<hbm>>) target(%arg6 : memref<256xf32, #tpu.memory_space<vmem>>) target_semaphore(%run_scoped3A : memref<!tpu.dma_semaphore, #tpu.memory_space<semaphore_mem>>)
      %dma_wait3A = tpu.memref_slice %arg3[%mul3A_9] : memref<32768xf32, #tpu.memory_space<hbm>> -> memref<256xf32, #tpu.memory_space<hbm>>
      %dma_wait3A_1027 = tpu.memref_slice %arg3[%mul3A_9] : memref<32768xf32, #tpu.memory_space<hbm>> -> memref<256xf32, #tpu.memory_space<hbm>>
      tpu.wait_dma2 semaphore(%run_scoped3A : memref<!tpu.dma_semaphore, #tpu.memory_space<semaphore_mem>>) src(%dma_wait3A_1027 : memref<256xf32, #tpu.memory_space<hbm>>) dst(%arg6 : memref<256xf32, #tpu.memory_space<vmem>>)
      tpu.yield
    }) : () -> ()
    %get3A = arith.constant 0 : index
    %get3A_10 = tpu.vector_load %arg6[%get3A] {strides = array<i32>} : memref<256xf32, #tpu.memory_space<vmem>>, vector<16xf32>,
    %get3A_11 = vector.shape_cast %get3A_10 : vector<16xf32> to vector<16xf32>
    %get3A_12 = arith.constant 16 : index
    %get3A_13 = tpu.vector_load %arg6[%get3A_12] {strides = array<i32>} : memref<256xf32, #tpu.memory_space<vmem>>, vector<16xf32>,
    %get3A_14 = vector.shape_cast %get3A_13 : vector<16xf32> to vector<16xf32>
    %get3A_15 = arith.constant 32 : index
    %get3A_16 = tpu.vector_load %arg6[%get3A_15] {strides = array<i32>} : memref<256xf32, #tpu.memory_space<vmem>>, vector<16xf32>,
    %get3A_17 = vector.shape_cast %get3A_16 : vector<16xf32> to vector<16xf32>
    %get3A_18 = arith.constant 48 : index
    %get3A_19 = tpu.vector_load %arg6[%get3A_18] {strides = array<i32>} : memref<256xf32, #tpu.memory_space<vmem>>, vector<16xf32>,
    %get3A_20 = vector.shape_cast %get3A_19 : vector<16xf32> to vector<16xf32>
    %get3A_21 = arith.constant 64 : index
    %get3A_22 = tpu.vector_load %arg6[%get3A_21] {strides = array<i32>} : memref<256xf32, #tpu.memory_space<vmem>>, vector<16xf32>,
    %get3A_23 = vector.shape_cast %get3A_22 : vector<16xf32> to vector<16xf32>
    %get3A_24 = arith.constant 80 : index
    %get3A_25 = tpu.vector_load %arg6[%get3A_24] {strides = array<i32>} : memref<256xf32, #tpu.memory_space<vmem>>, vector<16xf32>,
    %get3A_26 = vector.shape_cast %get3A_25 : vector<16xf32> to vector<16xf32>
    %get3A_27 = arith.constant 96 : index
    %get3A_28 = tpu.vector_load %arg6[%get3A_27] {strides = array<i32>} : memref<256xf32, #tpu.memory_space<vmem>>, vector<16xf32>,
    %get3A_29 = vector.shape_cast %get3A_28 : vector<16xf32> to vector<16xf32>
    %get3A_30 = arith.constant 112 : index
    %get3A_31 = tpu.vector_load %arg6[%get3A_30] {strides = array<i32>} : memref<256xf32, #tpu.memory_space<vmem>>, vector<16xf32>,
    %get3A_32 = vector.shape_cast %get3A_31 : vector<16xf32> to vector<16xf32>
    %get3A_33 = arith.constant 128 : index
    %get3A_34 = tpu.vector_load %arg6[%get3A_33] {strides = array<i32>} : memref<256xf32, #tpu.memory_space<vmem>>, vector<16xf32>,
    %get3A_35 = vector.shape_cast %get3A_34 : vector<16xf32> to vector<16xf32>
    %get3A_36 = arith.constant 144 : index
    %get3A_37 = tpu.vector_load %arg6[%get3A_36] {strides = array<i32>} : memref<256xf32, #tpu.memory_space<vmem>>, vector<16xf32>,
    %get3A_38 = vector.shape_cast %get3A_37 : vector<16xf32> to vector<16xf32>
    %get3A_39 = arith.constant 160 : index
    %get3A_40 = tpu.vector_load %arg6[%get3A_39] {strides = array<i32>} : memref<256xf32, #tpu.memory_space<vmem>>, vector<16xf32>,
    %get3A_41 = vector.shape_cast %get3A_40 : vector<16xf32> to vector<16xf32>
    %get3A_42 = arith.constant 176 : index
    %get3A_43 = tpu.vector_load %arg6[%get3A_42] {strides = array<i32>} : memref<256xf32, #tpu.memory_space<vmem>>, vector<16xf32>,
    %get3A_44 = vector.shape_cast %get3A_43 : vector<16xf32> to vector<16xf32>
    %get3A_45 = arith.constant 192 : index
    %get3A_46 = tpu.vector_load %arg6[%get3A_45] {strides = array<i32>} : memref<256xf32, #tpu.memory_space<vmem>>, vector<16xf32>,
    %get3A_47 = vector.shape_cast %get3A_46 : vector<16xf32> to vector<16xf32>
    %get3A_48 = arith.constant 208 : index
    %get3A_49 = tpu.vector_load %arg6[%get3A_48] {strides = array<i32>} : memref<256xf32, #tpu.memory_space<vmem>>, vector<16xf32>,
    %get3A_50 = vector.shape_cast %get3A_49 : vector<16xf32> to vector<16xf32>
    %get3A_51 = arith.constant 224 : index
    %get3A_52 = tpu.vector_load %arg6[%get3A_51] {strides = array<i32>} : memref<256xf32, #tpu.memory_space<vmem>>, vector<16xf32>,
    %get3A_53 = vector.shape_cast %get3A_52 : vector<16xf32> to vector<16xf32>
    %mul3A_54 = arith.constant 5.000000e-01 : f32
    %mul3A_55 = vector.broadcast %mul3A_54 : f32 to vector<16xf32>
    %mul3A_56 = arith.mulf %mul3A_55, %get3A_17 : vector<16xf32>
    %sub3A = arith.subf %get3A_11, %mul3A_56 : vector<16xf32>
    %mul3A_57 = arith.constant 5.000000e-01 : f32
    %mul3A_58 = vector.broadcast %mul3A_57 : f32 to vector<16xf32>
    %mul3A_59 = arith.mulf %mul3A_58, %get3A_17 : vector<16xf32>
    %add3A_60 = arith.addf %get3A_11, %mul3A_59 : vector<16xf32>
    %mul3A_61 = arith.constant 5.000000e-01 : f32
    %mul3A_62 = vector.broadcast %mul3A_61 : f32 to vector<16xf32>
    %mul3A_63 = arith.mulf %mul3A_62, %get3A_20 : vector<16xf32>
    %sub3A_64 = arith.subf %get3A_14, %mul3A_63 : vector<16xf32>
    %mul3A_65 = arith.constant 5.000000e-01 : f32
    %mul3A_66 = vector.broadcast %mul3A_65 : f32 to vector<16xf32>
    %mul3A_67 = arith.mulf %mul3A_66, %get3A_20 : vector<16xf32>
    %add3A_68 = arith.addf %get3A_14, %mul3A_67 : vector<16xf32>
    %iota3A = tpu.iota {dimensions = array<i32: 0>} : vector<16xi32>
    %broadcast_in_dim3A_69 = arith.constant 0.000000e+00 : f32
    %broadcast_in_dim3A_70 = vector.broadcast %broadcast_in_dim3A_69 : f32 to vector<16xf32>
    "tpu.region"() ({
      %run_scoped3A = tpu.sem_alloc : memref<!tpu.dma_semaphore, #tpu.memory_space<semaphore_mem>>
      %dma_start3A = arith.constant 0 : i32
      %dma_start3A_1026 = arith.constant 0 : i32
      %dma_start3A_1027 = tpu.memref_slice %arg2[%add3A_7, %dma_start3A, %dma_start3A_1026] : memref<128x25x2704xf32, #tpu.memory_space<hbm>> -> memref<1x25x2704xf32, #tpu.memory_space<hbm>>
      %dma_start3A_1028 = tpu.memref_squeeze %dma_start3A_1027 : memref<1x25x2704xf32, #tpu.memory_space<hbm>> -> memref<25x2704xf32, #tpu.memory_space<hbm>>
      %dma_start3A_1029 = arith.constant 0 : i32
      %dma_start3A_1030 = arith.constant 0 : i32
      %dma_start3A_1031 = tpu.memref_slice %arg2[%add3A_7, %dma_start3A_1029, %dma_start3A_1030] : memref<128x25x2704xf32, #tpu.memory_space<hbm>> -> memref<1x25x2704xf32, #tpu.memory_space<hbm>>
      %dma_start3A_1032 = tpu.memref_squeeze %dma_start3A_1031 : memref<1x25x2704xf32, #tpu.memory_space<hbm>> -> memref<25x2704xf32, #tpu.memory_space<hbm>>
      tpu.enqueue_dma source(%dma_start3A_1032 : memref<25x2704xf32, #tpu.memory_space<hbm>>) target(%arg5 : memref<25x2704xf32, #tpu.memory_space<vmem>>) target_semaphore(%run_scoped3A : memref<!tpu.dma_semaphore, #tpu.memory_space<semaphore_mem>>)
      %dma_wait3A = arith.constant 0 : i32
      %dma_wait3A_1033 = arith.constant 0 : i32
      %dma_wait3A_1034 = tpu.memref_slice %arg2[%add3A_7, %dma_wait3A, %dma_wait3A_1033] : memref<128x25x2704xf32, #tpu.memory_space<hbm>> -> memref<1x25x2704xf32, #tpu.memory_space<hbm>>
      %dma_wait3A_1035 = tpu.memref_squeeze %dma_wait3A_1034 : memref<1x25x2704xf32, #tpu.memory_space<hbm>> -> memref<25x2704xf32, #tpu.memory_space<hbm>>
      %dma_wait3A_1036 = arith.constant 0 : i32
      %dma_wait3A_1037 = arith.constant 0 : i32
      %dma_wait3A_1038 = tpu.memref_slice %arg2[%add3A_7, %dma_wait3A_1036, %dma_wait3A_1037] : memref<128x25x2704xf32, #tpu.memory_space<hbm>> -> memref<1x25x2704xf32, #tpu.memory_space<hbm>>
      %dma_wait3A_1039 = tpu.memref_squeeze %dma_wait3A_1038 : memref<1x25x2704xf32, #tpu.memory_space<hbm>> -> memref<25x2704xf32, #tpu.memory_space<hbm>>
      tpu.wait_dma2 semaphore(%run_scoped3A : memref<!tpu.dma_semaphore, #tpu.memory_space<semaphore_mem>>) src(%dma_wait3A_1039 : memref<25x2704xf32, #tpu.memory_space<hbm>>) dst(%arg5 : memref<25x2704xf32, #tpu.memory_space<vmem>>)
      tpu.yield
    }) : () -> ()
    %eq3A = arith.constant 0.000000e+00 : f32
    %eq3A_71 = vector.broadcast %eq3A : f32 to vector<16xf32>
    %eq3A_72 = arith.cmpf oeq, %get3A_50, %eq3A_71 : vector<16xf32>
    %scan3A = arith.constant 0 : i32
    %scan3A_73 = arith.constant 169 : i32
    %scan3A_74 = arith.addi %scan3A, %scan3A_73 : i32
    %scan3A_75 = arith.constant 1 : i32
    %scan3A_76:6 = scf.for %scan3A_1026 = %scan3A to %scan3A_74 step %scan3A_75 iter_args(%scan3A_1027 = %broadcast_in_dim3A_70, %scan3A_1028 = %broadcast_in_dim3A_70, %scan3A_1029 = %broadcast_in_dim3A_70, %scan3A_1030 = %broadcast_in_dim3A_70, %scan3A_1031 = %broadcast_in_dim3A_70, %scan3A_1032 = %broadcast_in_dim3A_70) -> (vector<16xf32>, vector<16xf32>, vector<16xf32>, vector<16xf32>, vector<16xf32>, vector<16xf32>)  : i32 {
      %mul3A_1033 = arith.constant 16 : i32
      %mul3A_1034 = arith.muli %scan3A_1026, %mul3A_1033 : i32
      %add3A_1035 = vector.broadcast %mul3A_1034 : i32 to vector<16xi32>
      %add3A_1036 = arith.addi %add3A_1035, %iota3A : vector<16xi32>
      %convert_element_type3A = arith.sitofp %add3A_1036 : vector<16xi32> to vector<16xf32>
      %mul3A_1037 = arith.constant 40330 : i32
      %mul3A_1038 = vector.broadcast %mul3A_1037 : i32 to vector<16xi32>
      %mul3A_1039 = arith.muli %add3A_1036, %mul3A_1038 : vector<16xi32>
      %shift_right_arithmetic3A = arith.constant 21 : i32
      %shift_right_arithmetic3A_1040 = vector.broadcast %shift_right_arithmetic3A : i32 to vector<16xi32>
      %shift_right_arithmetic3A_1041 = arith.shrsi %mul3A_1039, %shift_right_arithmetic3A_1040 : vector<16xi32>
      %convert_element_type3A_1042 = arith.sitofp %shift_right_arithmetic3A_1041 : vector<16xi32> to vector<16xf32>
      %mul3A_1043 = arith.constant 5.200000e+01 : f32
      %mul3A_1044 = vector.broadcast %mul3A_1043 : f32 to vector<16xf32>
      %mul3A_1045 = arith.mulf %convert_element_type3A_1042, %mul3A_1044 : vector<16xf32>
      %sub3A_1046 = arith.subf %convert_element_type3A, %mul3A_1045 : vector<16xf32>
      %mul3A_1047 = arith.constant 16 : i32
      %mul3A_1048 = arith.muli %scan3A_1026, %mul3A_1047 : i32
      %get3A_1049 = arith.constant 0 : i32
      %get3A_1050 = arith.index_cast %get3A_1049 : i32 to index
      %get3A_1051 = arith.index_cast %mul3A_1048 : i32 to index
      %get3A_1052 = tpu.vector_load %arg5[%get3A_1050, %get3A_1051] {strides = array<i32>} : memref<25x2704xf32, #tpu.memory_space<vmem>>, vector<1x16xf32>,
      %get3A_1053 = vector.shape_cast %get3A_1052 : vector<1x16xf32> to vector<16xf32>
      %mul3A_1054 = arith.constant 16 : i32
      %mul3A_1055 = arith.muli %scan3A_1026, %mul3A_1054 : i32
      %get3A_1056 = arith.constant 1 : i32
      %get3A_1057 = arith.index_cast %get3A_1056 : i32 to index
      %get3A_1058 = arith.index_cast %mul3A_1055 : i32 to index
      %get3A_1059 = tpu.vector_load %arg5[%get3A_1057, %get3A_1058] {strides = array<i32>} : memref<25x2704xf32, #tpu.memory_space<vmem>>, vector<1x16xf32>,
      %get3A_1060 = vector.shape_cast %get3A_1059 : vector<1x16xf32> to vector<16xf32>
      %mul3A_1061 = arith.constant 16 : i32
      %mul3A_1062 = arith.muli %scan3A_1026, %mul3A_1061 : i32
      %get3A_1063 = arith.constant 2 : i32
      %get3A_1064 = arith.index_cast %get3A_1063 : i32 to index
      %get3A_1065 = arith.index_cast %mul3A_1062 : i32 to index
      %get3A_1066 = tpu.vector_load %arg5[%get3A_1064, %get3A_1065] {strides = array<i32>} : memref<25x2704xf32, #tpu.memory_space<vmem>>, vector<1x16xf32>,
      %get3A_1067 = vector.shape_cast %get3A_1066 : vector<1x16xf32> to vector<16xf32>
      %mul3A_1068 = arith.constant 16 : i32
      %mul3A_1069 = arith.muli %scan3A_1026, %mul3A_1068 : i32
      %get3A_1070 = arith.constant 3 : i32
      %get3A_1071 = arith.index_cast %get3A_1070 : i32 to index
      %get3A_1072 = arith.index_cast %mul3A_1069 : i32 to index
      %get3A_1073 = tpu.vector_load %arg5[%get3A_1071, %get3A_1072] {strides = array<i32>} : memref<25x2704xf32, #tpu.memory_space<vmem>>, vector<1x16xf32>,
      %get3A_1074 = vector.shape_cast %get3A_1073 : vector<1x16xf32> to vector<16xf32>
      %mul3A_1075 = arith.constant 16 : i32
      %mul3A_1076 = arith.muli %scan3A_1026, %mul3A_1075 : i32
      %get3A_1077 = arith.constant 4 : i32
      %get3A_1078 = arith.index_cast %get3A_1077 : i32 to index
      %get3A_1079 = arith.index_cast %mul3A_1076 : i32 to index
      %get3A_1080 = tpu.vector_load %arg5[%get3A_1078, %get3A_1079] {strides = array<i32>} : memref<25x2704xf32, #tpu.memory_space<vmem>>, vector<1x16xf32>,
      %get3A_1081 = vector.shape_cast %get3A_1080 : vector<1x16xf32> to vector<16xf32>
      %neg3A_1082 = arith.constant 0.000000e+00 : f32
      %neg3A_1083 = vector.broadcast %neg3A_1082 : f32 to vector<16xf32>
      %neg3A_1084 = arith.subf %neg3A_1083, %get3A_1053 : vector<16xf32>
      %exp3A_1085 = math.exp %neg3A_1084 : vector<16xf32>
      %add3A_1086 = arith.constant 1.000000e+00 : f32
      %add3A_1087 = vector.broadcast %add3A_1086 : f32 to vector<16xf32>
      %add3A_1088 = arith.addf %add3A_1087, %exp3A_1085 : vector<16xf32>
      %div3A_1089 = arith.constant 1.000000e+00 : f32
      %div3A_1090 = vector.broadcast %div3A_1089 : f32 to vector<16xf32>
      %div3A_1091 = arith.divf %div3A_1090, %add3A_1088 : vector<16xf32>
      %neg3A_1092 = arith.constant 0.000000e+00 : f32
      %neg3A_1093 = vector.broadcast %neg3A_1092 : f32 to vector<16xf32>
      %neg3A_1094 = arith.subf %neg3A_1093, %get3A_1060 : vector<16xf32>
      %exp3A_1095 = math.exp %neg3A_1094 : vector<16xf32>
      %add3A_1096 = arith.constant 1.000000e+00 : f32
      %add3A_1097 = vector.broadcast %add3A_1096 : f32 to vector<16xf32>
      %add3A_1098 = arith.addf %add3A_1097, %exp3A_1095 : vector<16xf32>
      %div3A_1099 = arith.constant 1.000000e+00 : f32
      %div3A_1100 = vector.broadcast %div3A_1099 : f32 to vector<16xf32>
      %div3A_1101 = arith.divf %div3A_1100, %add3A_1098 : vector<16xf32>
      %neg3A_1102 = arith.constant 0.000000e+00 : f32
      %neg3A_1103 = vector.broadcast %neg3A_1102 : f32 to vector<16xf32>
      %neg3A_1104 = arith.subf %neg3A_1103, %get3A_1081 : vector<16xf32>
      %exp3A_1105 = math.exp %neg3A_1104 : vector<16xf32>
      %add3A_1106 = arith.constant 1.000000e+00 : f32
      %add3A_1107 = vector.broadcast %add3A_1106 : f32 to vector<16xf32>
      %add3A_1108 = arith.addf %add3A_1107, %exp3A_1105 : vector<16xf32>
      %div3A_1109 = arith.constant 1.000000e+00 : f32
      %div3A_1110 = vector.broadcast %div3A_1109 : f32 to vector<16xf32>
      %div3A_1111 = arith.divf %div3A_1110, %add3A_1108 : vector<16xf32>
      %exp3A_1112 = math.exp %get3A_1067 : vector<16xf32>
      %mul3A_1113 = arith.constant 1.322100e+00 : f32
      %mul3A_1114 = vector.broadcast %mul3A_1113 : f32 to vector<16xf32>
      %mul3A_1115 = arith.mulf %exp3A_1112, %mul3A_1114 : vector<16xf32>
      %exp3A_1116 = math.exp %get3A_1074 : vector<16xf32>
      %mul3A_1117 = arith.constant 1.731450e+00 : f32
      %mul3A_1118 = vector.broadcast %mul3A_1117 : f32 to vector<16xf32>
      %mul3A_1119 = arith.mulf %exp3A_1116, %mul3A_1118 : vector<16xf32>
      %add3A_1120 = arith.addf %div3A_1091, %sub3A_1046 : vector<16xf32>
      %add3A_1121 = arith.addf %div3A_1101, %convert_element_type3A_1042 : vector<16xf32>
      %mul3A_1122 = arith.constant 5.000000e-01 : f32
      %mul3A_1123 = vector.broadcast %mul3A_1122 : f32 to vector<16xf32>
      %mul3A_1124 = arith.mulf %mul3A_1123, %mul3A_1115 : vector<16xf32>
      %mul3A_1125 = arith.constant 5.000000e-01 : f32
      %mul3A_1126 = vector.broadcast %mul3A_1125 : f32 to vector<16xf32>
      %mul3A_1127 = arith.mulf %mul3A_1126, %mul3A_1119 : vector<16xf32>
      %add3A_1128 = arith.addf %add3A_1120, %mul3A_1124 : vector<16xf32>
      %max3A_1129 = arith.maximumf %add3A_60, %add3A_1128 : vector<16xf32>
      %sub3A_1130 = arith.subf %add3A_1120, %mul3A_1124 : vector<16xf32>
      %min3A_1131 = arith.minimumf %sub3A, %sub3A_1130 : vector<16xf32>
      %sub3A_1132 = arith.subf %max3A_1129, %min3A_1131 : vector<16xf32>
      %add3A_1133 = arith.addf %add3A_1121, %mul3A_1127 : vector<16xf32>
      %max3A_1134 = arith.maximumf %add3A_68, %add3A_1133 : vector<16xf32>
      %sub3A_1135 = arith.subf %add3A_1121, %mul3A_1127 : vector<16xf32>
      %min3A_1136 = arith.minimumf %sub3A_64, %sub3A_1135 : vector<16xf32>
      %sub3A_1137 = arith.subf %max3A_1134, %min3A_1136 : vector<16xf32>
      %add3A_1138 = arith.addf %get3A_17, %mul3A_1115 : vector<16xf32>
      %sub3A_1139 = arith.subf %add3A_1138, %sub3A_1132 : vector<16xf32>
      %add3A_1140 = arith.addf %get3A_20, %mul3A_1119 : vector<16xf32>
      %sub3A_1141 = arith.subf %add3A_1140, %sub3A_1137 : vector<16xf32>
      %mul3A_1142 = arith.mulf %sub3A_1139, %sub3A_1141 : vector<16xf32>
      %mul3A_1143 = arith.mulf %mul3A_1115, %mul3A_1119 : vector<16xf32>
      %add3A_1144 = arith.addf %get3A_53, %mul3A_1143 : vector<16xf32>
      %sub3A_1145 = arith.subf %add3A_1144, %mul3A_1142 : vector<16xf32>
      %gt3A_1146 = arith.constant 0.000000e+00 : f32
      %gt3A_1147 = vector.broadcast %gt3A_1146 : f32 to vector<16xf32>
      %gt3A_1148 = arith.cmpf ogt, %sub3A_1139, %gt3A_1147 : vector<16xf32>
      %gt3A_1149 = arith.constant 0.000000e+00 : f32
      %gt3A_1150 = vector.broadcast %gt3A_1149 : f32 to vector<16xf32>
      %gt3A_1151 = arith.cmpf ogt, %sub3A_1141, %gt3A_1150 : vector<16xf32>
      %and3A_1152 = arith.andi %gt3A_1148, %gt3A_1151 : vector<16xi1>
      %mul3A_1153 = arith.constant 6.000000e-01 : f32
      %mul3A_1154 = vector.broadcast %mul3A_1153 : f32 to vector<16xf32>
      %mul3A_1155 = arith.mulf %mul3A_1154, %sub3A_1145 : vector<16xf32>
      %gt3A_1156 = arith.cmpf ogt, %mul3A_1142, %mul3A_1155 : vector<16xf32>
      %and3A_1157 = arith.andi %and3A_1152, %gt3A_1156 : vector<16xi1>
      %sub3A_1158 = arith.constant 5.000000e-01 : f32
      %sub3A_1159 = vector.broadcast %sub3A_1158 : f32 to vector<16xf32>
      %sub3A_1160 = arith.subf %div3A_1091, %sub3A_1159 : vector<16xf32>
      %sub3A_1161 = arith.constant 5.000000e-01 : f32
      %sub3A_1162 = vector.broadcast %sub3A_1161 : f32 to vector<16xf32>
      %sub3A_1163 = arith.subf %div3A_1101, %sub3A_1162 : vector<16xf32>
      %mul3A_1164 = arith.mulf %sub3A_1160, %sub3A_1160 : vector<16xf32>
      %mul3A_1165 = arith.mulf %sub3A_1163, %sub3A_1163 : vector<16xf32>
      %add3A_1166 = arith.addf %mul3A_1164, %mul3A_1165 : vector<16xf32>
      %mul3A_1167 = arith.mulf %get3A_1067, %get3A_1067 : vector<16xf32>
      %add3A_1168 = arith.addf %add3A_1166, %mul3A_1167 : vector<16xf32>
      %mul3A_1169 = arith.mulf %get3A_1074, %get3A_1074 : vector<16xf32>
      %add3A_1170 = arith.addf %add3A_1168, %mul3A_1169 : vector<16xf32>
      %mul3A_1171 = arith.mulf %div3A_1111, %div3A_1111 : vector<16xf32>
      %jit3A_1172 = arith.constant 0.000000e+00 : f32
      %broadcast_in_dim3A_1173 = vector.broadcast %jit3A_1172 : f32 to vector<16xf32>
      %select_n3A_1174 = arith.select %and3A_1157, %broadcast_in_dim3A_1173, %mul3A_1171 : vector<16xi1>, vector<16xf32>
      %add3A_1175 = arith.addf %add3A_1170, %select_n3A_1174 : vector<16xf32>
      %eq3A_1176 = arith.cmpf oeq, %convert_element_type3A, %get3A_47 : vector<16xf32>
      %and3A_1177 = arith.andi %eq3A_72, %eq3A_1176 : vector<16xi1>
      %jit3A_1178 = arith.constant 0.000000e+00 : f32
      %broadcast_in_dim3A_1179 = vector.broadcast %jit3A_1178 : f32 to vector<16xf32>
      %select_n3A_1180 = arith.select %and3A_1177, %get3A_1053, %broadcast_in_dim3A_1179 : vector<16xi1>, vector<16xf32>
      %add3A_1181 = arith.addf %scan3A_1028, %select_n3A_1180 : vector<16xf32>
      %jit3A_1182 = arith.constant 0.000000e+00 : f32
      %broadcast_in_dim3A_1183 = vector.broadcast %jit3A_1182 : f32 to vector<16xf32>
      %select_n3A_1184 = arith.select %and3A_1177, %get3A_1060, %broadcast_in_dim3A_1183 : vector<16xi1>, vector<16xf32>
      %add3A_1185 = arith.addf %scan3A_1029, %select_n3A_1184 : vector<16xf32>
      %jit3A_1186 = arith.constant 0.000000e+00 : f32
      %broadcast_in_dim3A_1187 = vector.broadcast %jit3A_1186 : f32 to vector<16xf32>
      %select_n3A_1188 = arith.select %and3A_1177, %get3A_1067, %broadcast_in_dim3A_1187 : vector<16xi1>, vector<16xf32>
      %add3A_1189 = arith.addf %scan3A_1030, %select_n3A_1188 : vector<16xf32>
      %jit3A_1190 = arith.constant 0.000000e+00 : f32
      %broadcast_in_dim3A_1191 = vector.broadcast %jit3A_1190 : f32 to vector<16xf32>
      %select_n3A_1192 = arith.select %and3A_1177, %get3A_1074, %broadcast_in_dim3A_1191 : vector<16xi1>, vector<16xf32>
      %add3A_1193 = arith.addf %scan3A_1031, %select_n3A_1192 : vector<16xf32>
      %jit3A_1194 = arith.constant 0.000000e+00 : f32
      %broadcast_in_dim3A_1195 = vector.broadcast %jit3A_1194 : f32 to vector<16xf32>
      %select_n3A_1196 = arith.select %and3A_1177, %get3A_1081, %broadcast_in_dim3A_1195 : vector<16xi1>, vector<16xf32>
      %add3A_1197 = arith.addf %scan3A_1032, %select_n3A_1196 : vector<16xf32>
      %add3A_1198 = arith.addf %scan3A_1027, %add3A_1175 : vector<16xf32>
      scf.yield %add3A_1198, %add3A_1181, %add3A_1185, %add3A_1189, %add3A_1193, %add3A_1197 : vector<16xf32>, vector<16xf32>, vector<16xf32>, vector<16xf32>, vector<16xf32>, vector<16xf32>
    }
    %scan3A_77 = arith.constant 169 : i32
    %eq3A_78 = arith.constant 1.000000e+00 : f32
    %eq3A_79 = vector.broadcast %eq3A_78 : f32 to vector<16xf32>
    %eq3A_80 = arith.cmpf oeq, %get3A_50, %eq3A_79 : vector<16xf32>
    %scan3A_81 = arith.constant 0 : i32
    %scan3A_82 = arith.constant 169 : i32
    %scan3A_83 = arith.addi %scan3A_81, %scan3A_82 : i32
    %scan3A_84 = arith.constant 1 : i32
    %scan3A_85:6 = scf.for %scan3A_1026 = %scan3A_81 to %scan3A_83 step %scan3A_84 iter_args(%scan3A_1027 = %scan3A_76#0, %scan3A_1028 = %scan3A_76#1, %scan3A_1029 = %scan3A_76#2, %scan3A_1030 = %scan3A_76#3, %scan3A_1031 = %scan3A_76#4, %scan3A_1032 = %scan3A_76#5) -> (vector<16xf32>, vector<16xf32>, vector<16xf32>, vector<16xf32>, vector<16xf32>, vector<16xf32>)  : i32 {
      %mul3A_1033 = arith.constant 16 : i32
      %mul3A_1034 = arith.muli %scan3A_1026, %mul3A_1033 : i32
      %add3A_1035 = vector.broadcast %mul3A_1034 : i32 to vector<16xi32>
      %add3A_1036 = arith.addi %add3A_1035, %iota3A : vector<16xi32>
      %convert_element_type3A = arith.sitofp %add3A_1036 : vector<16xi32> to vector<16xf32>
      %mul3A_1037 = arith.constant 40330 : i32
      %mul3A_1038 = vector.broadcast %mul3A_1037 : i32 to vector<16xi32>
      %mul3A_1039 = arith.muli %add3A_1036, %mul3A_1038 : vector<16xi32>
      %shift_right_arithmetic3A = arith.constant 21 : i32
      %shift_right_arithmetic3A_1040 = vector.broadcast %shift_right_arithmetic3A : i32 to vector<16xi32>
      %shift_right_arithmetic3A_1041 = arith.shrsi %mul3A_1039, %shift_right_arithmetic3A_1040 : vector<16xi32>
      %convert_element_type3A_1042 = arith.sitofp %shift_right_arithmetic3A_1041 : vector<16xi32> to vector<16xf32>
      %mul3A_1043 = arith.constant 5.200000e+01 : f32
      %mul3A_1044 = vector.broadcast %mul3A_1043 : f32 to vector<16xf32>
      %mul3A_1045 = arith.mulf %convert_element_type3A_1042, %mul3A_1044 : vector<16xf32>
      %sub3A_1046 = arith.subf %convert_element_type3A, %mul3A_1045 : vector<16xf32>
      %mul3A_1047 = arith.constant 16 : i32
      %mul3A_1048 = arith.muli %scan3A_1026, %mul3A_1047 : i32
      %get3A_1049 = arith.constant 5 : i32
      %get3A_1050 = arith.index_cast %get3A_1049 : i32 to index
      %get3A_1051 = arith.index_cast %mul3A_1048 : i32 to index
      %get3A_1052 = tpu.vector_load %arg5[%get3A_1050, %get3A_1051] {strides = array<i32>} : memref<25x2704xf32, #tpu.memory_space<vmem>>, vector<1x16xf32>,
      %get3A_1053 = vector.shape_cast %get3A_1052 : vector<1x16xf32> to vector<16xf32>
      %mul3A_1054 = arith.constant 16 : i32
      %mul3A_1055 = arith.muli %scan3A_1026, %mul3A_1054 : i32
      %get3A_1056 = arith.constant 6 : i32
      %get3A_1057 = arith.index_cast %get3A_1056 : i32 to index
      %get3A_1058 = arith.index_cast %mul3A_1055 : i32 to index
      %get3A_1059 = tpu.vector_load %arg5[%get3A_1057, %get3A_1058] {strides = array<i32>} : memref<25x2704xf32, #tpu.memory_space<vmem>>, vector<1x16xf32>,
      %get3A_1060 = vector.shape_cast %get3A_1059 : vector<1x16xf32> to vector<16xf32>
      %mul3A_1061 = arith.constant 16 : i32
      %mul3A_1062 = arith.muli %scan3A_1026, %mul3A_1061 : i32
      %get3A_1063 = arith.constant 7 : i32
      %get3A_1064 = arith.index_cast %get3A_1063 : i32 to index
      %get3A_1065 = arith.index_cast %mul3A_1062 : i32 to index
      %get3A_1066 = tpu.vector_load %arg5[%get3A_1064, %get3A_1065] {strides = array<i32>} : memref<25x2704xf32, #tpu.memory_space<vmem>>, vector<1x16xf32>,
      %get3A_1067 = vector.shape_cast %get3A_1066 : vector<1x16xf32> to vector<16xf32>
      %mul3A_1068 = arith.constant 16 : i32
      %mul3A_1069 = arith.muli %scan3A_1026, %mul3A_1068 : i32
      %get3A_1070 = arith.constant 8 : i32
      %get3A_1071 = arith.index_cast %get3A_1070 : i32 to index
      %get3A_1072 = arith.index_cast %mul3A_1069 : i32 to index
      %get3A_1073 = tpu.vector_load %arg5[%get3A_1071, %get3A_1072] {strides = array<i32>} : memref<25x2704xf32, #tpu.memory_space<vmem>>, vector<1x16xf32>,
      %get3A_1074 = vector.shape_cast %get3A_1073 : vector<1x16xf32> to vector<16xf32>
      %mul3A_1075 = arith.constant 16 : i32
      %mul3A_1076 = arith.muli %scan3A_1026, %mul3A_1075 : i32
      %get3A_1077 = arith.constant 9 : i32
      %get3A_1078 = arith.index_cast %get3A_1077 : i32 to index
      %get3A_1079 = arith.index_cast %mul3A_1076 : i32 to index
      %get3A_1080 = tpu.vector_load %arg5[%get3A_1078, %get3A_1079] {strides = array<i32>} : memref<25x2704xf32, #tpu.memory_space<vmem>>, vector<1x16xf32>,
      %get3A_1081 = vector.shape_cast %get3A_1080 : vector<1x16xf32> to vector<16xf32>
      %neg3A_1082 = arith.constant 0.000000e+00 : f32
      %neg3A_1083 = vector.broadcast %neg3A_1082 : f32 to vector<16xf32>
      %neg3A_1084 = arith.subf %neg3A_1083, %get3A_1053 : vector<16xf32>
      %exp3A_1085 = math.exp %neg3A_1084 : vector<16xf32>
      %add3A_1086 = arith.constant 1.000000e+00 : f32
      %add3A_1087 = vector.broadcast %add3A_1086 : f32 to vector<16xf32>
      %add3A_1088 = arith.addf %add3A_1087, %exp3A_1085 : vector<16xf32>
      %div3A_1089 = arith.constant 1.000000e+00 : f32
      %div3A_1090 = vector.broadcast %div3A_1089 : f32 to vector<16xf32>
      %div3A_1091 = arith.divf %div3A_1090, %add3A_1088 : vector<16xf32>
      %neg3A_1092 = arith.constant 0.000000e+00 : f32
      %neg3A_1093 = vector.broadcast %neg3A_1092 : f32 to vector<16xf32>
      %neg3A_1094 = arith.subf %neg3A_1093, %get3A_1060 : vector<16xf32>
      %exp3A_1095 = math.exp %neg3A_1094 : vector<16xf32>
      %add3A_1096 = arith.constant 1.000000e+00 : f32
      %add3A_1097 = vector.broadcast %add3A_1096 : f32 to vector<16xf32>
      %add3A_1098 = arith.addf %add3A_1097, %exp3A_1095 : vector<16xf32>
      %div3A_1099 = arith.constant 1.000000e+00 : f32
      %div3A_1100 = vector.broadcast %div3A_1099 : f32 to vector<16xf32>
      %div3A_1101 = arith.divf %div3A_1100, %add3A_1098 : vector<16xf32>
      %neg3A_1102 = arith.constant 0.000000e+00 : f32
      %neg3A_1103 = vector.broadcast %neg3A_1102 : f32 to vector<16xf32>
      %neg3A_1104 = arith.subf %neg3A_1103, %get3A_1081 : vector<16xf32>
      %exp3A_1105 = math.exp %neg3A_1104 : vector<16xf32>
      %add3A_1106 = arith.constant 1.000000e+00 : f32
      %add3A_1107 = vector.broadcast %add3A_1106 : f32 to vector<16xf32>
      %add3A_1108 = arith.addf %add3A_1107, %exp3A_1105 : vector<16xf32>
      %div3A_1109 = arith.constant 1.000000e+00 : f32
      %div3A_1110 = vector.broadcast %div3A_1109 : f32 to vector<16xf32>
      %div3A_1111 = arith.divf %div3A_1110, %add3A_1108 : vector<16xf32>
      %exp3A_1112 = math.exp %get3A_1067 : vector<16xf32>
      %mul3A_1113 = arith.constant 3.192750e+00 : f32
      %mul3A_1114 = vector.broadcast %mul3A_1113 : f32 to vector<16xf32>
      %mul3A_1115 = arith.mulf %exp3A_1112, %mul3A_1114 : vector<16xf32>
      %exp3A_1116 = math.exp %get3A_1074 : vector<16xf32>
      %mul3A_1117 = arith.constant 4.009440e+00 : f32
      %mul3A_1118 = vector.broadcast %mul3A_1117 : f32 to vector<16xf32>
      %mul3A_1119 = arith.mulf %exp3A_1116, %mul3A_1118 : vector<16xf32>
      %add3A_1120 = arith.addf %div3A_1091, %sub3A_1046 : vector<16xf32>
      %add3A_1121 = arith.addf %div3A_1101, %convert_element_type3A_1042 : vector<16xf32>
      %mul3A_1122 = arith.constant 5.000000e-01 : f32
      %mul3A_1123 = vector.broadcast %mul3A_1122 : f32 to vector<16xf32>
      %mul3A_1124 = arith.mulf %mul3A_1123, %mul3A_1115 : vector<16xf32>
      %mul3A_1125 = arith.constant 5.000000e-01 : f32
      %mul3A_1126 = vector.broadcast %mul3A_1125 : f32 to vector<16xf32>
      %mul3A_1127 = arith.mulf %mul3A_1126, %mul3A_1119 : vector<16xf32>
      %add3A_1128 = arith.addf %add3A_1120, %mul3A_1124 : vector<16xf32>
      %max3A_1129 = arith.maximumf %add3A_60, %add3A_1128 : vector<16xf32>
      %sub3A_1130 = arith.subf %add3A_1120, %mul3A_1124 : vector<16xf32>
      %min3A_1131 = arith.minimumf %sub3A, %sub3A_1130 : vector<16xf32>
      %sub3A_1132 = arith.subf %max3A_1129, %min3A_1131 : vector<16xf32>
      %add3A_1133 = arith.addf %add3A_1121, %mul3A_1127 : vector<16xf32>
      %max3A_1134 = arith.maximumf %add3A_68, %add3A_1133 : vector<16xf32>
      %sub3A_1135 = arith.subf %add3A_1121, %mul3A_1127 : vector<16xf32>
      %min3A_1136 = arith.minimumf %sub3A_64, %sub3A_1135 : vector<16xf32>
      %sub3A_1137 = arith.subf %max3A_1134, %min3A_1136 : vector<16xf32>
      %add3A_1138 = arith.addf %get3A_17, %mul3A_1115 : vector<16xf32>
      %sub3A_1139 = arith.subf %add3A_1138, %sub3A_1132 : vector<16xf32>
      %add3A_1140 = arith.addf %get3A_20, %mul3A_1119 : vector<16xf32>
      %sub3A_1141 = arith.subf %add3A_1140, %sub3A_1137 : vector<16xf32>
      %mul3A_1142 = arith.mulf %sub3A_1139, %sub3A_1141 : vector<16xf32>
      %mul3A_1143 = arith.mulf %mul3A_1115, %mul3A_1119 : vector<16xf32>
      %add3A_1144 = arith.addf %get3A_53, %mul3A_1143 : vector<16xf32>
      %sub3A_1145 = arith.subf %add3A_1144, %mul3A_1142 : vector<16xf32>
      %gt3A_1146 = arith.constant 0.000000e+00 : f32
      %gt3A_1147 = vector.broadcast %gt3A_1146 : f32 to vector<16xf32>
      %gt3A_1148 = arith.cmpf ogt, %sub3A_1139, %gt3A_1147 : vector<16xf32>
      %gt3A_1149 = arith.constant 0.000000e+00 : f32
      %gt3A_1150 = vector.broadcast %gt3A_1149 : f32 to vector<16xf32>
      %gt3A_1151 = arith.cmpf ogt, %sub3A_1141, %gt3A_1150 : vector<16xf32>
      %and3A_1152 = arith.andi %gt3A_1148, %gt3A_1151 : vector<16xi1>
      %mul3A_1153 = arith.constant 6.000000e-01 : f32
      %mul3A_1154 = vector.broadcast %mul3A_1153 : f32 to vector<16xf32>
      %mul3A_1155 = arith.mulf %mul3A_1154, %sub3A_1145 : vector<16xf32>
      %gt3A_1156 = arith.cmpf ogt, %mul3A_1142, %mul3A_1155 : vector<16xf32>
      %and3A_1157 = arith.andi %and3A_1152, %gt3A_1156 : vector<16xi1>
      %sub3A_1158 = arith.constant 5.000000e-01 : f32
      %sub3A_1159 = vector.broadcast %sub3A_1158 : f32 to vector<16xf32>
      %sub3A_1160 = arith.subf %div3A_1091, %sub3A_1159 : vector<16xf32>
      %sub3A_1161 = arith.constant 5.000000e-01 : f32
      %sub3A_1162 = vector.broadcast %sub3A_1161 : f32 to vector<16xf32>
      %sub3A_1163 = arith.subf %div3A_1101, %sub3A_1162 : vector<16xf32>
      %mul3A_1164 = arith.mulf %sub3A_1160, %sub3A_1160 : vector<16xf32>
      %mul3A_1165 = arith.mulf %sub3A_1163, %sub3A_1163 : vector<16xf32>
      %add3A_1166 = arith.addf %mul3A_1164, %mul3A_1165 : vector<16xf32>
      %mul3A_1167 = arith.mulf %get3A_1067, %get3A_1067 : vector<16xf32>
      %add3A_1168 = arith.addf %add3A_1166, %mul3A_1167 : vector<16xf32>
      %mul3A_1169 = arith.mulf %get3A_1074, %get3A_1074 : vector<16xf32>
      %add3A_1170 = arith.addf %add3A_1168, %mul3A_1169 : vector<16xf32>
      %mul3A_1171 = arith.mulf %div3A_1111, %div3A_1111 : vector<16xf32>
      %jit3A_1172 = arith.constant 0.000000e+00 : f32
      %broadcast_in_dim3A_1173 = vector.broadcast %jit3A_1172 : f32 to vector<16xf32>
      %select_n3A_1174 = arith.select %and3A_1157, %broadcast_in_dim3A_1173, %mul3A_1171 : vector<16xi1>, vector<16xf32>
      %add3A_1175 = arith.addf %add3A_1170, %select_n3A_1174 : vector<16xf32>
      %eq3A_1176 = arith.cmpf oeq, %convert_element_type3A, %get3A_47 : vector<16xf32>
      %and3A_1177 = arith.andi %eq3A_80, %eq3A_1176 : vector<16xi1>
      %jit3A_1178 = arith.constant 0.000000e+00 : f32
      %broadcast_in_dim3A_1179 = vector.broadcast %jit3A_1178 : f32 to vector<16xf32>
      %select_n3A_1180 = arith.select %and3A_1177, %get3A_1053, %broadcast_in_dim3A_1179 : vector<16xi1>, vector<16xf32>
      %add3A_1181 = arith.addf %scan3A_1028, %select_n3A_1180 : vector<16xf32>
      %jit3A_1182 = arith.constant 0.000000e+00 : f32
      %broadcast_in_dim3A_1183 = vector.broadcast %jit3A_1182 : f32 to vector<16xf32>
      %select_n3A_1184 = arith.select %and3A_1177, %get3A_1060, %broadcast_in_dim3A_1183 : vector<16xi1>, vector<16xf32>
      %add3A_1185 = arith.addf %scan3A_1029, %select_n3A_1184 : vector<16xf32>
      %jit3A_1186 = arith.constant 0.000000e+00 : f32
      %broadcast_in_dim3A_1187 = vector.broadcast %jit3A_1186 : f32 to vector<16xf32>
      %select_n3A_1188 = arith.select %and3A_1177, %get3A_1067, %broadcast_in_dim3A_1187 : vector<16xi1>, vector<16xf32>
      %add3A_1189 = arith.addf %scan3A_1030, %select_n3A_1188 : vector<16xf32>
      %jit3A_1190 = arith.constant 0.000000e+00 : f32
      %broadcast_in_dim3A_1191 = vector.broadcast %jit3A_1190 : f32 to vector<16xf32>
      %select_n3A_1192 = arith.select %and3A_1177, %get3A_1074, %broadcast_in_dim3A_1191 : vector<16xi1>, vector<16xf32>
      %add3A_1193 = arith.addf %scan3A_1031, %select_n3A_1192 : vector<16xf32>
      %jit3A_1194 = arith.constant 0.000000e+00 : f32
      %broadcast_in_dim3A_1195 = vector.broadcast %jit3A_1194 : f32 to vector<16xf32>
      %select_n3A_1196 = arith.select %and3A_1177, %get3A_1081, %broadcast_in_dim3A_1195 : vector<16xi1>, vector<16xf32>
      %add3A_1197 = arith.addf %scan3A_1032, %select_n3A_1196 : vector<16xf32>
      %add3A_1198 = arith.addf %scan3A_1027, %add3A_1175 : vector<16xf32>
      scf.yield %add3A_1198, %add3A_1181, %add3A_1185, %add3A_1189, %add3A_1193, %add3A_1197 : vector<16xf32>, vector<16xf32>, vector<16xf32>, vector<16xf32>, vector<16xf32>, vector<16xf32>
    }
    %scan3A_86 = arith.constant 169 : i32
    %eq3A_87 = arith.constant 2.000000e+00 : f32
    %eq3A_88 = vector.broadcast %eq3A_87 : f32 to vector<16xf32>
    %eq3A_89 = arith.cmpf oeq, %get3A_50, %eq3A_88 : vector<16xf32>
    %scan3A_90 = arith.constant 0 : i32
    %scan3A_91 = arith.constant 169 : i32
    %scan3A_92 = arith.addi %scan3A_90, %scan3A_91 : i32
    %scan3A_93 = arith.constant 1 : i32
    %scan3A_94:6 = scf.for %scan3A_1026 = %scan3A_90 to %scan3A_92 step %scan3A_93 iter_args(%scan3A_1027 = %scan3A_85#0, %scan3A_1028 = %scan3A_85#1, %scan3A_1029 = %scan3A_85#2, %scan3A_1030 = %scan3A_85#3, %scan3A_1031 = %scan3A_85#4, %scan3A_1032 = %scan3A_85#5) -> (vector<16xf32>, vector<16xf32>, vector<16xf32>, vector<16xf32>, vector<16xf32>, vector<16xf32>)  : i32 {
      %mul3A_1033 = arith.constant 16 : i32
      %mul3A_1034 = arith.muli %scan3A_1026, %mul3A_1033 : i32
      %add3A_1035 = vector.broadcast %mul3A_1034 : i32 to vector<16xi32>
      %add3A_1036 = arith.addi %add3A_1035, %iota3A : vector<16xi32>
      %convert_element_type3A = arith.sitofp %add3A_1036 : vector<16xi32> to vector<16xf32>
      %mul3A_1037 = arith.constant 40330 : i32
      %mul3A_1038 = vector.broadcast %mul3A_1037 : i32 to vector<16xi32>
      %mul3A_1039 = arith.muli %add3A_1036, %mul3A_1038 : vector<16xi32>
      %shift_right_arithmetic3A = arith.constant 21 : i32
      %shift_right_arithmetic3A_1040 = vector.broadcast %shift_right_arithmetic3A : i32 to vector<16xi32>
      %shift_right_arithmetic3A_1041 = arith.shrsi %mul3A_1039, %shift_right_arithmetic3A_1040 : vector<16xi32>
      %convert_element_type3A_1042 = arith.sitofp %shift_right_arithmetic3A_1041 : vector<16xi32> to vector<16xf32>
      %mul3A_1043 = arith.constant 5.200000e+01 : f32
      %mul3A_1044 = vector.broadcast %mul3A_1043 : f32 to vector<16xf32>
      %mul3A_1045 = arith.mulf %convert_element_type3A_1042, %mul3A_1044 : vector<16xf32>
      %sub3A_1046 = arith.subf %convert_element_type3A, %mul3A_1045 : vector<16xf32>
      %mul3A_1047 = arith.constant 16 : i32
      %mul3A_1048 = arith.muli %scan3A_1026, %mul3A_1047 : i32
      %get3A_1049 = arith.constant 10 : i32
      %get3A_1050 = arith.index_cast %get3A_1049 : i32 to index
      %get3A_1051 = arith.index_cast %mul3A_1048 : i32 to index
      %get3A_1052 = tpu.vector_load %arg5[%get3A_1050, %get3A_1051] {strides = array<i32>} : memref<25x2704xf32, #tpu.memory_space<vmem>>, vector<1x16xf32>,
      %get3A_1053 = vector.shape_cast %get3A_1052 : vector<1x16xf32> to vector<16xf32>
      %mul3A_1054 = arith.constant 16 : i32
      %mul3A_1055 = arith.muli %scan3A_1026, %mul3A_1054 : i32
      %get3A_1056 = arith.constant 11 : i32
      %get3A_1057 = arith.index_cast %get3A_1056 : i32 to index
      %get3A_1058 = arith.index_cast %mul3A_1055 : i32 to index
      %get3A_1059 = tpu.vector_load %arg5[%get3A_1057, %get3A_1058] {strides = array<i32>} : memref<25x2704xf32, #tpu.memory_space<vmem>>, vector<1x16xf32>,
      %get3A_1060 = vector.shape_cast %get3A_1059 : vector<1x16xf32> to vector<16xf32>
      %mul3A_1061 = arith.constant 16 : i32
      %mul3A_1062 = arith.muli %scan3A_1026, %mul3A_1061 : i32
      %get3A_1063 = arith.constant 12 : i32
      %get3A_1064 = arith.index_cast %get3A_1063 : i32 to index
      %get3A_1065 = arith.index_cast %mul3A_1062 : i32 to index
      %get3A_1066 = tpu.vector_load %arg5[%get3A_1064, %get3A_1065] {strides = array<i32>} : memref<25x2704xf32, #tpu.memory_space<vmem>>, vector<1x16xf32>,
      %get3A_1067 = vector.shape_cast %get3A_1066 : vector<1x16xf32> to vector<16xf32>
      %mul3A_1068 = arith.constant 16 : i32
      %mul3A_1069 = arith.muli %scan3A_1026, %mul3A_1068 : i32
      %get3A_1070 = arith.constant 13 : i32
      %get3A_1071 = arith.index_cast %get3A_1070 : i32 to index
      %get3A_1072 = arith.index_cast %mul3A_1069 : i32 to index
      %get3A_1073 = tpu.vector_load %arg5[%get3A_1071, %get3A_1072] {strides = array<i32>} : memref<25x2704xf32, #tpu.memory_space<vmem>>, vector<1x16xf32>,
      %get3A_1074 = vector.shape_cast %get3A_1073 : vector<1x16xf32> to vector<16xf32>
      %mul3A_1075 = arith.constant 16 : i32
      %mul3A_1076 = arith.muli %scan3A_1026, %mul3A_1075 : i32
      %get3A_1077 = arith.constant 14 : i32
      %get3A_1078 = arith.index_cast %get3A_1077 : i32 to index
      %get3A_1079 = arith.index_cast %mul3A_1076 : i32 to index
      %get3A_1080 = tpu.vector_load %arg5[%get3A_1078, %get3A_1079] {strides = array<i32>} : memref<25x2704xf32, #tpu.memory_space<vmem>>, vector<1x16xf32>,
      %get3A_1081 = vector.shape_cast %get3A_1080 : vector<1x16xf32> to vector<16xf32>
      %neg3A_1082 = arith.constant 0.000000e+00 : f32
      %neg3A_1083 = vector.broadcast %neg3A_1082 : f32 to vector<16xf32>
      %neg3A_1084 = arith.subf %neg3A_1083, %get3A_1053 : vector<16xf32>
      %exp3A_1085 = math.exp %neg3A_1084 : vector<16xf32>
      %add3A_1086 = arith.constant 1.000000e+00 : f32
      %add3A_1087 = vector.broadcast %add3A_1086 : f32 to vector<16xf32>
      %add3A_1088 = arith.addf %add3A_1087, %exp3A_1085 : vector<16xf32>
      %div3A_1089 = arith.constant 1.000000e+00 : f32
      %div3A_1090 = vector.broadcast %div3A_1089 : f32 to vector<16xf32>
      %div3A_1091 = arith.divf %div3A_1090, %add3A_1088 : vector<16xf32>
      %neg3A_1092 = arith.constant 0.000000e+00 : f32
      %neg3A_1093 = vector.broadcast %neg3A_1092 : f32 to vector<16xf32>
      %neg3A_1094 = arith.subf %neg3A_1093, %get3A_1060 : vector<16xf32>
      %exp3A_1095 = math.exp %neg3A_1094 : vector<16xf32>
      %add3A_1096 = arith.constant 1.000000e+00 : f32
      %add3A_1097 = vector.broadcast %add3A_1096 : f32 to vector<16xf32>
      %add3A_1098 = arith.addf %add3A_1097, %exp3A_1095 : vector<16xf32>
      %div3A_1099 = arith.constant 1.000000e+00 : f32
      %div3A_1100 = vector.broadcast %div3A_1099 : f32 to vector<16xf32>
      %div3A_1101 = arith.divf %div3A_1100, %add3A_1098 : vector<16xf32>
      %neg3A_1102 = arith.constant 0.000000e+00 : f32
      %neg3A_1103 = vector.broadcast %neg3A_1102 : f32 to vector<16xf32>
      %neg3A_1104 = arith.subf %neg3A_1103, %get3A_1081 : vector<16xf32>
      %exp3A_1105 = math.exp %neg3A_1104 : vector<16xf32>
      %add3A_1106 = arith.constant 1.000000e+00 : f32
      %add3A_1107 = vector.broadcast %add3A_1106 : f32 to vector<16xf32>
      %add3A_1108 = arith.addf %add3A_1107, %exp3A_1105 : vector<16xf32>
      %div3A_1109 = arith.constant 1.000000e+00 : f32
      %div3A_1110 = vector.broadcast %div3A_1109 : f32 to vector<16xf32>
      %div3A_1111 = arith.divf %div3A_1110, %add3A_1108 : vector<16xf32>
      %exp3A_1112 = math.exp %get3A_1067 : vector<16xf32>
      %mul3A_1113 = arith.constant 5.055870e+00 : f32
      %mul3A_1114 = vector.broadcast %mul3A_1113 : f32 to vector<16xf32>
      %mul3A_1115 = arith.mulf %exp3A_1112, %mul3A_1114 : vector<16xf32>
      %exp3A_1116 = math.exp %get3A_1074 : vector<16xf32>
      %mul3A_1117 = arith.constant 8.09891986 : f32
      %mul3A_1118 = vector.broadcast %mul3A_1117 : f32 to vector<16xf32>
      %mul3A_1119 = arith.mulf %exp3A_1116, %mul3A_1118 : vector<16xf32>
      %add3A_1120 = arith.addf %div3A_1091, %sub3A_1046 : vector<16xf32>
      %add3A_1121 = arith.addf %div3A_1101, %convert_element_type3A_1042 : vector<16xf32>
      %mul3A_1122 = arith.constant 5.000000e-01 : f32
      %mul3A_1123 = vector.broadcast %mul3A_1122 : f32 to vector<16xf32>
      %mul3A_1124 = arith.mulf %mul3A_1123, %mul3A_1115 : vector<16xf32>
      %mul3A_1125 = arith.constant 5.000000e-01 : f32
      %mul3A_1126 = vector.broadcast %mul3A_1125 : f32 to vector<16xf32>
      %mul3A_1127 = arith.mulf %mul3A_1126, %mul3A_1119 : vector<16xf32>
      %add3A_1128 = arith.addf %add3A_1120, %mul3A_1124 : vector<16xf32>
      %max3A_1129 = arith.maximumf %add3A_60, %add3A_1128 : vector<16xf32>
      %sub3A_1130 = arith.subf %add3A_1120, %mul3A_1124 : vector<16xf32>
      %min3A_1131 = arith.minimumf %sub3A, %sub3A_1130 : vector<16xf32>
      %sub3A_1132 = arith.subf %max3A_1129, %min3A_1131 : vector<16xf32>
      %add3A_1133 = arith.addf %add3A_1121, %mul3A_1127 : vector<16xf32>
      %max3A_1134 = arith.maximumf %add3A_68, %add3A_1133 : vector<16xf32>
      %sub3A_1135 = arith.subf %add3A_1121, %mul3A_1127 : vector<16xf32>
      %min3A_1136 = arith.minimumf %sub3A_64, %sub3A_1135 : vector<16xf32>
      %sub3A_1137 = arith.subf %max3A_1134, %min3A_1136 : vector<16xf32>
      %add3A_1138 = arith.addf %get3A_17, %mul3A_1115 : vector<16xf32>
      %sub3A_1139 = arith.subf %add3A_1138, %sub3A_1132 : vector<16xf32>
      %add3A_1140 = arith.addf %get3A_20, %mul3A_1119 : vector<16xf32>
      %sub3A_1141 = arith.subf %add3A_1140, %sub3A_1137 : vector<16xf32>
      %mul3A_1142 = arith.mulf %sub3A_1139, %sub3A_1141 : vector<16xf32>
      %mul3A_1143 = arith.mulf %mul3A_1115, %mul3A_1119 : vector<16xf32>
      %add3A_1144 = arith.addf %get3A_53, %mul3A_1143 : vector<16xf32>
      %sub3A_1145 = arith.subf %add3A_1144, %mul3A_1142 : vector<16xf32>
      %gt3A_1146 = arith.constant 0.000000e+00 : f32
      %gt3A_1147 = vector.broadcast %gt3A_1146 : f32 to vector<16xf32>
      %gt3A_1148 = arith.cmpf ogt, %sub3A_1139, %gt3A_1147 : vector<16xf32>
      %gt3A_1149 = arith.constant 0.000000e+00 : f32
      %gt3A_1150 = vector.broadcast %gt3A_1149 : f32 to vector<16xf32>
      %gt3A_1151 = arith.cmpf ogt, %sub3A_1141, %gt3A_1150 : vector<16xf32>
      %and3A_1152 = arith.andi %gt3A_1148, %gt3A_1151 : vector<16xi1>
      %mul3A_1153 = arith.constant 6.000000e-01 : f32
      %mul3A_1154 = vector.broadcast %mul3A_1153 : f32 to vector<16xf32>
      %mul3A_1155 = arith.mulf %mul3A_1154, %sub3A_1145 : vector<16xf32>
      %gt3A_1156 = arith.cmpf ogt, %mul3A_1142, %mul3A_1155 : vector<16xf32>
      %and3A_1157 = arith.andi %and3A_1152, %gt3A_1156 : vector<16xi1>
      %sub3A_1158 = arith.constant 5.000000e-01 : f32
      %sub3A_1159 = vector.broadcast %sub3A_1158 : f32 to vector<16xf32>
      %sub3A_1160 = arith.subf %div3A_1091, %sub3A_1159 : vector<16xf32>
      %sub3A_1161 = arith.constant 5.000000e-01 : f32
      %sub3A_1162 = vector.broadcast %sub3A_1161 : f32 to vector<16xf32>
      %sub3A_1163 = arith.subf %div3A_1101, %sub3A_1162 : vector<16xf32>
      %mul3A_1164 = arith.mulf %sub3A_1160, %sub3A_1160 : vector<16xf32>
      %mul3A_1165 = arith.mulf %sub3A_1163, %sub3A_1163 : vector<16xf32>
      %add3A_1166 = arith.addf %mul3A_1164, %mul3A_1165 : vector<16xf32>
      %mul3A_1167 = arith.mulf %get3A_1067, %get3A_1067 : vector<16xf32>
      %add3A_1168 = arith.addf %add3A_1166, %mul3A_1167 : vector<16xf32>
      %mul3A_1169 = arith.mulf %get3A_1074, %get3A_1074 : vector<16xf32>
      %add3A_1170 = arith.addf %add3A_1168, %mul3A_1169 : vector<16xf32>
      %mul3A_1171 = arith.mulf %div3A_1111, %div3A_1111 : vector<16xf32>
      %jit3A_1172 = arith.constant 0.000000e+00 : f32
      %broadcast_in_dim3A_1173 = vector.broadcast %jit3A_1172 : f32 to vector<16xf32>
      %select_n3A_1174 = arith.select %and3A_1157, %broadcast_in_dim3A_1173, %mul3A_1171 : vector<16xi1>, vector<16xf32>
      %add3A_1175 = arith.addf %add3A_1170, %select_n3A_1174 : vector<16xf32>
      %eq3A_1176 = arith.cmpf oeq, %convert_element_type3A, %get3A_47 : vector<16xf32>
      %and3A_1177 = arith.andi %eq3A_89, %eq3A_1176 : vector<16xi1>
      %jit3A_1178 = arith.constant 0.000000e+00 : f32
      %broadcast_in_dim3A_1179 = vector.broadcast %jit3A_1178 : f32 to vector<16xf32>
      %select_n3A_1180 = arith.select %and3A_1177, %get3A_1053, %broadcast_in_dim3A_1179 : vector<16xi1>, vector<16xf32>
      %add3A_1181 = arith.addf %scan3A_1028, %select_n3A_1180 : vector<16xf32>
      %jit3A_1182 = arith.constant 0.000000e+00 : f32
      %broadcast_in_dim3A_1183 = vector.broadcast %jit3A_1182 : f32 to vector<16xf32>
      %select_n3A_1184 = arith.select %and3A_1177, %get3A_1060, %broadcast_in_dim3A_1183 : vector<16xi1>, vector<16xf32>
      %add3A_1185 = arith.addf %scan3A_1029, %select_n3A_1184 : vector<16xf32>
      %jit3A_1186 = arith.constant 0.000000e+00 : f32
      %broadcast_in_dim3A_1187 = vector.broadcast %jit3A_1186 : f32 to vector<16xf32>
      %select_n3A_1188 = arith.select %and3A_1177, %get3A_1067, %broadcast_in_dim3A_1187 : vector<16xi1>, vector<16xf32>
      %add3A_1189 = arith.addf %scan3A_1030, %select_n3A_1188 : vector<16xf32>
      %jit3A_1190 = arith.constant 0.000000e+00 : f32
      %broadcast_in_dim3A_1191 = vector.broadcast %jit3A_1190 : f32 to vector<16xf32>
      %select_n3A_1192 = arith.select %and3A_1177, %get3A_1074, %broadcast_in_dim3A_1191 : vector<16xi1>, vector<16xf32>
      %add3A_1193 = arith.addf %scan3A_1031, %select_n3A_1192 : vector<16xf32>
      %jit3A_1194 = arith.constant 0.000000e+00 : f32
      %broadcast_in_dim3A_1195 = vector.broadcast %jit3A_1194 : f32 to vector<16xf32>
      %select_n3A_1196 = arith.select %and3A_1177, %get3A_1081, %broadcast_in_dim3A_1195 : vector<16xi1>, vector<16xf32>
      %add3A_1197 = arith.addf %scan3A_1032, %select_n3A_1196 : vector<16xf32>
      %add3A_1198 = arith.addf %scan3A_1027, %add3A_1175 : vector<16xf32>
      scf.yield %add3A_1198, %add3A_1181, %add3A_1185, %add3A_1189, %add3A_1193, %add3A_1197 : vector<16xf32>, vector<16xf32>, vector<16xf32>, vector<16xf32>, vector<16xf32>, vector<16xf32>
    }
    %scan3A_95 = arith.constant 169 : i32
    %eq3A_96 = arith.constant 3.000000e+00 : f32
    %eq3A_97 = vector.broadcast %eq3A_96 : f32 to vector<16xf32>
    %eq3A_98 = arith.cmpf oeq, %get3A_50, %eq3A_97 : vector<16xf32>
    %scan3A_99 = arith.constant 0 : i32
    %scan3A_100 = arith.constant 169 : i32
    %scan3A_101 = arith.addi %scan3A_99, %scan3A_100 : i32
    %scan3A_102 = arith.constant 1 : i32
    %scan3A_103:6 = scf.for %scan3A_1026 = %scan3A_99 to %scan3A_101 step %scan3A_102 iter_args(%scan3A_1027 = %scan3A_94#0, %scan3A_1028 = %scan3A_94#1, %scan3A_1029 = %scan3A_94#2, %scan3A_1030 = %scan3A_94#3, %scan3A_1031 = %scan3A_94#4, %scan3A_1032 = %scan3A_94#5) -> (vector<16xf32>, vector<16xf32>, vector<16xf32>, vector<16xf32>, vector<16xf32>, vector<16xf32>)  : i32 {
      %mul3A_1033 = arith.constant 16 : i32
      %mul3A_1034 = arith.muli %scan3A_1026, %mul3A_1033 : i32
      %add3A_1035 = vector.broadcast %mul3A_1034 : i32 to vector<16xi32>
      %add3A_1036 = arith.addi %add3A_1035, %iota3A : vector<16xi32>
      %convert_element_type3A = arith.sitofp %add3A_1036 : vector<16xi32> to vector<16xf32>
      %mul3A_1037 = arith.constant 40330 : i32
      %mul3A_1038 = vector.broadcast %mul3A_1037 : i32 to vector<16xi32>
      %mul3A_1039 = arith.muli %add3A_1036, %mul3A_1038 : vector<16xi32>
      %shift_right_arithmetic3A = arith.constant 21 : i32
      %shift_right_arithmetic3A_1040 = vector.broadcast %shift_right_arithmetic3A : i32 to vector<16xi32>
      %shift_right_arithmetic3A_1041 = arith.shrsi %mul3A_1039, %shift_right_arithmetic3A_1040 : vector<16xi32>
      %convert_element_type3A_1042 = arith.sitofp %shift_right_arithmetic3A_1041 : vector<16xi32> to vector<16xf32>
      %mul3A_1043 = arith.constant 5.200000e+01 : f32
      %mul3A_1044 = vector.broadcast %mul3A_1043 : f32 to vector<16xf32>
      %mul3A_1045 = arith.mulf %convert_element_type3A_1042, %mul3A_1044 : vector<16xf32>
      %sub3A_1046 = arith.subf %convert_element_type3A, %mul3A_1045 : vector<16xf32>
      %mul3A_1047 = arith.constant 16 : i32
      %mul3A_1048 = arith.muli %scan3A_1026, %mul3A_1047 : i32
      %get3A_1049 = arith.constant 15 : i32
      %get3A_1050 = arith.index_cast %get3A_1049 : i32 to index
      %get3A_1051 = arith.index_cast %mul3A_1048 : i32 to index
      %get3A_1052 = tpu.vector_load %arg5[%get3A_1050, %get3A_1051] {strides = array<i32>} : memref<25x2704xf32, #tpu.memory_space<vmem>>, vector<1x16xf32>,
      %get3A_1053 = vector.shape_cast %get3A_1052 : vector<1x16xf32> to vector<16xf32>
      %mul3A_1054 = arith.constant 16 : i32
      %mul3A_1055 = arith.muli %scan3A_1026, %mul3A_1054 : i32
      %get3A_1056 = arith.constant 16 : i32
      %get3A_1057 = arith.index_cast %get3A_1056 : i32 to index
      %get3A_1058 = arith.index_cast %mul3A_1055 : i32 to index
      %get3A_1059 = tpu.vector_load %arg5[%get3A_1057, %get3A_1058] {strides = array<i32>} : memref<25x2704xf32, #tpu.memory_space<vmem>>, vector<1x16xf32>,
      %get3A_1060 = vector.shape_cast %get3A_1059 : vector<1x16xf32> to vector<16xf32>
      %mul3A_1061 = arith.constant 16 : i32
      %mul3A_1062 = arith.muli %scan3A_1026, %mul3A_1061 : i32
      %get3A_1063 = arith.constant 17 : i32
      %get3A_1064 = arith.index_cast %get3A_1063 : i32 to index
      %get3A_1065 = arith.index_cast %mul3A_1062 : i32 to index
      %get3A_1066 = tpu.vector_load %arg5[%get3A_1064, %get3A_1065] {strides = array<i32>} : memref<25x2704xf32, #tpu.memory_space<vmem>>, vector<1x16xf32>,
      %get3A_1067 = vector.shape_cast %get3A_1066 : vector<1x16xf32> to vector<16xf32>
      %mul3A_1068 = arith.constant 16 : i32
      %mul3A_1069 = arith.muli %scan3A_1026, %mul3A_1068 : i32
      %get3A_1070 = arith.constant 18 : i32
      %get3A_1071 = arith.index_cast %get3A_1070 : i32 to index
      %get3A_1072 = arith.index_cast %mul3A_1069 : i32 to index
      %get3A_1073 = tpu.vector_load %arg5[%get3A_1071, %get3A_1072] {strides = array<i32>} : memref<25x2704xf32, #tpu.memory_space<vmem>>, vector<1x16xf32>,
      %get3A_1074 = vector.shape_cast %get3A_1073 : vector<1x16xf32> to vector<16xf32>
      %mul3A_1075 = arith.constant 16 : i32
      %mul3A_1076 = arith.muli %scan3A_1026, %mul3A_1075 : i32
      %get3A_1077 = arith.constant 19 : i32
      %get3A_1078 = arith.index_cast %get3A_1077 : i32 to index
      %get3A_1079 = arith.index_cast %mul3A_1076 : i32 to index
      %get3A_1080 = tpu.vector_load %arg5[%get3A_1078, %get3A_1079] {strides = array<i32>} : memref<25x2704xf32, #tpu.memory_space<vmem>>, vector<1x16xf32>,
      %get3A_1081 = vector.shape_cast %get3A_1080 : vector<1x16xf32> to vector<16xf32>
      %neg3A_1082 = arith.constant 0.000000e+00 : f32
      %neg3A_1083 = vector.broadcast %neg3A_1082 : f32 to vector<16xf32>
      %neg3A_1084 = arith.subf %neg3A_1083, %get3A_1053 : vector<16xf32>
      %exp3A_1085 = math.exp %neg3A_1084 : vector<16xf32>
      %add3A_1086 = arith.constant 1.000000e+00 : f32
      %add3A_1087 = vector.broadcast %add3A_1086 : f32 to vector<16xf32>
      %add3A_1088 = arith.addf %add3A_1087, %exp3A_1085 : vector<16xf32>
      %div3A_1089 = arith.constant 1.000000e+00 : f32
      %div3A_1090 = vector.broadcast %div3A_1089 : f32 to vector<16xf32>
      %div3A_1091 = arith.divf %div3A_1090, %add3A_1088 : vector<16xf32>
      %neg3A_1092 = arith.constant 0.000000e+00 : f32
      %neg3A_1093 = vector.broadcast %neg3A_1092 : f32 to vector<16xf32>
      %neg3A_1094 = arith.subf %neg3A_1093, %get3A_1060 : vector<16xf32>
      %exp3A_1095 = math.exp %neg3A_1094 : vector<16xf32>
      %add3A_1096 = arith.constant 1.000000e+00 : f32
      %add3A_1097 = vector.broadcast %add3A_1096 : f32 to vector<16xf32>
      %add3A_1098 = arith.addf %add3A_1097, %exp3A_1095 : vector<16xf32>
      %div3A_1099 = arith.constant 1.000000e+00 : f32
      %div3A_1100 = vector.broadcast %div3A_1099 : f32 to vector<16xf32>
      %div3A_1101 = arith.divf %div3A_1100, %add3A_1098 : vector<16xf32>
      %neg3A_1102 = arith.constant 0.000000e+00 : f32
      %neg3A_1103 = vector.broadcast %neg3A_1102 : f32 to vector<16xf32>
      %neg3A_1104 = arith.subf %neg3A_1103, %get3A_1081 : vector<16xf32>
      %exp3A_1105 = math.exp %neg3A_1104 : vector<16xf32>
      %add3A_1106 = arith.constant 1.000000e+00 : f32
      %add3A_1107 = vector.broadcast %add3A_1106 : f32 to vector<16xf32>
      %add3A_1108 = arith.addf %add3A_1107, %exp3A_1105 : vector<16xf32>
      %div3A_1109 = arith.constant 1.000000e+00 : f32
      %div3A_1110 = vector.broadcast %div3A_1109 : f32 to vector<16xf32>
      %div3A_1111 = arith.divf %div3A_1110, %add3A_1108 : vector<16xf32>
      %exp3A_1112 = math.exp %get3A_1067 : vector<16xf32>
      %mul3A_1113 = arith.constant 9.47111988 : f32
      %mul3A_1114 = vector.broadcast %mul3A_1113 : f32 to vector<16xf32>
      %mul3A_1115 = arith.mulf %exp3A_1112, %mul3A_1114 : vector<16xf32>
      %exp3A_1116 = math.exp %get3A_1074 : vector<16xf32>
      %mul3A_1117 = arith.constant 4.840530e+00 : f32
      %mul3A_1118 = vector.broadcast %mul3A_1117 : f32 to vector<16xf32>
      %mul3A_1119 = arith.mulf %exp3A_1116, %mul3A_1118 : vector<16xf32>
      %add3A_1120 = arith.addf %div3A_1091, %sub3A_1046 : vector<16xf32>
      %add3A_1121 = arith.addf %div3A_1101, %convert_element_type3A_1042 : vector<16xf32>
      %mul3A_1122 = arith.constant 5.000000e-01 : f32
      %mul3A_1123 = vector.broadcast %mul3A_1122 : f32 to vector<16xf32>
      %mul3A_1124 = arith.mulf %mul3A_1123, %mul3A_1115 : vector<16xf32>
      %mul3A_1125 = arith.constant 5.000000e-01 : f32
      %mul3A_1126 = vector.broadcast %mul3A_1125 : f32 to vector<16xf32>
      %mul3A_1127 = arith.mulf %mul3A_1126, %mul3A_1119 : vector<16xf32>
      %add3A_1128 = arith.addf %add3A_1120, %mul3A_1124 : vector<16xf32>
      %max3A_1129 = arith.maximumf %add3A_60, %add3A_1128 : vector<16xf32>
      %sub3A_1130 = arith.subf %add3A_1120, %mul3A_1124 : vector<16xf32>
      %min3A_1131 = arith.minimumf %sub3A, %sub3A_1130 : vector<16xf32>
      %sub3A_1132 = arith.subf %max3A_1129, %min3A_1131 : vector<16xf32>
      %add3A_1133 = arith.addf %add3A_1121, %mul3A_1127 : vector<16xf32>
      %max3A_1134 = arith.maximumf %add3A_68, %add3A_1133 : vector<16xf32>
      %sub3A_1135 = arith.subf %add3A_1121, %mul3A_1127 : vector<16xf32>
      %min3A_1136 = arith.minimumf %sub3A_64, %sub3A_1135 : vector<16xf32>
      %sub3A_1137 = arith.subf %max3A_1134, %min3A_1136 : vector<16xf32>
      %add3A_1138 = arith.addf %get3A_17, %mul3A_1115 : vector<16xf32>
      %sub3A_1139 = arith.subf %add3A_1138, %sub3A_1132 : vector<16xf32>
      %add3A_1140 = arith.addf %get3A_20, %mul3A_1119 : vector<16xf32>
      %sub3A_1141 = arith.subf %add3A_1140, %sub3A_1137 : vector<16xf32>
      %mul3A_1142 = arith.mulf %sub3A_1139, %sub3A_1141 : vector<16xf32>
      %mul3A_1143 = arith.mulf %mul3A_1115, %mul3A_1119 : vector<16xf32>
      %add3A_1144 = arith.addf %get3A_53, %mul3A_1143 : vector<16xf32>
      %sub3A_1145 = arith.subf %add3A_1144, %mul3A_1142 : vector<16xf32>
      %gt3A_1146 = arith.constant 0.000000e+00 : f32
      %gt3A_1147 = vector.broadcast %gt3A_1146 : f32 to vector<16xf32>
      %gt3A_1148 = arith.cmpf ogt, %sub3A_1139, %gt3A_1147 : vector<16xf32>
      %gt3A_1149 = arith.constant 0.000000e+00 : f32
      %gt3A_1150 = vector.broadcast %gt3A_1149 : f32 to vector<16xf32>
      %gt3A_1151 = arith.cmpf ogt, %sub3A_1141, %gt3A_1150 : vector<16xf32>
      %and3A_1152 = arith.andi %gt3A_1148, %gt3A_1151 : vector<16xi1>
      %mul3A_1153 = arith.constant 6.000000e-01 : f32
      %mul3A_1154 = vector.broadcast %mul3A_1153 : f32 to vector<16xf32>
      %mul3A_1155 = arith.mulf %mul3A_1154, %sub3A_1145 : vector<16xf32>
      %gt3A_1156 = arith.cmpf ogt, %mul3A_1142, %mul3A_1155 : vector<16xf32>
      %and3A_1157 = arith.andi %and3A_1152, %gt3A_1156 : vector<16xi1>
      %sub3A_1158 = arith.constant 5.000000e-01 : f32
      %sub3A_1159 = vector.broadcast %sub3A_1158 : f32 to vector<16xf32>
      %sub3A_1160 = arith.subf %div3A_1091, %sub3A_1159 : vector<16xf32>
      %sub3A_1161 = arith.constant 5.000000e-01 : f32
      %sub3A_1162 = vector.broadcast %sub3A_1161 : f32 to vector<16xf32>
      %sub3A_1163 = arith.subf %div3A_1101, %sub3A_1162 : vector<16xf32>
      %mul3A_1164 = arith.mulf %sub3A_1160, %sub3A_1160 : vector<16xf32>
      %mul3A_1165 = arith.mulf %sub3A_1163, %sub3A_1163 : vector<16xf32>
      %add3A_1166 = arith.addf %mul3A_1164, %mul3A_1165 : vector<16xf32>
      %mul3A_1167 = arith.mulf %get3A_1067, %get3A_1067 : vector<16xf32>
      %add3A_1168 = arith.addf %add3A_1166, %mul3A_1167 : vector<16xf32>
      %mul3A_1169 = arith.mulf %get3A_1074, %get3A_1074 : vector<16xf32>
      %add3A_1170 = arith.addf %add3A_1168, %mul3A_1169 : vector<16xf32>
      %mul3A_1171 = arith.mulf %div3A_1111, %div3A_1111 : vector<16xf32>
      %jit3A_1172 = arith.constant 0.000000e+00 : f32
      %broadcast_in_dim3A_1173 = vector.broadcast %jit3A_1172 : f32 to vector<16xf32>
      %select_n3A_1174 = arith.select %and3A_1157, %broadcast_in_dim3A_1173, %mul3A_1171 : vector<16xi1>, vector<16xf32>
      %add3A_1175 = arith.addf %add3A_1170, %select_n3A_1174 : vector<16xf32>
      %eq3A_1176 = arith.cmpf oeq, %convert_element_type3A, %get3A_47 : vector<16xf32>
      %and3A_1177 = arith.andi %eq3A_98, %eq3A_1176 : vector<16xi1>
      %jit3A_1178 = arith.constant 0.000000e+00 : f32
      %broadcast_in_dim3A_1179 = vector.broadcast %jit3A_1178 : f32 to vector<16xf32>
      %select_n3A_1180 = arith.select %and3A_1177, %get3A_1053, %broadcast_in_dim3A_1179 : vector<16xi1>, vector<16xf32>
      %add3A_1181 = arith.addf %scan3A_1028, %select_n3A_1180 : vector<16xf32>
      %jit3A_1182 = arith.constant 0.000000e+00 : f32
      %broadcast_in_dim3A_1183 = vector.broadcast %jit3A_1182 : f32 to vector<16xf32>
      %select_n3A_1184 = arith.select %and3A_1177, %get3A_1060, %broadcast_in_dim3A_1183 : vector<16xi1>, vector<16xf32>
      %add3A_1185 = arith.addf %scan3A_1029, %select_n3A_1184 : vector<16xf32>
      %jit3A_1186 = arith.constant 0.000000e+00 : f32
      %broadcast_in_dim3A_1187 = vector.broadcast %jit3A_1186 : f32 to vector<16xf32>
      %select_n3A_1188 = arith.select %and3A_1177, %get3A_1067, %broadcast_in_dim3A_1187 : vector<16xi1>, vector<16xf32>
      %add3A_1189 = arith.addf %scan3A_1030, %select_n3A_1188 : vector<16xf32>
      %jit3A_1190 = arith.constant 0.000000e+00 : f32
      %broadcast_in_dim3A_1191 = vector.broadcast %jit3A_1190 : f32 to vector<16xf32>
      %select_n3A_1192 = arith.select %and3A_1177, %get3A_1074, %broadcast_in_dim3A_1191 : vector<16xi1>, vector<16xf32>
      %add3A_1193 = arith.addf %scan3A_1031, %select_n3A_1192 : vector<16xf32>
      %jit3A_1194 = arith.constant 0.000000e+00 : f32
      %broadcast_in_dim3A_1195 = vector.broadcast %jit3A_1194 : f32 to vector<16xf32>
      %select_n3A_1196 = arith.select %and3A_1177, %get3A_1081, %broadcast_in_dim3A_1195 : vector<16xi1>, vector<16xf32>
      %add3A_1197 = arith.addf %scan3A_1032, %select_n3A_1196 : vector<16xf32>
      %add3A_1198 = arith.addf %scan3A_1027, %add3A_1175 : vector<16xf32>
      scf.yield %add3A_1198, %add3A_1181, %add3A_1185, %add3A_1189, %add3A_1193, %add3A_1197 : vector<16xf32>, vector<16xf32>, vector<16xf32>, vector<16xf32>, vector<16xf32>, vector<16xf32>
    }
    %scan3A_104 = arith.constant 169 : i32
    %eq3A_105 = arith.constant 4.000000e+00 : f32
    %eq3A_106 = vector.broadcast %eq3A_105 : f32 to vector<16xf32>
    %eq3A_107 = arith.cmpf oeq, %get3A_50, %eq3A_106 : vector<16xf32>
    %scan3A_108 = arith.constant 0 : i32
    %scan3A_109 = arith.constant 169 : i32
    %scan3A_110 = arith.addi %scan3A_108, %scan3A_109 : i32
    %scan3A_111 = arith.constant 1 : i32
    %scan3A_112:6 = scf.for %scan3A_1026 = %scan3A_108 to %scan3A_110 step %scan3A_111 iter_args(%scan3A_1027 = %scan3A_103#0, %scan3A_1028 = %scan3A_103#1, %scan3A_1029 = %scan3A_103#2, %scan3A_1030 = %scan3A_103#3, %scan3A_1031 = %scan3A_103#4, %scan3A_1032 = %scan3A_103#5) -> (vector<16xf32>, vector<16xf32>, vector<16xf32>, vector<16xf32>, vector<16xf32>, vector<16xf32>)  : i32 {
      %mul3A_1033 = arith.constant 16 : i32
      %mul3A_1034 = arith.muli %scan3A_1026, %mul3A_1033 : i32
      %add3A_1035 = vector.broadcast %mul3A_1034 : i32 to vector<16xi32>
      %add3A_1036 = arith.addi %add3A_1035, %iota3A : vector<16xi32>
      %convert_element_type3A = arith.sitofp %add3A_1036 : vector<16xi32> to vector<16xf32>
      %mul3A_1037 = arith.constant 40330 : i32
      %mul3A_1038 = vector.broadcast %mul3A_1037 : i32 to vector<16xi32>
      %mul3A_1039 = arith.muli %add3A_1036, %mul3A_1038 : vector<16xi32>
      %shift_right_arithmetic3A = arith.constant 21 : i32
      %shift_right_arithmetic3A_1040 = vector.broadcast %shift_right_arithmetic3A : i32 to vector<16xi32>
      %shift_right_arithmetic3A_1041 = arith.shrsi %mul3A_1039, %shift_right_arithmetic3A_1040 : vector<16xi32>
      %convert_element_type3A_1042 = arith.sitofp %shift_right_arithmetic3A_1041 : vector<16xi32> to vector<16xf32>
      %mul3A_1043 = arith.constant 5.200000e+01 : f32
      %mul3A_1044 = vector.broadcast %mul3A_1043 : f32 to vector<16xf32>
      %mul3A_1045 = arith.mulf %convert_element_type3A_1042, %mul3A_1044 : vector<16xf32>
      %sub3A_1046 = arith.subf %convert_element_type3A, %mul3A_1045 : vector<16xf32>
      %mul3A_1047 = arith.constant 16 : i32
      %mul3A_1048 = arith.muli %scan3A_1026, %mul3A_1047 : i32
      %get3A_1049 = arith.constant 20 : i32
      %get3A_1050 = arith.index_cast %get3A_1049 : i32 to index
      %get3A_1051 = arith.index_cast %mul3A_1048 : i32 to index
      %get3A_1052 = tpu.vector_load %arg5[%get3A_1050, %get3A_1051] {strides = array<i32>} : memref<25x2704xf32, #tpu.memory_space<vmem>>, vector<1x16xf32>,
      %get3A_1053 = vector.shape_cast %get3A_1052 : vector<1x16xf32> to vector<16xf32>
      %mul3A_1054 = arith.constant 16 : i32
      %mul3A_1055 = arith.muli %scan3A_1026, %mul3A_1054 : i32
      %get3A_1056 = arith.constant 21 : i32
      %get3A_1057 = arith.index_cast %get3A_1056 : i32 to index
      %get3A_1058 = arith.index_cast %mul3A_1055 : i32 to index
      %get3A_1059 = tpu.vector_load %arg5[%get3A_1057, %get3A_1058] {strides = array<i32>} : memref<25x2704xf32, #tpu.memory_space<vmem>>, vector<1x16xf32>,
      %get3A_1060 = vector.shape_cast %get3A_1059 : vector<1x16xf32> to vector<16xf32>
      %mul3A_1061 = arith.constant 16 : i32
      %mul3A_1062 = arith.muli %scan3A_1026, %mul3A_1061 : i32
      %get3A_1063 = arith.constant 22 : i32
      %get3A_1064 = arith.index_cast %get3A_1063 : i32 to index
      %get3A_1065 = arith.index_cast %mul3A_1062 : i32 to index
      %get3A_1066 = tpu.vector_load %arg5[%get3A_1064, %get3A_1065] {strides = array<i32>} : memref<25x2704xf32, #tpu.memory_space<vmem>>, vector<1x16xf32>,
      %get3A_1067 = vector.shape_cast %get3A_1066 : vector<1x16xf32> to vector<16xf32>
      %mul3A_1068 = arith.constant 16 : i32
      %mul3A_1069 = arith.muli %scan3A_1026, %mul3A_1068 : i32
      %get3A_1070 = arith.constant 23 : i32
      %get3A_1071 = arith.index_cast %get3A_1070 : i32 to index
      %get3A_1072 = arith.index_cast %mul3A_1069 : i32 to index
      %get3A_1073 = tpu.vector_load %arg5[%get3A_1071, %get3A_1072] {strides = array<i32>} : memref<25x2704xf32, #tpu.memory_space<vmem>>, vector<1x16xf32>,
      %get3A_1074 = vector.shape_cast %get3A_1073 : vector<1x16xf32> to vector<16xf32>
      %mul3A_1075 = arith.constant 16 : i32
      %mul3A_1076 = arith.muli %scan3A_1026, %mul3A_1075 : i32
      %get3A_1077 = arith.constant 24 : i32
      %get3A_1078 = arith.index_cast %get3A_1077 : i32 to index
      %get3A_1079 = arith.index_cast %mul3A_1076 : i32 to index
      %get3A_1080 = tpu.vector_load %arg5[%get3A_1078, %get3A_1079] {strides = array<i32>} : memref<25x2704xf32, #tpu.memory_space<vmem>>, vector<1x16xf32>,
      %get3A_1081 = vector.shape_cast %get3A_1080 : vector<1x16xf32> to vector<16xf32>
      %neg3A_1082 = arith.constant 0.000000e+00 : f32
      %neg3A_1083 = vector.broadcast %neg3A_1082 : f32 to vector<16xf32>
      %neg3A_1084 = arith.subf %neg3A_1083, %get3A_1053 : vector<16xf32>
      %exp3A_1085 = math.exp %neg3A_1084 : vector<16xf32>
      %add3A_1086 = arith.constant 1.000000e+00 : f32
      %add3A_1087 = vector.broadcast %add3A_1086 : f32 to vector<16xf32>
      %add3A_1088 = arith.addf %add3A_1087, %exp3A_1085 : vector<16xf32>
      %div3A_1089 = arith.constant 1.000000e+00 : f32
      %div3A_1090 = vector.broadcast %div3A_1089 : f32 to vector<16xf32>
      %div3A_1091 = arith.divf %div3A_1090, %add3A_1088 : vector<16xf32>
      %neg3A_1092 = arith.constant 0.000000e+00 : f32
      %neg3A_1093 = vector.broadcast %neg3A_1092 : f32 to vector<16xf32>
      %neg3A_1094 = arith.subf %neg3A_1093, %get3A_1060 : vector<16xf32>
      %exp3A_1095 = math.exp %neg3A_1094 : vector<16xf32>
      %add3A_1096 = arith.constant 1.000000e+00 : f32
      %add3A_1097 = vector.broadcast %add3A_1096 : f32 to vector<16xf32>
      %add3A_1098 = arith.addf %add3A_1097, %exp3A_1095 : vector<16xf32>
      %div3A_1099 = arith.constant 1.000000e+00 : f32
      %div3A_1100 = vector.broadcast %div3A_1099 : f32 to vector<16xf32>
      %div3A_1101 = arith.divf %div3A_1100, %add3A_1098 : vector<16xf32>
      %neg3A_1102 = arith.constant 0.000000e+00 : f32
      %neg3A_1103 = vector.broadcast %neg3A_1102 : f32 to vector<16xf32>
      %neg3A_1104 = arith.subf %neg3A_1103, %get3A_1081 : vector<16xf32>
      %exp3A_1105 = math.exp %neg3A_1104 : vector<16xf32>
      %add3A_1106 = arith.constant 1.000000e+00 : f32
      %add3A_1107 = vector.broadcast %add3A_1106 : f32 to vector<16xf32>
      %add3A_1108 = arith.addf %add3A_1107, %exp3A_1105 : vector<16xf32>
      %div3A_1109 = arith.constant 1.000000e+00 : f32
      %div3A_1110 = vector.broadcast %div3A_1109 : f32 to vector<16xf32>
      %div3A_1111 = arith.divf %div3A_1110, %add3A_1108 : vector<16xf32>
      %exp3A_1112 = math.exp %get3A_1067 : vector<16xf32>
      %mul3A_1113 = arith.constant 1.123640e+01 : f32
      %mul3A_1114 = vector.broadcast %mul3A_1113 : f32 to vector<16xf32>
      %mul3A_1115 = arith.mulf %exp3A_1112, %mul3A_1114 : vector<16xf32>
      %exp3A_1116 = math.exp %get3A_1074 : vector<16xf32>
      %mul3A_1117 = arith.constant 1.000710e+01 : f32
      %mul3A_1118 = vector.broadcast %mul3A_1117 : f32 to vector<16xf32>
      %mul3A_1119 = arith.mulf %exp3A_1116, %mul3A_1118 : vector<16xf32>
      %add3A_1120 = arith.addf %div3A_1091, %sub3A_1046 : vector<16xf32>
      %add3A_1121 = arith.addf %div3A_1101, %convert_element_type3A_1042 : vector<16xf32>
      %mul3A_1122 = arith.constant 5.000000e-01 : f32
      %mul3A_1123 = vector.broadcast %mul3A_1122 : f32 to vector<16xf32>
      %mul3A_1124 = arith.mulf %mul3A_1123, %mul3A_1115 : vector<16xf32>
      %mul3A_1125 = arith.constant 5.000000e-01 : f32
      %mul3A_1126 = vector.broadcast %mul3A_1125 : f32 to vector<16xf32>
      %mul3A_1127 = arith.mulf %mul3A_1126, %mul3A_1119 : vector<16xf32>
      %add3A_1128 = arith.addf %add3A_1120, %mul3A_1124 : vector<16xf32>
      %max3A_1129 = arith.maximumf %add3A_60, %add3A_1128 : vector<16xf32>
      %sub3A_1130 = arith.subf %add3A_1120, %mul3A_1124 : vector<16xf32>
      %min3A_1131 = arith.minimumf %sub3A, %sub3A_1130 : vector<16xf32>
      %sub3A_1132 = arith.subf %max3A_1129, %min3A_1131 : vector<16xf32>
      %add3A_1133 = arith.addf %add3A_1121, %mul3A_1127 : vector<16xf32>
      %max3A_1134 = arith.maximumf %add3A_68, %add3A_1133 : vector<16xf32>
      %sub3A_1135 = arith.subf %add3A_1121, %mul3A_1127 : vector<16xf32>
      %min3A_1136 = arith.minimumf %sub3A_64, %sub3A_1135 : vector<16xf32>
      %sub3A_1137 = arith.subf %max3A_1134, %min3A_1136 : vector<16xf32>
      %add3A_1138 = arith.addf %get3A_17, %mul3A_1115 : vector<16xf32>
      %sub3A_1139 = arith.subf %add3A_1138, %sub3A_1132 : vector<16xf32>
      %add3A_1140 = arith.addf %get3A_20, %mul3A_1119 : vector<16xf32>
      %sub3A_1141 = arith.subf %add3A_1140, %sub3A_1137 : vector<16xf32>
      %mul3A_1142 = arith.mulf %sub3A_1139, %sub3A_1141 : vector<16xf32>
      %mul3A_1143 = arith.mulf %mul3A_1115, %mul3A_1119 : vector<16xf32>
      %add3A_1144 = arith.addf %get3A_53, %mul3A_1143 : vector<16xf32>
      %sub3A_1145 = arith.subf %add3A_1144, %mul3A_1142 : vector<16xf32>
      %gt3A_1146 = arith.constant 0.000000e+00 : f32
      %gt3A_1147 = vector.broadcast %gt3A_1146 : f32 to vector<16xf32>
      %gt3A_1148 = arith.cmpf ogt, %sub3A_1139, %gt3A_1147 : vector<16xf32>
      %gt3A_1149 = arith.constant 0.000000e+00 : f32
      %gt3A_1150 = vector.broadcast %gt3A_1149 : f32 to vector<16xf32>
      %gt3A_1151 = arith.cmpf ogt, %sub3A_1141, %gt3A_1150 : vector<16xf32>
      %and3A_1152 = arith.andi %gt3A_1148, %gt3A_1151 : vector<16xi1>
      %mul3A_1153 = arith.constant 6.000000e-01 : f32
      %mul3A_1154 = vector.broadcast %mul3A_1153 : f32 to vector<16xf32>
      %mul3A_1155 = arith.mulf %mul3A_1154, %sub3A_1145 : vector<16xf32>
      %gt3A_1156 = arith.cmpf ogt, %mul3A_1142, %mul3A_1155 : vector<16xf32>
      %and3A_1157 = arith.andi %and3A_1152, %gt3A_1156 : vector<16xi1>
      %sub3A_1158 = arith.constant 5.000000e-01 : f32
      %sub3A_1159 = vector.broadcast %sub3A_1158 : f32 to vector<16xf32>
      %sub3A_1160 = arith.subf %div3A_1091, %sub3A_1159 : vector<16xf32>
      %sub3A_1161 = arith.constant 5.000000e-01 : f32
      %sub3A_1162 = vector.broadcast %sub3A_1161 : f32 to vector<16xf32>
      %sub3A_1163 = arith.subf %div3A_1101, %sub3A_1162 : vector<16xf32>
      %mul3A_1164 = arith.mulf %sub3A_1160, %sub3A_1160 : vector<16xf32>
      %mul3A_1165 = arith.mulf %sub3A_1163, %sub3A_1163 : vector<16xf32>
      %add3A_1166 = arith.addf %mul3A_1164, %mul3A_1165 : vector<16xf32>
      %mul3A_1167 = arith.mulf %get3A_1067, %get3A_1067 : vector<16xf32>
      %add3A_1168 = arith.addf %add3A_1166, %mul3A_1167 : vector<16xf32>
      %mul3A_1169 = arith.mulf %get3A_1074, %get3A_1074 : vector<16xf32>
      %add3A_1170 = arith.addf %add3A_1168, %mul3A_1169 : vector<16xf32>
      %mul3A_1171 = arith.mulf %div3A_1111, %div3A_1111 : vector<16xf32>
      %jit3A_1172 = arith.constant 0.000000e+00 : f32
      %broadcast_in_dim3A_1173 = vector.broadcast %jit3A_1172 : f32 to vector<16xf32>
      %select_n3A_1174 = arith.select %and3A_1157, %broadcast_in_dim3A_1173, %mul3A_1171 : vector<16xi1>, vector<16xf32>
      %add3A_1175 = arith.addf %add3A_1170, %select_n3A_1174 : vector<16xf32>
      %eq3A_1176 = arith.cmpf oeq, %convert_element_type3A, %get3A_47 : vector<16xf32>
      %and3A_1177 = arith.andi %eq3A_107, %eq3A_1176 : vector<16xi1>
      %jit3A_1178 = arith.constant 0.000000e+00 : f32
      %broadcast_in_dim3A_1179 = vector.broadcast %jit3A_1178 : f32 to vector<16xf32>
      %select_n3A_1180 = arith.select %and3A_1177, %get3A_1053, %broadcast_in_dim3A_1179 : vector<16xi1>, vector<16xf32>
      %add3A_1181 = arith.addf %scan3A_1028, %select_n3A_1180 : vector<16xf32>
      %jit3A_1182 = arith.constant 0.000000e+00 : f32
      %broadcast_in_dim3A_1183 = vector.broadcast %jit3A_1182 : f32 to vector<16xf32>
      %select_n3A_1184 = arith.select %and3A_1177, %get3A_1060, %broadcast_in_dim3A_1183 : vector<16xi1>, vector<16xf32>
      %add3A_1185 = arith.addf %scan3A_1029, %select_n3A_1184 : vector<16xf32>
      %jit3A_1186 = arith.constant 0.000000e+00 : f32
      %broadcast_in_dim3A_1187 = vector.broadcast %jit3A_1186 : f32 to vector<16xf32>
      %select_n3A_1188 = arith.select %and3A_1177, %get3A_1067, %broadcast_in_dim3A_1187 : vector<16xi1>, vector<16xf32>
      %add3A_1189 = arith.addf %scan3A_1030, %select_n3A_1188 : vector<16xf32>
      %jit3A_1190 = arith.constant 0.000000e+00 : f32
      %broadcast_in_dim3A_1191 = vector.broadcast %jit3A_1190 : f32 to vector<16xf32>
      %select_n3A_1192 = arith.select %and3A_1177, %get3A_1074, %broadcast_in_dim3A_1191 : vector<16xi1>, vector<16xf32>
      %add3A_1193 = arith.addf %scan3A_1031, %select_n3A_1192 : vector<16xf32>
      %jit3A_1194 = arith.constant 0.000000e+00 : f32
      %broadcast_in_dim3A_1195 = vector.broadcast %jit3A_1194 : f32 to vector<16xf32>
      %select_n3A_1196 = arith.select %and3A_1177, %get3A_1081, %broadcast_in_dim3A_1195 : vector<16xi1>, vector<16xf32>
      %add3A_1197 = arith.addf %scan3A_1032, %select_n3A_1196 : vector<16xf32>
      %add3A_1198 = arith.addf %scan3A_1027, %add3A_1175 : vector<16xf32>
      scf.yield %add3A_1198, %add3A_1181, %add3A_1185, %add3A_1189, %add3A_1193, %add3A_1197 : vector<16xf32>, vector<16xf32>, vector<16xf32>, vector<16xf32>, vector<16xf32>, vector<16xf32>
    }
    %scan3A_113 = arith.constant 169 : i32
    %xor3A = arith.constant 1 : i32
    %xor3A_114 = vector.broadcast %xor3A : i32 to vector<16xi32>
    %xor3A_115 = arith.xori %iota3A, %xor3A_114 : vector<16xi32>
    %lt3A = arith.constant 0 : i32
    %lt3A_116 = vector.broadcast %lt3A : i32 to vector<16xi32>
    %lt3A_117 = arith.cmpi slt, %xor3A_115, %lt3A_116 : vector<16xi32>
    %add3A_118 = arith.constant 16 : i32
    %add3A_119 = vector.broadcast %add3A_118 : i32 to vector<16xi32>
    %add3A_120 = arith.addi %xor3A_115, %add3A_119 : vector<16xi32>
    %select_n3A = arith.select %lt3A_117, %add3A_120, %xor3A_115 : vector<16xi1>, vector<16xi32>
    %broadcast_in_dim3A_121 = vector.shape_cast %select_n3A : vector<16xi32> to vector<16x1xi32>
    %gather3A = vector.shape_cast %broadcast_in_dim3A_121 : vector<16x1xi32> to vector<16xi32>
    %gather3A_122 = tpu.dynamic_gather %scan3A_112#1[%gather3A] in [0] : vector<16xf32>, vector<16xi32> -> vector<16xf32>
    %add3A_123 = arith.addf %scan3A_112#1, %gather3A_122 : vector<16xf32>
    %xor3A_124 = arith.constant 2 : i32
    %xor3A_125 = vector.broadcast %xor3A_124 : i32 to vector<16xi32>
    %xor3A_126 = arith.xori %iota3A, %xor3A_125 : vector<16xi32>
    %lt3A_127 = arith.constant 0 : i32
    %lt3A_128 = vector.broadcast %lt3A_127 : i32 to vector<16xi32>
    %lt3A_129 = arith.cmpi slt, %xor3A_126, %lt3A_128 : vector<16xi32>
    %add3A_130 = arith.constant 16 : i32
    %add3A_131 = vector.broadcast %add3A_130 : i32 to vector<16xi32>
    %add3A_132 = arith.addi %xor3A_126, %add3A_131 : vector<16xi32>
    %select_n3A_133 = arith.select %lt3A_129, %add3A_132, %xor3A_126 : vector<16xi1>, vector<16xi32>
    %broadcast_in_dim3A_134 = vector.shape_cast %select_n3A_133 : vector<16xi32> to vector<16x1xi32>
    %gather3A_135 = vector.shape_cast %broadcast_in_dim3A_134 : vector<16x1xi32> to vector<16xi32>
    %gather3A_136 = tpu.dynamic_gather %add3A_123[%gather3A_135] in [0] : vector<16xf32>, vector<16xi32> -> vector<16xf32>
    %add3A_137 = arith.addf %add3A_123, %gather3A_136 : vector<16xf32>
    %xor3A_138 = arith.constant 4 : i32
    %xor3A_139 = vector.broadcast %xor3A_138 : i32 to vector<16xi32>
    %xor3A_140 = arith.xori %iota3A, %xor3A_139 : vector<16xi32>
    %lt3A_141 = arith.constant 0 : i32
    %lt3A_142 = vector.broadcast %lt3A_141 : i32 to vector<16xi32>
    %lt3A_143 = arith.cmpi slt, %xor3A_140, %lt3A_142 : vector<16xi32>
    %add3A_144 = arith.constant 16 : i32
    %add3A_145 = vector.broadcast %add3A_144 : i32 to vector<16xi32>
    %add3A_146 = arith.addi %xor3A_140, %add3A_145 : vector<16xi32>
    %select_n3A_147 = arith.select %lt3A_143, %add3A_146, %xor3A_140 : vector<16xi1>, vector<16xi32>
    %broadcast_in_dim3A_148 = vector.shape_cast %select_n3A_147 : vector<16xi32> to vector<16x1xi32>
    %gather3A_149 = vector.shape_cast %broadcast_in_dim3A_148 : vector<16x1xi32> to vector<16xi32>
    %gather3A_150 = tpu.dynamic_gather %add3A_137[%gather3A_149] in [0] : vector<16xf32>, vector<16xi32> -> vector<16xf32>
    %add3A_151 = arith.addf %add3A_137, %gather3A_150 : vector<16xf32>
    %xor3A_152 = arith.constant 8 : i32
    %xor3A_153 = vector.broadcast %xor3A_152 : i32 to vector<16xi32>
    %xor3A_154 = arith.xori %iota3A, %xor3A_153 : vector<16xi32>
    %lt3A_155 = arith.constant 0 : i32
    %lt3A_156 = vector.broadcast %lt3A_155 : i32 to vector<16xi32>
    %lt3A_157 = arith.cmpi slt, %xor3A_154, %lt3A_156 : vector<16xi32>
    %add3A_158 = arith.constant 16 : i32
    %add3A_159 = vector.broadcast %add3A_158 : i32 to vector<16xi32>
    %add3A_160 = arith.addi %xor3A_154, %add3A_159 : vector<16xi32>
    %select_n3A_161 = arith.select %lt3A_157, %add3A_160, %xor3A_154 : vector<16xi1>, vector<16xi32>
    %broadcast_in_dim3A_162 = vector.shape_cast %select_n3A_161 : vector<16xi32> to vector<16x1xi32>
    %gather3A_163 = vector.shape_cast %broadcast_in_dim3A_162 : vector<16x1xi32> to vector<16xi32>
    %gather3A_164 = tpu.dynamic_gather %add3A_151[%gather3A_163] in [0] : vector<16xf32>, vector<16xi32> -> vector<16xf32>
    %add3A_165 = arith.addf %add3A_151, %gather3A_164 : vector<16xf32>
    %xor3A_166 = arith.constant 1 : i32
    %xor3A_167 = vector.broadcast %xor3A_166 : i32 to vector<16xi32>
    %xor3A_168 = arith.xori %iota3A, %xor3A_167 : vector<16xi32>
    %lt3A_169 = arith.constant 0 : i32
    %lt3A_170 = vector.broadcast %lt3A_169 : i32 to vector<16xi32>
    %lt3A_171 = arith.cmpi slt, %xor3A_168, %lt3A_170 : vector<16xi32>
    %add3A_172 = arith.constant 16 : i32
    %add3A_173 = vector.broadcast %add3A_172 : i32 to vector<16xi32>
    %add3A_174 = arith.addi %xor3A_168, %add3A_173 : vector<16xi32>
    %select_n3A_175 = arith.select %lt3A_171, %add3A_174, %xor3A_168 : vector<16xi1>, vector<16xi32>
    %broadcast_in_dim3A_176 = vector.shape_cast %select_n3A_175 : vector<16xi32> to vector<16x1xi32>
    %gather3A_177 = vector.shape_cast %broadcast_in_dim3A_176 : vector<16x1xi32> to vector<16xi32>
    %gather3A_178 = tpu.dynamic_gather %scan3A_112#2[%gather3A_177] in [0] : vector<16xf32>, vector<16xi32> -> vector<16xf32>
    %add3A_179 = arith.addf %scan3A_112#2, %gather3A_178 : vector<16xf32>
    %xor3A_180 = arith.constant 2 : i32
    %xor3A_181 = vector.broadcast %xor3A_180 : i32 to vector<16xi32>
    %xor3A_182 = arith.xori %iota3A, %xor3A_181 : vector<16xi32>
    %lt3A_183 = arith.constant 0 : i32
    %lt3A_184 = vector.broadcast %lt3A_183 : i32 to vector<16xi32>
    %lt3A_185 = arith.cmpi slt, %xor3A_182, %lt3A_184 : vector<16xi32>
    %add3A_186 = arith.constant 16 : i32
    %add3A_187 = vector.broadcast %add3A_186 : i32 to vector<16xi32>
    %add3A_188 = arith.addi %xor3A_182, %add3A_187 : vector<16xi32>
    %select_n3A_189 = arith.select %lt3A_185, %add3A_188, %xor3A_182 : vector<16xi1>, vector<16xi32>
    %broadcast_in_dim3A_190 = vector.shape_cast %select_n3A_189 : vector<16xi32> to vector<16x1xi32>
    %gather3A_191 = vector.shape_cast %broadcast_in_dim3A_190 : vector<16x1xi32> to vector<16xi32>
    %gather3A_192 = tpu.dynamic_gather %add3A_179[%gather3A_191] in [0] : vector<16xf32>, vector<16xi32> -> vector<16xf32>
    %add3A_193 = arith.addf %add3A_179, %gather3A_192 : vector<16xf32>
    %xor3A_194 = arith.constant 4 : i32
    %xor3A_195 = vector.broadcast %xor3A_194 : i32 to vector<16xi32>
    %xor3A_196 = arith.xori %iota3A, %xor3A_195 : vector<16xi32>
    %lt3A_197 = arith.constant 0 : i32
    %lt3A_198 = vector.broadcast %lt3A_197 : i32 to vector<16xi32>
    %lt3A_199 = arith.cmpi slt, %xor3A_196, %lt3A_198 : vector<16xi32>
    %add3A_200 = arith.constant 16 : i32
    %add3A_201 = vector.broadcast %add3A_200 : i32 to vector<16xi32>
    %add3A_202 = arith.addi %xor3A_196, %add3A_201 : vector<16xi32>
    %select_n3A_203 = arith.select %lt3A_199, %add3A_202, %xor3A_196 : vector<16xi1>, vector<16xi32>
    %broadcast_in_dim3A_204 = vector.shape_cast %select_n3A_203 : vector<16xi32> to vector<16x1xi32>
    %gather3A_205 = vector.shape_cast %broadcast_in_dim3A_204 : vector<16x1xi32> to vector<16xi32>
    %gather3A_206 = tpu.dynamic_gather %add3A_193[%gather3A_205] in [0] : vector<16xf32>, vector<16xi32> -> vector<16xf32>
    %add3A_207 = arith.addf %add3A_193, %gather3A_206 : vector<16xf32>
    %xor3A_208 = arith.constant 8 : i32
    %xor3A_209 = vector.broadcast %xor3A_208 : i32 to vector<16xi32>
    %xor3A_210 = arith.xori %iota3A, %xor3A_209 : vector<16xi32>
    %lt3A_211 = arith.constant 0 : i32
    %lt3A_212 = vector.broadcast %lt3A_211 : i32 to vector<16xi32>
    %lt3A_213 = arith.cmpi slt, %xor3A_210, %lt3A_212 : vector<16xi32>
    %add3A_214 = arith.constant 16 : i32
    %add3A_215 = vector.broadcast %add3A_214 : i32 to vector<16xi32>
    %add3A_216 = arith.addi %xor3A_210, %add3A_215 : vector<16xi32>
    %select_n3A_217 = arith.select %lt3A_213, %add3A_216, %xor3A_210 : vector<16xi1>, vector<16xi32>
    %broadcast_in_dim3A_218 = vector.shape_cast %select_n3A_217 : vector<16xi32> to vector<16x1xi32>
    %gather3A_219 = vector.shape_cast %broadcast_in_dim3A_218 : vector<16x1xi32> to vector<16xi32>
    %gather3A_220 = tpu.dynamic_gather %add3A_207[%gather3A_219] in [0] : vector<16xf32>, vector<16xi32> -> vector<16xf32>
    %add3A_221 = arith.addf %add3A_207, %gather3A_220 : vector<16xf32>
    %xor3A_222 = arith.constant 1 : i32
    %xor3A_223 = vector.broadcast %xor3A_222 : i32 to vector<16xi32>
    %xor3A_224 = arith.xori %iota3A, %xor3A_223 : vector<16xi32>
    %lt3A_225 = arith.constant 0 : i32
    %lt3A_226 = vector.broadcast %lt3A_225 : i32 to vector<16xi32>
    %lt3A_227 = arith.cmpi slt, %xor3A_224, %lt3A_226 : vector<16xi32>
    %add3A_228 = arith.constant 16 : i32
    %add3A_229 = vector.broadcast %add3A_228 : i32 to vector<16xi32>
    %add3A_230 = arith.addi %xor3A_224, %add3A_229 : vector<16xi32>
    %select_n3A_231 = arith.select %lt3A_227, %add3A_230, %xor3A_224 : vector<16xi1>, vector<16xi32>
    %broadcast_in_dim3A_232 = vector.shape_cast %select_n3A_231 : vector<16xi32> to vector<16x1xi32>
    %gather3A_233 = vector.shape_cast %broadcast_in_dim3A_232 : vector<16x1xi32> to vector<16xi32>
    %gather3A_234 = tpu.dynamic_gather %scan3A_112#3[%gather3A_233] in [0] : vector<16xf32>, vector<16xi32> -> vector<16xf32>
    %add3A_235 = arith.addf %scan3A_112#3, %gather3A_234 : vector<16xf32>
    %xor3A_236 = arith.constant 2 : i32
    %xor3A_237 = vector.broadcast %xor3A_236 : i32 to vector<16xi32>
    %xor3A_238 = arith.xori %iota3A, %xor3A_237 : vector<16xi32>
    %lt3A_239 = arith.constant 0 : i32
    %lt3A_240 = vector.broadcast %lt3A_239 : i32 to vector<16xi32>
    %lt3A_241 = arith.cmpi slt, %xor3A_238, %lt3A_240 : vector<16xi32>
    %add3A_242 = arith.constant 16 : i32
    %add3A_243 = vector.broadcast %add3A_242 : i32 to vector<16xi32>
    %add3A_244 = arith.addi %xor3A_238, %add3A_243 : vector<16xi32>
    %select_n3A_245 = arith.select %lt3A_241, %add3A_244, %xor3A_238 : vector<16xi1>, vector<16xi32>
    %broadcast_in_dim3A_246 = vector.shape_cast %select_n3A_245 : vector<16xi32> to vector<16x1xi32>
    %gather3A_247 = vector.shape_cast %broadcast_in_dim3A_246 : vector<16x1xi32> to vector<16xi32>
    %gather3A_248 = tpu.dynamic_gather %add3A_235[%gather3A_247] in [0] : vector<16xf32>, vector<16xi32> -> vector<16xf32>
    %add3A_249 = arith.addf %add3A_235, %gather3A_248 : vector<16xf32>
    %xor3A_250 = arith.constant 4 : i32
    %xor3A_251 = vector.broadcast %xor3A_250 : i32 to vector<16xi32>
    %xor3A_252 = arith.xori %iota3A, %xor3A_251 : vector<16xi32>
    %lt3A_253 = arith.constant 0 : i32
    %lt3A_254 = vector.broadcast %lt3A_253 : i32 to vector<16xi32>
    %lt3A_255 = arith.cmpi slt, %xor3A_252, %lt3A_254 : vector<16xi32>
    %add3A_256 = arith.constant 16 : i32
    %add3A_257 = vector.broadcast %add3A_256 : i32 to vector<16xi32>
    %add3A_258 = arith.addi %xor3A_252, %add3A_257 : vector<16xi32>
    %select_n3A_259 = arith.select %lt3A_255, %add3A_258, %xor3A_252 : vector<16xi1>, vector<16xi32>
    %broadcast_in_dim3A_260 = vector.shape_cast %select_n3A_259 : vector<16xi32> to vector<16x1xi32>
    %gather3A_261 = vector.shape_cast %broadcast_in_dim3A_260 : vector<16x1xi32> to vector<16xi32>
    %gather3A_262 = tpu.dynamic_gather %add3A_249[%gather3A_261] in [0] : vector<16xf32>, vector<16xi32> -> vector<16xf32>
    %add3A_263 = arith.addf %add3A_249, %gather3A_262 : vector<16xf32>
    %xor3A_264 = arith.constant 8 : i32
    %xor3A_265 = vector.broadcast %xor3A_264 : i32 to vector<16xi32>
    %xor3A_266 = arith.xori %iota3A, %xor3A_265 : vector<16xi32>
    %lt3A_267 = arith.constant 0 : i32
    %lt3A_268 = vector.broadcast %lt3A_267 : i32 to vector<16xi32>
    %lt3A_269 = arith.cmpi slt, %xor3A_266, %lt3A_268 : vector<16xi32>
    %add3A_270 = arith.constant 16 : i32
    %add3A_271 = vector.broadcast %add3A_270 : i32 to vector<16xi32>
    %add3A_272 = arith.addi %xor3A_266, %add3A_271 : vector<16xi32>
    %select_n3A_273 = arith.select %lt3A_269, %add3A_272, %xor3A_266 : vector<16xi1>, vector<16xi32>
    %broadcast_in_dim3A_274 = vector.shape_cast %select_n3A_273 : vector<16xi32> to vector<16x1xi32>
    %gather3A_275 = vector.shape_cast %broadcast_in_dim3A_274 : vector<16x1xi32> to vector<16xi32>
    %gather3A_276 = tpu.dynamic_gather %add3A_263[%gather3A_275] in [0] : vector<16xf32>, vector<16xi32> -> vector<16xf32>
    %add3A_277 = arith.addf %add3A_263, %gather3A_276 : vector<16xf32>
    %xor3A_278 = arith.constant 1 : i32
    %xor3A_279 = vector.broadcast %xor3A_278 : i32 to vector<16xi32>
    %xor3A_280 = arith.xori %iota3A, %xor3A_279 : vector<16xi32>
    %lt3A_281 = arith.constant 0 : i32
    %lt3A_282 = vector.broadcast %lt3A_281 : i32 to vector<16xi32>
    %lt3A_283 = arith.cmpi slt, %xor3A_280, %lt3A_282 : vector<16xi32>
    %add3A_284 = arith.constant 16 : i32
    %add3A_285 = vector.broadcast %add3A_284 : i32 to vector<16xi32>
    %add3A_286 = arith.addi %xor3A_280, %add3A_285 : vector<16xi32>
    %select_n3A_287 = arith.select %lt3A_283, %add3A_286, %xor3A_280 : vector<16xi1>, vector<16xi32>
    %broadcast_in_dim3A_288 = vector.shape_cast %select_n3A_287 : vector<16xi32> to vector<16x1xi32>
    %gather3A_289 = vector.shape_cast %broadcast_in_dim3A_288 : vector<16x1xi32> to vector<16xi32>
    %gather3A_290 = tpu.dynamic_gather %scan3A_112#4[%gather3A_289] in [0] : vector<16xf32>, vector<16xi32> -> vector<16xf32>
    %add3A_291 = arith.addf %scan3A_112#4, %gather3A_290 : vector<16xf32>
    %xor3A_292 = arith.constant 2 : i32
    %xor3A_293 = vector.broadcast %xor3A_292 : i32 to vector<16xi32>
    %xor3A_294 = arith.xori %iota3A, %xor3A_293 : vector<16xi32>
    %lt3A_295 = arith.constant 0 : i32
    %lt3A_296 = vector.broadcast %lt3A_295 : i32 to vector<16xi32>
    %lt3A_297 = arith.cmpi slt, %xor3A_294, %lt3A_296 : vector<16xi32>
    %add3A_298 = arith.constant 16 : i32
    %add3A_299 = vector.broadcast %add3A_298 : i32 to vector<16xi32>
    %add3A_300 = arith.addi %xor3A_294, %add3A_299 : vector<16xi32>
    %select_n3A_301 = arith.select %lt3A_297, %add3A_300, %xor3A_294 : vector<16xi1>, vector<16xi32>
    %broadcast_in_dim3A_302 = vector.shape_cast %select_n3A_301 : vector<16xi32> to vector<16x1xi32>
    %gather3A_303 = vector.shape_cast %broadcast_in_dim3A_302 : vector<16x1xi32> to vector<16xi32>
    %gather3A_304 = tpu.dynamic_gather %add3A_291[%gather3A_303] in [0] : vector<16xf32>, vector<16xi32> -> vector<16xf32>
    %add3A_305 = arith.addf %add3A_291, %gather3A_304 : vector<16xf32>
    %xor3A_306 = arith.constant 4 : i32
    %xor3A_307 = vector.broadcast %xor3A_306 : i32 to vector<16xi32>
    %xor3A_308 = arith.xori %iota3A, %xor3A_307 : vector<16xi32>
    %lt3A_309 = arith.constant 0 : i32
    %lt3A_310 = vector.broadcast %lt3A_309 : i32 to vector<16xi32>
    %lt3A_311 = arith.cmpi slt, %xor3A_308, %lt3A_310 : vector<16xi32>
    %add3A_312 = arith.constant 16 : i32
    %add3A_313 = vector.broadcast %add3A_312 : i32 to vector<16xi32>
    %add3A_314 = arith.addi %xor3A_308, %add3A_313 : vector<16xi32>
    %select_n3A_315 = arith.select %lt3A_311, %add3A_314, %xor3A_308 : vector<16xi1>, vector<16xi32>
    %broadcast_in_dim3A_316 = vector.shape_cast %select_n3A_315 : vector<16xi32> to vector<16x1xi32>
    %gather3A_317 = vector.shape_cast %broadcast_in_dim3A_316 : vector<16x1xi32> to vector<16xi32>
    %gather3A_318 = tpu.dynamic_gather %add3A_305[%gather3A_317] in [0] : vector<16xf32>, vector<16xi32> -> vector<16xf32>
    %add3A_319 = arith.addf %add3A_305, %gather3A_318 : vector<16xf32>
    %xor3A_320 = arith.constant 8 : i32
    %xor3A_321 = vector.broadcast %xor3A_320 : i32 to vector<16xi32>
    %xor3A_322 = arith.xori %iota3A, %xor3A_321 : vector<16xi32>
    %lt3A_323 = arith.constant 0 : i32
    %lt3A_324 = vector.broadcast %lt3A_323 : i32 to vector<16xi32>
    %lt3A_325 = arith.cmpi slt, %xor3A_322, %lt3A_324 : vector<16xi32>
    %add3A_326 = arith.constant 16 : i32
    %add3A_327 = vector.broadcast %add3A_326 : i32 to vector<16xi32>
    %add3A_328 = arith.addi %xor3A_322, %add3A_327 : vector<16xi32>
    %select_n3A_329 = arith.select %lt3A_325, %add3A_328, %xor3A_322 : vector<16xi1>, vector<16xi32>
    %broadcast_in_dim3A_330 = vector.shape_cast %select_n3A_329 : vector<16xi32> to vector<16x1xi32>
    %gather3A_331 = vector.shape_cast %broadcast_in_dim3A_330 : vector<16x1xi32> to vector<16xi32>
    %gather3A_332 = tpu.dynamic_gather %add3A_319[%gather3A_331] in [0] : vector<16xf32>, vector<16xi32> -> vector<16xf32>
    %add3A_333 = arith.addf %add3A_319, %gather3A_332 : vector<16xf32>
    %xor3A_334 = arith.constant 1 : i32
    %xor3A_335 = vector.broadcast %xor3A_334 : i32 to vector<16xi32>
    %xor3A_336 = arith.xori %iota3A, %xor3A_335 : vector<16xi32>
    %lt3A_337 = arith.constant 0 : i32
    %lt3A_338 = vector.broadcast %lt3A_337 : i32 to vector<16xi32>
    %lt3A_339 = arith.cmpi slt, %xor3A_336, %lt3A_338 : vector<16xi32>
    %add3A_340 = arith.constant 16 : i32
    %add3A_341 = vector.broadcast %add3A_340 : i32 to vector<16xi32>
    %add3A_342 = arith.addi %xor3A_336, %add3A_341 : vector<16xi32>
    %select_n3A_343 = arith.select %lt3A_339, %add3A_342, %xor3A_336 : vector<16xi1>, vector<16xi32>
    %broadcast_in_dim3A_344 = vector.shape_cast %select_n3A_343 : vector<16xi32> to vector<16x1xi32>
    %gather3A_345 = vector.shape_cast %broadcast_in_dim3A_344 : vector<16x1xi32> to vector<16xi32>
    %gather3A_346 = tpu.dynamic_gather %scan3A_112#5[%gather3A_345] in [0] : vector<16xf32>, vector<16xi32> -> vector<16xf32>
    %add3A_347 = arith.addf %scan3A_112#5, %gather3A_346 : vector<16xf32>
    %xor3A_348 = arith.constant 2 : i32
    %xor3A_349 = vector.broadcast %xor3A_348 : i32 to vector<16xi32>
    %xor3A_350 = arith.xori %iota3A, %xor3A_349 : vector<16xi32>
    %lt3A_351 = arith.constant 0 : i32
    %lt3A_352 = vector.broadcast %lt3A_351 : i32 to vector<16xi32>
    %lt3A_353 = arith.cmpi slt, %xor3A_350, %lt3A_352 : vector<16xi32>
    %add3A_354 = arith.constant 16 : i32
    %add3A_355 = vector.broadcast %add3A_354 : i32 to vector<16xi32>
    %add3A_356 = arith.addi %xor3A_350, %add3A_355 : vector<16xi32>
    %select_n3A_357 = arith.select %lt3A_353, %add3A_356, %xor3A_350 : vector<16xi1>, vector<16xi32>
    %broadcast_in_dim3A_358 = vector.shape_cast %select_n3A_357 : vector<16xi32> to vector<16x1xi32>
    %gather3A_359 = vector.shape_cast %broadcast_in_dim3A_358 : vector<16x1xi32> to vector<16xi32>
    %gather3A_360 = tpu.dynamic_gather %add3A_347[%gather3A_359] in [0] : vector<16xf32>, vector<16xi32> -> vector<16xf32>
    %add3A_361 = arith.addf %add3A_347, %gather3A_360 : vector<16xf32>
    %xor3A_362 = arith.constant 4 : i32
    %xor3A_363 = vector.broadcast %xor3A_362 : i32 to vector<16xi32>
    %xor3A_364 = arith.xori %iota3A, %xor3A_363 : vector<16xi32>
    %lt3A_365 = arith.constant 0 : i32
    %lt3A_366 = vector.broadcast %lt3A_365 : i32 to vector<16xi32>
    %lt3A_367 = arith.cmpi slt, %xor3A_364, %lt3A_366 : vector<16xi32>
    %add3A_368 = arith.constant 16 : i32
    %add3A_369 = vector.broadcast %add3A_368 : i32 to vector<16xi32>
    %add3A_370 = arith.addi %xor3A_364, %add3A_369 : vector<16xi32>
    %select_n3A_371 = arith.select %lt3A_367, %add3A_370, %xor3A_364 : vector<16xi1>, vector<16xi32>
    %broadcast_in_dim3A_372 = vector.shape_cast %select_n3A_371 : vector<16xi32> to vector<16x1xi32>
    %gather3A_373 = vector.shape_cast %broadcast_in_dim3A_372 : vector<16x1xi32> to vector<16xi32>
    %gather3A_374 = tpu.dynamic_gather %add3A_361[%gather3A_373] in [0] : vector<16xf32>, vector<16xi32> -> vector<16xf32>
    %add3A_375 = arith.addf %add3A_361, %gather3A_374 : vector<16xf32>
    %xor3A_376 = arith.constant 8 : i32
    %xor3A_377 = vector.broadcast %xor3A_376 : i32 to vector<16xi32>
    %xor3A_378 = arith.xori %iota3A, %xor3A_377 : vector<16xi32>
    %lt3A_379 = arith.constant 0 : i32
    %lt3A_380 = vector.broadcast %lt3A_379 : i32 to vector<16xi32>
    %lt3A_381 = arith.cmpi slt, %xor3A_378, %lt3A_380 : vector<16xi32>
    %add3A_382 = arith.constant 16 : i32
    %add3A_383 = vector.broadcast %add3A_382 : i32 to vector<16xi32>
    %add3A_384 = arith.addi %xor3A_378, %add3A_383 : vector<16xi32>
    %select_n3A_385 = arith.select %lt3A_381, %add3A_384, %xor3A_378 : vector<16xi1>, vector<16xi32>
    %broadcast_in_dim3A_386 = vector.shape_cast %select_n3A_385 : vector<16xi32> to vector<16x1xi32>
    %gather3A_387 = vector.shape_cast %broadcast_in_dim3A_386 : vector<16x1xi32> to vector<16xi32>
    %gather3A_388 = tpu.dynamic_gather %add3A_375[%gather3A_387] in [0] : vector<16xf32>, vector<16xi32> -> vector<16xf32>
    %add3A_389 = arith.addf %add3A_375, %gather3A_388 : vector<16xf32>
    %neg3A = arith.constant 0.000000e+00 : f32
    %neg3A_390 = vector.broadcast %neg3A : f32 to vector<16xf32>
    %neg3A_391 = arith.subf %neg3A_390, %add3A_165 : vector<16xf32>
    %exp3A = math.exp %neg3A_391 : vector<16xf32>
    %add3A_392 = arith.constant 1.000000e+00 : f32
    %add3A_393 = vector.broadcast %add3A_392 : f32 to vector<16xf32>
    %add3A_394 = arith.addf %add3A_393, %exp3A : vector<16xf32>
    %div3A = arith.constant 1.000000e+00 : f32
    %div3A_395 = vector.broadcast %div3A : f32 to vector<16xf32>
    %div3A_396 = arith.divf %div3A_395, %add3A_394 : vector<16xf32>
    %neg3A_397 = arith.constant 0.000000e+00 : f32
    %neg3A_398 = vector.broadcast %neg3A_397 : f32 to vector<16xf32>
    %neg3A_399 = arith.subf %neg3A_398, %add3A_221 : vector<16xf32>
    %exp3A_400 = math.exp %neg3A_399 : vector<16xf32>
    %add3A_401 = arith.constant 1.000000e+00 : f32
    %add3A_402 = vector.broadcast %add3A_401 : f32 to vector<16xf32>
    %add3A_403 = arith.addf %add3A_402, %exp3A_400 : vector<16xf32>
    %div3A_404 = arith.constant 1.000000e+00 : f32
    %div3A_405 = vector.broadcast %div3A_404 : f32 to vector<16xf32>
    %div3A_406 = arith.divf %div3A_405, %add3A_403 : vector<16xf32>
    %neg3A_407 = arith.constant 0.000000e+00 : f32
    %neg3A_408 = vector.broadcast %neg3A_407 : f32 to vector<16xf32>
    %neg3A_409 = arith.subf %neg3A_408, %add3A_389 : vector<16xf32>
    %exp3A_410 = math.exp %neg3A_409 : vector<16xf32>
    %add3A_411 = arith.constant 1.000000e+00 : f32
    %add3A_412 = vector.broadcast %add3A_411 : f32 to vector<16xf32>
    %add3A_413 = arith.addf %add3A_412, %exp3A_410 : vector<16xf32>
    %div3A_414 = arith.constant 1.000000e+00 : f32
    %div3A_415 = vector.broadcast %div3A_414 : f32 to vector<16xf32>
    %div3A_416 = arith.divf %div3A_415, %add3A_413 : vector<16xf32>
    %exp3A_417 = math.exp %add3A_277 : vector<16xf32>
    %mul3A_418 = arith.mulf %exp3A_417, %get3A_41 : vector<16xf32>
    %exp3A_419 = math.exp %add3A_333 : vector<16xf32>
    %mul3A_420 = arith.mulf %exp3A_419, %get3A_44 : vector<16xf32>
    %add3A_421 = arith.addf %div3A_396, %get3A_23 : vector<16xf32>
    %add3A_422 = arith.addf %div3A_406, %get3A_26 : vector<16xf32>
    %mul3A_423 = arith.constant 5.000000e-01 : f32
    %mul3A_424 = vector.broadcast %mul3A_423 : f32 to vector<16xf32>
    %mul3A_425 = arith.mulf %mul3A_424, %mul3A_418 : vector<16xf32>
    %add3A_426 = arith.addf %add3A_421, %mul3A_425 : vector<16xf32>
    %max3A = arith.maximumf %add3A_60, %add3A_426 : vector<16xf32>
    %mul3A_427 = arith.constant 5.000000e-01 : f32
    %mul3A_428 = vector.broadcast %mul3A_427 : f32 to vector<16xf32>
    %mul3A_429 = arith.mulf %mul3A_428, %mul3A_418 : vector<16xf32>
    %sub3A_430 = arith.subf %add3A_421, %mul3A_429 : vector<16xf32>
    %min3A = arith.minimumf %sub3A, %sub3A_430 : vector<16xf32>
    %sub3A_431 = arith.subf %max3A, %min3A : vector<16xf32>
    %mul3A_432 = arith.constant 5.000000e-01 : f32
    %mul3A_433 = vector.broadcast %mul3A_432 : f32 to vector<16xf32>
    %mul3A_434 = arith.mulf %mul3A_433, %mul3A_420 : vector<16xf32>
    %add3A_435 = arith.addf %add3A_422, %mul3A_434 : vector<16xf32>
    %max3A_436 = arith.maximumf %add3A_68, %add3A_435 : vector<16xf32>
    %mul3A_437 = arith.constant 5.000000e-01 : f32
    %mul3A_438 = vector.broadcast %mul3A_437 : f32 to vector<16xf32>
    %mul3A_439 = arith.mulf %mul3A_438, %mul3A_420 : vector<16xf32>
    %sub3A_440 = arith.subf %add3A_422, %mul3A_439 : vector<16xf32>
    %min3A_441 = arith.minimumf %sub3A_64, %sub3A_440 : vector<16xf32>
    %sub3A_442 = arith.subf %max3A_436, %min3A_441 : vector<16xf32>
    %add3A_443 = arith.addf %get3A_17, %mul3A_418 : vector<16xf32>
    %sub3A_444 = arith.subf %add3A_443, %sub3A_431 : vector<16xf32>
    %add3A_445 = arith.addf %get3A_20, %mul3A_420 : vector<16xf32>
    %sub3A_446 = arith.subf %add3A_445, %sub3A_442 : vector<16xf32>
    %mul3A_447 = arith.mulf %sub3A_444, %sub3A_446 : vector<16xf32>
    %mul3A_448 = arith.mulf %mul3A_418, %mul3A_420 : vector<16xf32>
    %add3A_449 = arith.addf %get3A_53, %mul3A_448 : vector<16xf32>
    %sub3A_450 = arith.subf %add3A_449, %mul3A_447 : vector<16xf32>
    %gt3A = arith.constant 0.000000e+00 : f32
    %gt3A_451 = vector.broadcast %gt3A : f32 to vector<16xf32>
    %gt3A_452 = arith.cmpf ogt, %sub3A_444, %gt3A_451 : vector<16xf32>
    %gt3A_453 = arith.constant 0.000000e+00 : f32
    %gt3A_454 = vector.broadcast %gt3A_453 : f32 to vector<16xf32>
    %gt3A_455 = arith.cmpf ogt, %sub3A_446, %gt3A_454 : vector<16xf32>
    %and3A = arith.andi %gt3A_452, %gt3A_455 : vector<16xi1>
    %div3A_456 = arith.divf %mul3A_447, %sub3A_450 : vector<16xf32>
    %jit3A = arith.constant 0.000000e+00 : f32
    %broadcast_in_dim3A_457 = vector.broadcast %jit3A : f32 to vector<16xf32>
    %select_n3A_458 = arith.select %and3A, %div3A_456, %broadcast_in_dim3A_457 : vector<16xi1>, vector<16xf32>
    %sub3A_459 = arith.subf %div3A_396, %get3A_29 : vector<16xf32>
    %mul3A_460 = arith.mulf %sub3A_459, %sub3A_459 : vector<16xf32>
    %sub3A_461 = arith.constant 5.000000e-01 : f32
    %sub3A_462 = vector.broadcast %sub3A_461 : f32 to vector<16xf32>
    %sub3A_463 = arith.subf %div3A_396, %sub3A_462 : vector<16xf32>
    %mul3A_464 = arith.mulf %sub3A_463, %sub3A_463 : vector<16xf32>
    %sub3A_465 = arith.subf %mul3A_460, %mul3A_464 : vector<16xf32>
    %sub3A_466 = arith.subf %div3A_406, %get3A_32 : vector<16xf32>
    %mul3A_467 = arith.mulf %sub3A_466, %sub3A_466 : vector<16xf32>
    %add3A_468 = arith.addf %sub3A_465, %mul3A_467 : vector<16xf32>
    %sub3A_469 = arith.constant 5.000000e-01 : f32
    %sub3A_470 = vector.broadcast %sub3A_469 : f32 to vector<16xf32>
    %sub3A_471 = arith.subf %div3A_406, %sub3A_470 : vector<16xf32>
    %mul3A_472 = arith.mulf %sub3A_471, %sub3A_471 : vector<16xf32>
    %sub3A_473 = arith.subf %add3A_468, %mul3A_472 : vector<16xf32>
    %sub3A_474 = arith.subf %add3A_277, %get3A_35 : vector<16xf32>
    %mul3A_475 = arith.mulf %sub3A_474, %sub3A_474 : vector<16xf32>
    %add3A_476 = arith.addf %sub3A_473, %mul3A_475 : vector<16xf32>
    %mul3A_477 = arith.mulf %add3A_277, %add3A_277 : vector<16xf32>
    %sub3A_478 = arith.subf %add3A_476, %mul3A_477 : vector<16xf32>
    %sub3A_479 = arith.subf %add3A_333, %get3A_38 : vector<16xf32>
    %mul3A_480 = arith.mulf %sub3A_479, %sub3A_479 : vector<16xf32>
    %add3A_481 = arith.addf %sub3A_478, %mul3A_480 : vector<16xf32>
    %mul3A_482 = arith.mulf %add3A_333, %add3A_333 : vector<16xf32>
    %sub3A_483 = arith.subf %add3A_481, %mul3A_482 : vector<16xf32>
    %sub3A_484 = arith.subf %div3A_416, %select_n3A_458 : vector<16xf32>
    %mul3A_485 = arith.constant 5.000000e+00 : f32
    %mul3A_486 = vector.broadcast %mul3A_485 : f32 to vector<16xf32>
    %mul3A_487 = arith.mulf %mul3A_486, %sub3A_484 : vector<16xf32>
    %mul3A_488 = arith.mulf %mul3A_487, %sub3A_484 : vector<16xf32>
    %gt3A_489 = arith.constant 6.000000e-01 : f32
    %gt3A_490 = vector.broadcast %gt3A_489 : f32 to vector<16xf32>
    %gt3A_491 = arith.cmpf ogt, %select_n3A_458, %gt3A_490 : vector<16xf32>
    %mul3A_492 = arith.mulf %div3A_416, %div3A_416 : vector<16xf32>
    %jit3A_493 = arith.constant 0.000000e+00 : f32
    %broadcast_in_dim3A_494 = vector.broadcast %jit3A_493 : f32 to vector<16xf32>
    %select_n3A_495 = arith.select %gt3A_491, %broadcast_in_dim3A_494, %mul3A_492 : vector<16xi1>, vector<16xf32>
    %sub3A_496 = arith.subf %mul3A_488, %select_n3A_495 : vector<16xf32>
    %add3A_497 = arith.addf %sub3A_483, %sub3A_496 : vector<16xf32>
    %mul3A_498 = arith.constant 6.250000e-02 : f32
    %mul3A_499 = vector.broadcast %mul3A_498 : f32 to vector<16xf32>
    %mul3A_500 = arith.mulf %add3A_497, %mul3A_499 : vector<16xf32>
    %add3A_501 = arith.addf %scan3A_112#0, %mul3A_500 : vector<16xf32>
    %add3A_502 = arith.addf %broadcast_in_dim3A_1, %add3A_501 : vector<16xf32>
    %mul3A_503 = arith.constant 2 : i32
    %mul3A_504 = arith.muli %add3A, %mul3A_503 : i32
    %add3A_505 = arith.constant 64 : i32
    %add3A_506 = arith.addi %add3A_505, %mul3A_504 : i32
    %add3A_507 = arith.constant 1 : i32
    %add3A_508 = arith.addi %add3A_506, %add3A_507 : i32
    %mul3A_509 = arith.constant 256 : i32
    %mul3A_510 = arith.muli %add3A_508, %mul3A_509 : i32
    "tpu.region"() ({
      %run_scoped3A = tpu.sem_alloc : memref<!tpu.dma_semaphore, #tpu.memory_space<semaphore_mem>>
      %dma_start3A = tpu.memref_slice %arg3[%mul3A_510] : memref<32768xf32, #tpu.memory_space<hbm>> -> memref<256xf32, #tpu.memory_space<hbm>>
      %dma_start3A_1026 = tpu.memref_slice %arg3[%mul3A_510] : memref<32768xf32, #tpu.memory_space<hbm>> -> memref<256xf32, #tpu.memory_space<hbm>>
      tpu.enqueue_dma source(%dma_start3A_1026 : memref<256xf32, #tpu.memory_space<hbm>>) target(%arg6 : memref<256xf32, #tpu.memory_space<vmem>>) target_semaphore(%run_scoped3A : memref<!tpu.dma_semaphore, #tpu.memory_space<semaphore_mem>>)
      %dma_wait3A = tpu.memref_slice %arg3[%mul3A_510] : memref<32768xf32, #tpu.memory_space<hbm>> -> memref<256xf32, #tpu.memory_space<hbm>>
      %dma_wait3A_1027 = tpu.memref_slice %arg3[%mul3A_510] : memref<32768xf32, #tpu.memory_space<hbm>> -> memref<256xf32, #tpu.memory_space<hbm>>
      tpu.wait_dma2 semaphore(%run_scoped3A : memref<!tpu.dma_semaphore, #tpu.memory_space<semaphore_mem>>) src(%dma_wait3A_1027 : memref<256xf32, #tpu.memory_space<hbm>>) dst(%arg6 : memref<256xf32, #tpu.memory_space<vmem>>)
      tpu.yield
    }) : () -> ()
    %get3A_511 = arith.constant 0 : index
    %get3A_512 = tpu.vector_load %arg6[%get3A_511] {strides = array<i32>} : memref<256xf32, #tpu.memory_space<vmem>>, vector<16xf32>,
    %get3A_513 = vector.shape_cast %get3A_512 : vector<16xf32> to vector<16xf32>
    %get3A_514 = arith.constant 16 : index
    %get3A_515 = tpu.vector_load %arg6[%get3A_514] {strides = array<i32>} : memref<256xf32, #tpu.memory_space<vmem>>, vector<16xf32>,
    %get3A_516 = vector.shape_cast %get3A_515 : vector<16xf32> to vector<16xf32>
    %get3A_517 = arith.constant 32 : index
    %get3A_518 = tpu.vector_load %arg6[%get3A_517] {strides = array<i32>} : memref<256xf32, #tpu.memory_space<vmem>>, vector<16xf32>,
    %get3A_519 = vector.shape_cast %get3A_518 : vector<16xf32> to vector<16xf32>
    %get3A_520 = arith.constant 48 : index
    %get3A_521 = tpu.vector_load %arg6[%get3A_520] {strides = array<i32>} : memref<256xf32, #tpu.memory_space<vmem>>, vector<16xf32>,
    %get3A_522 = vector.shape_cast %get3A_521 : vector<16xf32> to vector<16xf32>
    %get3A_523 = arith.constant 64 : index
    %get3A_524 = tpu.vector_load %arg6[%get3A_523] {strides = array<i32>} : memref<256xf32, #tpu.memory_space<vmem>>, vector<16xf32>,
    %get3A_525 = vector.shape_cast %get3A_524 : vector<16xf32> to vector<16xf32>
    %get3A_526 = arith.constant 80 : index
    %get3A_527 = tpu.vector_load %arg6[%get3A_526] {strides = array<i32>} : memref<256xf32, #tpu.memory_space<vmem>>, vector<16xf32>,
    %get3A_528 = vector.shape_cast %get3A_527 : vector<16xf32> to vector<16xf32>
    %get3A_529 = arith.constant 96 : index
    %get3A_530 = tpu.vector_load %arg6[%get3A_529] {strides = array<i32>} : memref<256xf32, #tpu.memory_space<vmem>>, vector<16xf32>,
    %get3A_531 = vector.shape_cast %get3A_530 : vector<16xf32> to vector<16xf32>
    %get3A_532 = arith.constant 112 : index
    %get3A_533 = tpu.vector_load %arg6[%get3A_532] {strides = array<i32>} : memref<256xf32, #tpu.memory_space<vmem>>, vector<16xf32>,
    %get3A_534 = vector.shape_cast %get3A_533 : vector<16xf32> to vector<16xf32>
    %get3A_535 = arith.constant 128 : index
    %get3A_536 = tpu.vector_load %arg6[%get3A_535] {strides = array<i32>} : memref<256xf32, #tpu.memory_space<vmem>>, vector<16xf32>,
    %get3A_537 = vector.shape_cast %get3A_536 : vector<16xf32> to vector<16xf32>
    %get3A_538 = arith.constant 144 : index
    %get3A_539 = tpu.vector_load %arg6[%get3A_538] {strides = array<i32>} : memref<256xf32, #tpu.memory_space<vmem>>, vector<16xf32>,
    %get3A_540 = vector.shape_cast %get3A_539 : vector<16xf32> to vector<16xf32>
    %get3A_541 = arith.constant 160 : index
    %get3A_542 = tpu.vector_load %arg6[%get3A_541] {strides = array<i32>} : memref<256xf32, #tpu.memory_space<vmem>>, vector<16xf32>,
    %get3A_543 = vector.shape_cast %get3A_542 : vector<16xf32> to vector<16xf32>
    %get3A_544 = arith.constant 176 : index
    %get3A_545 = tpu.vector_load %arg6[%get3A_544] {strides = array<i32>} : memref<256xf32, #tpu.memory_space<vmem>>, vector<16xf32>,
    %get3A_546 = vector.shape_cast %get3A_545 : vector<16xf32> to vector<16xf32>
    %get3A_547 = arith.constant 192 : index
    %get3A_548 = tpu.vector_load %arg6[%get3A_547] {strides = array<i32>} : memref<256xf32, #tpu.memory_space<vmem>>, vector<16xf32>,
    %get3A_549 = vector.shape_cast %get3A_548 : vector<16xf32> to vector<16xf32>
    %get3A_550 = arith.constant 208 : index
    %get3A_551 = tpu.vector_load %arg6[%get3A_550] {strides = array<i32>} : memref<256xf32, #tpu.memory_space<vmem>>, vector<16xf32>,
    %get3A_552 = vector.shape_cast %get3A_551 : vector<16xf32> to vector<16xf32>
    %get3A_553 = arith.constant 224 : index
    %get3A_554 = tpu.vector_load %arg6[%get3A_553] {strides = array<i32>} : memref<256xf32, #tpu.memory_space<vmem>>, vector<16xf32>,
    %get3A_555 = vector.shape_cast %get3A_554 : vector<16xf32> to vector<16xf32>
    %mul3A_556 = arith.constant 5.000000e-01 : f32
    %mul3A_557 = vector.broadcast %mul3A_556 : f32 to vector<16xf32>
    %mul3A_558 = arith.mulf %mul3A_557, %get3A_519 : vector<16xf32>
    %sub3A_559 = arith.subf %get3A_513, %mul3A_558 : vector<16xf32>
    %mul3A_560 = arith.constant 5.000000e-01 : f32
    %mul3A_561 = vector.broadcast %mul3A_560 : f32 to vector<16xf32>
    %mul3A_562 = arith.mulf %mul3A_561, %get3A_519 : vector<16xf32>
    %add3A_563 = arith.addf %get3A_513, %mul3A_562 : vector<16xf32>
    %mul3A_564 = arith.constant 5.000000e-01 : f32
    %mul3A_565 = vector.broadcast %mul3A_564 : f32 to vector<16xf32>
    %mul3A_566 = arith.mulf %mul3A_565, %get3A_522 : vector<16xf32>
    %sub3A_567 = arith.subf %get3A_516, %mul3A_566 : vector<16xf32>
    %mul3A_568 = arith.constant 5.000000e-01 : f32
    %mul3A_569 = vector.broadcast %mul3A_568 : f32 to vector<16xf32>
    %mul3A_570 = arith.mulf %mul3A_569, %get3A_522 : vector<16xf32>
    %add3A_571 = arith.addf %get3A_516, %mul3A_570 : vector<16xf32>
    %iota3A_572 = tpu.iota {dimensions = array<i32: 0>} : vector<16xi32>
    %broadcast_in_dim3A_573 = arith.constant 0.000000e+00 : f32
    %broadcast_in_dim3A_574 = vector.broadcast %broadcast_in_dim3A_573 : f32 to vector<16xf32>
    "tpu.region"() ({
      %run_scoped3A = tpu.sem_alloc : memref<!tpu.dma_semaphore, #tpu.memory_space<semaphore_mem>>
      %dma_start3A = arith.constant 0 : i32
      %dma_start3A_1026 = arith.constant 0 : i32
      %dma_start3A_1027 = tpu.memref_slice %arg2[%add3A_508, %dma_start3A, %dma_start3A_1026] : memref<128x25x2704xf32, #tpu.memory_space<hbm>> -> memref<1x25x2704xf32, #tpu.memory_space<hbm>>
      %dma_start3A_1028 = tpu.memref_squeeze %dma_start3A_1027 : memref<1x25x2704xf32, #tpu.memory_space<hbm>> -> memref<25x2704xf32, #tpu.memory_space<hbm>>
      %dma_start3A_1029 = arith.constant 0 : i32
      %dma_start3A_1030 = arith.constant 0 : i32
      %dma_start3A_1031 = tpu.memref_slice %arg2[%add3A_508, %dma_start3A_1029, %dma_start3A_1030] : memref<128x25x2704xf32, #tpu.memory_space<hbm>> -> memref<1x25x2704xf32, #tpu.memory_space<hbm>>
      %dma_start3A_1032 = tpu.memref_squeeze %dma_start3A_1031 : memref<1x25x2704xf32, #tpu.memory_space<hbm>> -> memref<25x2704xf32, #tpu.memory_space<hbm>>
      tpu.enqueue_dma source(%dma_start3A_1032 : memref<25x2704xf32, #tpu.memory_space<hbm>>) target(%arg5 : memref<25x2704xf32, #tpu.memory_space<vmem>>) target_semaphore(%run_scoped3A : memref<!tpu.dma_semaphore, #tpu.memory_space<semaphore_mem>>)
      %dma_wait3A = arith.constant 0 : i32
      %dma_wait3A_1033 = arith.constant 0 : i32
      %dma_wait3A_1034 = tpu.memref_slice %arg2[%add3A_508, %dma_wait3A, %dma_wait3A_1033] : memref<128x25x2704xf32, #tpu.memory_space<hbm>> -> memref<1x25x2704xf32, #tpu.memory_space<hbm>>
      %dma_wait3A_1035 = tpu.memref_squeeze %dma_wait3A_1034 : memref<1x25x2704xf32, #tpu.memory_space<hbm>> -> memref<25x2704xf32, #tpu.memory_space<hbm>>
      %dma_wait3A_1036 = arith.constant 0 : i32
      %dma_wait3A_1037 = arith.constant 0 : i32
      %dma_wait3A_1038 = tpu.memref_slice %arg2[%add3A_508, %dma_wait3A_1036, %dma_wait3A_1037] : memref<128x25x2704xf32, #tpu.memory_space<hbm>> -> memref<1x25x2704xf32, #tpu.memory_space<hbm>>
      %dma_wait3A_1039 = tpu.memref_squeeze %dma_wait3A_1038 : memref<1x25x2704xf32, #tpu.memory_space<hbm>> -> memref<25x2704xf32, #tpu.memory_space<hbm>>
      tpu.wait_dma2 semaphore(%run_scoped3A : memref<!tpu.dma_semaphore, #tpu.memory_space<semaphore_mem>>) src(%dma_wait3A_1039 : memref<25x2704xf32, #tpu.memory_space<hbm>>) dst(%arg5 : memref<25x2704xf32, #tpu.memory_space<vmem>>)
      tpu.yield
    }) : () -> ()
    %eq3A_575 = arith.constant 0.000000e+00 : f32
    %eq3A_576 = vector.broadcast %eq3A_575 : f32 to vector<16xf32>
    %eq3A_577 = arith.cmpf oeq, %get3A_552, %eq3A_576 : vector<16xf32>
    %scan3A_578 = arith.constant 0 : i32
    %scan3A_579 = arith.constant 169 : i32
    %scan3A_580 = arith.addi %scan3A_578, %scan3A_579 : i32
    %scan3A_581 = arith.constant 1 : i32
    %scan3A_582:6 = scf.for %scan3A_1026 = %scan3A_578 to %scan3A_580 step %scan3A_581 iter_args(%scan3A_1027 = %broadcast_in_dim3A_574, %scan3A_1028 = %broadcast_in_dim3A_574, %scan3A_1029 = %broadcast_in_dim3A_574, %scan3A_1030 = %broadcast_in_dim3A_574, %scan3A_1031 = %broadcast_in_dim3A_574, %scan3A_1032 = %broadcast_in_dim3A_574) -> (vector<16xf32>, vector<16xf32>, vector<16xf32>, vector<16xf32>, vector<16xf32>, vector<16xf32>)  : i32 {
      %mul3A_1033 = arith.constant 16 : i32
      %mul3A_1034 = arith.muli %scan3A_1026, %mul3A_1033 : i32
      %add3A_1035 = vector.broadcast %mul3A_1034 : i32 to vector<16xi32>
      %add3A_1036 = arith.addi %add3A_1035, %iota3A_572 : vector<16xi32>
      %convert_element_type3A = arith.sitofp %add3A_1036 : vector<16xi32> to vector<16xf32>
      %mul3A_1037 = arith.constant 40330 : i32
      %mul3A_1038 = vector.broadcast %mul3A_1037 : i32 to vector<16xi32>
      %mul3A_1039 = arith.muli %add3A_1036, %mul3A_1038 : vector<16xi32>
      %shift_right_arithmetic3A = arith.constant 21 : i32
      %shift_right_arithmetic3A_1040 = vector.broadcast %shift_right_arithmetic3A : i32 to vector<16xi32>
      %shift_right_arithmetic3A_1041 = arith.shrsi %mul3A_1039, %shift_right_arithmetic3A_1040 : vector<16xi32>
      %convert_element_type3A_1042 = arith.sitofp %shift_right_arithmetic3A_1041 : vector<16xi32> to vector<16xf32>
      %mul3A_1043 = arith.constant 5.200000e+01 : f32
      %mul3A_1044 = vector.broadcast %mul3A_1043 : f32 to vector<16xf32>
      %mul3A_1045 = arith.mulf %convert_element_type3A_1042, %mul3A_1044 : vector<16xf32>
      %sub3A_1046 = arith.subf %convert_element_type3A, %mul3A_1045 : vector<16xf32>
      %mul3A_1047 = arith.constant 16 : i32
      %mul3A_1048 = arith.muli %scan3A_1026, %mul3A_1047 : i32
      %get3A_1049 = arith.constant 0 : i32
      %get3A_1050 = arith.index_cast %get3A_1049 : i32 to index
      %get3A_1051 = arith.index_cast %mul3A_1048 : i32 to index
      %get3A_1052 = tpu.vector_load %arg5[%get3A_1050, %get3A_1051] {strides = array<i32>} : memref<25x2704xf32, #tpu.memory_space<vmem>>, vector<1x16xf32>,
      %get3A_1053 = vector.shape_cast %get3A_1052 : vector<1x16xf32> to vector<16xf32>
      %mul3A_1054 = arith.constant 16 : i32
      %mul3A_1055 = arith.muli %scan3A_1026, %mul3A_1054 : i32
      %get3A_1056 = arith.constant 1 : i32
      %get3A_1057 = arith.index_cast %get3A_1056 : i32 to index
      %get3A_1058 = arith.index_cast %mul3A_1055 : i32 to index
      %get3A_1059 = tpu.vector_load %arg5[%get3A_1057, %get3A_1058] {strides = array<i32>} : memref<25x2704xf32, #tpu.memory_space<vmem>>, vector<1x16xf32>,
      %get3A_1060 = vector.shape_cast %get3A_1059 : vector<1x16xf32> to vector<16xf32>
      %mul3A_1061 = arith.constant 16 : i32
      %mul3A_1062 = arith.muli %scan3A_1026, %mul3A_1061 : i32
      %get3A_1063 = arith.constant 2 : i32
      %get3A_1064 = arith.index_cast %get3A_1063 : i32 to index
      %get3A_1065 = arith.index_cast %mul3A_1062 : i32 to index
      %get3A_1066 = tpu.vector_load %arg5[%get3A_1064, %get3A_1065] {strides = array<i32>} : memref<25x2704xf32, #tpu.memory_space<vmem>>, vector<1x16xf32>,
      %get3A_1067 = vector.shape_cast %get3A_1066 : vector<1x16xf32> to vector<16xf32>
      %mul3A_1068 = arith.constant 16 : i32
      %mul3A_1069 = arith.muli %scan3A_1026, %mul3A_1068 : i32
      %get3A_1070 = arith.constant 3 : i32
      %get3A_1071 = arith.index_cast %get3A_1070 : i32 to index
      %get3A_1072 = arith.index_cast %mul3A_1069 : i32 to index
      %get3A_1073 = tpu.vector_load %arg5[%get3A_1071, %get3A_1072] {strides = array<i32>} : memref<25x2704xf32, #tpu.memory_space<vmem>>, vector<1x16xf32>,
      %get3A_1074 = vector.shape_cast %get3A_1073 : vector<1x16xf32> to vector<16xf32>
      %mul3A_1075 = arith.constant 16 : i32
      %mul3A_1076 = arith.muli %scan3A_1026, %mul3A_1075 : i32
      %get3A_1077 = arith.constant 4 : i32
      %get3A_1078 = arith.index_cast %get3A_1077 : i32 to index
      %get3A_1079 = arith.index_cast %mul3A_1076 : i32 to index
      %get3A_1080 = tpu.vector_load %arg5[%get3A_1078, %get3A_1079] {strides = array<i32>} : memref<25x2704xf32, #tpu.memory_space<vmem>>, vector<1x16xf32>,
      %get3A_1081 = vector.shape_cast %get3A_1080 : vector<1x16xf32> to vector<16xf32>
      %neg3A_1082 = arith.constant 0.000000e+00 : f32
      %neg3A_1083 = vector.broadcast %neg3A_1082 : f32 to vector<16xf32>
      %neg3A_1084 = arith.subf %neg3A_1083, %get3A_1053 : vector<16xf32>
      %exp3A_1085 = math.exp %neg3A_1084 : vector<16xf32>
      %add3A_1086 = arith.constant 1.000000e+00 : f32
      %add3A_1087 = vector.broadcast %add3A_1086 : f32 to vector<16xf32>
      %add3A_1088 = arith.addf %add3A_1087, %exp3A_1085 : vector<16xf32>
      %div3A_1089 = arith.constant 1.000000e+00 : f32
      %div3A_1090 = vector.broadcast %div3A_1089 : f32 to vector<16xf32>
      %div3A_1091 = arith.divf %div3A_1090, %add3A_1088 : vector<16xf32>
      %neg3A_1092 = arith.constant 0.000000e+00 : f32
      %neg3A_1093 = vector.broadcast %neg3A_1092 : f32 to vector<16xf32>
      %neg3A_1094 = arith.subf %neg3A_1093, %get3A_1060 : vector<16xf32>
      %exp3A_1095 = math.exp %neg3A_1094 : vector<16xf32>
      %add3A_1096 = arith.constant 1.000000e+00 : f32
      %add3A_1097 = vector.broadcast %add3A_1096 : f32 to vector<16xf32>
      %add3A_1098 = arith.addf %add3A_1097, %exp3A_1095 : vector<16xf32>
      %div3A_1099 = arith.constant 1.000000e+00 : f32
      %div3A_1100 = vector.broadcast %div3A_1099 : f32 to vector<16xf32>
      %div3A_1101 = arith.divf %div3A_1100, %add3A_1098 : vector<16xf32>
      %neg3A_1102 = arith.constant 0.000000e+00 : f32
      %neg3A_1103 = vector.broadcast %neg3A_1102 : f32 to vector<16xf32>
      %neg3A_1104 = arith.subf %neg3A_1103, %get3A_1081 : vector<16xf32>
      %exp3A_1105 = math.exp %neg3A_1104 : vector<16xf32>
      %add3A_1106 = arith.constant 1.000000e+00 : f32
      %add3A_1107 = vector.broadcast %add3A_1106 : f32 to vector<16xf32>
      %add3A_1108 = arith.addf %add3A_1107, %exp3A_1105 : vector<16xf32>
      %div3A_1109 = arith.constant 1.000000e+00 : f32
      %div3A_1110 = vector.broadcast %div3A_1109 : f32 to vector<16xf32>
      %div3A_1111 = arith.divf %div3A_1110, %add3A_1108 : vector<16xf32>
      %exp3A_1112 = math.exp %get3A_1067 : vector<16xf32>
      %mul3A_1113 = arith.constant 1.322100e+00 : f32
      %mul3A_1114 = vector.broadcast %mul3A_1113 : f32 to vector<16xf32>
      %mul3A_1115 = arith.mulf %exp3A_1112, %mul3A_1114 : vector<16xf32>
      %exp3A_1116 = math.exp %get3A_1074 : vector<16xf32>
      %mul3A_1117 = arith.constant 1.731450e+00 : f32
      %mul3A_1118 = vector.broadcast %mul3A_1117 : f32 to vector<16xf32>
      %mul3A_1119 = arith.mulf %exp3A_1116, %mul3A_1118 : vector<16xf32>
      %add3A_1120 = arith.addf %div3A_1091, %sub3A_1046 : vector<16xf32>
      %add3A_1121 = arith.addf %div3A_1101, %convert_element_type3A_1042 : vector<16xf32>
      %mul3A_1122 = arith.constant 5.000000e-01 : f32
      %mul3A_1123 = vector.broadcast %mul3A_1122 : f32 to vector<16xf32>
      %mul3A_1124 = arith.mulf %mul3A_1123, %mul3A_1115 : vector<16xf32>
      %mul3A_1125 = arith.constant 5.000000e-01 : f32
      %mul3A_1126 = vector.broadcast %mul3A_1125 : f32 to vector<16xf32>
      %mul3A_1127 = arith.mulf %mul3A_1126, %mul3A_1119 : vector<16xf32>
      %add3A_1128 = arith.addf %add3A_1120, %mul3A_1124 : vector<16xf32>
      %max3A_1129 = arith.maximumf %add3A_563, %add3A_1128 : vector<16xf32>
      %sub3A_1130 = arith.subf %add3A_1120, %mul3A_1124 : vector<16xf32>
      %min3A_1131 = arith.minimumf %sub3A_559, %sub3A_1130 : vector<16xf32>
      %sub3A_1132 = arith.subf %max3A_1129, %min3A_1131 : vector<16xf32>
      %add3A_1133 = arith.addf %add3A_1121, %mul3A_1127 : vector<16xf32>
      %max3A_1134 = arith.maximumf %add3A_571, %add3A_1133 : vector<16xf32>
      %sub3A_1135 = arith.subf %add3A_1121, %mul3A_1127 : vector<16xf32>
      %min3A_1136 = arith.minimumf %sub3A_567, %sub3A_1135 : vector<16xf32>
      %sub3A_1137 = arith.subf %max3A_1134, %min3A_1136 : vector<16xf32>
      %add3A_1138 = arith.addf %get3A_519, %mul3A_1115 : vector<16xf32>
      %sub3A_1139 = arith.subf %add3A_1138, %sub3A_1132 : vector<16xf32>
      %add3A_1140 = arith.addf %get3A_522, %mul3A_1119 : vector<16xf32>
      %sub3A_1141 = arith.subf %add3A_1140, %sub3A_1137 : vector<16xf32>
      %mul3A_1142 = arith.mulf %sub3A_1139, %sub3A_1141 : vector<16xf32>
      %mul3A_1143 = arith.mulf %mul3A_1115, %mul3A_1119 : vector<16xf32>
      %add3A_1144 = arith.addf %get3A_555, %mul3A_1143 : vector<16xf32>
      %sub3A_1145 = arith.subf %add3A_1144, %mul3A_1142 : vector<16xf32>
      %gt3A_1146 = arith.constant 0.000000e+00 : f32
      %gt3A_1147 = vector.broadcast %gt3A_1146 : f32 to vector<16xf32>
      %gt3A_1148 = arith.cmpf ogt, %sub3A_1139, %gt3A_1147 : vector<16xf32>
      %gt3A_1149 = arith.constant 0.000000e+00 : f32
      %gt3A_1150 = vector.broadcast %gt3A_1149 : f32 to vector<16xf32>
      %gt3A_1151 = arith.cmpf ogt, %sub3A_1141, %gt3A_1150 : vector<16xf32>
      %and3A_1152 = arith.andi %gt3A_1148, %gt3A_1151 : vector<16xi1>
      %mul3A_1153 = arith.constant 6.000000e-01 : f32
      %mul3A_1154 = vector.broadcast %mul3A_1153 : f32 to vector<16xf32>
      %mul3A_1155 = arith.mulf %mul3A_1154, %sub3A_1145 : vector<16xf32>
      %gt3A_1156 = arith.cmpf ogt, %mul3A_1142, %mul3A_1155 : vector<16xf32>
      %and3A_1157 = arith.andi %and3A_1152, %gt3A_1156 : vector<16xi1>
      %sub3A_1158 = arith.constant 5.000000e-01 : f32
      %sub3A_1159 = vector.broadcast %sub3A_1158 : f32 to vector<16xf32>
      %sub3A_1160 = arith.subf %div3A_1091, %sub3A_1159 : vector<16xf32>
      %sub3A_1161 = arith.constant 5.000000e-01 : f32
      %sub3A_1162 = vector.broadcast %sub3A_1161 : f32 to vector<16xf32>
      %sub3A_1163 = arith.subf %div3A_1101, %sub3A_1162 : vector<16xf32>
      %mul3A_1164 = arith.mulf %sub3A_1160, %sub3A_1160 : vector<16xf32>
      %mul3A_1165 = arith.mulf %sub3A_1163, %sub3A_1163 : vector<16xf32>
      %add3A_1166 = arith.addf %mul3A_1164, %mul3A_1165 : vector<16xf32>
      %mul3A_1167 = arith.mulf %get3A_1067, %get3A_1067 : vector<16xf32>
      %add3A_1168 = arith.addf %add3A_1166, %mul3A_1167 : vector<16xf32>
      %mul3A_1169 = arith.mulf %get3A_1074, %get3A_1074 : vector<16xf32>
      %add3A_1170 = arith.addf %add3A_1168, %mul3A_1169 : vector<16xf32>
      %mul3A_1171 = arith.mulf %div3A_1111, %div3A_1111 : vector<16xf32>
      %jit3A_1172 = arith.constant 0.000000e+00 : f32
      %broadcast_in_dim3A_1173 = vector.broadcast %jit3A_1172 : f32 to vector<16xf32>
      %select_n3A_1174 = arith.select %and3A_1157, %broadcast_in_dim3A_1173, %mul3A_1171 : vector<16xi1>, vector<16xf32>
      %add3A_1175 = arith.addf %add3A_1170, %select_n3A_1174 : vector<16xf32>
      %eq3A_1176 = arith.cmpf oeq, %convert_element_type3A, %get3A_549 : vector<16xf32>
      %and3A_1177 = arith.andi %eq3A_577, %eq3A_1176 : vector<16xi1>
      %jit3A_1178 = arith.constant 0.000000e+00 : f32
      %broadcast_in_dim3A_1179 = vector.broadcast %jit3A_1178 : f32 to vector<16xf32>
      %select_n3A_1180 = arith.select %and3A_1177, %get3A_1053, %broadcast_in_dim3A_1179 : vector<16xi1>, vector<16xf32>
      %add3A_1181 = arith.addf %scan3A_1028, %select_n3A_1180 : vector<16xf32>
      %jit3A_1182 = arith.constant 0.000000e+00 : f32
      %broadcast_in_dim3A_1183 = vector.broadcast %jit3A_1182 : f32 to vector<16xf32>
      %select_n3A_1184 = arith.select %and3A_1177, %get3A_1060, %broadcast_in_dim3A_1183 : vector<16xi1>, vector<16xf32>
      %add3A_1185 = arith.addf %scan3A_1029, %select_n3A_1184 : vector<16xf32>
      %jit3A_1186 = arith.constant 0.000000e+00 : f32
      %broadcast_in_dim3A_1187 = vector.broadcast %jit3A_1186 : f32 to vector<16xf32>
      %select_n3A_1188 = arith.select %and3A_1177, %get3A_1067, %broadcast_in_dim3A_1187 : vector<16xi1>, vector<16xf32>
      %add3A_1189 = arith.addf %scan3A_1030, %select_n3A_1188 : vector<16xf32>
      %jit3A_1190 = arith.constant 0.000000e+00 : f32
      %broadcast_in_dim3A_1191 = vector.broadcast %jit3A_1190 : f32 to vector<16xf32>
      %select_n3A_1192 = arith.select %and3A_1177, %get3A_1074, %broadcast_in_dim3A_1191 : vector<16xi1>, vector<16xf32>
      %add3A_1193 = arith.addf %scan3A_1031, %select_n3A_1192 : vector<16xf32>
      %jit3A_1194 = arith.constant 0.000000e+00 : f32
      %broadcast_in_dim3A_1195 = vector.broadcast %jit3A_1194 : f32 to vector<16xf32>
      %select_n3A_1196 = arith.select %and3A_1177, %get3A_1081, %broadcast_in_dim3A_1195 : vector<16xi1>, vector<16xf32>
      %add3A_1197 = arith.addf %scan3A_1032, %select_n3A_1196 : vector<16xf32>
      %add3A_1198 = arith.addf %scan3A_1027, %add3A_1175 : vector<16xf32>
      scf.yield %add3A_1198, %add3A_1181, %add3A_1185, %add3A_1189, %add3A_1193, %add3A_1197 : vector<16xf32>, vector<16xf32>, vector<16xf32>, vector<16xf32>, vector<16xf32>, vector<16xf32>
    }
    %scan3A_583 = arith.constant 169 : i32
    %eq3A_584 = arith.constant 1.000000e+00 : f32
    %eq3A_585 = vector.broadcast %eq3A_584 : f32 to vector<16xf32>
    %eq3A_586 = arith.cmpf oeq, %get3A_552, %eq3A_585 : vector<16xf32>
    %scan3A_587 = arith.constant 0 : i32
    %scan3A_588 = arith.constant 169 : i32
    %scan3A_589 = arith.addi %scan3A_587, %scan3A_588 : i32
    %scan3A_590 = arith.constant 1 : i32
    %scan3A_591:6 = scf.for %scan3A_1026 = %scan3A_587 to %scan3A_589 step %scan3A_590 iter_args(%scan3A_1027 = %scan3A_582#0, %scan3A_1028 = %scan3A_582#1, %scan3A_1029 = %scan3A_582#2, %scan3A_1030 = %scan3A_582#3, %scan3A_1031 = %scan3A_582#4, %scan3A_1032 = %scan3A_582#5) -> (vector<16xf32>, vector<16xf32>, vector<16xf32>, vector<16xf32>, vector<16xf32>, vector<16xf32>)  : i32 {
      %mul3A_1033 = arith.constant 16 : i32
      %mul3A_1034 = arith.muli %scan3A_1026, %mul3A_1033 : i32
      %add3A_1035 = vector.broadcast %mul3A_1034 : i32 to vector<16xi32>
      %add3A_1036 = arith.addi %add3A_1035, %iota3A_572 : vector<16xi32>
      %convert_element_type3A = arith.sitofp %add3A_1036 : vector<16xi32> to vector<16xf32>
      %mul3A_1037 = arith.constant 40330 : i32
      %mul3A_1038 = vector.broadcast %mul3A_1037 : i32 to vector<16xi32>
      %mul3A_1039 = arith.muli %add3A_1036, %mul3A_1038 : vector<16xi32>
      %shift_right_arithmetic3A = arith.constant 21 : i32
      %shift_right_arithmetic3A_1040 = vector.broadcast %shift_right_arithmetic3A : i32 to vector<16xi32>
      %shift_right_arithmetic3A_1041 = arith.shrsi %mul3A_1039, %shift_right_arithmetic3A_1040 : vector<16xi32>
      %convert_element_type3A_1042 = arith.sitofp %shift_right_arithmetic3A_1041 : vector<16xi32> to vector<16xf32>
      %mul3A_1043 = arith.constant 5.200000e+01 : f32
      %mul3A_1044 = vector.broadcast %mul3A_1043 : f32 to vector<16xf32>
      %mul3A_1045 = arith.mulf %convert_element_type3A_1042, %mul3A_1044 : vector<16xf32>
      %sub3A_1046 = arith.subf %convert_element_type3A, %mul3A_1045 : vector<16xf32>
      %mul3A_1047 = arith.constant 16 : i32
      %mul3A_1048 = arith.muli %scan3A_1026, %mul3A_1047 : i32
      %get3A_1049 = arith.constant 5 : i32
      %get3A_1050 = arith.index_cast %get3A_1049 : i32 to index
      %get3A_1051 = arith.index_cast %mul3A_1048 : i32 to index
      %get3A_1052 = tpu.vector_load %arg5[%get3A_1050, %get3A_1051] {strides = array<i32>} : memref<25x2704xf32, #tpu.memory_space<vmem>>, vector<1x16xf32>,
      %get3A_1053 = vector.shape_cast %get3A_1052 : vector<1x16xf32> to vector<16xf32>
      %mul3A_1054 = arith.constant 16 : i32
      %mul3A_1055 = arith.muli %scan3A_1026, %mul3A_1054 : i32
      %get3A_1056 = arith.constant 6 : i32
      %get3A_1057 = arith.index_cast %get3A_1056 : i32 to index
      %get3A_1058 = arith.index_cast %mul3A_1055 : i32 to index
      %get3A_1059 = tpu.vector_load %arg5[%get3A_1057, %get3A_1058] {strides = array<i32>} : memref<25x2704xf32, #tpu.memory_space<vmem>>, vector<1x16xf32>,
      %get3A_1060 = vector.shape_cast %get3A_1059 : vector<1x16xf32> to vector<16xf32>
      %mul3A_1061 = arith.constant 16 : i32
      %mul3A_1062 = arith.muli %scan3A_1026, %mul3A_1061 : i32
      %get3A_1063 = arith.constant 7 : i32
      %get3A_1064 = arith.index_cast %get3A_1063 : i32 to index
      %get3A_1065 = arith.index_cast %mul3A_1062 : i32 to index
      %get3A_1066 = tpu.vector_load %arg5[%get3A_1064, %get3A_1065] {strides = array<i32>} : memref<25x2704xf32, #tpu.memory_space<vmem>>, vector<1x16xf32>,
      %get3A_1067 = vector.shape_cast %get3A_1066 : vector<1x16xf32> to vector<16xf32>
      %mul3A_1068 = arith.constant 16 : i32
      %mul3A_1069 = arith.muli %scan3A_1026, %mul3A_1068 : i32
      %get3A_1070 = arith.constant 8 : i32
      %get3A_1071 = arith.index_cast %get3A_1070 : i32 to index
      %get3A_1072 = arith.index_cast %mul3A_1069 : i32 to index
      %get3A_1073 = tpu.vector_load %arg5[%get3A_1071, %get3A_1072] {strides = array<i32>} : memref<25x2704xf32, #tpu.memory_space<vmem>>, vector<1x16xf32>,
      %get3A_1074 = vector.shape_cast %get3A_1073 : vector<1x16xf32> to vector<16xf32>
      %mul3A_1075 = arith.constant 16 : i32
      %mul3A_1076 = arith.muli %scan3A_1026, %mul3A_1075 : i32
      %get3A_1077 = arith.constant 9 : i32
      %get3A_1078 = arith.index_cast %get3A_1077 : i32 to index
      %get3A_1079 = arith.index_cast %mul3A_1076 : i32 to index
      %get3A_1080 = tpu.vector_load %arg5[%get3A_1078, %get3A_1079] {strides = array<i32>} : memref<25x2704xf32, #tpu.memory_space<vmem>>, vector<1x16xf32>,
      %get3A_1081 = vector.shape_cast %get3A_1080 : vector<1x16xf32> to vector<16xf32>
      %neg3A_1082 = arith.constant 0.000000e+00 : f32
      %neg3A_1083 = vector.broadcast %neg3A_1082 : f32 to vector<16xf32>
      %neg3A_1084 = arith.subf %neg3A_1083, %get3A_1053 : vector<16xf32>
      %exp3A_1085 = math.exp %neg3A_1084 : vector<16xf32>
      %add3A_1086 = arith.constant 1.000000e+00 : f32
      %add3A_1087 = vector.broadcast %add3A_1086 : f32 to vector<16xf32>
      %add3A_1088 = arith.addf %add3A_1087, %exp3A_1085 : vector<16xf32>
      %div3A_1089 = arith.constant 1.000000e+00 : f32
      %div3A_1090 = vector.broadcast %div3A_1089 : f32 to vector<16xf32>
      %div3A_1091 = arith.divf %div3A_1090, %add3A_1088 : vector<16xf32>
      %neg3A_1092 = arith.constant 0.000000e+00 : f32
      %neg3A_1093 = vector.broadcast %neg3A_1092 : f32 to vector<16xf32>
      %neg3A_1094 = arith.subf %neg3A_1093, %get3A_1060 : vector<16xf32>
      %exp3A_1095 = math.exp %neg3A_1094 : vector<16xf32>
      %add3A_1096 = arith.constant 1.000000e+00 : f32
      %add3A_1097 = vector.broadcast %add3A_1096 : f32 to vector<16xf32>
      %add3A_1098 = arith.addf %add3A_1097, %exp3A_1095 : vector<16xf32>
      %div3A_1099 = arith.constant 1.000000e+00 : f32
      %div3A_1100 = vector.broadcast %div3A_1099 : f32 to vector<16xf32>
      %div3A_1101 = arith.divf %div3A_1100, %add3A_1098 : vector<16xf32>
      %neg3A_1102 = arith.constant 0.000000e+00 : f32
      %neg3A_1103 = vector.broadcast %neg3A_1102 : f32 to vector<16xf32>
      %neg3A_1104 = arith.subf %neg3A_1103, %get3A_1081 : vector<16xf32>
      %exp3A_1105 = math.exp %neg3A_1104 : vector<16xf32>
      %add3A_1106 = arith.constant 1.000000e+00 : f32
      %add3A_1107 = vector.broadcast %add3A_1106 : f32 to vector<16xf32>
      %add3A_1108 = arith.addf %add3A_1107, %exp3A_1105 : vector<16xf32>
      %div3A_1109 = arith.constant 1.000000e+00 : f32
      %div3A_1110 = vector.broadcast %div3A_1109 : f32 to vector<16xf32>
      %div3A_1111 = arith.divf %div3A_1110, %add3A_1108 : vector<16xf32>
      %exp3A_1112 = math.exp %get3A_1067 : vector<16xf32>
      %mul3A_1113 = arith.constant 3.192750e+00 : f32
      %mul3A_1114 = vector.broadcast %mul3A_1113 : f32 to vector<16xf32>
      %mul3A_1115 = arith.mulf %exp3A_1112, %mul3A_1114 : vector<16xf32>
      %exp3A_1116 = math.exp %get3A_1074 : vector<16xf32>
      %mul3A_1117 = arith.constant 4.009440e+00 : f32
      %mul3A_1118 = vector.broadcast %mul3A_1117 : f32 to vector<16xf32>
      %mul3A_1119 = arith.mulf %exp3A_1116, %mul3A_1118 : vector<16xf32>
      %add3A_1120 = arith.addf %div3A_1091, %sub3A_1046 : vector<16xf32>
      %add3A_1121 = arith.addf %div3A_1101, %convert_element_type3A_1042 : vector<16xf32>
      %mul3A_1122 = arith.constant 5.000000e-01 : f32
      %mul3A_1123 = vector.broadcast %mul3A_1122 : f32 to vector<16xf32>
      %mul3A_1124 = arith.mulf %mul3A_1123, %mul3A_1115 : vector<16xf32>
      %mul3A_1125 = arith.constant 5.000000e-01 : f32
      %mul3A_1126 = vector.broadcast %mul3A_1125 : f32 to vector<16xf32>
      %mul3A_1127 = arith.mulf %mul3A_1126, %mul3A_1119 : vector<16xf32>
      %add3A_1128 = arith.addf %add3A_1120, %mul3A_1124 : vector<16xf32>
      %max3A_1129 = arith.maximumf %add3A_563, %add3A_1128 : vector<16xf32>
      %sub3A_1130 = arith.subf %add3A_1120, %mul3A_1124 : vector<16xf32>
      %min3A_1131 = arith.minimumf %sub3A_559, %sub3A_1130 : vector<16xf32>
      %sub3A_1132 = arith.subf %max3A_1129, %min3A_1131 : vector<16xf32>
      %add3A_1133 = arith.addf %add3A_1121, %mul3A_1127 : vector<16xf32>
      %max3A_1134 = arith.maximumf %add3A_571, %add3A_1133 : vector<16xf32>
      %sub3A_1135 = arith.subf %add3A_1121, %mul3A_1127 : vector<16xf32>
      %min3A_1136 = arith.minimumf %sub3A_567, %sub3A_1135 : vector<16xf32>
      %sub3A_1137 = arith.subf %max3A_1134, %min3A_1136 : vector<16xf32>
      %add3A_1138 = arith.addf %get3A_519, %mul3A_1115 : vector<16xf32>
      %sub3A_1139 = arith.subf %add3A_1138, %sub3A_1132 : vector<16xf32>
      %add3A_1140 = arith.addf %get3A_522, %mul3A_1119 : vector<16xf32>
      %sub3A_1141 = arith.subf %add3A_1140, %sub3A_1137 : vector<16xf32>
      %mul3A_1142 = arith.mulf %sub3A_1139, %sub3A_1141 : vector<16xf32>
      %mul3A_1143 = arith.mulf %mul3A_1115, %mul3A_1119 : vector<16xf32>
      %add3A_1144 = arith.addf %get3A_555, %mul3A_1143 : vector<16xf32>
      %sub3A_1145 = arith.subf %add3A_1144, %mul3A_1142 : vector<16xf32>
      %gt3A_1146 = arith.constant 0.000000e+00 : f32
      %gt3A_1147 = vector.broadcast %gt3A_1146 : f32 to vector<16xf32>
      %gt3A_1148 = arith.cmpf ogt, %sub3A_1139, %gt3A_1147 : vector<16xf32>
      %gt3A_1149 = arith.constant 0.000000e+00 : f32
      %gt3A_1150 = vector.broadcast %gt3A_1149 : f32 to vector<16xf32>
      %gt3A_1151 = arith.cmpf ogt, %sub3A_1141, %gt3A_1150 : vector<16xf32>
      %and3A_1152 = arith.andi %gt3A_1148, %gt3A_1151 : vector<16xi1>
      %mul3A_1153 = arith.constant 6.000000e-01 : f32
      %mul3A_1154 = vector.broadcast %mul3A_1153 : f32 to vector<16xf32>
      %mul3A_1155 = arith.mulf %mul3A_1154, %sub3A_1145 : vector<16xf32>
      %gt3A_1156 = arith.cmpf ogt, %mul3A_1142, %mul3A_1155 : vector<16xf32>
      %and3A_1157 = arith.andi %and3A_1152, %gt3A_1156 : vector<16xi1>
      %sub3A_1158 = arith.constant 5.000000e-01 : f32
      %sub3A_1159 = vector.broadcast %sub3A_1158 : f32 to vector<16xf32>
      %sub3A_1160 = arith.subf %div3A_1091, %sub3A_1159 : vector<16xf32>
      %sub3A_1161 = arith.constant 5.000000e-01 : f32
      %sub3A_1162 = vector.broadcast %sub3A_1161 : f32 to vector<16xf32>
      %sub3A_1163 = arith.subf %div3A_1101, %sub3A_1162 : vector<16xf32>
      %mul3A_1164 = arith.mulf %sub3A_1160, %sub3A_1160 : vector<16xf32>
      %mul3A_1165 = arith.mulf %sub3A_1163, %sub3A_1163 : vector<16xf32>
      %add3A_1166 = arith.addf %mul3A_1164, %mul3A_1165 : vector<16xf32>
      %mul3A_1167 = arith.mulf %get3A_1067, %get3A_1067 : vector<16xf32>
      %add3A_1168 = arith.addf %add3A_1166, %mul3A_1167 : vector<16xf32>
      %mul3A_1169 = arith.mulf %get3A_1074, %get3A_1074 : vector<16xf32>
      %add3A_1170 = arith.addf %add3A_1168, %mul3A_1169 : vector<16xf32>
      %mul3A_1171 = arith.mulf %div3A_1111, %div3A_1111 : vector<16xf32>
      %jit3A_1172 = arith.constant 0.000000e+00 : f32
      %broadcast_in_dim3A_1173 = vector.broadcast %jit3A_1172 : f32 to vector<16xf32>
      %select_n3A_1174 = arith.select %and3A_1157, %broadcast_in_dim3A_1173, %mul3A_1171 : vector<16xi1>, vector<16xf32>
      %add3A_1175 = arith.addf %add3A_1170, %select_n3A_1174 : vector<16xf32>
      %eq3A_1176 = arith.cmpf oeq, %convert_element_type3A, %get3A_549 : vector<16xf32>
      %and3A_1177 = arith.andi %eq3A_586, %eq3A_1176 : vector<16xi1>
      %jit3A_1178 = arith.constant 0.000000e+00 : f32
      %broadcast_in_dim3A_1179 = vector.broadcast %jit3A_1178 : f32 to vector<16xf32>
      %select_n3A_1180 = arith.select %and3A_1177, %get3A_1053, %broadcast_in_dim3A_1179 : vector<16xi1>, vector<16xf32>
      %add3A_1181 = arith.addf %scan3A_1028, %select_n3A_1180 : vector<16xf32>
      %jit3A_1182 = arith.constant 0.000000e+00 : f32
      %broadcast_in_dim3A_1183 = vector.broadcast %jit3A_1182 : f32 to vector<16xf32>
      %select_n3A_1184 = arith.select %and3A_1177, %get3A_1060, %broadcast_in_dim3A_1183 : vector<16xi1>, vector<16xf32>
      %add3A_1185 = arith.addf %scan3A_1029, %select_n3A_1184 : vector<16xf32>
      %jit3A_1186 = arith.constant 0.000000e+00 : f32
      %broadcast_in_dim3A_1187 = vector.broadcast %jit3A_1186 : f32 to vector<16xf32>
      %select_n3A_1188 = arith.select %and3A_1177, %get3A_1067, %broadcast_in_dim3A_1187 : vector<16xi1>, vector<16xf32>
      %add3A_1189 = arith.addf %scan3A_1030, %select_n3A_1188 : vector<16xf32>
      %jit3A_1190 = arith.constant 0.000000e+00 : f32
      %broadcast_in_dim3A_1191 = vector.broadcast %jit3A_1190 : f32 to vector<16xf32>
      %select_n3A_1192 = arith.select %and3A_1177, %get3A_1074, %broadcast_in_dim3A_1191 : vector<16xi1>, vector<16xf32>
      %add3A_1193 = arith.addf %scan3A_1031, %select_n3A_1192 : vector<16xf32>
      %jit3A_1194 = arith.constant 0.000000e+00 : f32
      %broadcast_in_dim3A_1195 = vector.broadcast %jit3A_1194 : f32 to vector<16xf32>
      %select_n3A_1196 = arith.select %and3A_1177, %get3A_1081, %broadcast_in_dim3A_1195 : vector<16xi1>, vector<16xf32>
      %add3A_1197 = arith.addf %scan3A_1032, %select_n3A_1196 : vector<16xf32>
      %add3A_1198 = arith.addf %scan3A_1027, %add3A_1175 : vector<16xf32>
      scf.yield %add3A_1198, %add3A_1181, %add3A_1185, %add3A_1189, %add3A_1193, %add3A_1197 : vector<16xf32>, vector<16xf32>, vector<16xf32>, vector<16xf32>, vector<16xf32>, vector<16xf32>
    }
    %scan3A_592 = arith.constant 169 : i32
    %eq3A_593 = arith.constant 2.000000e+00 : f32
    %eq3A_594 = vector.broadcast %eq3A_593 : f32 to vector<16xf32>
    %eq3A_595 = arith.cmpf oeq, %get3A_552, %eq3A_594 : vector<16xf32>
    %scan3A_596 = arith.constant 0 : i32
    %scan3A_597 = arith.constant 169 : i32
    %scan3A_598 = arith.addi %scan3A_596, %scan3A_597 : i32
    %scan3A_599 = arith.constant 1 : i32
    %scan3A_600:6 = scf.for %scan3A_1026 = %scan3A_596 to %scan3A_598 step %scan3A_599 iter_args(%scan3A_1027 = %scan3A_591#0, %scan3A_1028 = %scan3A_591#1, %scan3A_1029 = %scan3A_591#2, %scan3A_1030 = %scan3A_591#3, %scan3A_1031 = %scan3A_591#4, %scan3A_1032 = %scan3A_591#5) -> (vector<16xf32>, vector<16xf32>, vector<16xf32>, vector<16xf32>, vector<16xf32>, vector<16xf32>)  : i32 {
      %mul3A_1033 = arith.constant 16 : i32
      %mul3A_1034 = arith.muli %scan3A_1026, %mul3A_1033 : i32
      %add3A_1035 = vector.broadcast %mul3A_1034 : i32 to vector<16xi32>
      %add3A_1036 = arith.addi %add3A_1035, %iota3A_572 : vector<16xi32>
      %convert_element_type3A = arith.sitofp %add3A_1036 : vector<16xi32> to vector<16xf32>
      %mul3A_1037 = arith.constant 40330 : i32
      %mul3A_1038 = vector.broadcast %mul3A_1037 : i32 to vector<16xi32>
      %mul3A_1039 = arith.muli %add3A_1036, %mul3A_1038 : vector<16xi32>
      %shift_right_arithmetic3A = arith.constant 21 : i32
      %shift_right_arithmetic3A_1040 = vector.broadcast %shift_right_arithmetic3A : i32 to vector<16xi32>
      %shift_right_arithmetic3A_1041 = arith.shrsi %mul3A_1039, %shift_right_arithmetic3A_1040 : vector<16xi32>
      %convert_element_type3A_1042 = arith.sitofp %shift_right_arithmetic3A_1041 : vector<16xi32> to vector<16xf32>
      %mul3A_1043 = arith.constant 5.200000e+01 : f32
      %mul3A_1044 = vector.broadcast %mul3A_1043 : f32 to vector<16xf32>
      %mul3A_1045 = arith.mulf %convert_element_type3A_1042, %mul3A_1044 : vector<16xf32>
      %sub3A_1046 = arith.subf %convert_element_type3A, %mul3A_1045 : vector<16xf32>
      %mul3A_1047 = arith.constant 16 : i32
      %mul3A_1048 = arith.muli %scan3A_1026, %mul3A_1047 : i32
      %get3A_1049 = arith.constant 10 : i32
      %get3A_1050 = arith.index_cast %get3A_1049 : i32 to index
      %get3A_1051 = arith.index_cast %mul3A_1048 : i32 to index
      %get3A_1052 = tpu.vector_load %arg5[%get3A_1050, %get3A_1051] {strides = array<i32>} : memref<25x2704xf32, #tpu.memory_space<vmem>>, vector<1x16xf32>,
      %get3A_1053 = vector.shape_cast %get3A_1052 : vector<1x16xf32> to vector<16xf32>
      %mul3A_1054 = arith.constant 16 : i32
      %mul3A_1055 = arith.muli %scan3A_1026, %mul3A_1054 : i32
      %get3A_1056 = arith.constant 11 : i32
      %get3A_1057 = arith.index_cast %get3A_1056 : i32 to index
      %get3A_1058 = arith.index_cast %mul3A_1055 : i32 to index
      %get3A_1059 = tpu.vector_load %arg5[%get3A_1057, %get3A_1058] {strides = array<i32>} : memref<25x2704xf32, #tpu.memory_space<vmem>>, vector<1x16xf32>,
      %get3A_1060 = vector.shape_cast %get3A_1059 : vector<1x16xf32> to vector<16xf32>
      %mul3A_1061 = arith.constant 16 : i32
      %mul3A_1062 = arith.muli %scan3A_1026, %mul3A_1061 : i32
      %get3A_1063 = arith.constant 12 : i32
      %get3A_1064 = arith.index_cast %get3A_1063 : i32 to index
      %get3A_1065 = arith.index_cast %mul3A_1062 : i32 to index
      %get3A_1066 = tpu.vector_load %arg5[%get3A_1064, %get3A_1065] {strides = array<i32>} : memref<25x2704xf32, #tpu.memory_space<vmem>>, vector<1x16xf32>,
      %get3A_1067 = vector.shape_cast %get3A_1066 : vector<1x16xf32> to vector<16xf32>
      %mul3A_1068 = arith.constant 16 : i32
      %mul3A_1069 = arith.muli %scan3A_1026, %mul3A_1068 : i32
      %get3A_1070 = arith.constant 13 : i32
      %get3A_1071 = arith.index_cast %get3A_1070 : i32 to index
      %get3A_1072 = arith.index_cast %mul3A_1069 : i32 to index
      %get3A_1073 = tpu.vector_load %arg5[%get3A_1071, %get3A_1072] {strides = array<i32>} : memref<25x2704xf32, #tpu.memory_space<vmem>>, vector<1x16xf32>,
      %get3A_1074 = vector.shape_cast %get3A_1073 : vector<1x16xf32> to vector<16xf32>
      %mul3A_1075 = arith.constant 16 : i32
      %mul3A_1076 = arith.muli %scan3A_1026, %mul3A_1075 : i32
      %get3A_1077 = arith.constant 14 : i32
      %get3A_1078 = arith.index_cast %get3A_1077 : i32 to index
      %get3A_1079 = arith.index_cast %mul3A_1076 : i32 to index
      %get3A_1080 = tpu.vector_load %arg5[%get3A_1078, %get3A_1079] {strides = array<i32>} : memref<25x2704xf32, #tpu.memory_space<vmem>>, vector<1x16xf32>,
      %get3A_1081 = vector.shape_cast %get3A_1080 : vector<1x16xf32> to vector<16xf32>
      %neg3A_1082 = arith.constant 0.000000e+00 : f32
      %neg3A_1083 = vector.broadcast %neg3A_1082 : f32 to vector<16xf32>
      %neg3A_1084 = arith.subf %neg3A_1083, %get3A_1053 : vector<16xf32>
      %exp3A_1085 = math.exp %neg3A_1084 : vector<16xf32>
      %add3A_1086 = arith.constant 1.000000e+00 : f32
      %add3A_1087 = vector.broadcast %add3A_1086 : f32 to vector<16xf32>
      %add3A_1088 = arith.addf %add3A_1087, %exp3A_1085 : vector<16xf32>
      %div3A_1089 = arith.constant 1.000000e+00 : f32
      %div3A_1090 = vector.broadcast %div3A_1089 : f32 to vector<16xf32>
      %div3A_1091 = arith.divf %div3A_1090, %add3A_1088 : vector<16xf32>
      %neg3A_1092 = arith.constant 0.000000e+00 : f32
      %neg3A_1093 = vector.broadcast %neg3A_1092 : f32 to vector<16xf32>
      %neg3A_1094 = arith.subf %neg3A_1093, %get3A_1060 : vector<16xf32>
      %exp3A_1095 = math.exp %neg3A_1094 : vector<16xf32>
      %add3A_1096 = arith.constant 1.000000e+00 : f32
      %add3A_1097 = vector.broadcast %add3A_1096 : f32 to vector<16xf32>
      %add3A_1098 = arith.addf %add3A_1097, %exp3A_1095 : vector<16xf32>
      %div3A_1099 = arith.constant 1.000000e+00 : f32
      %div3A_1100 = vector.broadcast %div3A_1099 : f32 to vector<16xf32>
      %div3A_1101 = arith.divf %div3A_1100, %add3A_1098 : vector<16xf32>
      %neg3A_1102 = arith.constant 0.000000e+00 : f32
      %neg3A_1103 = vector.broadcast %neg3A_1102 : f32 to vector<16xf32>
      %neg3A_1104 = arith.subf %neg3A_1103, %get3A_1081 : vector<16xf32>
      %exp3A_1105 = math.exp %neg3A_1104 : vector<16xf32>
      %add3A_1106 = arith.constant 1.000000e+00 : f32
      %add3A_1107 = vector.broadcast %add3A_1106 : f32 to vector<16xf32>
      %add3A_1108 = arith.addf %add3A_1107, %exp3A_1105 : vector<16xf32>
      %div3A_1109 = arith.constant 1.000000e+00 : f32
      %div3A_1110 = vector.broadcast %div3A_1109 : f32 to vector<16xf32>
      %div3A_1111 = arith.divf %div3A_1110, %add3A_1108 : vector<16xf32>
      %exp3A_1112 = math.exp %get3A_1067 : vector<16xf32>
      %mul3A_1113 = arith.constant 5.055870e+00 : f32
      %mul3A_1114 = vector.broadcast %mul3A_1113 : f32 to vector<16xf32>
      %mul3A_1115 = arith.mulf %exp3A_1112, %mul3A_1114 : vector<16xf32>
      %exp3A_1116 = math.exp %get3A_1074 : vector<16xf32>
      %mul3A_1117 = arith.constant 8.09891986 : f32
      %mul3A_1118 = vector.broadcast %mul3A_1117 : f32 to vector<16xf32>
      %mul3A_1119 = arith.mulf %exp3A_1116, %mul3A_1118 : vector<16xf32>
      %add3A_1120 = arith.addf %div3A_1091, %sub3A_1046 : vector<16xf32>
      %add3A_1121 = arith.addf %div3A_1101, %convert_element_type3A_1042 : vector<16xf32>
      %mul3A_1122 = arith.constant 5.000000e-01 : f32
      %mul3A_1123 = vector.broadcast %mul3A_1122 : f32 to vector<16xf32>
      %mul3A_1124 = arith.mulf %mul3A_1123, %mul3A_1115 : vector<16xf32>
      %mul3A_1125 = arith.constant 5.000000e-01 : f32
      %mul3A_1126 = vector.broadcast %mul3A_1125 : f32 to vector<16xf32>
      %mul3A_1127 = arith.mulf %mul3A_1126, %mul3A_1119 : vector<16xf32>
      %add3A_1128 = arith.addf %add3A_1120, %mul3A_1124 : vector<16xf32>
      %max3A_1129 = arith.maximumf %add3A_563, %add3A_1128 : vector<16xf32>
      %sub3A_1130 = arith.subf %add3A_1120, %mul3A_1124 : vector<16xf32>
      %min3A_1131 = arith.minimumf %sub3A_559, %sub3A_1130 : vector<16xf32>
      %sub3A_1132 = arith.subf %max3A_1129, %min3A_1131 : vector<16xf32>
      %add3A_1133 = arith.addf %add3A_1121, %mul3A_1127 : vector<16xf32>
      %max3A_1134 = arith.maximumf %add3A_571, %add3A_1133 : vector<16xf32>
      %sub3A_1135 = arith.subf %add3A_1121, %mul3A_1127 : vector<16xf32>
      %min3A_1136 = arith.minimumf %sub3A_567, %sub3A_1135 : vector<16xf32>
      %sub3A_1137 = arith.subf %max3A_1134, %min3A_1136 : vector<16xf32>
      %add3A_1138 = arith.addf %get3A_519, %mul3A_1115 : vector<16xf32>
      %sub3A_1139 = arith.subf %add3A_1138, %sub3A_1132 : vector<16xf32>
      %add3A_1140 = arith.addf %get3A_522, %mul3A_1119 : vector<16xf32>
      %sub3A_1141 = arith.subf %add3A_1140, %sub3A_1137 : vector<16xf32>
      %mul3A_1142 = arith.mulf %sub3A_1139, %sub3A_1141 : vector<16xf32>
      %mul3A_1143 = arith.mulf %mul3A_1115, %mul3A_1119 : vector<16xf32>
      %add3A_1144 = arith.addf %get3A_555, %mul3A_1143 : vector<16xf32>
      %sub3A_1145 = arith.subf %add3A_1144, %mul3A_1142 : vector<16xf32>
      %gt3A_1146 = arith.constant 0.000000e+00 : f32
      %gt3A_1147 = vector.broadcast %gt3A_1146 : f32 to vector<16xf32>
      %gt3A_1148 = arith.cmpf ogt, %sub3A_1139, %gt3A_1147 : vector<16xf32>
      %gt3A_1149 = arith.constant 0.000000e+00 : f32
      %gt3A_1150 = vector.broadcast %gt3A_1149 : f32 to vector<16xf32>
      %gt3A_1151 = arith.cmpf ogt, %sub3A_1141, %gt3A_1150 : vector<16xf32>
      %and3A_1152 = arith.andi %gt3A_1148, %gt3A_1151 : vector<16xi1>
      %mul3A_1153 = arith.constant 6.000000e-01 : f32
      %mul3A_1154 = vector.broadcast %mul3A_1153 : f32 to vector<16xf32>
      %mul3A_1155 = arith.mulf %mul3A_1154, %sub3A_1145 : vector<16xf32>
      %gt3A_1156 = arith.cmpf ogt, %mul3A_1142, %mul3A_1155 : vector<16xf32>
      %and3A_1157 = arith.andi %and3A_1152, %gt3A_1156 : vector<16xi1>
      %sub3A_1158 = arith.constant 5.000000e-01 : f32
      %sub3A_1159 = vector.broadcast %sub3A_1158 : f32 to vector<16xf32>
      %sub3A_1160 = arith.subf %div3A_1091, %sub3A_1159 : vector<16xf32>
      %sub3A_1161 = arith.constant 5.000000e-01 : f32
      %sub3A_1162 = vector.broadcast %sub3A_1161 : f32 to vector<16xf32>
      %sub3A_1163 = arith.subf %div3A_1101, %sub3A_1162 : vector<16xf32>
      %mul3A_1164 = arith.mulf %sub3A_1160, %sub3A_1160 : vector<16xf32>
      %mul3A_1165 = arith.mulf %sub3A_1163, %sub3A_1163 : vector<16xf32>
      %add3A_1166 = arith.addf %mul3A_1164, %mul3A_1165 : vector<16xf32>
      %mul3A_1167 = arith.mulf %get3A_1067, %get3A_1067 : vector<16xf32>
      %add3A_1168 = arith.addf %add3A_1166, %mul3A_1167 : vector<16xf32>
      %mul3A_1169 = arith.mulf %get3A_1074, %get3A_1074 : vector<16xf32>
      %add3A_1170 = arith.addf %add3A_1168, %mul3A_1169 : vector<16xf32>
      %mul3A_1171 = arith.mulf %div3A_1111, %div3A_1111 : vector<16xf32>
      %jit3A_1172 = arith.constant 0.000000e+00 : f32
      %broadcast_in_dim3A_1173 = vector.broadcast %jit3A_1172 : f32 to vector<16xf32>
      %select_n3A_1174 = arith.select %and3A_1157, %broadcast_in_dim3A_1173, %mul3A_1171 : vector<16xi1>, vector<16xf32>
      %add3A_1175 = arith.addf %add3A_1170, %select_n3A_1174 : vector<16xf32>
      %eq3A_1176 = arith.cmpf oeq, %convert_element_type3A, %get3A_549 : vector<16xf32>
      %and3A_1177 = arith.andi %eq3A_595, %eq3A_1176 : vector<16xi1>
      %jit3A_1178 = arith.constant 0.000000e+00 : f32
      %broadcast_in_dim3A_1179 = vector.broadcast %jit3A_1178 : f32 to vector<16xf32>
      %select_n3A_1180 = arith.select %and3A_1177, %get3A_1053, %broadcast_in_dim3A_1179 : vector<16xi1>, vector<16xf32>
      %add3A_1181 = arith.addf %scan3A_1028, %select_n3A_1180 : vector<16xf32>
      %jit3A_1182 = arith.constant 0.000000e+00 : f32
      %broadcast_in_dim3A_1183 = vector.broadcast %jit3A_1182 : f32 to vector<16xf32>
      %select_n3A_1184 = arith.select %and3A_1177, %get3A_1060, %broadcast_in_dim3A_1183 : vector<16xi1>, vector<16xf32>
      %add3A_1185 = arith.addf %scan3A_1029, %select_n3A_1184 : vector<16xf32>
      %jit3A_1186 = arith.constant 0.000000e+00 : f32
      %broadcast_in_dim3A_1187 = vector.broadcast %jit3A_1186 : f32 to vector<16xf32>
      %select_n3A_1188 = arith.select %and3A_1177, %get3A_1067, %broadcast_in_dim3A_1187 : vector<16xi1>, vector<16xf32>
      %add3A_1189 = arith.addf %scan3A_1030, %select_n3A_1188 : vector<16xf32>
      %jit3A_1190 = arith.constant 0.000000e+00 : f32
      %broadcast_in_dim3A_1191 = vector.broadcast %jit3A_1190 : f32 to vector<16xf32>
      %select_n3A_1192 = arith.select %and3A_1177, %get3A_1074, %broadcast_in_dim3A_1191 : vector<16xi1>, vector<16xf32>
      %add3A_1193 = arith.addf %scan3A_1031, %select_n3A_1192 : vector<16xf32>
      %jit3A_1194 = arith.constant 0.000000e+00 : f32
      %broadcast_in_dim3A_1195 = vector.broadcast %jit3A_1194 : f32 to vector<16xf32>
      %select_n3A_1196 = arith.select %and3A_1177, %get3A_1081, %broadcast_in_dim3A_1195 : vector<16xi1>, vector<16xf32>
      %add3A_1197 = arith.addf %scan3A_1032, %select_n3A_1196 : vector<16xf32>
      %add3A_1198 = arith.addf %scan3A_1027, %add3A_1175 : vector<16xf32>
      scf.yield %add3A_1198, %add3A_1181, %add3A_1185, %add3A_1189, %add3A_1193, %add3A_1197 : vector<16xf32>, vector<16xf32>, vector<16xf32>, vector<16xf32>, vector<16xf32>, vector<16xf32>
    }
    %scan3A_601 = arith.constant 169 : i32
    %eq3A_602 = arith.constant 3.000000e+00 : f32
    %eq3A_603 = vector.broadcast %eq3A_602 : f32 to vector<16xf32>
    %eq3A_604 = arith.cmpf oeq, %get3A_552, %eq3A_603 : vector<16xf32>
    %scan3A_605 = arith.constant 0 : i32
    %scan3A_606 = arith.constant 169 : i32
    %scan3A_607 = arith.addi %scan3A_605, %scan3A_606 : i32
    %scan3A_608 = arith.constant 1 : i32
    %scan3A_609:6 = scf.for %scan3A_1026 = %scan3A_605 to %scan3A_607 step %scan3A_608 iter_args(%scan3A_1027 = %scan3A_600#0, %scan3A_1028 = %scan3A_600#1, %scan3A_1029 = %scan3A_600#2, %scan3A_1030 = %scan3A_600#3, %scan3A_1031 = %scan3A_600#4, %scan3A_1032 = %scan3A_600#5) -> (vector<16xf32>, vector<16xf32>, vector<16xf32>, vector<16xf32>, vector<16xf32>, vector<16xf32>)  : i32 {
      %mul3A_1033 = arith.constant 16 : i32
      %mul3A_1034 = arith.muli %scan3A_1026, %mul3A_1033 : i32
      %add3A_1035 = vector.broadcast %mul3A_1034 : i32 to vector<16xi32>
      %add3A_1036 = arith.addi %add3A_1035, %iota3A_572 : vector<16xi32>
      %convert_element_type3A = arith.sitofp %add3A_1036 : vector<16xi32> to vector<16xf32>
      %mul3A_1037 = arith.constant 40330 : i32
      %mul3A_1038 = vector.broadcast %mul3A_1037 : i32 to vector<16xi32>
      %mul3A_1039 = arith.muli %add3A_1036, %mul3A_1038 : vector<16xi32>
      %shift_right_arithmetic3A = arith.constant 21 : i32
      %shift_right_arithmetic3A_1040 = vector.broadcast %shift_right_arithmetic3A : i32 to vector<16xi32>
      %shift_right_arithmetic3A_1041 = arith.shrsi %mul3A_1039, %shift_right_arithmetic3A_1040 : vector<16xi32>
      %convert_element_type3A_1042 = arith.sitofp %shift_right_arithmetic3A_1041 : vector<16xi32> to vector<16xf32>
      %mul3A_1043 = arith.constant 5.200000e+01 : f32
      %mul3A_1044 = vector.broadcast %mul3A_1043 : f32 to vector<16xf32>
      %mul3A_1045 = arith.mulf %convert_element_type3A_1042, %mul3A_1044 : vector<16xf32>
      %sub3A_1046 = arith.subf %convert_element_type3A, %mul3A_1045 : vector<16xf32>
      %mul3A_1047 = arith.constant 16 : i32
      %mul3A_1048 = arith.muli %scan3A_1026, %mul3A_1047 : i32
      %get3A_1049 = arith.constant 15 : i32
      %get3A_1050 = arith.index_cast %get3A_1049 : i32 to index
      %get3A_1051 = arith.index_cast %mul3A_1048 : i32 to index
      %get3A_1052 = tpu.vector_load %arg5[%get3A_1050, %get3A_1051] {strides = array<i32>} : memref<25x2704xf32, #tpu.memory_space<vmem>>, vector<1x16xf32>,
      %get3A_1053 = vector.shape_cast %get3A_1052 : vector<1x16xf32> to vector<16xf32>
      %mul3A_1054 = arith.constant 16 : i32
      %mul3A_1055 = arith.muli %scan3A_1026, %mul3A_1054 : i32
      %get3A_1056 = arith.constant 16 : i32
      %get3A_1057 = arith.index_cast %get3A_1056 : i32 to index
      %get3A_1058 = arith.index_cast %mul3A_1055 : i32 to index
      %get3A_1059 = tpu.vector_load %arg5[%get3A_1057, %get3A_1058] {strides = array<i32>} : memref<25x2704xf32, #tpu.memory_space<vmem>>, vector<1x16xf32>,
      %get3A_1060 = vector.shape_cast %get3A_1059 : vector<1x16xf32> to vector<16xf32>
      %mul3A_1061 = arith.constant 16 : i32
      %mul3A_1062 = arith.muli %scan3A_1026, %mul3A_1061 : i32
      %get3A_1063 = arith.constant 17 : i32
      %get3A_1064 = arith.index_cast %get3A_1063 : i32 to index
      %get3A_1065 = arith.index_cast %mul3A_1062 : i32 to index
      %get3A_1066 = tpu.vector_load %arg5[%get3A_1064, %get3A_1065] {strides = array<i32>} : memref<25x2704xf32, #tpu.memory_space<vmem>>, vector<1x16xf32>,
      %get3A_1067 = vector.shape_cast %get3A_1066 : vector<1x16xf32> to vector<16xf32>
      %mul3A_1068 = arith.constant 16 : i32
      %mul3A_1069 = arith.muli %scan3A_1026, %mul3A_1068 : i32
      %get3A_1070 = arith.constant 18 : i32
      %get3A_1071 = arith.index_cast %get3A_1070 : i32 to index
      %get3A_1072 = arith.index_cast %mul3A_1069 : i32 to index
      %get3A_1073 = tpu.vector_load %arg5[%get3A_1071, %get3A_1072] {strides = array<i32>} : memref<25x2704xf32, #tpu.memory_space<vmem>>, vector<1x16xf32>,
      %get3A_1074 = vector.shape_cast %get3A_1073 : vector<1x16xf32> to vector<16xf32>
      %mul3A_1075 = arith.constant 16 : i32
      %mul3A_1076 = arith.muli %scan3A_1026, %mul3A_1075 : i32
      %get3A_1077 = arith.constant 19 : i32
      %get3A_1078 = arith.index_cast %get3A_1077 : i32 to index
      %get3A_1079 = arith.index_cast %mul3A_1076 : i32 to index
      %get3A_1080 = tpu.vector_load %arg5[%get3A_1078, %get3A_1079] {strides = array<i32>} : memref<25x2704xf32, #tpu.memory_space<vmem>>, vector<1x16xf32>,
      %get3A_1081 = vector.shape_cast %get3A_1080 : vector<1x16xf32> to vector<16xf32>
      %neg3A_1082 = arith.constant 0.000000e+00 : f32
      %neg3A_1083 = vector.broadcast %neg3A_1082 : f32 to vector<16xf32>
      %neg3A_1084 = arith.subf %neg3A_1083, %get3A_1053 : vector<16xf32>
      %exp3A_1085 = math.exp %neg3A_1084 : vector<16xf32>
      %add3A_1086 = arith.constant 1.000000e+00 : f32
      %add3A_1087 = vector.broadcast %add3A_1086 : f32 to vector<16xf32>
      %add3A_1088 = arith.addf %add3A_1087, %exp3A_1085 : vector<16xf32>
      %div3A_1089 = arith.constant 1.000000e+00 : f32
      %div3A_1090 = vector.broadcast %div3A_1089 : f32 to vector<16xf32>
      %div3A_1091 = arith.divf %div3A_1090, %add3A_1088 : vector<16xf32>
      %neg3A_1092 = arith.constant 0.000000e+00 : f32
      %neg3A_1093 = vector.broadcast %neg3A_1092 : f32 to vector<16xf32>
      %neg3A_1094 = arith.subf %neg3A_1093, %get3A_1060 : vector<16xf32>
      %exp3A_1095 = math.exp %neg3A_1094 : vector<16xf32>
      %add3A_1096 = arith.constant 1.000000e+00 : f32
      %add3A_1097 = vector.broadcast %add3A_1096 : f32 to vector<16xf32>
      %add3A_1098 = arith.addf %add3A_1097, %exp3A_1095 : vector<16xf32>
      %div3A_1099 = arith.constant 1.000000e+00 : f32
      %div3A_1100 = vector.broadcast %div3A_1099 : f32 to vector<16xf32>
      %div3A_1101 = arith.divf %div3A_1100, %add3A_1098 : vector<16xf32>
      %neg3A_1102 = arith.constant 0.000000e+00 : f32
      %neg3A_1103 = vector.broadcast %neg3A_1102 : f32 to vector<16xf32>
      %neg3A_1104 = arith.subf %neg3A_1103, %get3A_1081 : vector<16xf32>
      %exp3A_1105 = math.exp %neg3A_1104 : vector<16xf32>
      %add3A_1106 = arith.constant 1.000000e+00 : f32
      %add3A_1107 = vector.broadcast %add3A_1106 : f32 to vector<16xf32>
      %add3A_1108 = arith.addf %add3A_1107, %exp3A_1105 : vector<16xf32>
      %div3A_1109 = arith.constant 1.000000e+00 : f32
      %div3A_1110 = vector.broadcast %div3A_1109 : f32 to vector<16xf32>
      %div3A_1111 = arith.divf %div3A_1110, %add3A_1108 : vector<16xf32>
      %exp3A_1112 = math.exp %get3A_1067 : vector<16xf32>
      %mul3A_1113 = arith.constant 9.47111988 : f32
      %mul3A_1114 = vector.broadcast %mul3A_1113 : f32 to vector<16xf32>
      %mul3A_1115 = arith.mulf %exp3A_1112, %mul3A_1114 : vector<16xf32>
      %exp3A_1116 = math.exp %get3A_1074 : vector<16xf32>
      %mul3A_1117 = arith.constant 4.840530e+00 : f32
      %mul3A_1118 = vector.broadcast %mul3A_1117 : f32 to vector<16xf32>
      %mul3A_1119 = arith.mulf %exp3A_1116, %mul3A_1118 : vector<16xf32>
      %add3A_1120 = arith.addf %div3A_1091, %sub3A_1046 : vector<16xf32>
      %add3A_1121 = arith.addf %div3A_1101, %convert_element_type3A_1042 : vector<16xf32>
      %mul3A_1122 = arith.constant 5.000000e-01 : f32
      %mul3A_1123 = vector.broadcast %mul3A_1122 : f32 to vector<16xf32>
      %mul3A_1124 = arith.mulf %mul3A_1123, %mul3A_1115 : vector<16xf32>
      %mul3A_1125 = arith.constant 5.000000e-01 : f32
      %mul3A_1126 = vector.broadcast %mul3A_1125 : f32 to vector<16xf32>
      %mul3A_1127 = arith.mulf %mul3A_1126, %mul3A_1119 : vector<16xf32>
      %add3A_1128 = arith.addf %add3A_1120, %mul3A_1124 : vector<16xf32>
      %max3A_1129 = arith.maximumf %add3A_563, %add3A_1128 : vector<16xf32>
      %sub3A_1130 = arith.subf %add3A_1120, %mul3A_1124 : vector<16xf32>
      %min3A_1131 = arith.minimumf %sub3A_559, %sub3A_1130 : vector<16xf32>
      %sub3A_1132 = arith.subf %max3A_1129, %min3A_1131 : vector<16xf32>
      %add3A_1133 = arith.addf %add3A_1121, %mul3A_1127 : vector<16xf32>
      %max3A_1134 = arith.maximumf %add3A_571, %add3A_1133 : vector<16xf32>
      %sub3A_1135 = arith.subf %add3A_1121, %mul3A_1127 : vector<16xf32>
      %min3A_1136 = arith.minimumf %sub3A_567, %sub3A_1135 : vector<16xf32>
      %sub3A_1137 = arith.subf %max3A_1134, %min3A_1136 : vector<16xf32>
      %add3A_1138 = arith.addf %get3A_519, %mul3A_1115 : vector<16xf32>
      %sub3A_1139 = arith.subf %add3A_1138, %sub3A_1132 : vector<16xf32>
      %add3A_1140 = arith.addf %get3A_522, %mul3A_1119 : vector<16xf32>
      %sub3A_1141 = arith.subf %add3A_1140, %sub3A_1137 : vector<16xf32>
      %mul3A_1142 = arith.mulf %sub3A_1139, %sub3A_1141 : vector<16xf32>
      %mul3A_1143 = arith.mulf %mul3A_1115, %mul3A_1119 : vector<16xf32>
      %add3A_1144 = arith.addf %get3A_555, %mul3A_1143 : vector<16xf32>
      %sub3A_1145 = arith.subf %add3A_1144, %mul3A_1142 : vector<16xf32>
      %gt3A_1146 = arith.constant 0.000000e+00 : f32
      %gt3A_1147 = vector.broadcast %gt3A_1146 : f32 to vector<16xf32>
      %gt3A_1148 = arith.cmpf ogt, %sub3A_1139, %gt3A_1147 : vector<16xf32>
      %gt3A_1149 = arith.constant 0.000000e+00 : f32
      %gt3A_1150 = vector.broadcast %gt3A_1149 : f32 to vector<16xf32>
      %gt3A_1151 = arith.cmpf ogt, %sub3A_1141, %gt3A_1150 : vector<16xf32>
      %and3A_1152 = arith.andi %gt3A_1148, %gt3A_1151 : vector<16xi1>
      %mul3A_1153 = arith.constant 6.000000e-01 : f32
      %mul3A_1154 = vector.broadcast %mul3A_1153 : f32 to vector<16xf32>
      %mul3A_1155 = arith.mulf %mul3A_1154, %sub3A_1145 : vector<16xf32>
      %gt3A_1156 = arith.cmpf ogt, %mul3A_1142, %mul3A_1155 : vector<16xf32>
      %and3A_1157 = arith.andi %and3A_1152, %gt3A_1156 : vector<16xi1>
      %sub3A_1158 = arith.constant 5.000000e-01 : f32
      %sub3A_1159 = vector.broadcast %sub3A_1158 : f32 to vector<16xf32>
      %sub3A_1160 = arith.subf %div3A_1091, %sub3A_1159 : vector<16xf32>
      %sub3A_1161 = arith.constant 5.000000e-01 : f32
      %sub3A_1162 = vector.broadcast %sub3A_1161 : f32 to vector<16xf32>
      %sub3A_1163 = arith.subf %div3A_1101, %sub3A_1162 : vector<16xf32>
      %mul3A_1164 = arith.mulf %sub3A_1160, %sub3A_1160 : vector<16xf32>
      %mul3A_1165 = arith.mulf %sub3A_1163, %sub3A_1163 : vector<16xf32>
      %add3A_1166 = arith.addf %mul3A_1164, %mul3A_1165 : vector<16xf32>
      %mul3A_1167 = arith.mulf %get3A_1067, %get3A_1067 : vector<16xf32>
      %add3A_1168 = arith.addf %add3A_1166, %mul3A_1167 : vector<16xf32>
      %mul3A_1169 = arith.mulf %get3A_1074, %get3A_1074 : vector<16xf32>
      %add3A_1170 = arith.addf %add3A_1168, %mul3A_1169 : vector<16xf32>
      %mul3A_1171 = arith.mulf %div3A_1111, %div3A_1111 : vector<16xf32>
      %jit3A_1172 = arith.constant 0.000000e+00 : f32
      %broadcast_in_dim3A_1173 = vector.broadcast %jit3A_1172 : f32 to vector<16xf32>
      %select_n3A_1174 = arith.select %and3A_1157, %broadcast_in_dim3A_1173, %mul3A_1171 : vector<16xi1>, vector<16xf32>
      %add3A_1175 = arith.addf %add3A_1170, %select_n3A_1174 : vector<16xf32>
      %eq3A_1176 = arith.cmpf oeq, %convert_element_type3A, %get3A_549 : vector<16xf32>
      %and3A_1177 = arith.andi %eq3A_604, %eq3A_1176 : vector<16xi1>
      %jit3A_1178 = arith.constant 0.000000e+00 : f32
      %broadcast_in_dim3A_1179 = vector.broadcast %jit3A_1178 : f32 to vector<16xf32>
      %select_n3A_1180 = arith.select %and3A_1177, %get3A_1053, %broadcast_in_dim3A_1179 : vector<16xi1>, vector<16xf32>
      %add3A_1181 = arith.addf %scan3A_1028, %select_n3A_1180 : vector<16xf32>
      %jit3A_1182 = arith.constant 0.000000e+00 : f32
      %broadcast_in_dim3A_1183 = vector.broadcast %jit3A_1182 : f32 to vector<16xf32>
      %select_n3A_1184 = arith.select %and3A_1177, %get3A_1060, %broadcast_in_dim3A_1183 : vector<16xi1>, vector<16xf32>
      %add3A_1185 = arith.addf %scan3A_1029, %select_n3A_1184 : vector<16xf32>
      %jit3A_1186 = arith.constant 0.000000e+00 : f32
      %broadcast_in_dim3A_1187 = vector.broadcast %jit3A_1186 : f32 to vector<16xf32>
      %select_n3A_1188 = arith.select %and3A_1177, %get3A_1067, %broadcast_in_dim3A_1187 : vector<16xi1>, vector<16xf32>
      %add3A_1189 = arith.addf %scan3A_1030, %select_n3A_1188 : vector<16xf32>
      %jit3A_1190 = arith.constant 0.000000e+00 : f32
      %broadcast_in_dim3A_1191 = vector.broadcast %jit3A_1190 : f32 to vector<16xf32>
      %select_n3A_1192 = arith.select %and3A_1177, %get3A_1074, %broadcast_in_dim3A_1191 : vector<16xi1>, vector<16xf32>
      %add3A_1193 = arith.addf %scan3A_1031, %select_n3A_1192 : vector<16xf32>
      %jit3A_1194 = arith.constant 0.000000e+00 : f32
      %broadcast_in_dim3A_1195 = vector.broadcast %jit3A_1194 : f32 to vector<16xf32>
      %select_n3A_1196 = arith.select %and3A_1177, %get3A_1081, %broadcast_in_dim3A_1195 : vector<16xi1>, vector<16xf32>
      %add3A_1197 = arith.addf %scan3A_1032, %select_n3A_1196 : vector<16xf32>
      %add3A_1198 = arith.addf %scan3A_1027, %add3A_1175 : vector<16xf32>
      scf.yield %add3A_1198, %add3A_1181, %add3A_1185, %add3A_1189, %add3A_1193, %add3A_1197 : vector<16xf32>, vector<16xf32>, vector<16xf32>, vector<16xf32>, vector<16xf32>, vector<16xf32>
    }
    %scan3A_610 = arith.constant 169 : i32
    %eq3A_611 = arith.constant 4.000000e+00 : f32
    %eq3A_612 = vector.broadcast %eq3A_611 : f32 to vector<16xf32>
    %eq3A_613 = arith.cmpf oeq, %get3A_552, %eq3A_612 : vector<16xf32>
    %scan3A_614 = arith.constant 0 : i32
    %scan3A_615 = arith.constant 169 : i32
    %scan3A_616 = arith.addi %scan3A_614, %scan3A_615 : i32
    %scan3A_617 = arith.constant 1 : i32
    %scan3A_618:6 = scf.for %scan3A_1026 = %scan3A_614 to %scan3A_616 step %scan3A_617 iter_args(%scan3A_1027 = %scan3A_609#0, %scan3A_1028 = %scan3A_609#1, %scan3A_1029 = %scan3A_609#2, %scan3A_1030 = %scan3A_609#3, %scan3A_1031 = %scan3A_609#4, %scan3A_1032 = %scan3A_609#5) -> (vector<16xf32>, vector<16xf32>, vector<16xf32>, vector<16xf32>, vector<16xf32>, vector<16xf32>)  : i32 {
      %mul3A_1033 = arith.constant 16 : i32
      %mul3A_1034 = arith.muli %scan3A_1026, %mul3A_1033 : i32
      %add3A_1035 = vector.broadcast %mul3A_1034 : i32 to vector<16xi32>
      %add3A_1036 = arith.addi %add3A_1035, %iota3A_572 : vector<16xi32>
      %convert_element_type3A = arith.sitofp %add3A_1036 : vector<16xi32> to vector<16xf32>
      %mul3A_1037 = arith.constant 40330 : i32
      %mul3A_1038 = vector.broadcast %mul3A_1037 : i32 to vector<16xi32>
      %mul3A_1039 = arith.muli %add3A_1036, %mul3A_1038 : vector<16xi32>
      %shift_right_arithmetic3A = arith.constant 21 : i32
      %shift_right_arithmetic3A_1040 = vector.broadcast %shift_right_arithmetic3A : i32 to vector<16xi32>
      %shift_right_arithmetic3A_1041 = arith.shrsi %mul3A_1039, %shift_right_arithmetic3A_1040 : vector<16xi32>
      %convert_element_type3A_1042 = arith.sitofp %shift_right_arithmetic3A_1041 : vector<16xi32> to vector<16xf32>
      %mul3A_1043 = arith.constant 5.200000e+01 : f32
      %mul3A_1044 = vector.broadcast %mul3A_1043 : f32 to vector<16xf32>
      %mul3A_1045 = arith.mulf %convert_element_type3A_1042, %mul3A_1044 : vector<16xf32>
      %sub3A_1046 = arith.subf %convert_element_type3A, %mul3A_1045 : vector<16xf32>
      %mul3A_1047 = arith.constant 16 : i32
      %mul3A_1048 = arith.muli %scan3A_1026, %mul3A_1047 : i32
      %get3A_1049 = arith.constant 20 : i32
      %get3A_1050 = arith.index_cast %get3A_1049 : i32 to index
      %get3A_1051 = arith.index_cast %mul3A_1048 : i32 to index
      %get3A_1052 = tpu.vector_load %arg5[%get3A_1050, %get3A_1051] {strides = array<i32>} : memref<25x2704xf32, #tpu.memory_space<vmem>>, vector<1x16xf32>,
      %get3A_1053 = vector.shape_cast %get3A_1052 : vector<1x16xf32> to vector<16xf32>
      %mul3A_1054 = arith.constant 16 : i32
      %mul3A_1055 = arith.muli %scan3A_1026, %mul3A_1054 : i32
      %get3A_1056 = arith.constant 21 : i32
      %get3A_1057 = arith.index_cast %get3A_1056 : i32 to index
      %get3A_1058 = arith.index_cast %mul3A_1055 : i32 to index
      %get3A_1059 = tpu.vector_load %arg5[%get3A_1057, %get3A_1058] {strides = array<i32>} : memref<25x2704xf32, #tpu.memory_space<vmem>>, vector<1x16xf32>,
      %get3A_1060 = vector.shape_cast %get3A_1059 : vector<1x16xf32> to vector<16xf32>
      %mul3A_1061 = arith.constant 16 : i32
      %mul3A_1062 = arith.muli %scan3A_1026, %mul3A_1061 : i32
      %get3A_1063 = arith.constant 22 : i32
      %get3A_1064 = arith.index_cast %get3A_1063 : i32 to index
      %get3A_1065 = arith.index_cast %mul3A_1062 : i32 to index
      %get3A_1066 = tpu.vector_load %arg5[%get3A_1064, %get3A_1065] {strides = array<i32>} : memref<25x2704xf32, #tpu.memory_space<vmem>>, vector<1x16xf32>,
      %get3A_1067 = vector.shape_cast %get3A_1066 : vector<1x16xf32> to vector<16xf32>
      %mul3A_1068 = arith.constant 16 : i32
      %mul3A_1069 = arith.muli %scan3A_1026, %mul3A_1068 : i32
      %get3A_1070 = arith.constant 23 : i32
      %get3A_1071 = arith.index_cast %get3A_1070 : i32 to index
      %get3A_1072 = arith.index_cast %mul3A_1069 : i32 to index
      %get3A_1073 = tpu.vector_load %arg5[%get3A_1071, %get3A_1072] {strides = array<i32>} : memref<25x2704xf32, #tpu.memory_space<vmem>>, vector<1x16xf32>,
      %get3A_1074 = vector.shape_cast %get3A_1073 : vector<1x16xf32> to vector<16xf32>
      %mul3A_1075 = arith.constant 16 : i32
      %mul3A_1076 = arith.muli %scan3A_1026, %mul3A_1075 : i32
      %get3A_1077 = arith.constant 24 : i32
      %get3A_1078 = arith.index_cast %get3A_1077 : i32 to index
      %get3A_1079 = arith.index_cast %mul3A_1076 : i32 to index
      %get3A_1080 = tpu.vector_load %arg5[%get3A_1078, %get3A_1079] {strides = array<i32>} : memref<25x2704xf32, #tpu.memory_space<vmem>>, vector<1x16xf32>,
      %get3A_1081 = vector.shape_cast %get3A_1080 : vector<1x16xf32> to vector<16xf32>
      %neg3A_1082 = arith.constant 0.000000e+00 : f32
      %neg3A_1083 = vector.broadcast %neg3A_1082 : f32 to vector<16xf32>
      %neg3A_1084 = arith.subf %neg3A_1083, %get3A_1053 : vector<16xf32>
      %exp3A_1085 = math.exp %neg3A_1084 : vector<16xf32>
      %add3A_1086 = arith.constant 1.000000e+00 : f32
      %add3A_1087 = vector.broadcast %add3A_1086 : f32 to vector<16xf32>
      %add3A_1088 = arith.addf %add3A_1087, %exp3A_1085 : vector<16xf32>
      %div3A_1089 = arith.constant 1.000000e+00 : f32
      %div3A_1090 = vector.broadcast %div3A_1089 : f32 to vector<16xf32>
      %div3A_1091 = arith.divf %div3A_1090, %add3A_1088 : vector<16xf32>
      %neg3A_1092 = arith.constant 0.000000e+00 : f32
      %neg3A_1093 = vector.broadcast %neg3A_1092 : f32 to vector<16xf32>
      %neg3A_1094 = arith.subf %neg3A_1093, %get3A_1060 : vector<16xf32>
      %exp3A_1095 = math.exp %neg3A_1094 : vector<16xf32>
      %add3A_1096 = arith.constant 1.000000e+00 : f32
      %add3A_1097 = vector.broadcast %add3A_1096 : f32 to vector<16xf32>
      %add3A_1098 = arith.addf %add3A_1097, %exp3A_1095 : vector<16xf32>
      %div3A_1099 = arith.constant 1.000000e+00 : f32
      %div3A_1100 = vector.broadcast %div3A_1099 : f32 to vector<16xf32>
      %div3A_1101 = arith.divf %div3A_1100, %add3A_1098 : vector<16xf32>
      %neg3A_1102 = arith.constant 0.000000e+00 : f32
      %neg3A_1103 = vector.broadcast %neg3A_1102 : f32 to vector<16xf32>
      %neg3A_1104 = arith.subf %neg3A_1103, %get3A_1081 : vector<16xf32>
      %exp3A_1105 = math.exp %neg3A_1104 : vector<16xf32>
      %add3A_1106 = arith.constant 1.000000e+00 : f32
      %add3A_1107 = vector.broadcast %add3A_1106 : f32 to vector<16xf32>
      %add3A_1108 = arith.addf %add3A_1107, %exp3A_1105 : vector<16xf32>
      %div3A_1109 = arith.constant 1.000000e+00 : f32
      %div3A_1110 = vector.broadcast %div3A_1109 : f32 to vector<16xf32>
      %div3A_1111 = arith.divf %div3A_1110, %add3A_1108 : vector<16xf32>
      %exp3A_1112 = math.exp %get3A_1067 : vector<16xf32>
      %mul3A_1113 = arith.constant 1.123640e+01 : f32
      %mul3A_1114 = vector.broadcast %mul3A_1113 : f32 to vector<16xf32>
      %mul3A_1115 = arith.mulf %exp3A_1112, %mul3A_1114 : vector<16xf32>
      %exp3A_1116 = math.exp %get3A_1074 : vector<16xf32>
      %mul3A_1117 = arith.constant 1.000710e+01 : f32
      %mul3A_1118 = vector.broadcast %mul3A_1117 : f32 to vector<16xf32>
      %mul3A_1119 = arith.mulf %exp3A_1116, %mul3A_1118 : vector<16xf32>
      %add3A_1120 = arith.addf %div3A_1091, %sub3A_1046 : vector<16xf32>
      %add3A_1121 = arith.addf %div3A_1101, %convert_element_type3A_1042 : vector<16xf32>
      %mul3A_1122 = arith.constant 5.000000e-01 : f32
      %mul3A_1123 = vector.broadcast %mul3A_1122 : f32 to vector<16xf32>
      %mul3A_1124 = arith.mulf %mul3A_1123, %mul3A_1115 : vector<16xf32>
      %mul3A_1125 = arith.constant 5.000000e-01 : f32
      %mul3A_1126 = vector.broadcast %mul3A_1125 : f32 to vector<16xf32>
      %mul3A_1127 = arith.mulf %mul3A_1126, %mul3A_1119 : vector<16xf32>
      %add3A_1128 = arith.addf %add3A_1120, %mul3A_1124 : vector<16xf32>
      %max3A_1129 = arith.maximumf %add3A_563, %add3A_1128 : vector<16xf32>
      %sub3A_1130 = arith.subf %add3A_1120, %mul3A_1124 : vector<16xf32>
      %min3A_1131 = arith.minimumf %sub3A_559, %sub3A_1130 : vector<16xf32>
      %sub3A_1132 = arith.subf %max3A_1129, %min3A_1131 : vector<16xf32>
      %add3A_1133 = arith.addf %add3A_1121, %mul3A_1127 : vector<16xf32>
      %max3A_1134 = arith.maximumf %add3A_571, %add3A_1133 : vector<16xf32>
      %sub3A_1135 = arith.subf %add3A_1121, %mul3A_1127 : vector<16xf32>
      %min3A_1136 = arith.minimumf %sub3A_567, %sub3A_1135 : vector<16xf32>
      %sub3A_1137 = arith.subf %max3A_1134, %min3A_1136 : vector<16xf32>
      %add3A_1138 = arith.addf %get3A_519, %mul3A_1115 : vector<16xf32>
      %sub3A_1139 = arith.subf %add3A_1138, %sub3A_1132 : vector<16xf32>
      %add3A_1140 = arith.addf %get3A_522, %mul3A_1119 : vector<16xf32>
      %sub3A_1141 = arith.subf %add3A_1140, %sub3A_1137 : vector<16xf32>
      %mul3A_1142 = arith.mulf %sub3A_1139, %sub3A_1141 : vector<16xf32>
      %mul3A_1143 = arith.mulf %mul3A_1115, %mul3A_1119 : vector<16xf32>
      %add3A_1144 = arith.addf %get3A_555, %mul3A_1143 : vector<16xf32>
      %sub3A_1145 = arith.subf %add3A_1144, %mul3A_1142 : vector<16xf32>
      %gt3A_1146 = arith.constant 0.000000e+00 : f32
      %gt3A_1147 = vector.broadcast %gt3A_1146 : f32 to vector<16xf32>
      %gt3A_1148 = arith.cmpf ogt, %sub3A_1139, %gt3A_1147 : vector<16xf32>
      %gt3A_1149 = arith.constant 0.000000e+00 : f32
      %gt3A_1150 = vector.broadcast %gt3A_1149 : f32 to vector<16xf32>
      %gt3A_1151 = arith.cmpf ogt, %sub3A_1141, %gt3A_1150 : vector<16xf32>
      %and3A_1152 = arith.andi %gt3A_1148, %gt3A_1151 : vector<16xi1>
      %mul3A_1153 = arith.constant 6.000000e-01 : f32
      %mul3A_1154 = vector.broadcast %mul3A_1153 : f32 to vector<16xf32>
      %mul3A_1155 = arith.mulf %mul3A_1154, %sub3A_1145 : vector<16xf32>
      %gt3A_1156 = arith.cmpf ogt, %mul3A_1142, %mul3A_1155 : vector<16xf32>
      %and3A_1157 = arith.andi %and3A_1152, %gt3A_1156 : vector<16xi1>
      %sub3A_1158 = arith.constant 5.000000e-01 : f32
      %sub3A_1159 = vector.broadcast %sub3A_1158 : f32 to vector<16xf32>
      %sub3A_1160 = arith.subf %div3A_1091, %sub3A_1159 : vector<16xf32>
      %sub3A_1161 = arith.constant 5.000000e-01 : f32
      %sub3A_1162 = vector.broadcast %sub3A_1161 : f32 to vector<16xf32>
      %sub3A_1163 = arith.subf %div3A_1101, %sub3A_1162 : vector<16xf32>
      %mul3A_1164 = arith.mulf %sub3A_1160, %sub3A_1160 : vector<16xf32>
      %mul3A_1165 = arith.mulf %sub3A_1163, %sub3A_1163 : vector<16xf32>
      %add3A_1166 = arith.addf %mul3A_1164, %mul3A_1165 : vector<16xf32>
      %mul3A_1167 = arith.mulf %get3A_1067, %get3A_1067 : vector<16xf32>
      %add3A_1168 = arith.addf %add3A_1166, %mul3A_1167 : vector<16xf32>
      %mul3A_1169 = arith.mulf %get3A_1074, %get3A_1074 : vector<16xf32>
      %add3A_1170 = arith.addf %add3A_1168, %mul3A_1169 : vector<16xf32>
      %mul3A_1171 = arith.mulf %div3A_1111, %div3A_1111 : vector<16xf32>
      %jit3A_1172 = arith.constant 0.000000e+00 : f32
      %broadcast_in_dim3A_1173 = vector.broadcast %jit3A_1172 : f32 to vector<16xf32>
      %select_n3A_1174 = arith.select %and3A_1157, %broadcast_in_dim3A_1173, %mul3A_1171 : vector<16xi1>, vector<16xf32>
      %add3A_1175 = arith.addf %add3A_1170, %select_n3A_1174 : vector<16xf32>
      %eq3A_1176 = arith.cmpf oeq, %convert_element_type3A, %get3A_549 : vector<16xf32>
      %and3A_1177 = arith.andi %eq3A_613, %eq3A_1176 : vector<16xi1>
      %jit3A_1178 = arith.constant 0.000000e+00 : f32
      %broadcast_in_dim3A_1179 = vector.broadcast %jit3A_1178 : f32 to vector<16xf32>
      %select_n3A_1180 = arith.select %and3A_1177, %get3A_1053, %broadcast_in_dim3A_1179 : vector<16xi1>, vector<16xf32>
      %add3A_1181 = arith.addf %scan3A_1028, %select_n3A_1180 : vector<16xf32>
      %jit3A_1182 = arith.constant 0.000000e+00 : f32
      %broadcast_in_dim3A_1183 = vector.broadcast %jit3A_1182 : f32 to vector<16xf32>
      %select_n3A_1184 = arith.select %and3A_1177, %get3A_1060, %broadcast_in_dim3A_1183 : vector<16xi1>, vector<16xf32>
      %add3A_1185 = arith.addf %scan3A_1029, %select_n3A_1184 : vector<16xf32>
      %jit3A_1186 = arith.constant 0.000000e+00 : f32
      %broadcast_in_dim3A_1187 = vector.broadcast %jit3A_1186 : f32 to vector<16xf32>
      %select_n3A_1188 = arith.select %and3A_1177, %get3A_1067, %broadcast_in_dim3A_1187 : vector<16xi1>, vector<16xf32>
      %add3A_1189 = arith.addf %scan3A_1030, %select_n3A_1188 : vector<16xf32>
      %jit3A_1190 = arith.constant 0.000000e+00 : f32
      %broadcast_in_dim3A_1191 = vector.broadcast %jit3A_1190 : f32 to vector<16xf32>
      %select_n3A_1192 = arith.select %and3A_1177, %get3A_1074, %broadcast_in_dim3A_1191 : vector<16xi1>, vector<16xf32>
      %add3A_1193 = arith.addf %scan3A_1031, %select_n3A_1192 : vector<16xf32>
      %jit3A_1194 = arith.constant 0.000000e+00 : f32
      %broadcast_in_dim3A_1195 = vector.broadcast %jit3A_1194 : f32 to vector<16xf32>
      %select_n3A_1196 = arith.select %and3A_1177, %get3A_1081, %broadcast_in_dim3A_1195 : vector<16xi1>, vector<16xf32>
      %add3A_1197 = arith.addf %scan3A_1032, %select_n3A_1196 : vector<16xf32>
      %add3A_1198 = arith.addf %scan3A_1027, %add3A_1175 : vector<16xf32>
      scf.yield %add3A_1198, %add3A_1181, %add3A_1185, %add3A_1189, %add3A_1193, %add3A_1197 : vector<16xf32>, vector<16xf32>, vector<16xf32>, vector<16xf32>, vector<16xf32>, vector<16xf32>
    }
    %scan3A_619 = arith.constant 169 : i32
    %xor3A_620 = arith.constant 1 : i32
    %xor3A_621 = vector.broadcast %xor3A_620 : i32 to vector<16xi32>
    %xor3A_622 = arith.xori %iota3A_572, %xor3A_621 : vector<16xi32>
    %lt3A_623 = arith.constant 0 : i32
    %lt3A_624 = vector.broadcast %lt3A_623 : i32 to vector<16xi32>
    %lt3A_625 = arith.cmpi slt, %xor3A_622, %lt3A_624 : vector<16xi32>
    %add3A_626 = arith.constant 16 : i32
    %add3A_627 = vector.broadcast %add3A_626 : i32 to vector<16xi32>
    %add3A_628 = arith.addi %xor3A_622, %add3A_627 : vector<16xi32>
    %select_n3A_629 = arith.select %lt3A_625, %add3A_628, %xor3A_622 : vector<16xi1>, vector<16xi32>
    %broadcast_in_dim3A_630 = vector.shape_cast %select_n3A_629 : vector<16xi32> to vector<16x1xi32>
    %gather3A_631 = vector.shape_cast %broadcast_in_dim3A_630 : vector<16x1xi32> to vector<16xi32>
    %gather3A_632 = tpu.dynamic_gather %scan3A_618#1[%gather3A_631] in [0] : vector<16xf32>, vector<16xi32> -> vector<16xf32>
    %add3A_633 = arith.addf %scan3A_618#1, %gather3A_632 : vector<16xf32>
    %xor3A_634 = arith.constant 2 : i32
    %xor3A_635 = vector.broadcast %xor3A_634 : i32 to vector<16xi32>
    %xor3A_636 = arith.xori %iota3A_572, %xor3A_635 : vector<16xi32>
    %lt3A_637 = arith.constant 0 : i32
    %lt3A_638 = vector.broadcast %lt3A_637 : i32 to vector<16xi32>
    %lt3A_639 = arith.cmpi slt, %xor3A_636, %lt3A_638 : vector<16xi32>
    %add3A_640 = arith.constant 16 : i32
    %add3A_641 = vector.broadcast %add3A_640 : i32 to vector<16xi32>
    %add3A_642 = arith.addi %xor3A_636, %add3A_641 : vector<16xi32>
    %select_n3A_643 = arith.select %lt3A_639, %add3A_642, %xor3A_636 : vector<16xi1>, vector<16xi32>
    %broadcast_in_dim3A_644 = vector.shape_cast %select_n3A_643 : vector<16xi32> to vector<16x1xi32>
    %gather3A_645 = vector.shape_cast %broadcast_in_dim3A_644 : vector<16x1xi32> to vector<16xi32>
    %gather3A_646 = tpu.dynamic_gather %add3A_633[%gather3A_645] in [0] : vector<16xf32>, vector<16xi32> -> vector<16xf32>
    %add3A_647 = arith.addf %add3A_633, %gather3A_646 : vector<16xf32>
    %xor3A_648 = arith.constant 4 : i32
    %xor3A_649 = vector.broadcast %xor3A_648 : i32 to vector<16xi32>
    %xor3A_650 = arith.xori %iota3A_572, %xor3A_649 : vector<16xi32>
    %lt3A_651 = arith.constant 0 : i32
    %lt3A_652 = vector.broadcast %lt3A_651 : i32 to vector<16xi32>
    %lt3A_653 = arith.cmpi slt, %xor3A_650, %lt3A_652 : vector<16xi32>
    %add3A_654 = arith.constant 16 : i32
    %add3A_655 = vector.broadcast %add3A_654 : i32 to vector<16xi32>
    %add3A_656 = arith.addi %xor3A_650, %add3A_655 : vector<16xi32>
    %select_n3A_657 = arith.select %lt3A_653, %add3A_656, %xor3A_650 : vector<16xi1>, vector<16xi32>
    %broadcast_in_dim3A_658 = vector.shape_cast %select_n3A_657 : vector<16xi32> to vector<16x1xi32>
    %gather3A_659 = vector.shape_cast %broadcast_in_dim3A_658 : vector<16x1xi32> to vector<16xi32>
    %gather3A_660 = tpu.dynamic_gather %add3A_647[%gather3A_659] in [0] : vector<16xf32>, vector<16xi32> -> vector<16xf32>
    %add3A_661 = arith.addf %add3A_647, %gather3A_660 : vector<16xf32>
    %xor3A_662 = arith.constant 8 : i32
    %xor3A_663 = vector.broadcast %xor3A_662 : i32 to vector<16xi32>
    %xor3A_664 = arith.xori %iota3A_572, %xor3A_663 : vector<16xi32>
    %lt3A_665 = arith.constant 0 : i32
    %lt3A_666 = vector.broadcast %lt3A_665 : i32 to vector<16xi32>
    %lt3A_667 = arith.cmpi slt, %xor3A_664, %lt3A_666 : vector<16xi32>
    %add3A_668 = arith.constant 16 : i32
    %add3A_669 = vector.broadcast %add3A_668 : i32 to vector<16xi32>
    %add3A_670 = arith.addi %xor3A_664, %add3A_669 : vector<16xi32>
    %select_n3A_671 = arith.select %lt3A_667, %add3A_670, %xor3A_664 : vector<16xi1>, vector<16xi32>
    %broadcast_in_dim3A_672 = vector.shape_cast %select_n3A_671 : vector<16xi32> to vector<16x1xi32>
    %gather3A_673 = vector.shape_cast %broadcast_in_dim3A_672 : vector<16x1xi32> to vector<16xi32>
    %gather3A_674 = tpu.dynamic_gather %add3A_661[%gather3A_673] in [0] : vector<16xf32>, vector<16xi32> -> vector<16xf32>
    %add3A_675 = arith.addf %add3A_661, %gather3A_674 : vector<16xf32>
    %xor3A_676 = arith.constant 1 : i32
    %xor3A_677 = vector.broadcast %xor3A_676 : i32 to vector<16xi32>
    %xor3A_678 = arith.xori %iota3A_572, %xor3A_677 : vector<16xi32>
    %lt3A_679 = arith.constant 0 : i32
    %lt3A_680 = vector.broadcast %lt3A_679 : i32 to vector<16xi32>
    %lt3A_681 = arith.cmpi slt, %xor3A_678, %lt3A_680 : vector<16xi32>
    %add3A_682 = arith.constant 16 : i32
    %add3A_683 = vector.broadcast %add3A_682 : i32 to vector<16xi32>
    %add3A_684 = arith.addi %xor3A_678, %add3A_683 : vector<16xi32>
    %select_n3A_685 = arith.select %lt3A_681, %add3A_684, %xor3A_678 : vector<16xi1>, vector<16xi32>
    %broadcast_in_dim3A_686 = vector.shape_cast %select_n3A_685 : vector<16xi32> to vector<16x1xi32>
    %gather3A_687 = vector.shape_cast %broadcast_in_dim3A_686 : vector<16x1xi32> to vector<16xi32>
    %gather3A_688 = tpu.dynamic_gather %scan3A_618#2[%gather3A_687] in [0] : vector<16xf32>, vector<16xi32> -> vector<16xf32>
    %add3A_689 = arith.addf %scan3A_618#2, %gather3A_688 : vector<16xf32>
    %xor3A_690 = arith.constant 2 : i32
    %xor3A_691 = vector.broadcast %xor3A_690 : i32 to vector<16xi32>
    %xor3A_692 = arith.xori %iota3A_572, %xor3A_691 : vector<16xi32>
    %lt3A_693 = arith.constant 0 : i32
    %lt3A_694 = vector.broadcast %lt3A_693 : i32 to vector<16xi32>
    %lt3A_695 = arith.cmpi slt, %xor3A_692, %lt3A_694 : vector<16xi32>
    %add3A_696 = arith.constant 16 : i32
    %add3A_697 = vector.broadcast %add3A_696 : i32 to vector<16xi32>
    %add3A_698 = arith.addi %xor3A_692, %add3A_697 : vector<16xi32>
    %select_n3A_699 = arith.select %lt3A_695, %add3A_698, %xor3A_692 : vector<16xi1>, vector<16xi32>
    %broadcast_in_dim3A_700 = vector.shape_cast %select_n3A_699 : vector<16xi32> to vector<16x1xi32>
    %gather3A_701 = vector.shape_cast %broadcast_in_dim3A_700 : vector<16x1xi32> to vector<16xi32>
    %gather3A_702 = tpu.dynamic_gather %add3A_689[%gather3A_701] in [0] : vector<16xf32>, vector<16xi32> -> vector<16xf32>
    %add3A_703 = arith.addf %add3A_689, %gather3A_702 : vector<16xf32>
    %xor3A_704 = arith.constant 4 : i32
    %xor3A_705 = vector.broadcast %xor3A_704 : i32 to vector<16xi32>
    %xor3A_706 = arith.xori %iota3A_572, %xor3A_705 : vector<16xi32>
    %lt3A_707 = arith.constant 0 : i32
    %lt3A_708 = vector.broadcast %lt3A_707 : i32 to vector<16xi32>
    %lt3A_709 = arith.cmpi slt, %xor3A_706, %lt3A_708 : vector<16xi32>
    %add3A_710 = arith.constant 16 : i32
    %add3A_711 = vector.broadcast %add3A_710 : i32 to vector<16xi32>
    %add3A_712 = arith.addi %xor3A_706, %add3A_711 : vector<16xi32>
    %select_n3A_713 = arith.select %lt3A_709, %add3A_712, %xor3A_706 : vector<16xi1>, vector<16xi32>
    %broadcast_in_dim3A_714 = vector.shape_cast %select_n3A_713 : vector<16xi32> to vector<16x1xi32>
    %gather3A_715 = vector.shape_cast %broadcast_in_dim3A_714 : vector<16x1xi32> to vector<16xi32>
    %gather3A_716 = tpu.dynamic_gather %add3A_703[%gather3A_715] in [0] : vector<16xf32>, vector<16xi32> -> vector<16xf32>
    %add3A_717 = arith.addf %add3A_703, %gather3A_716 : vector<16xf32>
    %xor3A_718 = arith.constant 8 : i32
    %xor3A_719 = vector.broadcast %xor3A_718 : i32 to vector<16xi32>
    %xor3A_720 = arith.xori %iota3A_572, %xor3A_719 : vector<16xi32>
    %lt3A_721 = arith.constant 0 : i32
    %lt3A_722 = vector.broadcast %lt3A_721 : i32 to vector<16xi32>
    %lt3A_723 = arith.cmpi slt, %xor3A_720, %lt3A_722 : vector<16xi32>
    %add3A_724 = arith.constant 16 : i32
    %add3A_725 = vector.broadcast %add3A_724 : i32 to vector<16xi32>
    %add3A_726 = arith.addi %xor3A_720, %add3A_725 : vector<16xi32>
    %select_n3A_727 = arith.select %lt3A_723, %add3A_726, %xor3A_720 : vector<16xi1>, vector<16xi32>
    %broadcast_in_dim3A_728 = vector.shape_cast %select_n3A_727 : vector<16xi32> to vector<16x1xi32>
    %gather3A_729 = vector.shape_cast %broadcast_in_dim3A_728 : vector<16x1xi32> to vector<16xi32>
    %gather3A_730 = tpu.dynamic_gather %add3A_717[%gather3A_729] in [0] : vector<16xf32>, vector<16xi32> -> vector<16xf32>
    %add3A_731 = arith.addf %add3A_717, %gather3A_730 : vector<16xf32>
    %xor3A_732 = arith.constant 1 : i32
    %xor3A_733 = vector.broadcast %xor3A_732 : i32 to vector<16xi32>
    %xor3A_734 = arith.xori %iota3A_572, %xor3A_733 : vector<16xi32>
    %lt3A_735 = arith.constant 0 : i32
    %lt3A_736 = vector.broadcast %lt3A_735 : i32 to vector<16xi32>
    %lt3A_737 = arith.cmpi slt, %xor3A_734, %lt3A_736 : vector<16xi32>
    %add3A_738 = arith.constant 16 : i32
    %add3A_739 = vector.broadcast %add3A_738 : i32 to vector<16xi32>
    %add3A_740 = arith.addi %xor3A_734, %add3A_739 : vector<16xi32>
    %select_n3A_741 = arith.select %lt3A_737, %add3A_740, %xor3A_734 : vector<16xi1>, vector<16xi32>
    %broadcast_in_dim3A_742 = vector.shape_cast %select_n3A_741 : vector<16xi32> to vector<16x1xi32>
    %gather3A_743 = vector.shape_cast %broadcast_in_dim3A_742 : vector<16x1xi32> to vector<16xi32>
    %gather3A_744 = tpu.dynamic_gather %scan3A_618#3[%gather3A_743] in [0] : vector<16xf32>, vector<16xi32> -> vector<16xf32>
    %add3A_745 = arith.addf %scan3A_618#3, %gather3A_744 : vector<16xf32>
    %xor3A_746 = arith.constant 2 : i32
    %xor3A_747 = vector.broadcast %xor3A_746 : i32 to vector<16xi32>
    %xor3A_748 = arith.xori %iota3A_572, %xor3A_747 : vector<16xi32>
    %lt3A_749 = arith.constant 0 : i32
    %lt3A_750 = vector.broadcast %lt3A_749 : i32 to vector<16xi32>
    %lt3A_751 = arith.cmpi slt, %xor3A_748, %lt3A_750 : vector<16xi32>
    %add3A_752 = arith.constant 16 : i32
    %add3A_753 = vector.broadcast %add3A_752 : i32 to vector<16xi32>
    %add3A_754 = arith.addi %xor3A_748, %add3A_753 : vector<16xi32>
    %select_n3A_755 = arith.select %lt3A_751, %add3A_754, %xor3A_748 : vector<16xi1>, vector<16xi32>
    %broadcast_in_dim3A_756 = vector.shape_cast %select_n3A_755 : vector<16xi32> to vector<16x1xi32>
    %gather3A_757 = vector.shape_cast %broadcast_in_dim3A_756 : vector<16x1xi32> to vector<16xi32>
    %gather3A_758 = tpu.dynamic_gather %add3A_745[%gather3A_757] in [0] : vector<16xf32>, vector<16xi32> -> vector<16xf32>
    %add3A_759 = arith.addf %add3A_745, %gather3A_758 : vector<16xf32>
    %xor3A_760 = arith.constant 4 : i32
    %xor3A_761 = vector.broadcast %xor3A_760 : i32 to vector<16xi32>
    %xor3A_762 = arith.xori %iota3A_572, %xor3A_761 : vector<16xi32>
    %lt3A_763 = arith.constant 0 : i32
    %lt3A_764 = vector.broadcast %lt3A_763 : i32 to vector<16xi32>
    %lt3A_765 = arith.cmpi slt, %xor3A_762, %lt3A_764 : vector<16xi32>
    %add3A_766 = arith.constant 16 : i32
    %add3A_767 = vector.broadcast %add3A_766 : i32 to vector<16xi32>
    %add3A_768 = arith.addi %xor3A_762, %add3A_767 : vector<16xi32>
    %select_n3A_769 = arith.select %lt3A_765, %add3A_768, %xor3A_762 : vector<16xi1>, vector<16xi32>
    %broadcast_in_dim3A_770 = vector.shape_cast %select_n3A_769 : vector<16xi32> to vector<16x1xi32>
    %gather3A_771 = vector.shape_cast %broadcast_in_dim3A_770 : vector<16x1xi32> to vector<16xi32>
    %gather3A_772 = tpu.dynamic_gather %add3A_759[%gather3A_771] in [0] : vector<16xf32>, vector<16xi32> -> vector<16xf32>
    %add3A_773 = arith.addf %add3A_759, %gather3A_772 : vector<16xf32>
    %xor3A_774 = arith.constant 8 : i32
    %xor3A_775 = vector.broadcast %xor3A_774 : i32 to vector<16xi32>
    %xor3A_776 = arith.xori %iota3A_572, %xor3A_775 : vector<16xi32>
    %lt3A_777 = arith.constant 0 : i32
    %lt3A_778 = vector.broadcast %lt3A_777 : i32 to vector<16xi32>
    %lt3A_779 = arith.cmpi slt, %xor3A_776, %lt3A_778 : vector<16xi32>
    %add3A_780 = arith.constant 16 : i32
    %add3A_781 = vector.broadcast %add3A_780 : i32 to vector<16xi32>
    %add3A_782 = arith.addi %xor3A_776, %add3A_781 : vector<16xi32>
    %select_n3A_783 = arith.select %lt3A_779, %add3A_782, %xor3A_776 : vector<16xi1>, vector<16xi32>
    %broadcast_in_dim3A_784 = vector.shape_cast %select_n3A_783 : vector<16xi32> to vector<16x1xi32>
    %gather3A_785 = vector.shape_cast %broadcast_in_dim3A_784 : vector<16x1xi32> to vector<16xi32>
    %gather3A_786 = tpu.dynamic_gather %add3A_773[%gather3A_785] in [0] : vector<16xf32>, vector<16xi32> -> vector<16xf32>
    %add3A_787 = arith.addf %add3A_773, %gather3A_786 : vector<16xf32>
    %xor3A_788 = arith.constant 1 : i32
    %xor3A_789 = vector.broadcast %xor3A_788 : i32 to vector<16xi32>
    %xor3A_790 = arith.xori %iota3A_572, %xor3A_789 : vector<16xi32>
    %lt3A_791 = arith.constant 0 : i32
    %lt3A_792 = vector.broadcast %lt3A_791 : i32 to vector<16xi32>
    %lt3A_793 = arith.cmpi slt, %xor3A_790, %lt3A_792 : vector<16xi32>
    %add3A_794 = arith.constant 16 : i32
    %add3A_795 = vector.broadcast %add3A_794 : i32 to vector<16xi32>
    %add3A_796 = arith.addi %xor3A_790, %add3A_795 : vector<16xi32>
    %select_n3A_797 = arith.select %lt3A_793, %add3A_796, %xor3A_790 : vector<16xi1>, vector<16xi32>
    %broadcast_in_dim3A_798 = vector.shape_cast %select_n3A_797 : vector<16xi32> to vector<16x1xi32>
    %gather3A_799 = vector.shape_cast %broadcast_in_dim3A_798 : vector<16x1xi32> to vector<16xi32>
    %gather3A_800 = tpu.dynamic_gather %scan3A_618#4[%gather3A_799] in [0] : vector<16xf32>, vector<16xi32> -> vector<16xf32>
    %add3A_801 = arith.addf %scan3A_618#4, %gather3A_800 : vector<16xf32>
    %xor3A_802 = arith.constant 2 : i32
    %xor3A_803 = vector.broadcast %xor3A_802 : i32 to vector<16xi32>
    %xor3A_804 = arith.xori %iota3A_572, %xor3A_803 : vector<16xi32>
    %lt3A_805 = arith.constant 0 : i32
    %lt3A_806 = vector.broadcast %lt3A_805 : i32 to vector<16xi32>
    %lt3A_807 = arith.cmpi slt, %xor3A_804, %lt3A_806 : vector<16xi32>
    %add3A_808 = arith.constant 16 : i32
    %add3A_809 = vector.broadcast %add3A_808 : i32 to vector<16xi32>
    %add3A_810 = arith.addi %xor3A_804, %add3A_809 : vector<16xi32>
    %select_n3A_811 = arith.select %lt3A_807, %add3A_810, %xor3A_804 : vector<16xi1>, vector<16xi32>
    %broadcast_in_dim3A_812 = vector.shape_cast %select_n3A_811 : vector<16xi32> to vector<16x1xi32>
    %gather3A_813 = vector.shape_cast %broadcast_in_dim3A_812 : vector<16x1xi32> to vector<16xi32>
    %gather3A_814 = tpu.dynamic_gather %add3A_801[%gather3A_813] in [0] : vector<16xf32>, vector<16xi32> -> vector<16xf32>
    %add3A_815 = arith.addf %add3A_801, %gather3A_814 : vector<16xf32>
    %xor3A_816 = arith.constant 4 : i32
    %xor3A_817 = vector.broadcast %xor3A_816 : i32 to vector<16xi32>
    %xor3A_818 = arith.xori %iota3A_572, %xor3A_817 : vector<16xi32>
    %lt3A_819 = arith.constant 0 : i32
    %lt3A_820 = vector.broadcast %lt3A_819 : i32 to vector<16xi32>
    %lt3A_821 = arith.cmpi slt, %xor3A_818, %lt3A_820 : vector<16xi32>
    %add3A_822 = arith.constant 16 : i32
    %add3A_823 = vector.broadcast %add3A_822 : i32 to vector<16xi32>
    %add3A_824 = arith.addi %xor3A_818, %add3A_823 : vector<16xi32>
    %select_n3A_825 = arith.select %lt3A_821, %add3A_824, %xor3A_818 : vector<16xi1>, vector<16xi32>
    %broadcast_in_dim3A_826 = vector.shape_cast %select_n3A_825 : vector<16xi32> to vector<16x1xi32>
    %gather3A_827 = vector.shape_cast %broadcast_in_dim3A_826 : vector<16x1xi32> to vector<16xi32>
    %gather3A_828 = tpu.dynamic_gather %add3A_815[%gather3A_827] in [0] : vector<16xf32>, vector<16xi32> -> vector<16xf32>
    %add3A_829 = arith.addf %add3A_815, %gather3A_828 : vector<16xf32>
    %xor3A_830 = arith.constant 8 : i32
    %xor3A_831 = vector.broadcast %xor3A_830 : i32 to vector<16xi32>
    %xor3A_832 = arith.xori %iota3A_572, %xor3A_831 : vector<16xi32>
    %lt3A_833 = arith.constant 0 : i32
    %lt3A_834 = vector.broadcast %lt3A_833 : i32 to vector<16xi32>
    %lt3A_835 = arith.cmpi slt, %xor3A_832, %lt3A_834 : vector<16xi32>
    %add3A_836 = arith.constant 16 : i32
    %add3A_837 = vector.broadcast %add3A_836 : i32 to vector<16xi32>
    %add3A_838 = arith.addi %xor3A_832, %add3A_837 : vector<16xi32>
    %select_n3A_839 = arith.select %lt3A_835, %add3A_838, %xor3A_832 : vector<16xi1>, vector<16xi32>
    %broadcast_in_dim3A_840 = vector.shape_cast %select_n3A_839 : vector<16xi32> to vector<16x1xi32>
    %gather3A_841 = vector.shape_cast %broadcast_in_dim3A_840 : vector<16x1xi32> to vector<16xi32>
    %gather3A_842 = tpu.dynamic_gather %add3A_829[%gather3A_841] in [0] : vector<16xf32>, vector<16xi32> -> vector<16xf32>
    %add3A_843 = arith.addf %add3A_829, %gather3A_842 : vector<16xf32>
    %xor3A_844 = arith.constant 1 : i32
    %xor3A_845 = vector.broadcast %xor3A_844 : i32 to vector<16xi32>
    %xor3A_846 = arith.xori %iota3A_572, %xor3A_845 : vector<16xi32>
    %lt3A_847 = arith.constant 0 : i32
    %lt3A_848 = vector.broadcast %lt3A_847 : i32 to vector<16xi32>
    %lt3A_849 = arith.cmpi slt, %xor3A_846, %lt3A_848 : vector<16xi32>
    %add3A_850 = arith.constant 16 : i32
    %add3A_851 = vector.broadcast %add3A_850 : i32 to vector<16xi32>
    %add3A_852 = arith.addi %xor3A_846, %add3A_851 : vector<16xi32>
    %select_n3A_853 = arith.select %lt3A_849, %add3A_852, %xor3A_846 : vector<16xi1>, vector<16xi32>
    %broadcast_in_dim3A_854 = vector.shape_cast %select_n3A_853 : vector<16xi32> to vector<16x1xi32>
    %gather3A_855 = vector.shape_cast %broadcast_in_dim3A_854 : vector<16x1xi32> to vector<16xi32>
    %gather3A_856 = tpu.dynamic_gather %scan3A_618#5[%gather3A_855] in [0] : vector<16xf32>, vector<16xi32> -> vector<16xf32>
    %add3A_857 = arith.addf %scan3A_618#5, %gather3A_856 : vector<16xf32>
    %xor3A_858 = arith.constant 2 : i32
    %xor3A_859 = vector.broadcast %xor3A_858 : i32 to vector<16xi32>
    %xor3A_860 = arith.xori %iota3A_572, %xor3A_859 : vector<16xi32>
    %lt3A_861 = arith.constant 0 : i32
    %lt3A_862 = vector.broadcast %lt3A_861 : i32 to vector<16xi32>
    %lt3A_863 = arith.cmpi slt, %xor3A_860, %lt3A_862 : vector<16xi32>
    %add3A_864 = arith.constant 16 : i32
    %add3A_865 = vector.broadcast %add3A_864 : i32 to vector<16xi32>
    %add3A_866 = arith.addi %xor3A_860, %add3A_865 : vector<16xi32>
    %select_n3A_867 = arith.select %lt3A_863, %add3A_866, %xor3A_860 : vector<16xi1>, vector<16xi32>
    %broadcast_in_dim3A_868 = vector.shape_cast %select_n3A_867 : vector<16xi32> to vector<16x1xi32>
    %gather3A_869 = vector.shape_cast %broadcast_in_dim3A_868 : vector<16x1xi32> to vector<16xi32>
    %gather3A_870 = tpu.dynamic_gather %add3A_857[%gather3A_869] in [0] : vector<16xf32>, vector<16xi32> -> vector<16xf32>
    %add3A_871 = arith.addf %add3A_857, %gather3A_870 : vector<16xf32>
    %xor3A_872 = arith.constant 4 : i32
    %xor3A_873 = vector.broadcast %xor3A_872 : i32 to vector<16xi32>
    %xor3A_874 = arith.xori %iota3A_572, %xor3A_873 : vector<16xi32>
    %lt3A_875 = arith.constant 0 : i32
    %lt3A_876 = vector.broadcast %lt3A_875 : i32 to vector<16xi32>
    %lt3A_877 = arith.cmpi slt, %xor3A_874, %lt3A_876 : vector<16xi32>
    %add3A_878 = arith.constant 16 : i32
    %add3A_879 = vector.broadcast %add3A_878 : i32 to vector<16xi32>
    %add3A_880 = arith.addi %xor3A_874, %add3A_879 : vector<16xi32>
    %select_n3A_881 = arith.select %lt3A_877, %add3A_880, %xor3A_874 : vector<16xi1>, vector<16xi32>
    %broadcast_in_dim3A_882 = vector.shape_cast %select_n3A_881 : vector<16xi32> to vector<16x1xi32>
    %gather3A_883 = vector.shape_cast %broadcast_in_dim3A_882 : vector<16x1xi32> to vector<16xi32>
    %gather3A_884 = tpu.dynamic_gather %add3A_871[%gather3A_883] in [0] : vector<16xf32>, vector<16xi32> -> vector<16xf32>
    %add3A_885 = arith.addf %add3A_871, %gather3A_884 : vector<16xf32>
    %xor3A_886 = arith.constant 8 : i32
    %xor3A_887 = vector.broadcast %xor3A_886 : i32 to vector<16xi32>
    %xor3A_888 = arith.xori %iota3A_572, %xor3A_887 : vector<16xi32>
    %lt3A_889 = arith.constant 0 : i32
    %lt3A_890 = vector.broadcast %lt3A_889 : i32 to vector<16xi32>
    %lt3A_891 = arith.cmpi slt, %xor3A_888, %lt3A_890 : vector<16xi32>
    %add3A_892 = arith.constant 16 : i32
    %add3A_893 = vector.broadcast %add3A_892 : i32 to vector<16xi32>
    %add3A_894 = arith.addi %xor3A_888, %add3A_893 : vector<16xi32>
    %select_n3A_895 = arith.select %lt3A_891, %add3A_894, %xor3A_888 : vector<16xi1>, vector<16xi32>
    %broadcast_in_dim3A_896 = vector.shape_cast %select_n3A_895 : vector<16xi32> to vector<16x1xi32>
    %gather3A_897 = vector.shape_cast %broadcast_in_dim3A_896 : vector<16x1xi32> to vector<16xi32>
    %gather3A_898 = tpu.dynamic_gather %add3A_885[%gather3A_897] in [0] : vector<16xf32>, vector<16xi32> -> vector<16xf32>
    %add3A_899 = arith.addf %add3A_885, %gather3A_898 : vector<16xf32>
    %neg3A_900 = arith.constant 0.000000e+00 : f32
    %neg3A_901 = vector.broadcast %neg3A_900 : f32 to vector<16xf32>
    %neg3A_902 = arith.subf %neg3A_901, %add3A_675 : vector<16xf32>
    %exp3A_903 = math.exp %neg3A_902 : vector<16xf32>
    %add3A_904 = arith.constant 1.000000e+00 : f32
    %add3A_905 = vector.broadcast %add3A_904 : f32 to vector<16xf32>
    %add3A_906 = arith.addf %add3A_905, %exp3A_903 : vector<16xf32>
    %div3A_907 = arith.constant 1.000000e+00 : f32
    %div3A_908 = vector.broadcast %div3A_907 : f32 to vector<16xf32>
    %div3A_909 = arith.divf %div3A_908, %add3A_906 : vector<16xf32>
    %neg3A_910 = arith.constant 0.000000e+00 : f32
    %neg3A_911 = vector.broadcast %neg3A_910 : f32 to vector<16xf32>
    %neg3A_912 = arith.subf %neg3A_911, %add3A_731 : vector<16xf32>
    %exp3A_913 = math.exp %neg3A_912 : vector<16xf32>
    %add3A_914 = arith.constant 1.000000e+00 : f32
    %add3A_915 = vector.broadcast %add3A_914 : f32 to vector<16xf32>
    %add3A_916 = arith.addf %add3A_915, %exp3A_913 : vector<16xf32>
    %div3A_917 = arith.constant 1.000000e+00 : f32
    %div3A_918 = vector.broadcast %div3A_917 : f32 to vector<16xf32>
    %div3A_919 = arith.divf %div3A_918, %add3A_916 : vector<16xf32>
    %neg3A_920 = arith.constant 0.000000e+00 : f32
    %neg3A_921 = vector.broadcast %neg3A_920 : f32 to vector<16xf32>
    %neg3A_922 = arith.subf %neg3A_921, %add3A_899 : vector<16xf32>
    %exp3A_923 = math.exp %neg3A_922 : vector<16xf32>
    %add3A_924 = arith.constant 1.000000e+00 : f32
    %add3A_925 = vector.broadcast %add3A_924 : f32 to vector<16xf32>
    %add3A_926 = arith.addf %add3A_925, %exp3A_923 : vector<16xf32>
    %div3A_927 = arith.constant 1.000000e+00 : f32
    %div3A_928 = vector.broadcast %div3A_927 : f32 to vector<16xf32>
    %div3A_929 = arith.divf %div3A_928, %add3A_926 : vector<16xf32>
    %exp3A_930 = math.exp %add3A_787 : vector<16xf32>
    %mul3A_931 = arith.mulf %exp3A_930, %get3A_543 : vector<16xf32>
    %exp3A_932 = math.exp %add3A_843 : vector<16xf32>
    %mul3A_933 = arith.mulf %exp3A_932, %get3A_546 : vector<16xf32>
    %add3A_934 = arith.addf %div3A_909, %get3A_525 : vector<16xf32>
    %add3A_935 = arith.addf %div3A_919, %get3A_528 : vector<16xf32>
    %mul3A_936 = arith.constant 5.000000e-01 : f32
    %mul3A_937 = vector.broadcast %mul3A_936 : f32 to vector<16xf32>
    %mul3A_938 = arith.mulf %mul3A_937, %mul3A_931 : vector<16xf32>
    %add3A_939 = arith.addf %add3A_934, %mul3A_938 : vector<16xf32>
    %max3A_940 = arith.maximumf %add3A_563, %add3A_939 : vector<16xf32>
    %mul3A_941 = arith.constant 5.000000e-01 : f32
    %mul3A_942 = vector.broadcast %mul3A_941 : f32 to vector<16xf32>
    %mul3A_943 = arith.mulf %mul3A_942, %mul3A_931 : vector<16xf32>
    %sub3A_944 = arith.subf %add3A_934, %mul3A_943 : vector<16xf32>
    %min3A_945 = arith.minimumf %sub3A_559, %sub3A_944 : vector<16xf32>
    %sub3A_946 = arith.subf %max3A_940, %min3A_945 : vector<16xf32>
    %mul3A_947 = arith.constant 5.000000e-01 : f32
    %mul3A_948 = vector.broadcast %mul3A_947 : f32 to vector<16xf32>
    %mul3A_949 = arith.mulf %mul3A_948, %mul3A_933 : vector<16xf32>
    %add3A_950 = arith.addf %add3A_935, %mul3A_949 : vector<16xf32>
    %max3A_951 = arith.maximumf %add3A_571, %add3A_950 : vector<16xf32>
    %mul3A_952 = arith.constant 5.000000e-01 : f32
    %mul3A_953 = vector.broadcast %mul3A_952 : f32 to vector<16xf32>
    %mul3A_954 = arith.mulf %mul3A_953, %mul3A_933 : vector<16xf32>
    %sub3A_955 = arith.subf %add3A_935, %mul3A_954 : vector<16xf32>
    %min3A_956 = arith.minimumf %sub3A_567, %sub3A_955 : vector<16xf32>
    %sub3A_957 = arith.subf %max3A_951, %min3A_956 : vector<16xf32>
    %add3A_958 = arith.addf %get3A_519, %mul3A_931 : vector<16xf32>
    %sub3A_959 = arith.subf %add3A_958, %sub3A_946 : vector<16xf32>
    %add3A_960 = arith.addf %get3A_522, %mul3A_933 : vector<16xf32>
    %sub3A_961 = arith.subf %add3A_960, %sub3A_957 : vector<16xf32>
    %mul3A_962 = arith.mulf %sub3A_959, %sub3A_961 : vector<16xf32>
    %mul3A_963 = arith.mulf %mul3A_931, %mul3A_933 : vector<16xf32>
    %add3A_964 = arith.addf %get3A_555, %mul3A_963 : vector<16xf32>
    %sub3A_965 = arith.subf %add3A_964, %mul3A_962 : vector<16xf32>
    %gt3A_966 = arith.constant 0.000000e+00 : f32
    %gt3A_967 = vector.broadcast %gt3A_966 : f32 to vector<16xf32>
    %gt3A_968 = arith.cmpf ogt, %sub3A_959, %gt3A_967 : vector<16xf32>
    %gt3A_969 = arith.constant 0.000000e+00 : f32
    %gt3A_970 = vector.broadcast %gt3A_969 : f32 to vector<16xf32>
    %gt3A_971 = arith.cmpf ogt, %sub3A_961, %gt3A_970 : vector<16xf32>
    %and3A_972 = arith.andi %gt3A_968, %gt3A_971 : vector<16xi1>
    %div3A_973 = arith.divf %mul3A_962, %sub3A_965 : vector<16xf32>
    %jit3A_974 = arith.constant 0.000000e+00 : f32
    %broadcast_in_dim3A_975 = vector.broadcast %jit3A_974 : f32 to vector<16xf32>
    %select_n3A_976 = arith.select %and3A_972, %div3A_973, %broadcast_in_dim3A_975 : vector<16xi1>, vector<16xf32>
    %sub3A_977 = arith.subf %div3A_909, %get3A_531 : vector<16xf32>
    %mul3A_978 = arith.mulf %sub3A_977, %sub3A_977 : vector<16xf32>
    %sub3A_979 = arith.constant 5.000000e-01 : f32
    %sub3A_980 = vector.broadcast %sub3A_979 : f32 to vector<16xf32>
    %sub3A_981 = arith.subf %div3A_909, %sub3A_980 : vector<16xf32>
    %mul3A_982 = arith.mulf %sub3A_981, %sub3A_981 : vector<16xf32>
    %sub3A_983 = arith.subf %mul3A_978, %mul3A_982 : vector<16xf32>
    %sub3A_984 = arith.subf %div3A_919, %get3A_534 : vector<16xf32>
    %mul3A_985 = arith.mulf %sub3A_984, %sub3A_984 : vector<16xf32>
    %add3A_986 = arith.addf %sub3A_983, %mul3A_985 : vector<16xf32>
    %sub3A_987 = arith.constant 5.000000e-01 : f32
    %sub3A_988 = vector.broadcast %sub3A_987 : f32 to vector<16xf32>
    %sub3A_989 = arith.subf %div3A_919, %sub3A_988 : vector<16xf32>
    %mul3A_990 = arith.mulf %sub3A_989, %sub3A_989 : vector<16xf32>
    %sub3A_991 = arith.subf %add3A_986, %mul3A_990 : vector<16xf32>
    %sub3A_992 = arith.subf %add3A_787, %get3A_537 : vector<16xf32>
    %mul3A_993 = arith.mulf %sub3A_992, %sub3A_992 : vector<16xf32>
    %add3A_994 = arith.addf %sub3A_991, %mul3A_993 : vector<16xf32>
    %mul3A_995 = arith.mulf %add3A_787, %add3A_787 : vector<16xf32>
    %sub3A_996 = arith.subf %add3A_994, %mul3A_995 : vector<16xf32>
    %sub3A_997 = arith.subf %add3A_843, %get3A_540 : vector<16xf32>
    %mul3A_998 = arith.mulf %sub3A_997, %sub3A_997 : vector<16xf32>
    %add3A_999 = arith.addf %sub3A_996, %mul3A_998 : vector<16xf32>
    %mul3A_1000 = arith.mulf %add3A_843, %add3A_843 : vector<16xf32>
    %sub3A_1001 = arith.subf %add3A_999, %mul3A_1000 : vector<16xf32>
    %sub3A_1002 = arith.subf %div3A_929, %select_n3A_976 : vector<16xf32>
    %mul3A_1003 = arith.constant 5.000000e+00 : f32
    %mul3A_1004 = vector.broadcast %mul3A_1003 : f32 to vector<16xf32>
    %mul3A_1005 = arith.mulf %mul3A_1004, %sub3A_1002 : vector<16xf32>
    %mul3A_1006 = arith.mulf %mul3A_1005, %sub3A_1002 : vector<16xf32>
    %gt3A_1007 = arith.constant 6.000000e-01 : f32
    %gt3A_1008 = vector.broadcast %gt3A_1007 : f32 to vector<16xf32>
    %gt3A_1009 = arith.cmpf ogt, %select_n3A_976, %gt3A_1008 : vector<16xf32>
    %mul3A_1010 = arith.mulf %div3A_929, %div3A_929 : vector<16xf32>
    %jit3A_1011 = arith.constant 0.000000e+00 : f32
    %broadcast_in_dim3A_1012 = vector.broadcast %jit3A_1011 : f32 to vector<16xf32>
    %select_n3A_1013 = arith.select %gt3A_1009, %broadcast_in_dim3A_1012, %mul3A_1010 : vector<16xi1>, vector<16xf32>
    %sub3A_1014 = arith.subf %mul3A_1006, %select_n3A_1013 : vector<16xf32>
    %add3A_1015 = arith.addf %sub3A_1001, %sub3A_1014 : vector<16xf32>
    %mul3A_1016 = arith.constant 6.250000e-02 : f32
    %mul3A_1017 = vector.broadcast %mul3A_1016 : f32 to vector<16xf32>
    %mul3A_1018 = arith.mulf %add3A_1015, %mul3A_1017 : vector<16xf32>
    %add3A_1019 = arith.addf %scan3A_618#0, %mul3A_1018 : vector<16xf32>
    %add3A_1020 = arith.addf %add3A_502, %add3A_1019 : vector<16xf32>
    %swap3A = arith.constant 0 : index
    %swap3A_1021 = tpu.vector_load %arg7[%swap3A] {strides = array<i32>} : memref<16xf32, #tpu.memory_space<vmem>>, vector<16xf32>,
    %swap3A_1022 = vector.shape_cast %swap3A_1021 : vector<16xf32> to vector<16xf32>
    %swap3A_1023 = vector.shape_cast %add3A_1020 : vector<16xf32> to vector<16xf32>
    tpu.vector_store %arg7[%swap3A], %swap3A_1023 {strides = array<i32>} : memref<16xf32, #tpu.memory_space<vmem>>, vector<16xf32>,
    %mul3A_1024 = arith.constant 16 : i32
    %mul3A_1025 = arith.muli %add3A, %mul3A_1024 : i32
    "tpu.region"() ({
      %run_scoped3A = tpu.sem_alloc : memref<!tpu.dma_semaphore, #tpu.memory_space<semaphore_mem>>
      %dma_start3A = tpu.memref_slice %arg4[%mul3A_1025] : memref<1024xf32, #tpu.memory_space<hbm>> -> memref<16xf32, #tpu.memory_space<hbm>>
      %dma_start3A_1026 = tpu.memref_slice %arg4[%mul3A_1025] : memref<1024xf32, #tpu.memory_space<hbm>> -> memref<16xf32, #tpu.memory_space<hbm>>
      tpu.enqueue_dma source(%arg7 : memref<16xf32, #tpu.memory_space<vmem>>) target(%dma_start3A_1026 : memref<16xf32, #tpu.memory_space<hbm>>) target_semaphore(%run_scoped3A : memref<!tpu.dma_semaphore, #tpu.memory_space<semaphore_mem>>)
      %dma_wait3A = tpu.memref_slice %arg4[%mul3A_1025] : memref<1024xf32, #tpu.memory_space<hbm>> -> memref<16xf32, #tpu.memory_space<hbm>>
      %dma_wait3A_1027 = tpu.memref_slice %arg4[%mul3A_1025] : memref<1024xf32, #tpu.memory_space<hbm>> -> memref<16xf32, #tpu.memory_space<hbm>>
      tpu.wait_dma2 semaphore(%run_scoped3A : memref<!tpu.dma_semaphore, #tpu.memory_space<semaphore_mem>>) src(%arg7 : memref<16xf32, #tpu.memory_space<vmem>>) dst(%dma_wait3A_1027 : memref<16xf32, #tpu.memory_space<hbm>>)
      tpu.yield
    }) : () -> ()
    return
  }
}

module attributes {stable_mosaic.version = 14 : i64} {
  func.func @_prep_kernel(%arg0: memref<128x4xf32, #tpu.memory_space<vmem>>, %arg1: memref<128x16xf32, #tpu.memory_space<vmem>>) attributes {dimension_semantics = [], scalar_prefetch = 0 : i64, scratch_operands = 0 : i64, tpu.core_type = #tpu.core_type<tc>} {
    %get3A = arith.constant 0 : index
    %get3A_0 = arith.constant 0 : index
    %get3A_1 = vector.load %arg0[%get3A, %get3A_0] : memref<128x4xf32, #tpu.memory_space<vmem>>, vector<128x4xf32>
    %slice3A = vector.extract_strided_slice %get3A_1 {offsets = [0, 0], sizes = [128, 1], strides = [1, 1]} : vector<128x4xf32> to vector<128x1xf32>
    %mul3A = arith.constant 5.200000e+01 : f32
    %mul3A_2 = vector.broadcast %mul3A : f32 to vector<128x1xf32>
    %mul3A_3 = arith.mulf %slice3A, %mul3A_2 : vector<128x1xf32>
    %slice3A_4 = vector.extract_strided_slice %get3A_1 {offsets = [0, 1], sizes = [128, 1], strides = [1, 1]} : vector<128x4xf32> to vector<128x1xf32>
    %mul3A_5 = arith.constant 5.200000e+01 : f32
    %mul3A_6 = vector.broadcast %mul3A_5 : f32 to vector<128x1xf32>
    %mul3A_7 = arith.mulf %slice3A_4, %mul3A_6 : vector<128x1xf32>
    %slice3A_8 = vector.extract_strided_slice %get3A_1 {offsets = [0, 2], sizes = [128, 1], strides = [1, 1]} : vector<128x4xf32> to vector<128x1xf32>
    %mul3A_9 = arith.constant 5.200000e+01 : f32
    %mul3A_10 = vector.broadcast %mul3A_9 : f32 to vector<128x1xf32>
    %mul3A_11 = arith.mulf %slice3A_8, %mul3A_10 : vector<128x1xf32>
    %slice3A_12 = vector.extract_strided_slice %get3A_1 {offsets = [0, 3], sizes = [128, 1], strides = [1, 1]} : vector<128x4xf32> to vector<128x1xf32>
    %mul3A_13 = arith.constant 5.200000e+01 : f32
    %mul3A_14 = vector.broadcast %mul3A_13 : f32 to vector<128x1xf32>
    %mul3A_15 = arith.mulf %slice3A_12, %mul3A_14 : vector<128x1xf32>
    %floor3A = math.floor %mul3A_3 : vector<128x1xf32>
    %floor3A_16 = math.floor %mul3A_7 : vector<128x1xf32>
    %mul3A_17 = arith.mulf %mul3A_11, %mul3A_15 : vector<128x1xf32>
    %broadcast_in_dim3A = arith.constant -1.000000e+00 : f32
    %broadcast_in_dim3A_18 = vector.broadcast %broadcast_in_dim3A : f32 to vector<128x1xf32>
    %broadcast_in_dim3A_19 = arith.constant 0.000000e+00 : f32
    %broadcast_in_dim3A_20 = vector.broadcast %broadcast_in_dim3A_19 : f32 to vector<128x1xf32>
    %broadcast_in_dim3A_21 = arith.constant 0.000000e+00 : f32
    %broadcast_in_dim3A_22 = vector.broadcast %broadcast_in_dim3A_21 : f32 to vector<128x1xf32>
    %broadcast_in_dim3A_23 = arith.constant 0.000000e+00 : f32
    %broadcast_in_dim3A_24 = vector.broadcast %broadcast_in_dim3A_23 : f32 to vector<128x1xf32>
    %min3A = arith.constant 1.322100e+00 : f32
    %min3A_25 = vector.broadcast %min3A : f32 to vector<128x1xf32>
    %min3A_26 = arith.minimumf %mul3A_11, %min3A_25 : vector<128x1xf32>
    %min3A_27 = arith.constant 1.731450e+00 : f32
    %min3A_28 = vector.broadcast %min3A_27 : f32 to vector<128x1xf32>
    %min3A_29 = arith.minimumf %mul3A_15, %min3A_28 : vector<128x1xf32>
    %mul3A_30 = arith.mulf %min3A_26, %min3A_29 : vector<128x1xf32>
    %add3A = arith.constant 2.289150e+00 : f32
    %add3A_31 = vector.broadcast %add3A : f32 to vector<128x1xf32>
    %add3A_32 = arith.addf %mul3A_17, %add3A_31 : vector<128x1xf32>
    %sub3A = arith.subf %add3A_32, %mul3A_30 : vector<128x1xf32>
    %div3A = arith.divf %mul3A_30, %sub3A : vector<128x1xf32>
    %gt3A = arith.cmpf ogt, %div3A, %broadcast_in_dim3A_18 : vector<128x1xf32>
    %jit3A = arith.constant 0.000000e+00 : f32
    %broadcast_in_dim3A_33 = vector.broadcast %jit3A : f32 to vector<128x1xf32>
    %select_n3A = arith.select %gt3A, %broadcast_in_dim3A_33, %broadcast_in_dim3A_20 : vector<128x1xi1>, vector<128x1xf32>
    %jit3A_34 = arith.constant 1.322100e+00 : f32
    %broadcast_in_dim3A_35 = vector.broadcast %jit3A_34 : f32 to vector<128x1xf32>
    %select_n3A_36 = arith.select %gt3A, %broadcast_in_dim3A_35, %broadcast_in_dim3A_22 : vector<128x1xi1>, vector<128x1xf32>
    %jit3A_37 = arith.constant 1.731450e+00 : f32
    %broadcast_in_dim3A_38 = vector.broadcast %jit3A_37 : f32 to vector<128x1xf32>
    %select_n3A_39 = arith.select %gt3A, %broadcast_in_dim3A_38, %broadcast_in_dim3A_24 : vector<128x1xi1>, vector<128x1xf32>
    %select_n3A_40 = arith.select %gt3A, %div3A, %broadcast_in_dim3A_18 : vector<128x1xi1>, vector<128x1xf32>
    %min3A_41 = arith.constant 3.192750e+00 : f32
    %min3A_42 = vector.broadcast %min3A_41 : f32 to vector<128x1xf32>
    %min3A_43 = arith.minimumf %mul3A_11, %min3A_42 : vector<128x1xf32>
    %min3A_44 = arith.constant 4.009440e+00 : f32
    %min3A_45 = vector.broadcast %min3A_44 : f32 to vector<128x1xf32>
    %min3A_46 = arith.minimumf %mul3A_15, %min3A_45 : vector<128x1xf32>
    %mul3A_47 = arith.mulf %min3A_43, %min3A_46 : vector<128x1xf32>
    %add3A_48 = arith.constant 12.8011398 : f32
    %add3A_49 = vector.broadcast %add3A_48 : f32 to vector<128x1xf32>
    %add3A_50 = arith.addf %mul3A_17, %add3A_49 : vector<128x1xf32>
    %sub3A_51 = arith.subf %add3A_50, %mul3A_47 : vector<128x1xf32>
    %div3A_52 = arith.divf %mul3A_47, %sub3A_51 : vector<128x1xf32>
    %gt3A_53 = arith.cmpf ogt, %div3A_52, %select_n3A_40 : vector<128x1xf32>
    %jit3A_54 = arith.constant 1.000000e+00 : f32
    %broadcast_in_dim3A_55 = vector.broadcast %jit3A_54 : f32 to vector<128x1xf32>
    %select_n3A_56 = arith.select %gt3A_53, %broadcast_in_dim3A_55, %select_n3A : vector<128x1xi1>, vector<128x1xf32>
    %jit3A_57 = arith.constant 3.192750e+00 : f32
    %broadcast_in_dim3A_58 = vector.broadcast %jit3A_57 : f32 to vector<128x1xf32>
    %select_n3A_59 = arith.select %gt3A_53, %broadcast_in_dim3A_58, %select_n3A_36 : vector<128x1xi1>, vector<128x1xf32>
    %jit3A_60 = arith.constant 4.009440e+00 : f32
    %broadcast_in_dim3A_61 = vector.broadcast %jit3A_60 : f32 to vector<128x1xf32>
    %select_n3A_62 = arith.select %gt3A_53, %broadcast_in_dim3A_61, %select_n3A_39 : vector<128x1xi1>, vector<128x1xf32>
    %select_n3A_63 = arith.select %gt3A_53, %div3A_52, %select_n3A_40 : vector<128x1xi1>, vector<128x1xf32>
    %min3A_64 = arith.constant 5.055870e+00 : f32
    %min3A_65 = vector.broadcast %min3A_64 : f32 to vector<128x1xf32>
    %min3A_66 = arith.minimumf %mul3A_11, %min3A_65 : vector<128x1xf32>
    %min3A_67 = arith.constant 8.09891986 : f32
    %min3A_68 = vector.broadcast %min3A_67 : f32 to vector<128x1xf32>
    %min3A_69 = arith.minimumf %mul3A_15, %min3A_68 : vector<128x1xf32>
    %mul3A_70 = arith.mulf %min3A_66, %min3A_69 : vector<128x1xf32>
    %add3A_71 = arith.constant 40.9470863 : f32
    %add3A_72 = vector.broadcast %add3A_71 : f32 to vector<128x1xf32>
    %add3A_73 = arith.addf %mul3A_17, %add3A_72 : vector<128x1xf32>
    %sub3A_74 = arith.subf %add3A_73, %mul3A_70 : vector<128x1xf32>
    %div3A_75 = arith.divf %mul3A_70, %sub3A_74 : vector<128x1xf32>
    %gt3A_76 = arith.cmpf ogt, %div3A_75, %select_n3A_63 : vector<128x1xf32>
    %jit3A_77 = arith.constant 2.000000e+00 : f32
    %broadcast_in_dim3A_78 = vector.broadcast %jit3A_77 : f32 to vector<128x1xf32>
    %select_n3A_79 = arith.select %gt3A_76, %broadcast_in_dim3A_78, %select_n3A_56 : vector<128x1xi1>, vector<128x1xf32>
    %jit3A_80 = arith.constant 5.055870e+00 : f32
    %broadcast_in_dim3A_81 = vector.broadcast %jit3A_80 : f32 to vector<128x1xf32>
    %select_n3A_82 = arith.select %gt3A_76, %broadcast_in_dim3A_81, %select_n3A_59 : vector<128x1xi1>, vector<128x1xf32>
    %jit3A_83 = arith.constant 8.09891986 : f32
    %broadcast_in_dim3A_84 = vector.broadcast %jit3A_83 : f32 to vector<128x1xf32>
    %select_n3A_85 = arith.select %gt3A_76, %broadcast_in_dim3A_84, %select_n3A_62 : vector<128x1xi1>, vector<128x1xf32>
    %select_n3A_86 = arith.select %gt3A_76, %div3A_75, %select_n3A_63 : vector<128x1xi1>, vector<128x1xf32>
    %min3A_87 = arith.constant 9.47111988 : f32
    %min3A_88 = vector.broadcast %min3A_87 : f32 to vector<128x1xf32>
    %min3A_89 = arith.minimumf %mul3A_11, %min3A_88 : vector<128x1xf32>
    %min3A_90 = arith.constant 4.840530e+00 : f32
    %min3A_91 = vector.broadcast %min3A_90 : f32 to vector<128x1xf32>
    %min3A_92 = arith.minimumf %mul3A_15, %min3A_91 : vector<128x1xf32>
    %mul3A_93 = arith.mulf %min3A_89, %min3A_92 : vector<128x1xf32>
    %add3A_94 = arith.constant 45.8452415 : f32
    %add3A_95 = vector.broadcast %add3A_94 : f32 to vector<128x1xf32>
    %add3A_96 = arith.addf %mul3A_17, %add3A_95 : vector<128x1xf32>
    %sub3A_97 = arith.subf %add3A_96, %mul3A_93 : vector<128x1xf32>
    %div3A_98 = arith.divf %mul3A_93, %sub3A_97 : vector<128x1xf32>
    %gt3A_99 = arith.cmpf ogt, %div3A_98, %select_n3A_86 : vector<128x1xf32>
    %jit3A_100 = arith.constant 3.000000e+00 : f32
    %broadcast_in_dim3A_101 = vector.broadcast %jit3A_100 : f32 to vector<128x1xf32>
    %select_n3A_102 = arith.select %gt3A_99, %broadcast_in_dim3A_101, %select_n3A_79 : vector<128x1xi1>, vector<128x1xf32>
    %jit3A_103 = arith.constant 9.47111988 : f32
    %broadcast_in_dim3A_104 = vector.broadcast %jit3A_103 : f32 to vector<128x1xf32>
    %select_n3A_105 = arith.select %gt3A_99, %broadcast_in_dim3A_104, %select_n3A_82 : vector<128x1xi1>, vector<128x1xf32>
    %jit3A_106 = arith.constant 4.840530e+00 : f32
    %broadcast_in_dim3A_107 = vector.broadcast %jit3A_106 : f32 to vector<128x1xf32>
    %select_n3A_108 = arith.select %gt3A_99, %broadcast_in_dim3A_107, %select_n3A_85 : vector<128x1xi1>, vector<128x1xf32>
    %select_n3A_109 = arith.select %gt3A_99, %div3A_98, %select_n3A_86 : vector<128x1xi1>, vector<128x1xf32>
    %min3A_110 = arith.constant 1.123640e+01 : f32
    %min3A_111 = vector.broadcast %min3A_110 : f32 to vector<128x1xf32>
    %min3A_112 = arith.minimumf %mul3A_11, %min3A_111 : vector<128x1xf32>
    %min3A_113 = arith.constant 1.000710e+01 : f32
    %min3A_114 = vector.broadcast %min3A_113 : f32 to vector<128x1xf32>
    %min3A_115 = arith.minimumf %mul3A_15, %min3A_114 : vector<128x1xf32>
    %mul3A_116 = arith.mulf %min3A_112, %min3A_115 : vector<128x1xf32>
    %add3A_117 = arith.constant 112.443779 : f32
    %add3A_118 = vector.broadcast %add3A_117 : f32 to vector<128x1xf32>
    %add3A_119 = arith.addf %mul3A_17, %add3A_118 : vector<128x1xf32>
    %sub3A_120 = arith.subf %add3A_119, %mul3A_116 : vector<128x1xf32>
    %div3A_121 = arith.divf %mul3A_116, %sub3A_120 : vector<128x1xf32>
    %gt3A_122 = arith.cmpf ogt, %div3A_121, %select_n3A_109 : vector<128x1xf32>
    %jit3A_123 = arith.constant 4.000000e+00 : f32
    %broadcast_in_dim3A_124 = vector.broadcast %jit3A_123 : f32 to vector<128x1xf32>
    %select_n3A_125 = arith.select %gt3A_122, %broadcast_in_dim3A_124, %select_n3A_102 : vector<128x1xi1>, vector<128x1xf32>
    %jit3A_126 = arith.constant 1.123640e+01 : f32
    %broadcast_in_dim3A_127 = vector.broadcast %jit3A_126 : f32 to vector<128x1xf32>
    %select_n3A_128 = arith.select %gt3A_122, %broadcast_in_dim3A_127, %select_n3A_105 : vector<128x1xi1>, vector<128x1xf32>
    %jit3A_129 = arith.constant 1.000710e+01 : f32
    %broadcast_in_dim3A_130 = vector.broadcast %jit3A_129 : f32 to vector<128x1xf32>
    %select_n3A_131 = arith.select %gt3A_122, %broadcast_in_dim3A_130, %select_n3A_108 : vector<128x1xi1>, vector<128x1xf32>
    %sub3A_132 = arith.subf %mul3A_3, %floor3A : vector<128x1xf32>
    %sub3A_133 = arith.subf %mul3A_7, %floor3A_16 : vector<128x1xf32>
    %div3A_134 = arith.divf %mul3A_11, %select_n3A_128 : vector<128x1xf32>
    %log3A = math.log %div3A_134 : vector<128x1xf32>
    %div3A_135 = arith.divf %mul3A_15, %select_n3A_131 : vector<128x1xf32>
    %log3A_136 = math.log %div3A_135 : vector<128x1xf32>
    %mul3A_137 = arith.constant 5.200000e+01 : f32
    %mul3A_138 = vector.broadcast %mul3A_137 : f32 to vector<128x1xf32>
    %mul3A_139 = arith.mulf %floor3A_16, %mul3A_138 : vector<128x1xf32>
    %add3A_140 = arith.addf %mul3A_139, %floor3A : vector<128x1xf32>
    %broadcast_in_dim3A_141 = arith.constant 0.000000e+00 : f32
    %broadcast_in_dim3A_142 = vector.broadcast %broadcast_in_dim3A_141 : f32 to vector<128x1xf32>
    %concatenate3A = tpu.concatenate %mul3A_3, %mul3A_7, %mul3A_11, %mul3A_15, %floor3A, %floor3A_16, %sub3A_132, %sub3A_133, %log3A, %log3A_136, %select_n3A_128, %select_n3A_131, %add3A_140, %select_n3A_125, %mul3A_17, %broadcast_in_dim3A_142 in 1 : vector<128x1xf32>, vector<128x1xf32>, vector<128x1xf32>, vector<128x1xf32>, vector<128x1xf32>, vector<128x1xf32>, vector<128x1xf32>, vector<128x1xf32>, vector<128x1xf32>, vector<128x1xf32>, vector<128x1xf32>, vector<128x1xf32>, vector<128x1xf32>, vector<128x1xf32>, vector<128x1xf32>, vector<128x1xf32> -> vector<128x16xf32>
    %swap3A = arith.constant 0 : index
    %swap3A_143 = arith.constant 0 : index
    %swap3A_144 = vector.load %arg1[%swap3A, %swap3A_143] : memref<128x16xf32, #tpu.memory_space<vmem>>, vector<128x16xf32>
    tpu.vector_store %arg1[%swap3A, %swap3A_143], %concatenate3A {strides = array<i32>} : memref<128x16xf32, #tpu.memory_space<vmem>>, vector<128x16xf32>,
    return
  }
}

module attributes {stable_mosaic.version = 14 : i64} {
  func.func @_dense_kernel(%arg0: i32, %arg1: memref<16x16xf32, #tpu.memory_space<vmem>>, %arg2: memref<16x25x2704xf32, #tpu.memory_space<vmem>>, %arg3: memref<1x1xf32, #tpu.memory_space<vmem>>) attributes {dimension_semantics = [#tpu.dimension_semantics<arbitrary>], iteration_bounds = array<i64: 4>, scalar_prefetch = 0 : i64, scratch_operands = 0 : i64, tpu.core_type = #tpu.core_type<tc>, window_params = [{transform_indices = @transform_0, window_bounds = array<i64: 16, 16>}, {transform_indices = @transform_1, window_bounds = array<i64: 16, 25, 2704>}, {pipeline_mode = #tpu.pipeline_mode<synchronous>, transform_indices = @transform_2, window_bounds = array<i64: 1, 1>}]} {
    %eq3A = arith.constant 0 : i32
    %eq3A_0 = arith.cmpi eq, %arg0, %eq3A : i32
    %convert_element_type3A = arith.extui %eq3A_0 : i1 to i32
    %cond3A = arith.constant 0 : i32
    %cond3A_1 = arith.cmpi ne, %convert_element_type3A, %cond3A : i32
    scf.if %cond3A_1 {
      %broadcast_in_dim3A_404 = arith.constant 0.000000e+00 : f32
      %broadcast_in_dim3A_405 = vector.broadcast %broadcast_in_dim3A_404 : f32 to vector<1x1xf32>
      %swap3A_406 = arith.constant 0 : index
      %swap3A_407 = arith.constant 0 : index
      %swap3A_408 = vector.load %arg3[%swap3A_406, %swap3A_407] : memref<1x1xf32, #tpu.memory_space<vmem>>, vector<1x1xf32>
      tpu.vector_store %arg3[%swap3A_406, %swap3A_407], %broadcast_in_dim3A_405 {strides = array<i32>} : memref<1x1xf32, #tpu.memory_space<vmem>>, vector<1x1xf32>,
    } else {
    }
    %get3A = arith.constant 0 : index
    %get3A_2 = arith.constant 0 : index
    %get3A_3 = arith.constant 0 : index
    %get3A_4 = vector.load %arg2[%get3A, %get3A_2, %get3A_3] : memref<16x25x2704xf32, #tpu.memory_space<vmem>>, vector<16x25x2704xf32>
    %reshape3A = vector.shape_cast %get3A_4 : vector<16x25x2704xf32> to vector<80x5x2704xf32>
    %slice3A = vector.extract_strided_slice %reshape3A {offsets = [0, 0, 0], sizes = [80, 1, 2704], strides = [1, 1, 1]} : vector<80x5x2704xf32> to vector<80x1x2704xf32>
    %squeeze3A = vector.shape_cast %slice3A : vector<80x1x2704xf32> to vector<80x2704xf32>
    %slice3A_5 = vector.extract_strided_slice %reshape3A {offsets = [0, 1, 0], sizes = [80, 1, 2704], strides = [1, 1, 1]} : vector<80x5x2704xf32> to vector<80x1x2704xf32>
    %squeeze3A_6 = vector.shape_cast %slice3A_5 : vector<80x1x2704xf32> to vector<80x2704xf32>
    %slice3A_7 = vector.extract_strided_slice %reshape3A {offsets = [0, 2, 0], sizes = [80, 1, 2704], strides = [1, 1, 1]} : vector<80x5x2704xf32> to vector<80x1x2704xf32>
    %squeeze3A_8 = vector.shape_cast %slice3A_7 : vector<80x1x2704xf32> to vector<80x2704xf32>
    %slice3A_9 = vector.extract_strided_slice %reshape3A {offsets = [0, 3, 0], sizes = [80, 1, 2704], strides = [1, 1, 1]} : vector<80x5x2704xf32> to vector<80x1x2704xf32>
    %squeeze3A_10 = vector.shape_cast %slice3A_9 : vector<80x1x2704xf32> to vector<80x2704xf32>
    %slice3A_11 = vector.extract_strided_slice %reshape3A {offsets = [0, 4, 0], sizes = [80, 1, 2704], strides = [1, 1, 1]} : vector<80x5x2704xf32> to vector<80x1x2704xf32>
    %squeeze3A_12 = vector.shape_cast %slice3A_11 : vector<80x1x2704xf32> to vector<80x2704xf32>
    %iota3A = tpu.iota {dimensions = array<i32: 0>} : vector<80x16xi32>
    %jit3A = arith.constant 5 : i32
    %div3A = vector.broadcast %jit3A : i32 to vector<80x16xi32>
    %div3A_13 = arith.divsi %iota3A, %div3A : vector<80x16xi32>
    %sign3A = arith.constant 0 : i32
    %sign3A_14 = vector.broadcast %sign3A : i32 to vector<80x16xi32>
    %sign3A_15 = arith.cmpi sgt, %iota3A, %sign3A_14 : vector<80x16xi32>
    %sign3A_16 = arith.extui %sign3A_15 : vector<80x16xi1> to vector<80x16xi32>
    %sign3A_17 = arith.constant 0 : i32
    %sign3A_18 = vector.broadcast %sign3A_17 : i32 to vector<80x16xi32>
    %sign3A_19 = arith.cmpi slt, %iota3A, %sign3A_18 : vector<80x16xi32>
    %sign3A_20 = arith.extui %sign3A_19 : vector<80x16xi1> to vector<80x16xi32>
    %sign3A_21 = arith.subi %sign3A_16, %sign3A_20 : vector<80x16xi32>
    %sign3A_22 = arith.constant 0 : i32
    %sign3A_23 = arith.cmpi sgt, %jit3A, %sign3A_22 : i32
    %sign3A_24 = arith.extui %sign3A_23 : i1 to i32
    %sign3A_25 = arith.constant 0 : i32
    %sign3A_26 = arith.cmpi slt, %jit3A, %sign3A_25 : i32
    %sign3A_27 = arith.extui %sign3A_26 : i1 to i32
    %sign3A_28 = arith.subi %sign3A_24, %sign3A_27 : i32
    %ne3A = vector.broadcast %sign3A_28 : i32 to vector<80x16xi32>
    %ne3A_29 = arith.cmpi ne, %sign3A_21, %ne3A : vector<80x16xi32>
    %rem3A = vector.broadcast %jit3A : i32 to vector<80x16xi32>
    %rem3A_30 = arith.remsi %iota3A, %rem3A : vector<80x16xi32>
    %ne3A_31 = arith.constant 0 : i32
    %ne3A_32 = vector.broadcast %ne3A_31 : i32 to vector<80x16xi32>
    %ne3A_33 = arith.cmpi ne, %rem3A_30, %ne3A_32 : vector<80x16xi32>
    %and3A = arith.andi %ne3A_29, %ne3A_33 : vector<80x16xi1>
    %sub3A = arith.constant 1 : i32
    %sub3A_34 = vector.broadcast %sub3A : i32 to vector<80x16xi32>
    %sub3A_35 = arith.subi %div3A_13, %sub3A_34 : vector<80x16xi32>
    %select_n3A = arith.select %and3A, %sub3A_35, %div3A_13 : vector<80x16xi1>, vector<80x16xi32>
    %iota3A_36 = tpu.iota {dimensions = array<i32: 1>} : vector<80x16xi32>
    %eq3A_37 = arith.cmpi eq, %select_n3A, %iota3A_36 : vector<80x16xi32>
    %convert_element_type3A_38 = arith.extui %eq3A_37 : vector<80x16xi1> to vector<80x16xi32>
    %convert_element_type3A_39 = arith.sitofp %convert_element_type3A_38 : vector<80x16xi32> to vector<80x16xf32>
    %get3A_40 = arith.constant 0 : index
    %get3A_41 = arith.constant 0 : index
    %get3A_42 = vector.load %arg1[%get3A_40, %get3A_41] : memref<16x16xf32, #tpu.memory_space<vmem>>, vector<16x16xf32>
    %dot_general3A = arith.constant dense<0.000000e+00> : vector<80x16xf32>
    %dot_general3A_43 = tpu.matmul %convert_element_type3A_39, %get3A_42, %dot_general3A {dimension_numbers = #tpu.dot_dimension_numbers<[1], [0], [0], [1], [0, 0, 1, 1], [], []>, transpose_lhs_hint = false} : vector<80x16xf32>, vector<16x16xf32>, vector<80x16xf32> -> vector<80x16xf32>
    %slice3A_44 = vector.extract_strided_slice %dot_general3A_43 {offsets = [0, 0], sizes = [80, 1], strides = [1, 1]} : vector<80x16xf32> to vector<80x1xf32>
    %slice3A_45 = vector.extract_strided_slice %dot_general3A_43 {offsets = [0, 1], sizes = [80, 1], strides = [1, 1]} : vector<80x16xf32> to vector<80x1xf32>
    %slice3A_46 = vector.extract_strided_slice %dot_general3A_43 {offsets = [0, 2], sizes = [80, 1], strides = [1, 1]} : vector<80x16xf32> to vector<80x1xf32>
    %slice3A_47 = vector.extract_strided_slice %dot_general3A_43 {offsets = [0, 3], sizes = [80, 1], strides = [1, 1]} : vector<80x16xf32> to vector<80x1xf32>
    %slice3A_48 = vector.extract_strided_slice %dot_general3A_43 {offsets = [0, 4], sizes = [80, 1], strides = [1, 1]} : vector<80x16xf32> to vector<80x1xf32>
    %slice3A_49 = vector.extract_strided_slice %dot_general3A_43 {offsets = [0, 5], sizes = [80, 1], strides = [1, 1]} : vector<80x16xf32> to vector<80x1xf32>
    %slice3A_50 = vector.extract_strided_slice %dot_general3A_43 {offsets = [0, 6], sizes = [80, 1], strides = [1, 1]} : vector<80x16xf32> to vector<80x1xf32>
    %slice3A_51 = vector.extract_strided_slice %dot_general3A_43 {offsets = [0, 7], sizes = [80, 1], strides = [1, 1]} : vector<80x16xf32> to vector<80x1xf32>
    %slice3A_52 = vector.extract_strided_slice %dot_general3A_43 {offsets = [0, 8], sizes = [80, 1], strides = [1, 1]} : vector<80x16xf32> to vector<80x1xf32>
    %slice3A_53 = vector.extract_strided_slice %dot_general3A_43 {offsets = [0, 9], sizes = [80, 1], strides = [1, 1]} : vector<80x16xf32> to vector<80x1xf32>
    %slice3A_54 = vector.extract_strided_slice %dot_general3A_43 {offsets = [0, 12], sizes = [80, 1], strides = [1, 1]} : vector<80x16xf32> to vector<80x1xf32>
    %slice3A_55 = vector.extract_strided_slice %dot_general3A_43 {offsets = [0, 13], sizes = [80, 1], strides = [1, 1]} : vector<80x16xf32> to vector<80x1xf32>
    %slice3A_56 = vector.extract_strided_slice %dot_general3A_43 {offsets = [0, 14], sizes = [80, 1], strides = [1, 1]} : vector<80x16xf32> to vector<80x1xf32>
    %iota3A_57 = tpu.iota {dimensions = array<i32: 0>} : vector<80x1xi32>
    %jit3A_58 = arith.constant 5 : i32
    %eq3A_59 = arith.constant 0 : i32
    %eq3A_60 = arith.cmpi eq, %jit3A_58, %eq3A_59 : i32
    %jit3A_61 = arith.constant 1 : i32
    %select_n3A_62 = arith.select %eq3A_60, %jit3A_61, %jit3A_58 : i32
    %rem3A_63 = vector.broadcast %select_n3A_62 : i32 to vector<80x1xi32>
    %rem3A_64 = arith.remsi %iota3A_57, %rem3A_63 : vector<80x1xi32>
    %ne3A_65 = arith.constant 0 : i32
    %ne3A_66 = vector.broadcast %ne3A_65 : i32 to vector<80x1xi32>
    %ne3A_67 = arith.cmpi ne, %rem3A_64, %ne3A_66 : vector<80x1xi32>
    %lt3A = arith.constant 0 : i32
    %lt3A_68 = vector.broadcast %lt3A : i32 to vector<80x1xi32>
    %lt3A_69 = arith.cmpi slt, %rem3A_64, %lt3A_68 : vector<80x1xi32>
    %lt3A_70 = arith.constant 0 : i32
    %lt3A_71 = arith.cmpi slt, %select_n3A_62, %lt3A_70 : i32
    %ne3A_72 = vector.broadcast %lt3A_71 : i1 to vector<80x1xi1>
    %ne3A_73 = vector.broadcast %ne3A_72 : vector<80x1xi1> to vector<80x1xi1>
    %ne3A_74 = arith.xori %lt3A_69, %ne3A_73 : vector<80x1xi1>
    %and3A_75 = arith.andi %ne3A_74, %ne3A_67 : vector<80x1xi1>
    %add3A = vector.broadcast %select_n3A_62 : i32 to vector<80x1xi32>
    %add3A_76 = arith.addi %rem3A_64, %add3A : vector<80x1xi32>
    %select_n3A_77 = arith.select %and3A_75, %add3A_76, %rem3A_64 : vector<80x1xi1>, vector<80x1xi32>
    %convert_element_type3A_78 = arith.sitofp %select_n3A_77 : vector<80x1xi32> to vector<80x1xf32>
    %broadcast_in_dim3A = arith.constant 0.000000e+00 : f32
    %broadcast_in_dim3A_79 = vector.broadcast %broadcast_in_dim3A : f32 to vector<80x1xf32>
    %broadcast_in_dim3A_80 = arith.constant 0.000000e+00 : f32
    %broadcast_in_dim3A_81 = vector.broadcast %broadcast_in_dim3A_80 : f32 to vector<80x1xf32>
    %eq3A_82 = arith.constant 0.000000e+00 : f32
    %eq3A_83 = vector.broadcast %eq3A_82 : f32 to vector<80x1xf32>
    %eq3A_84 = arith.cmpf oeq, %convert_element_type3A_78, %eq3A_83 : vector<80x1xf32>
    %jit3A_85 = arith.constant 1.322100e+00 : f32
    %broadcast_in_dim3A_86 = vector.broadcast %jit3A_85 : f32 to vector<80x1xf32>
    %select_n3A_87 = arith.select %eq3A_84, %broadcast_in_dim3A_86, %broadcast_in_dim3A_79 : vector<80x1xi1>, vector<80x1xf32>
    %jit3A_88 = arith.constant 1.731450e+00 : f32
    %broadcast_in_dim3A_89 = vector.broadcast %jit3A_88 : f32 to vector<80x1xf32>
    %select_n3A_90 = arith.select %eq3A_84, %broadcast_in_dim3A_89, %broadcast_in_dim3A_81 : vector<80x1xi1>, vector<80x1xf32>
    %eq3A_91 = arith.constant 1.000000e+00 : f32
    %eq3A_92 = vector.broadcast %eq3A_91 : f32 to vector<80x1xf32>
    %eq3A_93 = arith.cmpf oeq, %convert_element_type3A_78, %eq3A_92 : vector<80x1xf32>
    %jit3A_94 = arith.constant 3.192750e+00 : f32
    %broadcast_in_dim3A_95 = vector.broadcast %jit3A_94 : f32 to vector<80x1xf32>
    %select_n3A_96 = arith.select %eq3A_93, %broadcast_in_dim3A_95, %select_n3A_87 : vector<80x1xi1>, vector<80x1xf32>
    %jit3A_97 = arith.constant 4.009440e+00 : f32
    %broadcast_in_dim3A_98 = vector.broadcast %jit3A_97 : f32 to vector<80x1xf32>
    %select_n3A_99 = arith.select %eq3A_93, %broadcast_in_dim3A_98, %select_n3A_90 : vector<80x1xi1>, vector<80x1xf32>
    %eq3A_100 = arith.constant 2.000000e+00 : f32
    %eq3A_101 = vector.broadcast %eq3A_100 : f32 to vector<80x1xf32>
    %eq3A_102 = arith.cmpf oeq, %convert_element_type3A_78, %eq3A_101 : vector<80x1xf32>
    %jit3A_103 = arith.constant 5.055870e+00 : f32
    %broadcast_in_dim3A_104 = vector.broadcast %jit3A_103 : f32 to vector<80x1xf32>
    %select_n3A_105 = arith.select %eq3A_102, %broadcast_in_dim3A_104, %select_n3A_96 : vector<80x1xi1>, vector<80x1xf32>
    %jit3A_106 = arith.constant 8.09891986 : f32
    %broadcast_in_dim3A_107 = vector.broadcast %jit3A_106 : f32 to vector<80x1xf32>
    %select_n3A_108 = arith.select %eq3A_102, %broadcast_in_dim3A_107, %select_n3A_99 : vector<80x1xi1>, vector<80x1xf32>
    %eq3A_109 = arith.constant 3.000000e+00 : f32
    %eq3A_110 = vector.broadcast %eq3A_109 : f32 to vector<80x1xf32>
    %eq3A_111 = arith.cmpf oeq, %convert_element_type3A_78, %eq3A_110 : vector<80x1xf32>
    %jit3A_112 = arith.constant 9.47111988 : f32
    %broadcast_in_dim3A_113 = vector.broadcast %jit3A_112 : f32 to vector<80x1xf32>
    %select_n3A_114 = arith.select %eq3A_111, %broadcast_in_dim3A_113, %select_n3A_105 : vector<80x1xi1>, vector<80x1xf32>
    %jit3A_115 = arith.constant 4.840530e+00 : f32
    %broadcast_in_dim3A_116 = vector.broadcast %jit3A_115 : f32 to vector<80x1xf32>
    %select_n3A_117 = arith.select %eq3A_111, %broadcast_in_dim3A_116, %select_n3A_108 : vector<80x1xi1>, vector<80x1xf32>
    %eq3A_118 = arith.constant 4.000000e+00 : f32
    %eq3A_119 = vector.broadcast %eq3A_118 : f32 to vector<80x1xf32>
    %eq3A_120 = arith.cmpf oeq, %convert_element_type3A_78, %eq3A_119 : vector<80x1xf32>
    %jit3A_121 = arith.constant 1.123640e+01 : f32
    %broadcast_in_dim3A_122 = vector.broadcast %jit3A_121 : f32 to vector<80x1xf32>
    %select_n3A_123 = arith.select %eq3A_120, %broadcast_in_dim3A_122, %select_n3A_114 : vector<80x1xi1>, vector<80x1xf32>
    %jit3A_124 = arith.constant 1.000710e+01 : f32
    %broadcast_in_dim3A_125 = vector.broadcast %jit3A_124 : f32 to vector<80x1xf32>
    %select_n3A_126 = arith.select %eq3A_120, %broadcast_in_dim3A_125, %select_n3A_117 : vector<80x1xi1>, vector<80x1xf32>
    %iota3A_127 = tpu.iota {dimensions = array<i32: 1>} : vector<80x2704xi32>
    %convert_element_type3A_128 = arith.sitofp %iota3A_127 : vector<80x2704xi32> to vector<80x2704xf32>
    %mul3A = arith.constant 0.0192307699 : f32
    %mul3A_129 = vector.broadcast %mul3A : f32 to vector<80x2704xf32>
    %mul3A_130 = arith.mulf %convert_element_type3A_128, %mul3A_129 : vector<80x2704xf32>
    %floor3A = math.floor %mul3A_130 : vector<80x2704xf32>
    %mul3A_131 = arith.constant 5.200000e+01 : f32
    %mul3A_132 = vector.broadcast %mul3A_131 : f32 to vector<80x2704xf32>
    %mul3A_133 = arith.mulf %floor3A, %mul3A_132 : vector<80x2704xf32>
    %sub3A_134 = arith.subf %convert_element_type3A_128, %mul3A_133 : vector<80x2704xf32>
    %mul3A_135 = arith.constant 5.000000e-01 : f32
    %mul3A_136 = vector.broadcast %mul3A_135 : f32 to vector<80x1xf32>
    %mul3A_137 = arith.mulf %mul3A_136, %slice3A_46 : vector<80x1xf32>
    %sub3A_138 = arith.subf %slice3A_44, %mul3A_137 : vector<80x1xf32>
    %mul3A_139 = arith.constant 5.000000e-01 : f32
    %mul3A_140 = vector.broadcast %mul3A_139 : f32 to vector<80x1xf32>
    %mul3A_141 = arith.mulf %mul3A_140, %slice3A_46 : vector<80x1xf32>
    %add3A_142 = arith.addf %slice3A_44, %mul3A_141 : vector<80x1xf32>
    %mul3A_143 = arith.constant 5.000000e-01 : f32
    %mul3A_144 = vector.broadcast %mul3A_143 : f32 to vector<80x1xf32>
    %mul3A_145 = arith.mulf %mul3A_144, %slice3A_47 : vector<80x1xf32>
    %sub3A_146 = arith.subf %slice3A_45, %mul3A_145 : vector<80x1xf32>
    %mul3A_147 = arith.constant 5.000000e-01 : f32
    %mul3A_148 = vector.broadcast %mul3A_147 : f32 to vector<80x1xf32>
    %mul3A_149 = arith.mulf %mul3A_148, %slice3A_47 : vector<80x1xf32>
    %add3A_150 = arith.addf %slice3A_45, %mul3A_149 : vector<80x1xf32>
    %mul3A_151 = arith.constant 5.000000e-01 : f32
    %mul3A_152 = vector.broadcast %mul3A_151 : f32 to vector<80x2704xf32>
    %mul3A_153 = arith.mulf %mul3A_152, %squeeze3A : vector<80x2704xf32>
    %tanh3A = math.tanh %mul3A_153 : vector<80x2704xf32>
    %mul3A_154 = arith.constant 5.000000e-01 : f32
    %mul3A_155 = vector.broadcast %mul3A_154 : f32 to vector<80x2704xf32>
    %mul3A_156 = arith.mulf %mul3A_155, %tanh3A : vector<80x2704xf32>
    %mul3A_157 = arith.constant 5.000000e-01 : f32
    %mul3A_158 = vector.broadcast %mul3A_157 : f32 to vector<80x2704xf32>
    %mul3A_159 = arith.mulf %mul3A_158, %squeeze3A_6 : vector<80x2704xf32>
    %tanh3A_160 = math.tanh %mul3A_159 : vector<80x2704xf32>
    %mul3A_161 = arith.constant 5.000000e-01 : f32
    %mul3A_162 = vector.broadcast %mul3A_161 : f32 to vector<80x2704xf32>
    %mul3A_163 = arith.mulf %mul3A_162, %tanh3A_160 : vector<80x2704xf32>
    %mul3A_164 = arith.constant 5.000000e-01 : f32
    %mul3A_165 = vector.broadcast %mul3A_164 : f32 to vector<80x2704xf32>
    %mul3A_166 = arith.mulf %mul3A_165, %squeeze3A_12 : vector<80x2704xf32>
    %tanh3A_167 = math.tanh %mul3A_166 : vector<80x2704xf32>
    %mul3A_168 = arith.constant 5.000000e-01 : f32
    %mul3A_169 = vector.broadcast %mul3A_168 : f32 to vector<80x2704xf32>
    %mul3A_170 = arith.mulf %mul3A_169, %tanh3A_167 : vector<80x2704xf32>
    %add3A_171 = arith.constant 5.000000e-01 : f32
    %add3A_172 = vector.broadcast %add3A_171 : f32 to vector<80x2704xf32>
    %add3A_173 = arith.addf %add3A_172, %mul3A_170 : vector<80x2704xf32>
    %exp3A = math.exp %squeeze3A_8 : vector<80x2704xf32>
    %mul3A_174 = vector.broadcast %select_n3A_123 : vector<80x1xf32> to vector<80x2704xf32>
    %mul3A_175 = arith.mulf %exp3A, %mul3A_174 : vector<80x2704xf32>
    %exp3A_176 = math.exp %squeeze3A_10 : vector<80x2704xf32>
    %mul3A_177 = vector.broadcast %select_n3A_126 : vector<80x1xf32> to vector<80x2704xf32>
    %mul3A_178 = arith.mulf %exp3A_176, %mul3A_177 : vector<80x2704xf32>
    %add3A_179 = arith.constant 5.000000e-01 : f32
    %add3A_180 = vector.broadcast %add3A_179 : f32 to vector<80x2704xf32>
    %add3A_181 = arith.addf %sub3A_134, %add3A_180 : vector<80x2704xf32>
    %add3A_182 = arith.addf %mul3A_156, %add3A_181 : vector<80x2704xf32>
    %add3A_183 = arith.constant 5.000000e-01 : f32
    %add3A_184 = vector.broadcast %add3A_183 : f32 to vector<80x2704xf32>
    %add3A_185 = arith.addf %floor3A, %add3A_184 : vector<80x2704xf32>
    %add3A_186 = arith.addf %mul3A_163, %add3A_185 : vector<80x2704xf32>
    %mul3A_187 = arith.constant 5.000000e-01 : f32
    %mul3A_188 = vector.broadcast %mul3A_187 : f32 to vector<80x2704xf32>
    %mul3A_189 = arith.mulf %mul3A_188, %mul3A_175 : vector<80x2704xf32>
    %mul3A_190 = arith.constant 5.000000e-01 : f32
    %mul3A_191 = vector.broadcast %mul3A_190 : f32 to vector<80x2704xf32>
    %mul3A_192 = arith.mulf %mul3A_191, %mul3A_178 : vector<80x2704xf32>
    %add3A_193 = arith.addf %add3A_182, %mul3A_189 : vector<80x2704xf32>
    %max3A = vector.broadcast %add3A_142 : vector<80x1xf32> to vector<80x2704xf32>
    %max3A_194 = arith.maximumf %max3A, %add3A_193 : vector<80x2704xf32>
    %sub3A_195 = arith.subf %add3A_182, %mul3A_189 : vector<80x2704xf32>
    %min3A = vector.broadcast %sub3A_138 : vector<80x1xf32> to vector<80x2704xf32>
    %min3A_196 = arith.minimumf %min3A, %sub3A_195 : vector<80x2704xf32>
    %sub3A_197 = arith.subf %max3A_194, %min3A_196 : vector<80x2704xf32>
    %add3A_198 = arith.addf %add3A_186, %mul3A_192 : vector<80x2704xf32>
    %max3A_199 = vector.broadcast %add3A_150 : vector<80x1xf32> to vector<80x2704xf32>
    %max3A_200 = arith.maximumf %max3A_199, %add3A_198 : vector<80x2704xf32>
    %sub3A_201 = arith.subf %add3A_186, %mul3A_192 : vector<80x2704xf32>
    %min3A_202 = vector.broadcast %sub3A_146 : vector<80x1xf32> to vector<80x2704xf32>
    %min3A_203 = arith.minimumf %min3A_202, %sub3A_201 : vector<80x2704xf32>
    %sub3A_204 = arith.subf %max3A_200, %min3A_203 : vector<80x2704xf32>
    %add3A_205 = vector.broadcast %slice3A_46 : vector<80x1xf32> to vector<80x2704xf32>
    %add3A_206 = arith.addf %add3A_205, %mul3A_175 : vector<80x2704xf32>
    %sub3A_207 = arith.subf %add3A_206, %sub3A_197 : vector<80x2704xf32>
    %add3A_208 = vector.broadcast %slice3A_47 : vector<80x1xf32> to vector<80x2704xf32>
    %add3A_209 = arith.addf %add3A_208, %mul3A_178 : vector<80x2704xf32>
    %sub3A_210 = arith.subf %add3A_209, %sub3A_204 : vector<80x2704xf32>
    %mul3A_211 = arith.mulf %sub3A_207, %sub3A_210 : vector<80x2704xf32>
    %mul3A_212 = arith.mulf %mul3A_175, %mul3A_178 : vector<80x2704xf32>
    %add3A_213 = vector.broadcast %slice3A_56 : vector<80x1xf32> to vector<80x2704xf32>
    %add3A_214 = arith.addf %add3A_213, %mul3A_212 : vector<80x2704xf32>
    %sub3A_215 = arith.subf %add3A_214, %mul3A_211 : vector<80x2704xf32>
    %gt3A = arith.constant 0.000000e+00 : f32
    %gt3A_216 = vector.broadcast %gt3A : f32 to vector<80x2704xf32>
    %gt3A_217 = arith.cmpf ogt, %sub3A_207, %gt3A_216 : vector<80x2704xf32>
    %gt3A_218 = arith.constant 0.000000e+00 : f32
    %gt3A_219 = vector.broadcast %gt3A_218 : f32 to vector<80x2704xf32>
    %gt3A_220 = arith.cmpf ogt, %sub3A_210, %gt3A_219 : vector<80x2704xf32>
    %and3A_221 = arith.andi %gt3A_217, %gt3A_220 : vector<80x2704xi1>
    %mul3A_222 = arith.constant 6.000000e-01 : f32
    %mul3A_223 = vector.broadcast %mul3A_222 : f32 to vector<80x2704xf32>
    %mul3A_224 = arith.mulf %mul3A_223, %sub3A_215 : vector<80x2704xf32>
    %gt3A_225 = arith.cmpf ogt, %mul3A_211, %mul3A_224 : vector<80x2704xf32>
    %and3A_226 = arith.andi %and3A_221, %gt3A_225 : vector<80x2704xi1>
    %mul3A_227 = arith.mulf %mul3A_156, %mul3A_156 : vector<80x2704xf32>
    %mul3A_228 = arith.mulf %mul3A_163, %mul3A_163 : vector<80x2704xf32>
    %add3A_229 = arith.addf %mul3A_227, %mul3A_228 : vector<80x2704xf32>
    %mul3A_230 = arith.mulf %squeeze3A_8, %squeeze3A_8 : vector<80x2704xf32>
    %add3A_231 = arith.addf %add3A_229, %mul3A_230 : vector<80x2704xf32>
    %mul3A_232 = arith.mulf %squeeze3A_10, %squeeze3A_10 : vector<80x2704xf32>
    %add3A_233 = arith.addf %add3A_231, %mul3A_232 : vector<80x2704xf32>
    %mul3A_234 = arith.mulf %add3A_173, %add3A_173 : vector<80x2704xf32>
    %jit3A_235 = arith.constant 0.000000e+00 : f32
    %broadcast_in_dim3A_236 = vector.broadcast %jit3A_235 : f32 to vector<80x2704xf32>
    %select_n3A_237 = arith.select %and3A_226, %broadcast_in_dim3A_236, %mul3A_234 : vector<80x2704xi1>, vector<80x2704xf32>
    %add3A_238 = arith.addf %add3A_233, %select_n3A_237 : vector<80x2704xf32>
    %reduce_sum3A = arith.constant dense<0.000000e+00> : vector<80xf32>
    %reduce_sum3A_239 = vector.multi_reduction <add>, %add3A_238, %reduce_sum3A [1] : vector<80x2704xf32> to vector<80xf32>
    %broadcast_in_dim3A_240 = vector.shape_cast %reduce_sum3A_239 : vector<80xf32> to vector<80x1xf32>
    %eq3A_241 = arith.cmpf oeq, %slice3A_55, %convert_element_type3A_78 : vector<80x1xf32>
    %eq3A_242 = vector.broadcast %slice3A_54 : vector<80x1xf32> to vector<80x2704xf32>
    %eq3A_243 = arith.cmpf oeq, %convert_element_type3A_128, %eq3A_242 : vector<80x2704xf32>
    %and3A_244 = vector.broadcast %eq3A_241 : vector<80x1xi1> to vector<80x2704xi1>
    %and3A_245 = arith.andi %and3A_244, %eq3A_243 : vector<80x2704xi1>
    %jit3A_246 = arith.constant 0.000000e+00 : f32
    %broadcast_in_dim3A_247 = vector.broadcast %jit3A_246 : f32 to vector<80x2704xf32>
    %select_n3A_248 = arith.select %and3A_245, %squeeze3A, %broadcast_in_dim3A_247 : vector<80x2704xi1>, vector<80x2704xf32>
    %reduce_sum3A_249 = arith.constant dense<0.000000e+00> : vector<80xf32>
    %reduce_sum3A_250 = vector.multi_reduction <add>, %select_n3A_248, %reduce_sum3A_249 [1] : vector<80x2704xf32> to vector<80xf32>
    %broadcast_in_dim3A_251 = vector.shape_cast %reduce_sum3A_250 : vector<80xf32> to vector<80x1xf32>
    %jit3A_252 = arith.constant 0.000000e+00 : f32
    %broadcast_in_dim3A_253 = vector.broadcast %jit3A_252 : f32 to vector<80x2704xf32>
    %select_n3A_254 = arith.select %and3A_245, %squeeze3A_6, %broadcast_in_dim3A_253 : vector<80x2704xi1>, vector<80x2704xf32>
    %reduce_sum3A_255 = arith.constant dense<0.000000e+00> : vector<80xf32>
    %reduce_sum3A_256 = vector.multi_reduction <add>, %select_n3A_254, %reduce_sum3A_255 [1] : vector<80x2704xf32> to vector<80xf32>
    %broadcast_in_dim3A_257 = vector.shape_cast %reduce_sum3A_256 : vector<80xf32> to vector<80x1xf32>
    %jit3A_258 = arith.constant 0.000000e+00 : f32
    %broadcast_in_dim3A_259 = vector.broadcast %jit3A_258 : f32 to vector<80x2704xf32>
    %select_n3A_260 = arith.select %and3A_245, %squeeze3A_8, %broadcast_in_dim3A_259 : vector<80x2704xi1>, vector<80x2704xf32>
    %reduce_sum3A_261 = arith.constant dense<0.000000e+00> : vector<80xf32>
    %reduce_sum3A_262 = vector.multi_reduction <add>, %select_n3A_260, %reduce_sum3A_261 [1] : vector<80x2704xf32> to vector<80xf32>
    %broadcast_in_dim3A_263 = vector.shape_cast %reduce_sum3A_262 : vector<80xf32> to vector<80x1xf32>
    %jit3A_264 = arith.constant 0.000000e+00 : f32
    %broadcast_in_dim3A_265 = vector.broadcast %jit3A_264 : f32 to vector<80x2704xf32>
    %select_n3A_266 = arith.select %and3A_245, %squeeze3A_10, %broadcast_in_dim3A_265 : vector<80x2704xi1>, vector<80x2704xf32>
    %reduce_sum3A_267 = arith.constant dense<0.000000e+00> : vector<80xf32>
    %reduce_sum3A_268 = vector.multi_reduction <add>, %select_n3A_266, %reduce_sum3A_267 [1] : vector<80x2704xf32> to vector<80xf32>
    %broadcast_in_dim3A_269 = vector.shape_cast %reduce_sum3A_268 : vector<80xf32> to vector<80x1xf32>
    %jit3A_270 = arith.constant 0.000000e+00 : f32
    %broadcast_in_dim3A_271 = vector.broadcast %jit3A_270 : f32 to vector<80x2704xf32>
    %select_n3A_272 = arith.select %and3A_245, %squeeze3A_12, %broadcast_in_dim3A_271 : vector<80x2704xi1>, vector<80x2704xf32>
    %reduce_sum3A_273 = arith.constant dense<0.000000e+00> : vector<80xf32>
    %reduce_sum3A_274 = vector.multi_reduction <add>, %select_n3A_272, %reduce_sum3A_273 [1] : vector<80x2704xf32> to vector<80xf32>
    %broadcast_in_dim3A_275 = vector.shape_cast %reduce_sum3A_274 : vector<80xf32> to vector<80x1xf32>
    %mul3A_276 = arith.constant 5.000000e-01 : f32
    %mul3A_277 = vector.broadcast %mul3A_276 : f32 to vector<80x1xf32>
    %mul3A_278 = arith.mulf %mul3A_277, %broadcast_in_dim3A_251 : vector<80x1xf32>
    %tanh3A_279 = math.tanh %mul3A_278 : vector<80x1xf32>
    %mul3A_280 = arith.constant 5.000000e-01 : f32
    %mul3A_281 = vector.broadcast %mul3A_280 : f32 to vector<80x1xf32>
    %mul3A_282 = arith.mulf %mul3A_281, %tanh3A_279 : vector<80x1xf32>
    %add3A_283 = arith.constant 5.000000e-01 : f32
    %add3A_284 = vector.broadcast %add3A_283 : f32 to vector<80x1xf32>
    %add3A_285 = arith.addf %add3A_284, %mul3A_282 : vector<80x1xf32>
    %mul3A_286 = arith.constant 5.000000e-01 : f32
    %mul3A_287 = vector.broadcast %mul3A_286 : f32 to vector<80x1xf32>
    %mul3A_288 = arith.mulf %mul3A_287, %broadcast_in_dim3A_257 : vector<80x1xf32>
    %tanh3A_289 = math.tanh %mul3A_288 : vector<80x1xf32>
    %mul3A_290 = arith.constant 5.000000e-01 : f32
    %mul3A_291 = vector.broadcast %mul3A_290 : f32 to vector<80x1xf32>
    %mul3A_292 = arith.mulf %mul3A_291, %tanh3A_289 : vector<80x1xf32>
    %add3A_293 = arith.constant 5.000000e-01 : f32
    %add3A_294 = vector.broadcast %add3A_293 : f32 to vector<80x1xf32>
    %add3A_295 = arith.addf %add3A_294, %mul3A_292 : vector<80x1xf32>
    %mul3A_296 = arith.constant 5.000000e-01 : f32
    %mul3A_297 = vector.broadcast %mul3A_296 : f32 to vector<80x1xf32>
    %mul3A_298 = arith.mulf %mul3A_297, %broadcast_in_dim3A_275 : vector<80x1xf32>
    %tanh3A_299 = math.tanh %mul3A_298 : vector<80x1xf32>
    %mul3A_300 = arith.constant 5.000000e-01 : f32
    %mul3A_301 = vector.broadcast %mul3A_300 : f32 to vector<80x1xf32>
    %mul3A_302 = arith.mulf %mul3A_301, %tanh3A_299 : vector<80x1xf32>
    %add3A_303 = arith.constant 5.000000e-01 : f32
    %add3A_304 = vector.broadcast %add3A_303 : f32 to vector<80x1xf32>
    %add3A_305 = arith.addf %add3A_304, %mul3A_302 : vector<80x1xf32>
    %exp3A_306 = math.exp %broadcast_in_dim3A_263 : vector<80x1xf32>
    %mul3A_307 = arith.mulf %exp3A_306, %select_n3A_123 : vector<80x1xf32>
    %exp3A_308 = math.exp %broadcast_in_dim3A_269 : vector<80x1xf32>
    %mul3A_309 = arith.mulf %exp3A_308, %select_n3A_126 : vector<80x1xf32>
    %add3A_310 = arith.addf %add3A_285, %slice3A_48 : vector<80x1xf32>
    %add3A_311 = arith.addf %add3A_295, %slice3A_49 : vector<80x1xf32>
    %mul3A_312 = arith.constant 5.000000e-01 : f32
    %mul3A_313 = vector.broadcast %mul3A_312 : f32 to vector<80x1xf32>
    %mul3A_314 = arith.mulf %mul3A_313, %mul3A_307 : vector<80x1xf32>
    %add3A_315 = arith.addf %add3A_310, %mul3A_314 : vector<80x1xf32>
    %max3A_316 = arith.maximumf %add3A_142, %add3A_315 : vector<80x1xf32>
    %mul3A_317 = arith.constant 5.000000e-01 : f32
    %mul3A_318 = vector.broadcast %mul3A_317 : f32 to vector<80x1xf32>
    %mul3A_319 = arith.mulf %mul3A_318, %mul3A_307 : vector<80x1xf32>
    %sub3A_320 = arith.subf %add3A_310, %mul3A_319 : vector<80x1xf32>
    %min3A_321 = arith.minimumf %sub3A_138, %sub3A_320 : vector<80x1xf32>
    %sub3A_322 = arith.subf %max3A_316, %min3A_321 : vector<80x1xf32>
    %mul3A_323 = arith.constant 5.000000e-01 : f32
    %mul3A_324 = vector.broadcast %mul3A_323 : f32 to vector<80x1xf32>
    %mul3A_325 = arith.mulf %mul3A_324, %mul3A_309 : vector<80x1xf32>
    %add3A_326 = arith.addf %add3A_311, %mul3A_325 : vector<80x1xf32>
    %max3A_327 = arith.maximumf %add3A_150, %add3A_326 : vector<80x1xf32>
    %mul3A_328 = arith.constant 5.000000e-01 : f32
    %mul3A_329 = vector.broadcast %mul3A_328 : f32 to vector<80x1xf32>
    %mul3A_330 = arith.mulf %mul3A_329, %mul3A_309 : vector<80x1xf32>
    %sub3A_331 = arith.subf %add3A_311, %mul3A_330 : vector<80x1xf32>
    %min3A_332 = arith.minimumf %sub3A_146, %sub3A_331 : vector<80x1xf32>
    %sub3A_333 = arith.subf %max3A_327, %min3A_332 : vector<80x1xf32>
    %add3A_334 = arith.addf %slice3A_46, %mul3A_307 : vector<80x1xf32>
    %sub3A_335 = arith.subf %add3A_334, %sub3A_322 : vector<80x1xf32>
    %add3A_336 = arith.addf %slice3A_47, %mul3A_309 : vector<80x1xf32>
    %sub3A_337 = arith.subf %add3A_336, %sub3A_333 : vector<80x1xf32>
    %mul3A_338 = arith.mulf %sub3A_335, %sub3A_337 : vector<80x1xf32>
    %mul3A_339 = arith.mulf %mul3A_307, %mul3A_309 : vector<80x1xf32>
    %add3A_340 = arith.addf %slice3A_56, %mul3A_339 : vector<80x1xf32>
    %sub3A_341 = arith.subf %add3A_340, %mul3A_338 : vector<80x1xf32>
    %gt3A_342 = arith.constant 0.000000e+00 : f32
    %gt3A_343 = vector.broadcast %gt3A_342 : f32 to vector<80x1xf32>
    %gt3A_344 = arith.cmpf ogt, %sub3A_335, %gt3A_343 : vector<80x1xf32>
    %gt3A_345 = arith.constant 0.000000e+00 : f32
    %gt3A_346 = vector.broadcast %gt3A_345 : f32 to vector<80x1xf32>
    %gt3A_347 = arith.cmpf ogt, %sub3A_337, %gt3A_346 : vector<80x1xf32>
    %and3A_348 = arith.andi %gt3A_344, %gt3A_347 : vector<80x1xi1>
    %div3A_349 = arith.divf %mul3A_338, %sub3A_341 : vector<80x1xf32>
    %jit3A_350 = arith.constant 0.000000e+00 : f32
    %broadcast_in_dim3A_351 = vector.broadcast %jit3A_350 : f32 to vector<80x1xf32>
    %select_n3A_352 = arith.select %and3A_348, %div3A_349, %broadcast_in_dim3A_351 : vector<80x1xi1>, vector<80x1xf32>
    %sub3A_353 = arith.subf %add3A_285, %slice3A_50 : vector<80x1xf32>
    %integer_pow3A = arith.mulf %sub3A_353, %sub3A_353 : vector<80x1xf32>
    %sub3A_354 = arith.constant 5.000000e-01 : f32
    %sub3A_355 = vector.broadcast %sub3A_354 : f32 to vector<80x1xf32>
    %sub3A_356 = arith.subf %add3A_285, %sub3A_355 : vector<80x1xf32>
    %integer_pow3A_357 = arith.mulf %sub3A_356, %sub3A_356 : vector<80x1xf32>
    %sub3A_358 = arith.subf %integer_pow3A, %integer_pow3A_357 : vector<80x1xf32>
    %sub3A_359 = arith.subf %add3A_295, %slice3A_51 : vector<80x1xf32>
    %integer_pow3A_360 = arith.mulf %sub3A_359, %sub3A_359 : vector<80x1xf32>
    %add3A_361 = arith.addf %sub3A_358, %integer_pow3A_360 : vector<80x1xf32>
    %sub3A_362 = arith.constant 5.000000e-01 : f32
    %sub3A_363 = vector.broadcast %sub3A_362 : f32 to vector<80x1xf32>
    %sub3A_364 = arith.subf %add3A_295, %sub3A_363 : vector<80x1xf32>
    %integer_pow3A_365 = arith.mulf %sub3A_364, %sub3A_364 : vector<80x1xf32>
    %sub3A_366 = arith.subf %add3A_361, %integer_pow3A_365 : vector<80x1xf32>
    %sub3A_367 = arith.subf %broadcast_in_dim3A_263, %slice3A_52 : vector<80x1xf32>
    %integer_pow3A_368 = arith.mulf %sub3A_367, %sub3A_367 : vector<80x1xf32>
    %add3A_369 = arith.addf %sub3A_366, %integer_pow3A_368 : vector<80x1xf32>
    %mul3A_370 = arith.mulf %broadcast_in_dim3A_263, %broadcast_in_dim3A_263 : vector<80x1xf32>
    %sub3A_371 = arith.subf %add3A_369, %mul3A_370 : vector<80x1xf32>
    %sub3A_372 = arith.subf %broadcast_in_dim3A_269, %slice3A_53 : vector<80x1xf32>
    %integer_pow3A_373 = arith.mulf %sub3A_372, %sub3A_372 : vector<80x1xf32>
    %add3A_374 = arith.addf %sub3A_371, %integer_pow3A_373 : vector<80x1xf32>
    %mul3A_375 = arith.mulf %broadcast_in_dim3A_269, %broadcast_in_dim3A_269 : vector<80x1xf32>
    %sub3A_376 = arith.subf %add3A_374, %mul3A_375 : vector<80x1xf32>
    %sub3A_377 = arith.subf %add3A_305, %select_n3A_352 : vector<80x1xf32>
    %mul3A_378 = arith.constant 5.000000e+00 : f32
    %mul3A_379 = vector.broadcast %mul3A_378 : f32 to vector<80x1xf32>
    %mul3A_380 = arith.mulf %mul3A_379, %sub3A_377 : vector<80x1xf32>
    %mul3A_381 = arith.mulf %mul3A_380, %sub3A_377 : vector<80x1xf32>
    %gt3A_382 = arith.constant 6.000000e-01 : f32
    %gt3A_383 = vector.broadcast %gt3A_382 : f32 to vector<80x1xf32>
    %gt3A_384 = arith.cmpf ogt, %select_n3A_352, %gt3A_383 : vector<80x1xf32>
    %mul3A_385 = arith.mulf %add3A_305, %add3A_305 : vector<80x1xf32>
    %jit3A_386 = arith.constant 0.000000e+00 : f32
    %broadcast_in_dim3A_387 = vector.broadcast %jit3A_386 : f32 to vector<80x1xf32>
    %select_n3A_388 = arith.select %gt3A_384, %broadcast_in_dim3A_387, %mul3A_385 : vector<80x1xi1>, vector<80x1xf32>
    %sub3A_389 = arith.subf %mul3A_381, %select_n3A_388 : vector<80x1xf32>
    %add3A_390 = arith.addf %sub3A_376, %sub3A_389 : vector<80x1xf32>
    %jit3A_391 = arith.constant 0.000000e+00 : f32
    %broadcast_in_dim3A_392 = vector.broadcast %jit3A_391 : f32 to vector<80x1xf32>
    %select_n3A_393 = arith.select %eq3A_241, %add3A_390, %broadcast_in_dim3A_392 : vector<80x1xi1>, vector<80x1xf32>
    %add3A_394 = arith.addf %broadcast_in_dim3A_240, %select_n3A_393 : vector<80x1xf32>
    %reduce_sum3A_395 = arith.constant dense<0.000000e+00> : vector<1xf32>
    %reduce_sum3A_396 = vector.multi_reduction <add>, %add3A_394, %reduce_sum3A_395 [0] : vector<80x1xf32> to vector<1xf32>
    %broadcast_in_dim3A_397 = vector.shape_cast %reduce_sum3A_396 : vector<1xf32> to vector<1x1xf32>
    %get3A_398 = arith.constant 0 : index
    %get3A_399 = arith.constant 0 : index
    %get3A_400 = vector.load %arg3[%get3A_398, %get3A_399] : memref<1x1xf32, #tpu.memory_space<vmem>>, vector<1x1xf32>
    %add3A_401 = arith.addf %get3A_400, %broadcast_in_dim3A_397 : vector<1x1xf32>
    %swap3A = arith.constant 0 : index
    %swap3A_402 = arith.constant 0 : index
    %swap3A_403 = vector.load %arg3[%swap3A, %swap3A_402] : memref<1x1xf32, #tpu.memory_space<vmem>>, vector<1x1xf32>
    tpu.vector_store %arg3[%swap3A, %swap3A_402], %add3A_401 {strides = array<i32>} : memref<1x1xf32, #tpu.memory_space<vmem>>, vector<1x1xf32>,
    return
  }
  func.func @transform_0(%arg0: i32) -> (i32, i32) {
    %c0_i32 = arith.constant 0 : i32
    %c0_i32_0 = arith.constant 0 : i32
    return %arg0, %c0_i32 : i32, i32
  }
  func.func @transform_1(%arg0: i32) -> (i32, i32, i32) {
    %c0_i32 = arith.constant 0 : i32
    %c0_i32_0 = arith.constant 0 : i32
    %c0_i32_1 = arith.constant 0 : i32
    return %arg0, %c0_i32, %c0_i32_0 : i32, i32, i32
  }
  func.func @transform_2(%arg0: i32) -> (i32, i32) {
    %c0_i32 = arith.constant 0 : i32
    %c0_i32_0 = arith.constant 0 : i32
    %c0_i32_1 = arith.constant 0 : i32
    return %c0_i32, %c0_i32_0 : i32, i32
  }
}

</mosaic_0001>

<sc_bundles>
// kernel: kernel.5.cloned.1.call-start
scs
__scs_entry_jumppad:
0x0: {  	(pc) =	sbr.rel $0x88, $3  }
0x1: {  	(tag) =	ssettag $0x0;
	lr =	simm.s32 $0x1  }
0x2: {  	[smem:$0x3F9F] =	sst lr;
	_ =	strace $0xD0000000  }
0x3: {  	_ = 	snop  }
0x4: {  	_ = 	snop  }
0x5: {  	_ = 	snop  }
0x6: {  	_ = 	snop  }
0x7: {  	_ = 	snop  }
__scs_overlays_trampoline_lowered:
0x8: {  	[smem:$0x3FAE] =	sst s0  }
0x9: {  	[smem:$0x3FAF] =	sst s1  }
0xa: {  	[smem:$0x3FB0] =	sst s2  }
0xb: {  	[smem:$0x3FB1] =	sst s3  }
0xc: {  	[smem:$0x3FB2] =	sst s4  }
0xd: {  	[smem:$0x3FB3] =	sst s5  }
0xe: {  	[smem:$0x3FB4] =	sst s6  }
0xf: {  	[smem:$0x3FB5] =	sst s7  }
0x10: {  	[smem:$0x3FB6] =	sst s8  }
0x11: {  	[smem:$0x3FB7] =	sst s9;
	s0 =	simm.s32 @!p0 $0x0  }
0x12: {  	s1 =	sld [smem:$0x3F9D];
	s0 =	simm.s32 @p0 $0x1  }
0x13: {  	[smem:$0x3FB8] =	sst s0;
	s0 =	simm.s32 @!p1 $0x0  }
0x14: {  	s2 =	sld [smem:$0x3F9C];
	s0 =	simm.s32 @p1 $0x1  }
0x15: {  	[smem:$0x3FB9] =	sst s0;
	s0 =	simm.s32 @!p2 $0x0  }
0x16: {  	s3 =	sld [smem:$0x3FDB];
	s0 =	simm.s32 @p2 $0x1  }
0x17: {  	s4 =	simm.s32 $0x1BF5;
	[smem:$0x3FBB] =	sst s0  }
0x18: {  	s0 =	sld [smem:$0x3F9E];
	_ =	swait.ge [sflag:s4], $0x0  }
0x19: {  	s7 =	sld [smem:$0x3F9F]  }
0x1a: {  	s8 =	sadd.s32 $0xFFFFE003, lr  }
0x1b: {  	s9 =	sadd.s32 $0xFFFFFEF7, lr;
	s5 =	simm.s32 $0xFFFFFFFF;
	p2 =	slt.u32 s8, $0xFFFFF086  }
0x1c: {  	p1 =	slt.u32 s9, $0xF7A;
	s5 =	simm.s32 @!p2 $0x0  }
0x1d: {  	s5 =	simm.s32 @p1 $0x1;
	p0 =	seq.s32 s7, s2  }
0x1e: {  	s7 =	smul.u32 @!p0 $0xF7A, s2;
	p2 =	seq.s32 @!p0 s5, $0x0  }
0x1f: {  	s9 =	smul.u32 $0xF7A, s1;
	s8 =	simm.s32 @!p0 $0x1BF5;
	p2 =	por !p2, p0  }
0x20: {  	[sflag:s8] =	ssyncset.s32 @!p0 $0xFFFFF086;
	s6 =	sadd.s32 @!p0 s3, s7;
	s7 =	simm.s32 @!p0 $0x108  }
0x21: {  	s3 =	sadd.s32 s3, s9;
	s6 =	sadd.s32 @!p0 $0x88, s6;
	s7 =	simm.s32 @p2 $0x1082  }
0x22: {  	[simem:s7], [sflag:s8] =	dma.local @!p0 [hbm:s6], $0xF7A  }
0x23: {  	s9 =	sor.u32 $0xD0000000, s2;
	s6 =	simm.s32 $0x108;
	_ =	swait.ge @!p0 [sflag:s8], $0x0  }
0x24: {  	s3 =	sadd.s32 $0x88, s3;
	s6 =	simm.s32 @!p1 $0x1082;
	[sflag:s4] =	ssyncset.s32 $0xFFFFF086  }
0x25: {  	[simem:s6], [sflag:s4] =	dma.local [hbm:s3], $0xF7A  }
0x26: {  	[smem:$0x3F9F] =	sst s1;
	(tag) =	ssettag s2;
	_ =	strace s9  }
0x27: {  	s1 =	sld [smem:$0x3FAF]  }
0x28: {  	s2 =	sld [smem:$0x3FB0]  }
0x29: {  	s4 =	sld [smem:$0x3FB2]  }
0x2a: {  	p0 =	seq.s32 s5, $0x0;
	s5 =	sld [smem:$0x3FB3]  }
0x2b: {  	s6 =	sld [smem:$0x3FB4]  }
0x2c: {  	s7 =	sld [smem:$0x3FB5]  }
0x2d: {  	s3 =	simm.s32 $0x108;
	s8 =	sld [smem:$0x3FB6]  }
0x2e: {  	s3 =	simm.s32 @!p0 $0x1082;
	s9 =	sld [smem:$0x3FB7]  }
0x2f: {  	lr =	sadd.s32 s0, s3;
	s0 =	sld [smem:$0x3FAE]  }
0x30: {  	s3 =	sld [smem:$0x3FB1]  }
0x31: {  	[smem:$0x3FBA] =	sst s10  }
0x32: {  	s10 =	sld [smem:$0x3FB8];
	_ =	sdelay $0x3  }
0x33: {  	p0 =	seq.s32 s10, $0x1;
	s10 =	sld [smem:$0x3FBA];
	_ =	sdelay $0x3  }
0x34: {  	[smem:$0x3FBA] =	sst s10  }
0x35: {  	s10 =	sld [smem:$0x3FB9];
	_ =	sdelay $0x3  }
0x36: {  	p1 =	seq.s32 s10, $0x1;
	s10 =	sld [smem:$0x3FBA];
	_ =	sdelay $0x3  }
0x37: {  	[smem:$0x3FBA] =	sst s10  }
0x38: {  	s10 =	sld [smem:$0x3FBB]  }
0x39: {  	_ = 	snop;
	(pc) =	sbr.ind lr, $3  }
0x3a: {  	_ = 	snop  }
0x3b: {  	_ = 	snop  }
0x3c: {  	p2 =	seq.s32 s10, $0x1;
	s10 =	sld [smem:$0x3FBA]  }
0x3d: {  	_ =	shalt  }
0x3e: {  	_ =	shalt  }
0x3f: {  	_ =	shalt  }
0x40: {  	_ =	shalt  }
0x41: {  	_ =	shalt  }
0x42: {  	_ =	shalt  }
0x43: {  	_ =	shalt  }
0x44: {  	_ =	shalt  }
0x45: {  	_ =	shalt  }
0x46: {  	_ =	shalt  }
0x47: {  	_ =	shalt  }
0x48: {  	_ =	shalt  }
0x49: {  	_ =	shalt  }
0x4a: {  	_ =	shalt  }
0x4b: {  	_ =	shalt  }
0x4c: {  	_ =	shalt  }
0x4d: {  	_ =	shalt  }
0x4e: {  	_ =	shalt  }
0x4f: {  	_ =	shalt  }
0x50: {  	_ =	shalt  }
0x51: {  	_ =	shalt  }
0x52: {  	_ =	shalt  }
0x53: {  	_ =	shalt  }
0x54: {  	_ =	shalt  }
0x55: {  	_ =	shalt  }
0x56: {  	_ =	shalt  }
0x57: {  	_ =	shalt  }
0x58: {  	_ =	shalt  }
0x59: {  	_ =	shalt  }
0x5a: {  	_ =	shalt  }
0x5b: {  	_ =	shalt  }
0x5c: {  	_ =	shalt  }
0x5d: {  	_ =	shalt  }
0x5e: {  	_ =	shalt  }
0x5f: {  	_ =	shalt  }
0x60: {  	_ =	shalt  }
0x61: {  	_ =	shalt  }
0x62: {  	_ =	shalt  }
0x63: {  	_ =	shalt  }
0x64: {  	_ =	shalt  }
0x65: {  	_ =	shalt  }
0x66: {  	_ =	shalt  }
0x67: {  	_ =	shalt  }
0x68: {  	_ =	shalt  }
0x69: {  	_ =	shalt  }
0x6a: {  	_ =	shalt  }
0x6b: {  	_ =	shalt  }
0x6c: {  	_ =	shalt  }
0x6d: {  	_ =	shalt  }
0x6e: {  	_ =	shalt  }
0x6f: {  	_ =	shalt  }
0x70: {  	_ =	shalt  }
0x71: {  	_ =	shalt  }
0x72: {  	_ =	shalt  }
0x73: {  	_ =	shalt  }
0x74: {  	_ =	shalt  }
0x75: {  	_ =	shalt  }
0x76: {  	_ =	shalt  }
0x77: {  	_ =	shalt  }
0x78: {  	_ =	shalt  }
0x79: {  	_ =	shalt  }
0x7a: {  	_ =	shalt  }
0x7b: {  	_ =	shalt  }
0x7c: {  	_ =	shalt  }
0x7d: {  	_ =	shalt  }
0x7e: {  	_ =	shalt  }
0x7f: {  	_ =	shalt  }
0x80: {  	_ =	shalt  }
0x81: {  	_ =	shalt  }
0x82: {  	_ =	shalt  }
0x83: {  	_ =	shalt  }
0x84: {  	_ =	shalt  }
0x85: {  	_ =	shalt  }
0x86: {  	_ =	shalt  }
0x87: {  	_ =	shalt  }
.Lfunc_end0:
.L_simem_size_0:
called_computation_lowered:
.L_overlay_start_0:
0x88: {  	s2 =	sld [smem:$0x3FD9]  }
0x89: {  	s3 =	sld [smem:$0x3FFE];
	_ =	sdelay $0x1  }
0x8a: {  	s1 =	srdreg.scid  }
0x8b: {  	s0 =	sand.u32 $0x1, s1  }
0x8c: {  	s16 =	sshll.u32 s0, $0xA;
	s2 =	sadd.s32 s3, s2  }
0x8d: {  	s2 =	sadd.s32 s2, s16  }
0x8e: {  	[smem:$0x3FC6] =	sst s2  }
0x8f: {  	_ = 	snop  }
0x90: {  	(tm) =	ssettm $0x1  }
0x91: {  	s17 =	sld [smem:$0x3FFB];
	_ =	sdelay $0x3  }
0x92: {  	_ =	strace s17  }
0x93: {  	s2 =	sld [smem:$0x3FFC];
	_ =	sdelay $0x3  }
0x94: {  	_ =	strace s2  }
0x95: {  	s2 =	sld [smem:$0x3FFD];
	_ =	sdelay $0x3  }
0x96: {  	_ =	strace s2  }
0x97: {  	_ =	strace $0x8FFFFFFF  }
0x98: {  	s18 =	sld [smem:$0x3FDB];
	_ =	sdelay $0x1  }
0x99: {  	s19 =	simm.s32 $_scs_section_size  }
0x9a: {  	s4 =	simm.s32 $_size__tile_overlayer_lowered;
	s5 =	simm.s32 $_tile_overlayer_lowered  }
0x9b: {  	s22 =	simm.s32 $0x1BFF;
	s21 =	sshll.u32 s5, $0x1;
	s2 =	sadd.s32 s19, s18  }
0x9c: {  	s6 =	simm.s32 $0x0;
	s20 =	sshll.u32 s4, $0x1;
	s4 =	sadd.s32 s21, s2  }
0x9d: {  	[timem:s6], [sflag:s22] =	dma.local [hbm:s4], s20  }
0x9e: {  	_ =	swait.ge [sflag:s22], s20  }
0x9f: {  	s3 =	ssub.s32 $0x0, s20;
	[sflag:s22] =	ssyncset.done $0x0  }
0xa0: {  	[sflag:s22] =	ssyncadd.s32 s3;
	_ =	sdelay $0x1  }
0xa1: {  	s23 =	simm.s32 $0x1B8B  }
0xa2: {  	_ =	swait.ge [sflag:s23], $0x1  }
0xa3: {  	[sflag:s23] =	ssyncset.done $0x0  }
0xa4: {  	s25 =	simm.s32 $0x1B8E;
	s24 =	sld [smem:$0x3FFE];
	[sflag:s23] =	ssyncadd.s32 $0xFFFFFFFF  }
0xa5: {  	s26 =	simm.s32 $execute0_lowered;
	[smem:$0x3FD2] =	sst s25  }
0xa6: {  	s4 =	sshll.u32 s26, $0x1;
	_ =	strace $0x80000046;
	[dreg:$0x1] =	wrdreg $0xFFFFFFFF  }
0xa7: {  	s28 =	simm.s32 $_size_execute0_lowered;
	s2 =	sadd.s32 s2, s4;
	[dreg:$0x0] =	wrdreg $0x0  }
0xa8: {  	s4 =	sshll.u32 s28, $0x1;
	[dreg:$0x2] =	wrdreg s2  }
0xa9: {  	[dreg:$0x3] =	wrdreg s4  }
0xaa: {  	[dreg:$0x4] =	wrdreg $0xC0  }
0xab: {  	_ =	task [dreg:s6], $0x5FFFF  }
0xac: {  	[dreg:$0x1] =	wrdreg $0xFFFFFFFF  }
0xad: {  	[dreg:$0x0] =	wrdreg $0x60  }
0xae: {  	[dreg:$0x2] =	wrdreg s24  }
0xaf: {  	[dreg:$0x3] =	wrdreg $0x9  }
0xb0: {  	_ =	task.clear_ibuf [dreg:s6], $0x4FFFF;
	_ =	strace $0x90000046  }
0xb1: {  	s29 =	simm.s32 $0x9;
	_ =	strace $0x80000048  }
0xb2: {  	_ =	swait.ge [sflag:s29], $0x1  }
0xb3: {  	[sflag:s29] =	ssyncadd.s32 $0xFFFFFFFF  }
0xb4: {  	_ =	strace $0x90000048  }
0xb5: {  	_ =	sfence  }
0xb6: {  	s30 =	sld [smem:$0x0];
	_ =	sdelay $0x2  }
0xb7: {  	s31 =	sshll.u32 s1, $0xD;
	s1 =	sshrl.u32 s1, $0x2  }
0xb8: {  	s3 =	sand.u32 $0x4000, s31;
	s1 =	sadd.s32 s1, s30  }
0xb9: {  	s0 =	sor.u32 s3, s0;
	s1 =	sshll.u32 s1, $0x11  }
0xba: {  	s0 =	sor.u32 s1, s0  }
0xbb: {  	s0 =	sadd.s32 $0x8F2B, s0  }
0xbc: {  	[sflag:s0] =	ssyncadd.remote.s32 $0x1  }
0xbd: {  	_ =	sfence.sel $0xFFFF  }
0xbe: {  	[dreg:$0x0] =	wrdreg $0xFFFFFFFF;
	(pc) =	sbr.abs _section_cstart, $3  }
0xbf: {  	[dreg:$0x1] =	wrdreg $0xFFFFFFFF  }
0xc0: {  	_ =	task.clear_ibuf [dreg:s6], $0x2FFFF;
	_ =	strace $0x9FFFFFFF  }
0xc1: {  	(tm) =	ssettm $0x7FFFFFFF  }
tec
execute0_lowered:
.L_overlay_start_1:
0x0: {  	(tag) =	ssettag $0x1  }
0x1: {  	v0 =	vimm.s32 $0xEFCDAB89;
	s3 =	rddreg [dreg:$0x0]  }
0x2: {  	v1 =	vimm.s32 $0x67452301;
	v2 =	vimm.s32 $0xDCFE98BA;
	s0 =	rddreg [dreg:$0x1];
	s1 =	simm.s32 $0x0;
	v3 =	vimm.s32 $0x54761032  }
0x3: {  	s4 =	srdreg.scid;
	s2 =	stileid.u32;
	v4 =	vimm.s32 $0xBA98FEDC;
	v5 =	vimm.s32 $0x32107654;
	v6 =	vimm.s32 $0xFEDCBA98;
	s12 =	simm.s32 $0x0  }
0x4: {  	v7 =	vimm.s32 $0x76543210;
	v0 =	vunpack.c.l.s4.s8 v0;
	v1 =	vunpack.c.l.s4.s8 v1;
	[smem:$0x7FF] =	sst s1;
	s4 =	sand.u32 $0x1, s4;
	s5 =	sshll.u32 s2, $0x2  }
0x5: {  	v2 =	vunpack.c.l.s4.s8 v2;
	s7 =	sadd.s32 $0x108400, s3;
	v3 =	vunpack.c.l.s4.s8 v3;
	s30 =	sadd.s32 $0x200, s3;
	v4 =	vunpack.c.l.s4.s8 v4;
	s6 =	sshll.u32 s4, $0x1  }
0x6: {  	v5 =	vunpack.c.l.s4.s8 v5;
	v6 =	vunpack.c.l.s4.s8 v6;
	v7 =	vunpack.c.l.s4.s8 v7;
	_ =	strace $0x80000047;
	s4 =	ssub.s32 $0x2, s4;
	s5 =	sor.u32 s6, s5  }
0x7: {  	v0 =	vunpack.c.0.s8.s32 v0;
	v1 =	vunpack.c.0.s8.s32 v1;
	v2 =	vunpack.c.0.s8.s32 v2;
	s10 =	sshrl.u32 s4, $0x1;
	s8 =	sadd.s32 s5, s3;
	s31 =	sor.u32 $0x40, s5  }
0x8: {  	v3 =	vunpack.c.0.s8.s32 v3;
	v4 =	vunpack.c.0.s8.s32 v4;
	v5 =	vunpack.c.0.s8.s32 v5;
	s5 =	sor.u32 $0x41, s5;
	s10 =	ssub.s32 s4, s10;
	s9 =	smul.u32 $0x2C00, s31  }
0x9: {  	v6 =	vunpack.c.0.s8.s32 v6;
	s3 =	sshll.u32 s31, $0x5;
	s11 =	smul.u32 $0x2C00, s5;
	v1 =	vcombine.low v1, v0;
	s5 =	sshll.u32 s5, $0x5  }
0xa: {  	v2 =	vcombine.low v3, v2;
	v3 =	vcombine.low v5, v4;
	v4 =	vunpack.c.0.s8.s32 v7;
	s3 =	sadd.s32 s30, s3;
	s5 =	sadd.s32 s30, s5;
	s4 =	sadd.s32 s7, s9  }
0xb: {  	v0 =	vlaneseq.u32;
	v5 =	vand.u32 $0xF, v6;
	s6 =	sadd.s32 s7, s11;
	s7 =	sadd.s32 $0x1200, s8;
	s8 =	smax.u32 s10, $0x1;
	v1 =	vand.u32 $0xF, v1  }
0xc: {  	s9 =	simm.s32 $0x16000;
	s10 =	simm.s32 $0x1;
	v2 =	vand.u32 $0xF, v2;
	v3 =	vand.u32 $0xF, v3;
	v4 =	vcombine.low v5, v4;
	s11 =	simm.s32 $0x16100  }
.LBB2_1:
0xd: {  	[tilespmem:s9], [sflag:$0x1] =	stream.linear.gather [hbm4b:s3+s1], $0x100, $0x38;
	[tilespmem:$0x16180] =	vst v63  }
0xe: {  	_ =	swait.ge [sflag:s10], $0x100  }
0xf: {  	[sflag:s10] =	ssyncset.done $0x0  }
0x10: {  	[sflag:s10] =	ssyncadd.s32 $0xFFFFFF00  }
0x11: {  	v5 =	vld [tilespmem:$0x16000]  }
0x12: {  	v6 =	vld [tilespmem:$0x16010]  }
0x13: {  	v10 =	vld [tilespmem:$0x16020]  }
0x14: {  	v9 =	vld [tilespmem:$0x16030]  }
0x15: {  	v54 =	vld [tilespmem:$0x16040]  }
0x16: {  	v53 =	vld [tilespmem:$0x16050]  }
0x17: {  	v52 =	vld [tilespmem:$0x16060]  }
0x18: {  	v51 =	vld [tilespmem:$0x16070]  }
0x19: {  	v50 =	vld [tilespmem:$0x16080]  }
0x1a: {  	v49 =	vld [tilespmem:$0x16090]  }
0x1b: {  	v56 =	vld [tilespmem:$0x160A0]  }
0x1c: {  	v55 =	vld [tilespmem:$0x160B0]  }
0x1d: {  	v28 =	vld [tilespmem:$0x160C0]  }
0x1e: {  	v29 =	vld [tilespmem:$0x160D0]  }
0x1f: {  	v11 =	vld [tilespmem:$0x160E0];
	[tilespmem:s1], [sflag:$0x1] =	stream.linear.gather [hbm4b:s4+s1], $0x16000, $0x38  }
0x20: {  	_ =	swait.ge [sflag:s10], $0x16000  }
0x21: {  	s13 =	sand.u32 $0x70, s1;
	s14 =	sand.u32 $0x7C00, s1;
	[sflag:s10] =	ssyncset.done $0x0  }
0x22: {  	s13 =	sor.u32 s13, s14;
	[sflag:s10] =	ssyncadd.s32 $0xFFFEA000  }
0x23: {  	v20 =	vld [tilespmem:s13+$0x0]  }
0x24: {  	v7 =	vld [tilespmem:s13+$0x100];
	_ =	sdelay $0x1  }
0x25: {  	v8 =	vld [tilespmem:s13+$0x80]  }
0x26: {  	v12 =	vld [tilespmem:s13+$0x180]  }
0x27: {  	v13 =	vsub.f32 $0.0e+00, v20  }
0x28: {  	v15 =	vld [tilespmem:s13+$0x200];
	v14 =	vmul.f32 $1.442695020e+00, v7  }
0x29: {  	v13 =	vmul.f32 $1.442695020e+00, v13  }
0x2a: {  	v16 =	vsub.f32 $0.0e+00, v8;
	(erf) = vpow2.f32 v14  }
0x2b: {  	v14 =	vmul.f32 $1.442695020e+00, v12;
	(erf) = vpow2.f32 v13  }
0x2c: {  	v13 =	vmul.f32 $1.442695020e+00, v16  }
0x2d: {  	(erf) = vpow2.f32 v14;
	v14 =	vsub.f32 $0.0e+00, v15  }
0x2e: {  	(erf) = vpow2.f32 v13  }
0x2f: {  	v13 =	vmul.f32 $1.442695020e+00, v14;
	_ =	sdelay $0x3  }
0x30: {  	(erf) = vpow2.f32 v13;
	v13 =	vpop (erf)  }
0x31: {  	v14 =	vpop (erf)  }
0x32: {  	v14 =	vadd.f32 $1.000000000e+00, v14  }
0x33: {  	v22 =	vor.u32 s1, v0;
	s30 =	simm.s32 $0x10;
	s31 =	simm.s32 $0x80;
	v21 =	vpop (erf)  }
0x34: {  	v23 =	vmul.u32 $0x9D8A, v22;
	s15 =	sand.u32 $0x70, s30;
	s14 =	sand.u32 $0x7C00, s31;
	v16 =	vmul.f32 $5.000000000e-01, v10;
	v17 =	vpop (erf);
	(erf) = vrcp.f32 v14  }
0x35: {  	s14 =	sor.u32 s15, s14;
	v18 =	vadd.f32 $1.000000000e+00, v17  }
0x36: {  	v23 =	vshrl.u32 v23, $0x15;
	v24 =	vld [tilespmem:s14+$0x0];
	v19 =	vadd.f32 v16, v5;
	v14 =	vmul.f32 $5.000000000e-01, v9  }
0x37: {  	v26 =	vmul.f32 $1.731449960e+00, v21;
	v21 =	vld [tilespmem:s14+$0x180];
	v17 =	vsub.f32 v5, v16;
	(erf) = vrcp.f32 v18  }
0x38: {  	v16 =	vsub.f32 v6, v14;
	v18 =	vadd.f32 v14, v6;
	v14 =	vcvt.s32.f32 v23  }
0x39: {  	v25 =	vimm.f32 $0.0e+00;
	v35 =	vmul.f32 v7, v7;
	v6 =	vmul.f32 $1.322100040e+00, v13  }
0x3a: {  	vm0 =	veq.f32 v29, $0.0e+00;
	v5 =	vld [tilespmem:s14+$0x100];
	v13 =	vpop (erf);
	v23 =	vcvt.s32.f32 v22;
	v27 =	vmul.f32 $-5.200000000e+01, v14  }
0x3b: {  	v37 =	vsub.f32 $0.0e+00, v24;
	v30 =	vmul.f32 $5.000000000e-01, v26;
	v22 =	vld [tilespmem:s14+$0x80];
	v13 =	vadd.f32 $1.000000000e+00, v13  }
0x3c: {  	v31 =	vadd.f32 v6, v10;
	v36 =	vmul.f32 $1.442695020e+00, v21;
	v27 =	vadd.f32 v27, v23  }
0x3d: {  	vm1 =	veq.f32 v28, v23;
	(erf) = vrcp.f32 v13;
	v13 =	vmul.f32 v26, v6;
	v34 =	vpop (erf)  }
0x3e: {  	v6 =	vmul.f32 $5.000000000e-01, v6;
	vm1 =	vmand vm0, vm1;
	v27 =	vadd.f32 v34, v27  }
0x3f: {  	v32 =	vmul.f32 $1.442695020e+00, v5;
	v26 =	vadd.f32 v26, v9;
	v38 =	vnsel vm1, $0x0, v7  }
0x40: {  	v23 =	vld [tilespmem:s14+$0x200];
	v15 =	vnsel vm1, $0x0, v15;
	v58 =	vsub.f32 $0.0e+00, v22;
	v7 =	vpop (erf);
	v39 =	vadd.f32 v6, v27  }
0x41: {  	v6 =	vsub.f32 v27, v6;
	v27 =	vmul.f32 $1.442695020e+00, v37;
	v14 =	vadd.f32 v14, v7  }
0x42: {  	(erf) = vpow2.f32 v32;
	v37 =	vmul.f32 $1.442695020e+00, v58;
	v59 =	vmax.f32 v19, v39  }
0x43: {  	v6 =	vmin.f32 v17, v6;
	(erf) = vpow2.f32 v27;
	v27 =	vsub.f32 v14, v30  }
0x44: {  	v14 =	vadd.f32 v30, v14;
	(erf) = vpow2.f32 v36;
	v6 =	vsub.f32 v59, v6  }
0x45: {  	v34 =	vadd.f32 $-5.000000000e-01, v34;
	v60 =	vsub.f32 $0.0e+00, v23;
	(erf) = vpow2.f32 v37  }
0x46: {  	v27 =	vmin.f32 v16, v27;
	v61 =	vsub.f32 v31, v6;
	v6 =	vmax.f32 v18, v14  }
0x47: {  	v30 =	vmul.f32 $1.442695020e+00, v60;
	v14 =	vadd.f32 $-5.000000000e-01, v7;
	v6 =	vsub.f32 v6, v27  }
0x48: {  	v33 =	vmul.f32 v12, v12;
	v7 =	vnsel vm1, $0x0, v8;
	v8 =	vadd.f32 v15, v25  }
0x49: {  	v27 =	vmul.f32 v34, v34;
	v14 =	vmul.f32 v14, v14;
	v15 =	vsub.f32 v26, v6  }
0x4a: {  	v12 =	vnsel vm1, $0x0, v12;
	v13 =	vadd.f32 v13, v11;
	(erf) = vpow2.f32 v30  }
0x4b: {  	v7 =	vadd.f32 v7, v25;
	v30 =	vpop (erf);
	v14 =	vadd.f32 v14, v27;
	v31 =	vmul.f32 v15, v61  }
0x4c: {  	v32 =	vor.u32 s30, v0;
	v62 =	vpop (erf);
	v6 =	vadd.f32 v38, v25;
	v26 =	vadd.f32 v12, v25  }
0x4d: {  	vm3 =	vgt.f32 v61, $0.0e+00;
	v12 =	vpop (erf);
	v14 =	vadd.f32 v14, v35;
	v13 =	vsub.f32 v13, v31  }
0x4e: {  	v27 =	vmul.f32 v30, v30;
	v30 =	vmul.f32 $1.322100040e+00, v62;
	vm2 =	vgt.f32 v15, $0.0e+00;
	v15 =	vpop (erf)  }
0x4f: {  	vm2 =	vmand vm3, vm2;
	v35 =	vmul.u32 $0x9D8A, v32;
	v12 =	vadd.f32 $1.000000000e+00, v12;
	v63 =	vpop (erf)  }
0x50: {  	v15 =	vmul.f32 $1.731449960e+00, v15;
	v33 =	vadd.f32 v14, v33;
	v36 =	vadd.f32 $1.000000000e+00, v63  }
0x51: {  	s16 =	simm.s32 $0x20;
	s13 =	simm.s32 $0x100;
	(erf) = vrcp.f32 v12;
	v34 =	vmul.f32 $6.000000240e-01, v13;
	v12 =	vimm.f32 $0.0e+00;
	v14 =	vmovc v21;
	v13 =	vmovc v5  }
.LBB2_2:
0x52: {  	v37 =	vmov v5;
	s17 =	sand.u32 $0x70, s16;
	v38 =	vmul.f32 v14, v21  }
0x53: {  	s18 =	sand.u32 $0x7C00, s13;
	v14 =	vnsel vm1, $0x0, v20;
	v20 =	vmov v24;
	s15 =	smov.u32 s16;
	s14 =	sadd.s32 $0x10, s16;
	(erf) = vrcp.f32 v36;
	v5 =	vpop (erf)  }
0x54: {  	p0 =	sne.s32 s16, $0xA80;
	s17 =	sor.u32 s17, s18;
	v24 =	vshrl.u32 v35, $0x15;
	vm1 =	vgt.f32 v31, v34;
	v35 =	vadd.f32 $1.000000000e+00, v5  }
0x55: {  	v25 =	vadd.f32 v14, v25;
	v31 =	vcvt.s32.f32 v24;
	vm1 =	vmand vm2, vm1;
	v5 =	vld [tilespmem:s17+$0x100]  }
0x56: {  	v32 =	vcvt.s32.f32 v32;
	v27 =	vsel vm1, $0x0, v27;
	v14 =	vld [tilespmem:s17+$0x180];
	(erf) = vrcp.f32 v35  }
0x57: {  	v34 =	vmul.f32 $-5.200000000e+01, v31;
	v35 =	vmul.f32 v15, v30;
	v27 =	vadd.f32 v27, v33;
	v24 =	vld [tilespmem:s17+$0x0]  }
0x58: {  	v39 =	vadd.f32 v30, v10;
	v36 =	vmul.f32 $5.000000000e-01, v15;
	vm1 =	veq.f32 v28, v32;
	v33 =	vld [tilespmem:s17+$0x80]  }
0x59: {  	v30 =	vmul.f32 $5.000000000e-01, v30;
	v32 =	vadd.f32 v34, v32;
	v12 =	vadd.f32 v27, v12  }
0x5a: {  	vm1 =	vmand vm0, vm1;
	v34 =	vmul.f32 v37, v13;
	v27 =	vmul.f32 $1.442695020e+00, v5;
	v37 =	vpop (erf)  }
0x5b: {  	v41 =	vnsel vm1, $0x0, v13;
	v13 =	vmovc v5;
	v40 =	vmul.f32 $1.442695020e+00, v14;
	v32 =	vadd.f32 v37, v32  }
0x5c: {  	v43 =	vnsel vm1, $0x0, v23;
	v37 =	vadd.f32 $-5.000000000e-01, v37;
	v42 =	vsub.f32 $0.0e+00, v24;
	v23 =	vld [tilespmem:s17+$0x200];
	v44 =	vpop (erf)  }
0x5d: {  	v46 =	vadd.f32 v30, v32;
	v30 =	vsub.f32 v32, v30;
	v32 =	vnsel vm1, $0x0, v22;
	v22 =	vmovc v33  }
0x5e: {  	v31 =	vadd.f32 v31, v44;
	v33 =	vmul.f32 $1.442695020e+00, v42;
	v42 =	vsub.f32 $0.0e+00, v22  }
0x5f: {  	(erf) = vpow2.f32 v27;
	v27 =	vmax.f32 v19, v46;
	v30 =	vmin.f32 v17, v30;
	v45 =	vpop (erf)  }
0x60: {  	v42 =	vmul.f32 $1.442695020e+00, v42;
	(erf) = vpow2.f32 v33;
	v33 =	vsub.f32 v31, v36  }
0x61: {  	v27 =	vsub.f32 v27, v30;
	v46 =	vsub.f32 $0.0e+00, v23;
	(erf) = vpow2.f32 v40  }
0x62: {  	v30 =	vadd.f32 v36, v31;
	(erf) = vpow2.f32 v42;
	v31 =	vmin.f32 v16, v33  }
0x63: {  	v35 =	vadd.f32 v35, v11;
	v36 =	vsub.f32 v39, v27;
	v33 =	vmul.f32 $1.442695020e+00, v46  }
0x64: {  	v7 =	vadd.f32 v32, v7;
	v27 =	vmax.f32 v18, v30;
	v30 =	vadd.f32 $-5.000000000e-01, v44  }
0x65: {  	v15 =	vadd.f32 v15, v9;
	v27 =	vsub.f32 v27, v31;
	(erf) = vpow2.f32 v33  }
0x66: {  	v8 =	vadd.f32 v43, v8;
	v31 =	vmul.f32 v37, v37;
	v30 =	vmul.f32 v30, v30  }
0x67: {  	v6 =	vadd.f32 v41, v6;
	v39 =	vsub.f32 v15, v27;
	v27 =	vnsel vm1, $0x0, v21;
	v21 =	vmovc v14  }
0x68: {  	v32 =	vor.u32 s15, v0;
	v30 =	vadd.f32 v30, v31;
	v26 =	vadd.f32 v27, v26;
	v33 =	vpop (erf)  }
.Ltmp0:
0x69: {  	v27 =	vmul.f32 v45, v45;
	v31 =	vmul.f32 v39, v36;
	vm2 =	vgt.f32 v39, $0.0e+00;
	v37 =	vpop (erf);
	(pc) =	sbr.rel @p0 .LBB2_2-.Ltmp0, $4  }
0x6a: {  	vm3 =	vgt.f32 v36, $0.0e+00;
	v39 =	vadd.f32 v30, v34;
	v37 =	vadd.f32 $1.000000000e+00, v37;
	v15 =	vpop (erf)  }
0x6b: {  	vm2 =	vmand vm3, vm2;
	v30 =	vmul.f32 $1.322100040e+00, v33;
	v34 =	vsub.f32 v35, v31;
	v33 =	vpop (erf)  }
0x6c: {  	v15 =	vmul.f32 $1.731449960e+00, v15;
	v36 =	vadd.f32 $1.000000000e+00, v33;
	(erf) = vrcp.f32 v37  }
0x6d: {  	s13 =	sadd.s32 $0x80, s13;
	s16 =	smov.u32 s14;
	v35 =	vmul.u32 $0x9D8A, v32;
	v34 =	vmul.f32 $6.000000240e-01, v34;
	v33 =	vadd.f32 v39, v38  }
0x6e: {  	(erf) = vrcp.f32 v36;
	_ =	sdelay $0x1  }
0x6f: {  	v35 =	vshrl.u32 v35, $0x15  }
0x70: {  	v35 =	vcvt.s32.f32 v35;
	_ =	sdelay $0x1  }
0x71: {  	v32 =	vcvt.s32.f32 v32;
	v46 =	vmul.f32 $-5.200000000e+01, v35;
	_ =	sdelay $0x1  }
0x72: {  	v37 =	vpop (erf);
	v36 =	vadd.f32 v46, v32  }
0x73: {  	v38 =	vpop (erf)  }
0x74: {  	v39 =	vmul.f32 $5.000000000e-01, v30;
	v57 =	vadd.f32 v30, v10;
	v36 =	vadd.f32 v38, v36;
	v40 =	vpop (erf)  }
0x75: {  	v41 =	vmul.f32 $5.000000000e-01, v15;
	v58 =	vadd.f32 v15, v9;
	v35 =	vadd.f32 v35, v40  }
0x76: {  	v42 =	vadd.f32 v39, v36;
	v36 =	vsub.f32 v36, v39  }
0x77: {  	v47 =	vsub.f32 v35, v41;
	v35 =	vadd.f32 v41, v35  }
0x78: {  	v20 =	vnsel vm1, $0x0, v20;
	v37 =	vadd.f32 $1.000000000e+00, v37;
	v48 =	vmax.f32 v19, v42  }
0x79: {  	v36 =	vmin.f32 v17, v36;
	v39 =	vmin.f32 v16, v47;
	v35 =	vmax.f32 v18, v35  }
0x7a: {  	(erf) = vrcp.f32 v37;
	v36 =	vsub.f32 v48, v36;
	v35 =	vsub.f32 v35, v39  }
0x7b: {  	v15 =	vmul.f32 v15, v30;
	v25 =	vadd.f32 v20, v25  }
0x7c: {  	vm11 =	vgt.f32 v31, v34;
	v30 =	vsub.f32 v57, v36;
	v31 =	vsub.f32 v58, v35  }
0x7d: {  	vm1 =	vmand vm2, vm11;
	v59 =	vadd.f32 $-5.000000000e-01, v38;
	v60 =	vadd.f32 $-5.000000000e-01, v40  }
0x7e: {  	v15 =	vadd.f32 v15, v11;
	v27 =	vsel vm1, $0x0, v27;
	v20 =	vmul.f32 v31, v30  }
0x7f: {  	v27 =	vadd.f32 v27, v33;
	v34 =	vmul.f32 v59, v59;
	v35 =	vmul.f32 v60, v60  }
0x80: {  	v14 =	vmul.f32 v14, v21;
	vm12 =	veq.f32 v28, v32;
	v15 =	vsub.f32 v15, v20  }
0x81: {  	v5 =	vmul.f32 v5, v13;
	vm0 =	vmand vm0, vm12;
	v61 =	vadd.f32 v35, v34  }
0x82: {  	v62 =	vnsel vm0, $0x0, v13;
	v12 =	vadd.f32 v27, v12;
	v15 =	vmul.f32 $6.000000240e-01, v15  }
0x83: {  	v27 =	vpop (erf);
	vm14 =	vgt.f32 v30, $0.0e+00;
	vm13 =	vgt.f32 v31, $0.0e+00;
	v5 =	vadd.f32 v61, v5  }
0x84: {  	p1 =	por $0x1, $0x1;
	v27 =	vmul.f32 v27, v27;
	vm1 =	vmand vm14, vm13;
	vm15 =	vgt.f32 v20, v15  }
.Ltmp1:
0x85: {  	s13 =	simm.s32 $0x0;
	v5 =	vadd.f32 v5, v14;
	v15 =	vnsel vm0, $0x0, v22;
	vm1 =	vmand vm1, vm15;
	(pc) =	sbr.rel @!p1 .LBB2_4-.Ltmp1, $4  }
0x86: {  	s14 =	sand.u32 $0x70, s13;
	s15 =	sand.u32 $0x7C00, s13;
	v63 =	vnsel vm0, $0x0, v23;
	v22 =	vadd.f32 v15, v7;
	v7 =	vsel vm1, $0x0, v27  }
0x87: {  	s14 =	sor.u32 s14, s15;
	v23 =	vadd.f32 v62, v6;
	v6 =	vnsel vm0, $0x0, v24;
	v5 =	vadd.f32 v7, v5  }
0x88: {  	v37 =	vld [tilespmem:s14+$0x300];
	v24 =	vadd.f32 v6, v25;
	v20 =	vadd.f32 v63, v8;
	v8 =	vnsel vm0, $0x0, v21  }
0x89: {  	p2 =	por $0x0, $0x0;
	p0 =	por $0x0, $0x0;
	s15 =	simm.s32 $0x10;
	v40 =	vld [tilespmem:s14+$0x280];
	v21 =	vadd.f32 v8, v26;
	v25 =	vadd.f32 v5, v12  }
0x8a: {  	_ =	sdelay $0x2  }
0x8b: {  	s16 =	sand.u32 $0x7, s13  }
0x8c: {  	s16 =	sshll.u32 s16, $0x4;
	v5 =	vsub.f32 $0.0e+00, v40  }
0x8d: {  	s16 =	sadd.s32 $0x0, s16;
	v6 =	vsub.f32 $0.0e+00, v37  }
0x8e: {  	v39 =	vld [tilespmem:s14+$0x5800];
	s16 =	sor.u32 $0x380, s16;
	v5 =	vmul.f32 $1.442695020e+00, v5  }
0x8f: {  	v7 =	vmul.f32 $1.442695020e+00, v6;
	v6 =	vld [tilespmem:s16+$0x0]  }
0x90: {  	(erf) = vpow2.f32 v5  }
0x91: {  	(erf) = vpow2.f32 v7;
	_ =	sdelay $0x1  }
0x92: {  	v5 =	vmul.f32 $1.442695020e+00, v39  }
0x93: {  	v7 =	vmul.f32 $1.442695020e+00, v6  }
0x94: {  	v38 =	vld [tilespmem:s14+$0x5880];
	(erf) = vpow2.f32 v5  }
0x95: {  	(erf) = vpow2.f32 v7;
	_ =	sdelay $0x2  }
0x96: {  	v5 =	vor.u32 s13, v0;
	v7 =	vpop (erf)  }
0x97: {  	p3 =	por $0x1, $0x1;
	v12 =	vsub.f32 $0.0e+00, v38;
	v13 =	vmul.u32 $0x9D8A, v5;
	v7 =	vadd.f32 $1.000000000e+00, v7;
	v8 =	vpop (erf)  }
.Ltmp2:
0x98: {  	s19 =	simm.s32 $0x80;
	v8 =	vadd.f32 $1.000000000e+00, v8;
	(pc) =	sbr.rel @!p3 .LBB2_6-.Ltmp2, $4  }
0x99: {  	s31 =	sand.u32 $0x70, s15;
	s17 =	sand.u32 $0x7C00, s19;
	(erf) = vrcp.f32 v7;
	v7 =	vmul.f32 $1.442695020e+00, v12;
	v12 =	vshrl.u32 v13, $0x15  }
0x9a: {  	s18 =	sor.u32 s31, s17;
	v41 =	vcvt.s32.f32 v12  }
0x9b: {  	v35 =	vld [tilespmem:s18+$0x280];
	v43 =	vpop (erf);
	v13 =	vcvt.s32.f32 v5;
	(erf) = vrcp.f32 v8  }
0x9c: {  	p2 =	por $0x1, $0x1;
	v36 =	vld [tilespmem:s18+$0x300];
	s16 =	simm.s32 $0x20;
	v44 =	vpop (erf);
	(erf) = vpow2.f32 v7;
	v45 =	vmul.f32 $-5.200000000e+01, v41  }
0x9d: {  	_ =	sdelay $0x2  }
0x9e: {  	v12 =	vmul.f32 $3.192749980e+00, v44  }
0x9f: {  	v14 =	vmul.f32 $4.009439950e+00, v43;
	v5 =	vsub.f32 $0.0e+00, v35  }
0xa0: {  	vm0 =	veq.f32 v29, $1.000000000e+00;
	v7 =	vadd.f32 v45, v13;
	v26 =	vmul.f32 $5.000000000e-01, v12  }
0xa1: {  	v32 =	vadd.f32 v14, v9;
	v34 =	vadd.f32 v12, v10;
	v15 =	vpop (erf);
	v5 =	vmul.f32 $1.442695020e+00, v5  }
0xa2: {  	v31 =	vmul.f32 $5.000000000e-01, v14;
	v8 =	vsub.f32 $0.0e+00, v36;
	v7 =	vadd.f32 v15, v7;
	v27 =	vpop (erf)  }
0xa3: {  	s17 =	simm.s32 $0x1;
	v12 =	vmul.f32 v14, v12;
	v14 =	vadd.f32 $-5.000000000e-01, v15;
	v30 =	vadd.f32 v41, v27  }
0xa4: {  	s19 =	sand.u32 $0x7, s17;
	v33 =	vmul.f32 $1.442695020e+00, v8;
	v8 =	vadd.f32 v26, v7;
	v7 =	vsub.f32 v7, v26  }
0xa5: {  	s19 =	sshll.u32 s19, $0x4;
	(erf) = vpow2.f32 v5;
	v5 =	vpop (erf);
	v26 =	vadd.f32 v31, v30;
	v30 =	vsub.f32 v30, v31  }
0xa6: {  	s19 =	sadd.s32 $0x80, s19;
	v15 =	vadd.f32 $-5.000000000e-01, v27;
	v31 =	vadd.f32 $1.000000000e+00, v5;
	v8 =	vmax.f32 v19, v8  }
0xa7: {  	s19 =	sor.u32 $0x380, s19;
	v5 =	vld [tilespmem:s18+$0x5800];
	v7 =	vmin.f32 v17, v7;
	v26 =	vmax.f32 v18, v26;
	v30 =	vmin.f32 v16, v30  }
0xa8: {  	v7 =	vsub.f32 v8, v7;
	v8 =	vld [tilespmem:s19+$0x0];
	(erf) = vrcp.f32 v31;
	v26 =	vsub.f32 v26, v30  }
0xa9: {  	vm1 =	veq.f32 v28, v13;
	v14 =	vmul.f32 v14, v14;
	(erf) = vpow2.f32 v33  }
0xaa: {  	v15 =	vmul.f32 v15, v15;
	v7 =	vsub.f32 v34, v7;
	v13 =	vsub.f32 v32, v26  }
0xab: {  	v63 =	vmul.f32 v39, v39;
	vm1 =	vmand vm0, vm1;
	v12 =	vadd.f32 v12, v11  }
0xac: {  	v14 =	vadd.f32 v15, v14;
	v26 =	vmul.f32 $1.442695020e+00, v5;
	v27 =	vmul.f32 v13, v7  }
0xad: {  	v30 =	vnsel vm1, $0x0, v6;
	v6 =	vmul.f32 v6, v6;
	v60 =	vmul.f32 $1.442695020e+00, v8  }
0xae: {  	v31 =	vor.u32 s15, v0;
	v62 =	vpop (erf);
	(erf) = vpow2.f32 v26;
	v61 =	vsub.f32 v12, v27;
	v12 =	vld [tilespmem:s18+$0x5880]  }
0xaf: {  	v6 =	vadd.f32 v14, v6;
	v15 =	vadd.f32 $1.000000000e+00, v62;
	(erf) = vpow2.f32 v60  }
0xb0: {  	vm2 =	vgt.f32 v7, $0.0e+00;
	vm3 =	vgt.f32 v13, $0.0e+00;
	v26 =	vmul.f32 $6.000000240e-01, v61  }
0xb1: {  	v6 =	vadd.f32 v6, v63;
	vm2 =	vmand vm2, vm3;
	(erf) = vrcp.f32 v15;
	v7 =	vpop (erf)  }
0xb2: {  	v15 =	vmul.u32 $0x9D8A, v31;
	v13 =	vpop (erf);
	v7 =	vmul.f32 v7, v7;
	vm3 =	vgt.f32 v27, v26  }
0xb3: {  	v13 =	vadd.f32 $1.000000000e+00, v13;
	vm2 =	vmand vm2, vm3;
	v14 =	vsub.f32 $0.0e+00, v12  }
0xb4: {  	p4 =	por $0x1, $0x1;
	s19 =	simm.s32 $0x100;
	v15 =	vshrl.u32 v15, $0x15;
	v7 =	vsel vm2, $0x0, v7  }
.Ltmp3:
0xb5: {  	s31 =	sand.u32 $0x70, s16;
	s20 =	sand.u32 $0x7C00, s19;
	(erf) = vrcp.f32 v13;
	v6 =	vadd.f32 v7, v6;
	v7 =	vmul.f32 $1.442695020e+00, v14;
	(pc) =	sbr.rel @!p4 .LBB2_8-.Ltmp3, $4  }
0xb6: {  	v42 =	vnsel vm1, $0x0, v39;
	v33 =	vmovc v20;
	s18 =	sor.u32 s31, s20;
	v41 =	vcvt.s32.f32 v15;
	v14 =	vnsel vm1, $0x0, v37  }
0xb7: {  	v30 =	vadd.f32 v30, v23;
	v15 =	vnsel vm1, $0x0, v38;
	v26 =	vld [tilespmem:s18+$0x280];
	v13 =	vnsel vm1, $0x0, v40;
	v43 =	vpop (erf)  }
0xb8: {  	v27 =	vld [tilespmem:s18+$0x300];
	v45 =	vmul.f32 $-5.200000000e+01, v41;
	v34 =	vadd.f32 v13, v24;
	v44 =	vpop (erf);
	(erf) = vpow2.f32 v7  }
0xb9: {  	p3 =	por $0x1, $0x1;
	s20 =	simm.s32 $0x30;
	v13 =	vcvt.s32.f32 v31;
	v31 =	vadd.f32 v14, v22;
	v32 =	vadd.f32 v6, v25;
	v14 =	vmovc v5;
	v7 =	vmovc v21  }
.LBB2_9:
0xba: {  	v6 =	vmov v14  }
0xbb: {  	p4 =	sne.s32 s20, $0xA80;
	v7 =	vadd.f32 v42, v7;
	v33 =	vadd.f32 v15, v33  }
0xbc: {  	v37 =	vmul.f32 $3.192749980e+00, v44;
	v14 =	vsub.f32 $0.0e+00, v26;
	v15 =	vadd.f32 v45, v13  }
0xbd: {  	v39 =	vmul.f32 $4.009439950e+00, v43;
	vm1 =	veq.f32 v28, v13;
	v38 =	vsub.f32 $0.0e+00, v27;
	v13 =	vpop (erf)  }
0xbe: {  	v40 =	vmul.f32 $5.000000000e-01, v37;
	v46 =	vmul.f32 $1.442695020e+00, v14;
	v15 =	vadd.f32 v13, v15;
	v42 =	vpop (erf)  }
0xbf: {  	v43 =	vmul.f32 $5.000000000e-01, v39;
	v44 =	vadd.f32 v39, v9;
	v41 =	vadd.f32 v41, v42  }
0xc0: {  	s17 =	sadd.s32 $0x1, s17;
	v38 =	vmul.f32 $1.442695020e+00, v38;
	v45 =	vadd.f32 v40, v15;
	v15 =	vsub.f32 v15, v40  }
0xc1: {  	s21 =	sand.u32 $0x7, s17;
	(erf) = vpow2.f32 v46;
	v40 =	vadd.f32 v43, v41;
	v41 =	vsub.f32 v41, v43;
	v14 =	vpop (erf)  }
0xc2: {  	s21 =	sshll.u32 s21, $0x4;
	v46 =	vadd.f32 v37, v10;
	v43 =	vadd.f32 $1.000000000e+00, v14;
	v45 =	vmax.f32 v19, v45  }
0xc3: {  	s21 =	sadd.s32 s21, s19;
	v15 =	vmin.f32 v17, v15;
	v14 =	vld [tilespmem:s18+$0x5800];
	v40 =	vmax.f32 v18, v40;
	v41 =	vmin.f32 v16, v41  }
0xc4: {  	s21 =	sor.u32 $0x380, s21;
	v15 =	vsub.f32 v45, v15;
	v40 =	vsub.f32 v40, v41;
	(erf) = vrcp.f32 v43  }
0xc5: {  	vm1 =	vmand vm0, vm1;
	v41 =	vld [tilespmem:s21+$0x0];
	(erf) = vpow2.f32 v38  }
0xc6: {  	v37 =	vmul.f32 v39, v37;
	v15 =	vsub.f32 v46, v15;
	v38 =	vsub.f32 v44, v40  }
0xc7: {  	v13 =	vadd.f32 $-5.000000000e-01, v13;
	v39 =	vadd.f32 $-5.000000000e-01, v42;
	v40 =	vnsel vm1, $0x0, v8  }
0xc8: {  	v37 =	vadd.f32 v37, v11;
	v42 =	vmul.f32 $1.442695020e+00, v14;
	v43 =	vmul.f32 v38, v15  }
0xc9: {  	v13 =	vmul.f32 v13, v13;
	v45 =	vor.u32 s16, v0;
	v39 =	vmul.f32 v39, v39;
	s16 =	smov.u32 s20  }
0xca: {  	v6 =	vmul.f32 v6, v5;
	v44 =	vmul.f32 $1.442695020e+00, v41;
	v46 =	vpop (erf);
	v37 =	vsub.f32 v37, v43  }
0xcb: {  	v13 =	vadd.f32 v39, v13;
	v39 =	vmul.f32 v8, v8;
	v8 =	vmovc v41;
	v47 =	vld [tilespmem:s18+$0x5880];
	(erf) = vpow2.f32 v42  }
0xcc: {  	v41 =	vadd.f32 $1.000000000e+00, v46;
	(erf) = vpow2.f32 v44;
	v37 =	vmul.f32 $6.000000240e-01, v37  }
0xcd: {  	vm2 =	vgt.f32 v15, $0.0e+00;
	v13 =	vadd.f32 v13, v39;
	vm3 =	vgt.f32 v38, $0.0e+00;
	v15 =	vpop (erf)  }
0xce: {  	vm2 =	vmand vm2, vm3;
	v38 =	vpop (erf);
	vm3 =	vgt.f32 v43, v37;
	v15 =	vmul.f32 v15, v15  }
0xcf: {  	v6 =	vadd.f32 v13, v6;
	v37 =	vadd.f32 $1.000000000e+00, v38;
	vm2 =	vmand vm2, vm3  }
0xd0: {  	s19 =	sadd.s32 $0x80, s19;
	v13 =	vsub.f32 $0.0e+00, v47;
	(erf) = vrcp.f32 v41;
	v15 =	vsel vm2, $0x0, v15  }
0xd1: {  	s21 =	sand.u32 $0x7C00, s19;
	s18 =	sand.u32 $0x70, s20;
	v38 =	vmul.u32 $0x9D8A, v45;
	(erf) = vrcp.f32 v37;
	v6 =	vadd.f32 v15, v6  }
.Ltmp4:
0xd2: {  	v39 =	vnsel vm1, $0x0, v36;
	v36 =	vmovc v27;
	s18 =	sor.u32 s18, s21;
	v37 =	vnsel vm1, $0x0, v35;
	v35 =	vmovc v26;
	v13 =	vmul.f32 $1.442695020e+00, v13;
	(pc) =	sbr.rel @p4 .LBB2_9-.Ltmp4, $4  }
0xd3: {  	v42 =	vnsel vm1, $0x0, v5;
	v5 =	vmovc v14;
	v15 =	vshrl.u32 v38, $0x15;
	v26 =	vld [tilespmem:s18+$0x280];
	v32 =	vadd.f32 v6, v32  }
0xd4: {  	v41 =	vcvt.s32.f32 v15;
	v15 =	vnsel vm1, $0x0, v12;
	v27 =	vld [tilespmem:s18+$0x300];
	(erf) = vpow2.f32 v13;
	v43 =	vpop (erf)  }
0xd5: {  	v30 =	vadd.f32 v40, v30;
	v34 =	vadd.f32 v37, v34;
	v12 =	vmov v47;
	v44 =	vpop (erf)  }
0xd6: {  	v31 =	vadd.f32 v39, v31;
	s20 =	sadd.s32 $0x10, s20;
	v13 =	vcvt.s32.f32 v45;
	v45 =	vmul.f32 $-5.200000000e+01, v41  }
0xd7: {  	v6 =	vmovc v8;
	v39 =	vmovc v5;
	v40 =	vmov v35;
	v37 =	vmov v36;
	v38 =	vmov v12  }
.LBB2_11:
0xd8: {  	_ = 	snop  }
0xd9: {  	v5 =	vsub.f32 $0.0e+00, v26  }
0xda: {  	v8 =	vadd.f32 @p2 v45, v13;
	v35 =	vmul.f32 @p2 $3.192749980e+00, v44;
	v36 =	vmul.f32 @p2 $4.009439950e+00, v43  }
0xdb: {  	v7 =	vadd.f32 @p3 v42, v7;
	vm0 =	veq.f32 @p2 v29, $1.000000000e+00;
	v62 =	vor.u32 s16, v0;
	v12 =	vpop @p2 (erf)  }
0xdc: {  	v15 =	vadd.f32 @p3 v15, v33;
	v57 =	vsub.f32 $0.0e+00, v27;
	v43 =	vpop @p2 (erf);
	v5 =	vmul.f32 $1.442695020e+00, v5  }
0xdd: {  	s17 =	sadd.s32 @p2 $0x1, s17;
	s20 =	simm.s32 $0x0;
	v8 =	vadd.f32 @p2 v12, v8;
	v46 =	vmul.f32 @p2 $5.000000000e-01, v35;
	v12 =	vadd.f32 @p2 $-5.000000000e-01, v12;
	v45 =	vpop @p2 (erf)  }
0xde: {  	s20 =	smov.u32 @p2 s17;
	v47 =	vmul.f32 @p2 $5.000000000e-01, v36;
	v41 =	vadd.f32 @p2 v41, v43;
	v45 =	vadd.f32 @p2 $1.000000000e+00, v45  }
0xdf: {  	s17 =	sand.u32 $0x7, s20;
	v44 =	vmul.f32 $1.442695020e+00, v57;
	v43 =	vadd.f32 @p2 $-5.000000000e-01, v43;
	(erf) = vpow2.f32 v5  }
0xe0: {  	s17 =	sshll.u32 s17, $0x4;
	v5 =	vadd.f32 @p2 v46, v8;
	v8 =	vsub.f32 @p2 v8, v46;
	(erf) = vrcp.f32 @p2 v45  }
0xe1: {  	s17 =	sadd.s32 s17, s19;
	v42 =	vadd.f32 @p2 v47, v41;
	v41 =	vsub.f32 @p2 v41, v47;
	(erf) = vpow2.f32 v44  }
0xe2: {  	v46 =	vadd.f32 @p2 v36, v9;
	s17 =	sor.u32 $0x380, s17;
	v8 =	vmin.f32 @p2 v17, v8;
	v44 =	vmax.f32 @p2 v19, v5;
	v5 =	vld [tilespmem:s18+$0x5800]  }
0xe3: {  	v42 =	vmax.f32 @p2 v18, v42;
	v41 =	vmin.f32 @p2 v16, v41;
	v8 =	vsub.f32 @p2 v44, v8;
	v44 =	vld [tilespmem:s17+$0x0]  }
0xe4: {  	v14 =	vmul.f32 @p2 v14, v39;
	v45 =	vadd.f32 @p2 v35, v10;
	v41 =	vsub.f32 @p2 v42, v41  }
0xe5: {  	vm13 =	veq.f32 v29, $1.000000000e+00;
	v12 =	vmul.f32 @p2 v12, v12;
	v42 =	vmul.f32 @p2 v43, v43  }
0xe6: {  	v35 =	vmul.f32 @p2 v36, v35;
	v43 =	vld [tilespmem:s18+$0x5880];
	v41 =	vsub.f32 @p2 v46, v41;
	v8 =	vsub.f32 @p2 v45, v8  }
0xe7: {  	v12 =	vadd.f32 @p2 v42, v12;
	v42 =	vmul.f32 @p2 v6, v6;
	v58 =	vmul.f32 $1.442695020e+00, v5  }
0xe8: {  	v35 =	vadd.f32 @p2 v35, v11;
	v60 =	vpop (erf);
	v47 =	vmul.f32 @p2 v41, v8;
	v59 =	vmul.f32 $1.442695020e+00, v44  }
0xe9: {  	v48 =	vmul.u32 $0x9D8A, v62;
	v12 =	vadd.f32 @p2 v12, v42;
	(erf) = vpow2.f32 v58;
	v36 =	vpop @p2 (erf)  }
0xea: {  	v46 =	vadd.f32 $1.000000000e+00, v60;
	v35 =	vsub.f32 @p2 v35, v47;
	(erf) = vpow2.f32 v59;
	v61 =	vpop (erf)  }
0xeb: {  	v57 =	vshrl.u32 v48, $0x15;
	v63 =	vsub.f32 $0.0e+00, v43;
	v42 =	vadd.f32 $1.000000000e+00, v61  }
0xec: {  	vm2 =	vgt.f32 @p2 v41, $0.0e+00;
	(erf) = vrcp.f32 v46;
	v35 =	vmul.f32 @p2 $6.000000240e-01, v35  }
0xed: {  	vm1 =	vgt.f32 @p2 v8, $0.0e+00;
	v8 =	vmul.f32 $1.442695020e+00, v63;
	(erf) = vrcp.f32 v42  }
0xee: {  	vm1 =	vmand @p2 vm1, vm2;
	v36 =	vmul.f32 @p2 v36, v36;
	vm2 =	vgt.f32 @p2 v47, v35  }
0xef: {  	v58 =	vcvt.s32.f32 v57;
	vm1 =	vmand @p2 vm1, vm2;
	vm2 =	veq.f32 @p2 v28, v13  }
0xf0: {  	(erf) = vpow2.f32 v8;
	v8 =	vadd.f32 @p2 v12, v14;
	v12 =	vsel @p2 vm1, $0x0, v36  }
0xf1: {  	v7 =	vpsel p3, v7, v21;
	v15 =	vpsel p3, v15, v20;
	vm0 =	vmand @p2 vm0, vm2  }
0xf2: {  	v59 =	vmul.f32 $-5.200000000e+01, v58;
	v14 =	vcvt.s32.f32 v62;
	v6 =	vnsel @p2 vm0, $0x0, v6;
	v13 =	vpop (erf)  }
0xf3: {  	v36 =	vnsel @p2 vm0, $0x0, v40;
	v37 =	vnsel @p2 vm0, $0x0, v37;
	v8 =	vadd.f32 @p2 v12, v8;
	v12 =	vpop (erf)  }
0xf4: {  	v60 =	vadd.f32 v59, v14;
	v34 =	vadd.f32 @p2 v36, v34;
	v12 =	vmul.f32 $3.192749980e+00, v12  }
0xf5: {  	v6 =	vadd.f32 @p2 v6, v30;
	v8 =	vadd.f32 @p2 v8, v32;
	v13 =	vmul.f32 $4.009439950e+00, v13;
	v32 =	vpop (erf)  }
0xf6: {  	v30 =	vadd.f32 @p2 v37, v31;
	v33 =	vadd.f32 v32, v60;
	v61 =	vmul.f32 $5.000000000e-01, v12;
	v62 =	vpop (erf)  }
0xf7: {  	v63 =	vmul.f32 $5.000000000e-01, v13;
	v48 =	vadd.f32 v13, v9;
	v35 =	vadd.f32 v58, v62  }
0xf8: {  	v38 =	vnsel @p2 vm0, $0x0, v38;
	v57 =	vadd.f32 v61, v33;
	v33 =	vsub.f32 v33, v61  }
0xf9: {  	v36 =	vnsel @p2 vm0, $0x0, v39;
	v59 =	vpop (erf);
	v58 =	vadd.f32 v63, v35;
	v35 =	vsub.f32 v35, v63  }
0xfa: {  	v60 =	vadd.f32 v12, v10;
	v41 =	vadd.f32 $1.000000000e+00, v59;
	v45 =	vmax.f32 v19, v57  }
0xfb: {  	v33 =	vmin.f32 v17, v33;
	v39 =	vmax.f32 v18, v58;
	v35 =	vmin.f32 v16, v35  }
0xfc: {  	v33 =	vsub.f32 v45, v33;
	(erf) = vrcp.f32 v41;
	v35 =	vsub.f32 v39, v35  }
0xfd: {  	v37 =	vpsel p2, v38, v0;
	vm14 =	veq.f32 v28, v14;
	v8 =	vpsel p2, v8, v25  }
0xfe: {  	v12 =	vmul.f32 v13, v12;
	v31 =	vsub.f32 v60, v33;
	v61 =	vsub.f32 v48, v35  }
0xff: {  	v25 =	vpsel p2, v34, v24;
	v13 =	vadd.f32 $-5.000000000e-01, v32;
	v62 =	vadd.f32 $-5.000000000e-01, v62  }
0x100: {  	v24 =	vmul.f32 v44, v44;
	v12 =	vadd.f32 v12, v11;
	v63 =	vmul.f32 v61, v31  }
0x101: {  	vm15 =	vmand vm13, vm14;
	v13 =	vmul.f32 v13, v13;
	v32 =	vmul.f32 v62, v62  }
0x102: {  	v6 =	vpsel p2, v6, v23;
	v23 =	vmul.f32 v5, v5;
	v12 =	vsub.f32 v12, v63  }
0x103: {  	v30 =	vpsel p2, v30, v22;
	v14 =	vnsel vm15, $0x0, v44;
	v13 =	vadd.f32 v32, v13  }
0x104: {  	v5 =	vnsel vm15, $0x0, v5;
	v22 =	vadd.f32 v14, v6;
	v12 =	vmul.f32 $6.000000240e-01, v12  }
0x105: {  	v13 =	vadd.f32 v13, v24;
	vm10 =	vgt.f32 v31, $0.0e+00;
	vm11 =	vgt.f32 v61, $0.0e+00;
	v24 =	vpop (erf)  }
0x106: {  	vm0 =	vmand vm10, vm11;
	vm12 =	vgt.f32 v63, v12;
	v12 =	vmul.f32 v24, v24  }
0x107: {  	v35 =	vpsel p2, v36, v0;
	v13 =	vadd.f32 v13, v23;
	vm0 =	vmand vm0, vm12  }
.Ltmp5:
0x108: {  	v7 =	vadd.f32 @p2 v35, v7;
	v23 =	vnsel vm15, $0x0, v27;
	v12 =	vsel vm0, $0x0, v12;
	(pc) =	sbr.rel @!p1 .LBB2_12-.Ltmp5, $4  }
0x109: {  	v12 =	vadd.f32 v12, v13;
	v13 =	vadd.f32 @p2 v37, v15;
	v15 =	vnsel vm15, $0x0, v26  }
0x10a: {  	v23 =	vadd.f32 v23, v30;
	v6 =	vpsel p2, v7, v21;
	v25 =	vadd.f32 v15, v25  }
0x10b: {  	v14 =	vld [tilespmem:s14+$0x5900];
	v24 =	vadd.f32 v12, v8;
	v8 =	vnsel vm15, $0x0, v43;
	v7 =	vpsel p2, v13, v20  }
0x10c: {  	[tilespmem:$0x1FFF0] =	vst v49;
	v20 =	vadd.f32 v5, v6;
	v21 =	vadd.f32 v8, v7;
	v8 =	vld [tilespmem:s14+$0x5980]  }
0x10d: {  	_ =	sdelay $0x2  }
0x10e: {  	v5 =	vsub.f32 $0.0e+00, v14  }
0x10f: {  	v7 =	vsub.f32 $0.0e+00, v8  }
0x110: {  	v6 =	vld [tilespmem:s14+$0x5A00];
	v12 =	vmul.f32 $1.442695020e+00, v5  }
0x111: {  	v5 =	vld [tilespmem:s14+$0x5A80];
	v7 =	vmul.f32 $1.442695020e+00, v7  }
0x112: {  	(erf) = vpow2.f32 v12  }
0x113: {  	(erf) = vpow2.f32 v7;
	_ =	sdelay $0x1  }
0x114: {  	v7 =	vmul.f32 $1.442695020e+00, v6  }
0x115: {  	v12 =	vmul.f32 $1.442695020e+00, v5  }
0x116: {  	v37 =	vld [tilespmem:s14+$0x5B00];
	(erf) = vpow2.f32 v7  }
0x117: {  	(erf) = vpow2.f32 v12;
	_ =	sdelay $0x2  }
0x118: {  	v7 =	vor.u32 s13, v0;
	v12 =	vpop (erf)  }
0x119: {  	p2 =	por $0x1, $0x1;
	v15 =	vsub.f32 $0.0e+00, v37;
	v26 =	vmul.u32 $0x9D8A, v7;
	v12 =	vadd.f32 $1.000000000e+00, v12;
	v13 =	vpop (erf)  }
.Ltmp6:
0x11a: {  	s30 =	simm.s32 $0x80;
	v13 =	vadd.f32 $1.000000000e+00, v13;
	(pc) =	sbr.rel @!p2 .LBB2_14-.Ltmp6, $4  }
0x11b: {  	s31 =	sand.u32 $0x70, s15;
	s13 =	sand.u32 $0x7C00, s30;
	(erf) = vrcp.f32 v12;
	v12 =	vmul.f32 $1.442695020e+00, v15;
	v15 =	vshrl.u32 v26, $0x15  }
0x11c: {  	s14 =	sor.u32 s31, s13;
	v43 =	vcvt.s32.f32 v15  }
0x11d: {  	v38 =	vcvt.s32.f32 v7;
	v36 =	vld [tilespmem:s14+$0x5900];
	v44 =	vpop (erf);
	(erf) = vrcp.f32 v13  }
0x11e: {  	p1 =	por $0x1, $0x1;
	s13 =	simm.s32 $0x20;
	v35 =	vld [tilespmem:s14+$0x5980];
	(erf) = vpow2.f32 v12;
	v45 =	vpop (erf);
	v46 =	vmul.f32 $-5.200000000e+01, v43  }
0x11f: {  	_ =	sdelay $0x3  }
0x120: {  	v15 =	vmul.f32 $5.055870060e+00, v44;
	v26 =	vmul.f32 $8.098919860e+00, v45;
	v12 =	vadd.f32 v46, v38  }
0x121: {  	vm0 =	veq.f32 v29, $2.000000000e+00;
	vm1 =	veq.f32 v28, v38;
	v59 =	vor.u32 s15, v0;
	v27 =	vpop (erf)  }
0x122: {  	v30 =	vmul.f32 $5.000000000e-01, v15;
	v7 =	vsub.f32 $0.0e+00, v36;
	v12 =	vadd.f32 v27, v12  }
0x123: {  	v33 =	vmul.f32 $5.000000000e-01, v26;
	v34 =	vadd.f32 v15, v10;
	v13 =	vsub.f32 $0.0e+00, v35;
	v31 =	vpop (erf)  }
0x124: {  	v40 =	vadd.f32 v26, v9;
	v7 =	vmul.f32 $1.442695020e+00, v7;
	v32 =	vadd.f32 v43, v31  }
0x125: {  	v39 =	vmul.f32 $1.442695020e+00, v13;
	v13 =	vadd.f32 v30, v12;
	v30 =	vsub.f32 v12, v30  }
0x126: {  	(erf) = vpow2.f32 v7;
	v7 =	vadd.f32 v33, v32;
	v32 =	vsub.f32 v32, v33;
	v12 =	vpop (erf)  }
0x127: {  	v15 =	vmul.f32 v26, v15;
	v13 =	vmax.f32 v19, v13;
	v57 =	vadd.f32 $1.000000000e+00, v12  }
0x128: {  	v30 =	vmin.f32 v17, v30;
	v7 =	vmax.f32 v18, v7;
	v32 =	vmin.f32 v16, v32  }
0x129: {  	v12 =	vld [tilespmem:s14+$0x5A00];
	v30 =	vsub.f32 v13, v30;
	v7 =	vsub.f32 v7, v32;
	(erf) = vrcp.f32 v57  }
0x12a: {  	v26 =	vadd.f32 $-5.000000000e-01, v27;
	v27 =	vadd.f32 $-5.000000000e-01, v31;
	v13 =	vld [tilespmem:s14+$0x5A80];
	(erf) = vpow2.f32 v39  }
0x12b: {  	v63 =	vmul.f32 v5, v5;
	v30 =	vsub.f32 v34, v30;
	v7 =	vsub.f32 v40, v7  }
0x12c: {  	vm1 =	vmand vm0, vm1;
	v26 =	vmul.f32 v26, v26;
	v27 =	vmul.f32 v27, v27  }
0x12d: {  	v14 =	vnsel vm1, $0x0, v14;
	v15 =	vadd.f32 v15, v11;
	v58 =	vmul.f32 v7, v30  }
0x12e: {  	v26 =	vadd.f32 v27, v26;
	v27 =	vmul.f32 v6, v6;
	v31 =	vmul.f32 $1.442695020e+00, v12  }
0x12f: {  	v8 =	vnsel vm1, $0x0, v8;
	v60 =	vmul.f32 $1.442695020e+00, v13;
	v61 =	vsub.f32 v15, v58  }
0x130: {  	v42 =	vnsel vm1, $0x0, v5;
	v26 =	vadd.f32 v26, v27;
	(erf) = vpow2.f32 v31;
	v15 =	vld [tilespmem:s14+$0x5B00]  }
0x131: {  	vm2 =	vgt.f32 v30, $0.0e+00;
	v62 =	vpop (erf);
	(erf) = vpow2.f32 v60;
	v38 =	vmul.f32 $6.000000240e-01, v61  }
0x132: {  	v26 =	vadd.f32 v26, v63;
	vm3 =	vgt.f32 v7, $0.0e+00;
	v31 =	vadd.f32 $1.000000000e+00, v62;
	v7 =	vpop (erf)  }
0x133: {  	vm2 =	vmand vm2, vm3;
	v27 =	vpop (erf);
	vm3 =	vgt.f32 v58, v38;
	v7 =	vmul.f32 v7, v7  }
0x134: {  	(erf) = vrcp.f32 v31;
	v27 =	vadd.f32 $1.000000000e+00, v27;
	vm2 =	vmand vm2, vm3  }
0x135: {  	s15 =	simm.s32 $0x100;
	p2 =	por $0x1, $0x1;
	v31 =	vmul.u32 $0x9D8A, v59;
	v30 =	vsub.f32 $0.0e+00, v15;
	v7 =	vsel vm2, $0x0, v7  }
.Ltmp7:
0x136: {  	s31 =	sand.u32 $0x70, s13;
	s16 =	sand.u32 $0x7C00, s15;
	v41 =	vnsel vm1, $0x0, v37;
	(erf) = vrcp.f32 v27;
	v7 =	vadd.f32 v7, v26;
	(pc) =	sbr.rel @!p2 .LBB2_16-.Ltmp7, $4  }
0x137: {  	v33 =	vmovc v21;
	v6 =	vnsel vm1, $0x0, v6;
	s14 =	sor.u32 s31, s16;
	v26 =	vmul.f32 $1.442695020e+00, v30;
	v27 =	vshrl.u32 v31, $0x15  }
0x138: {  	v34 =	vadd.f32 v14, v25;
	v40 =	vmovc v13;
	v39 =	vmovc v12;
	v38 =	vcvt.s32.f32 v59;
	v43 =	vcvt.s32.f32 v27;
	v27 =	vld [tilespmem:s14+$0x5900]  }
0x139: {  	v30 =	vadd.f32 v8, v23;
	v31 =	vadd.f32 v6, v22;
	v44 =	vpop (erf);
	(erf) = vpow2.f32 v26;
	v26 =	vld [tilespmem:s14+$0x5980]  }
0x13a: {  	p0 =	por $0x1, $0x1;
	s16 =	simm.s32 $0x30;
	v32 =	vadd.f32 v7, v24;
	v45 =	vpop (erf);
	v46 =	vmul.f32 $-5.200000000e+01, v43;
	v7 =	vmov v20  }
.LBB2_17:
0x13b: {  	v5 =	vmov v39;
	v6 =	vmov v40  }
0x13c: {  	p2 =	sne.s32 s16, $0xA80;
	v7 =	vadd.f32 v42, v7;
	v33 =	vadd.f32 v41, v33  }
0x13d: {  	v37 =	vmul.f32 $5.055870060e+00, v44;
	v8 =	vsub.f32 $0.0e+00, v27;
	v14 =	vadd.f32 v46, v38  }
0x13e: {  	v41 =	vmul.f32 $8.098919860e+00, v45;
	vm1 =	veq.f32 v28, v38;
	v39 =	vsub.f32 $0.0e+00, v26;
	v38 =	vpop (erf)  }
0x13f: {  	v40 =	vmul.f32 $5.000000000e-01, v37;
	v8 =	vmul.f32 $1.442695020e+00, v8;
	v14 =	vadd.f32 v38, v14;
	v42 =	vpop (erf)  }
0x140: {  	v44 =	vmul.f32 $5.000000000e-01, v41;
	v45 =	vadd.f32 v37, v10;
	v47 =	vadd.f32 v43, v42  }
0x141: {  	v46 =	vmul.f32 $1.442695020e+00, v39;
	v39 =	vadd.f32 v40, v14;
	v14 =	vsub.f32 v14, v40  }
0x142: {  	(erf) = vpow2.f32 v8;
	v8 =	vadd.f32 v44, v47;
	v40 =	vsub.f32 v47, v44;
	v43 =	vpop (erf)  }
0x143: {  	v47 =	vadd.f32 v41, v9;
	v43 =	vadd.f32 $1.000000000e+00, v43;
	v44 =	vmax.f32 v19, v39  }
0x144: {  	v14 =	vmin.f32 v17, v14;
	v39 =	vld [tilespmem:s14+$0x5A00];
	v8 =	vmax.f32 v18, v8;
	v40 =	vmin.f32 v16, v40  }
0x145: {  	v14 =	vsub.f32 v44, v14;
	v8 =	vsub.f32 v8, v40;
	(erf) = vrcp.f32 v43  }
0x146: {  	vm1 =	vmand vm0, vm1;
	v40 =	vld [tilespmem:s14+$0x5A80];
	(erf) = vpow2.f32 v46  }
0x147: {  	v37 =	vmul.f32 v41, v37;
	v14 =	vsub.f32 v45, v14;
	v8 =	vsub.f32 v47, v8  }
0x148: {  	v38 =	vadd.f32 $-5.000000000e-01, v38;
	v41 =	vadd.f32 $-5.000000000e-01, v42;
	v46 =	vnsel vm1, $0x0, v36;
	v36 =	vmovc v27  }
0x149: {  	v37 =	vadd.f32 v37, v11;
	v27 =	vmul.f32 $1.442695020e+00, v39;
	v42 =	vmul.f32 v8, v14  }
0x14a: {  	v38 =	vmul.f32 v38, v38;
	v41 =	vmul.f32 v41, v41;
	v47 =	vor.u32 s13, v0;
	s13 =	smov.u32 s16  }
0x14b: {  	v6 =	vmul.f32 v6, v13;
	v43 =	vmul.f32 $1.442695020e+00, v40;
	v44 =	vpop (erf);
	v37 =	vsub.f32 v37, v42  }
0x14c: {  	v5 =	vmul.f32 v5, v12;
	v48 =	vld [tilespmem:s14+$0x5B00];
	(erf) = vpow2.f32 v27;
	v27 =	vadd.f32 v41, v38  }
0x14d: {  	v38 =	vadd.f32 $1.000000000e+00, v44;
	(erf) = vpow2.f32 v43;
	v37 =	vmul.f32 $6.000000240e-01, v37  }
0x14e: {  	vm2 =	vgt.f32 v14, $0.0e+00;
	vm3 =	vgt.f32 v8, $0.0e+00;
	v5 =	vadd.f32 v27, v5;
	v8 =	vpop (erf)  }
0x14f: {  	vm2 =	vmand vm2, vm3;
	v14 =	vpop (erf);
	vm3 =	vgt.f32 v42, v37;
	v8 =	vmul.f32 v8, v8  }
0x150: {  	v14 =	vadd.f32 $1.000000000e+00, v14;
	vm2 =	vmand vm2, vm3;
	v5 =	vadd.f32 v5, v6  }
0x151: {  	s15 =	sadd.s32 $0x80, s15;
	v6 =	vsub.f32 $0.0e+00, v48;
	(erf) = vrcp.f32 v38;
	v8 =	vsel vm2, $0x0, v8  }
0x152: {  	s17 =	sand.u32 $0x7C00, s15;
	s14 =	sand.u32 $0x70, s16;
	v37 =	vmul.u32 $0x9D8A, v47;
	(erf) = vrcp.f32 v14;
	v5 =	vadd.f32 v8, v5  }
.Ltmp8:
0x153: {  	s14 =	sor.u32 s14, s17;
	v8 =	vnsel vm1, $0x0, v35;
	v14 =	vnsel vm1, $0x0, v12;
	v12 =	vmovc v39;
	v35 =	vmovc v26;
	v6 =	vmul.f32 $1.442695020e+00, v6;
	(pc) =	sbr.rel @p2 .LBB2_17-.Ltmp8, $4  }
0x154: {  	v42 =	vnsel vm1, $0x0, v13;
	v13 =	vmovc v40;
	v37 =	vshrl.u32 v37, $0x15;
	v27 =	vld [tilespmem:s14+$0x5900];
	v32 =	vadd.f32 v5, v32  }
0x155: {  	v41 =	vnsel vm1, $0x0, v15;
	v43 =	vcvt.s32.f32 v37;
	v26 =	vld [tilespmem:s14+$0x5980];
	(erf) = vpow2.f32 v6;
	v44 =	vpop (erf)  }
0x156: {  	v34 =	vadd.f32 v46, v34;
	v15 =	vmov v48;
	v30 =	vadd.f32 v8, v30;
	v45 =	vpop (erf)  }
0x157: {  	s16 =	sadd.s32 $0x10, s16;
	v38 =	vcvt.s32.f32 v47;
	v31 =	vadd.f32 v14, v31;
	v46 =	vmul.f32 $-5.200000000e+01, v43  }
0x158: {  	v14 =	vmovc v36;
	v5 =	vmovc v13;
	v6 =	vmov v12;
	v8 =	vmov v35;
	v37 =	vmov v15  }
.LBB2_19:
0x159: {  	v12 =	vadd.f32 @p1 v46, v38;
	v15 =	vmul.f32 @p1 $5.055870060e+00, v44  }
0x15a: {  	v13 =	vsub.f32 $0.0e+00, v27;
	v36 =	vmul.f32 @p1 $8.098919860e+00, v45;
	v35 =	vpop @p1 (erf)  }
0x15b: {  	v12 =	vadd.f32 @p1 v35, v12;
	v44 =	vmul.f32 @p1 $5.000000000e-01, v15;
	v45 =	vpop @p1 (erf)  }
0x15c: {  	v13 =	vmul.f32 $1.442695020e+00, v13;
	v48 =	vmul.f32 @p1 $5.000000000e-01, v36;
	v43 =	vadd.f32 @p1 v43, v45  }
0x15d: {  	v63 =	vsub.f32 $0.0e+00, v26;
	v49 =	vadd.f32 @p1 v44, v12  }
0x15e: {  	v44 =	vsub.f32 @p1 v12, v44;
	v47 =	vpop @p1 (erf);
	(erf) = vpow2.f32 v13;
	v13 =	vadd.f32 @p1 v48, v43  }
0x15f: {  	v43 =	vsub.f32 @p1 v43, v48;
	v47 =	vadd.f32 @p1 $1.000000000e+00, v47  }
0x160: {  	v46 =	vmul.f32 $1.442695020e+00, v63;
	v44 =	vmin.f32 @p1 v17, v44  }
0x161: {  	v43 =	vmin.f32 @p1 v16, v43;
	(erf) = vrcp.f32 @p1 v47;
	v47 =	vmax.f32 @p1 v19, v49  }
0x162: {  	v12 =	vld [tilespmem:s14+$0x5A00];
	(erf) = vpow2.f32 v46;
	v46 =	vmax.f32 @p1 v18, v13;
	v44 =	vsub.f32 @p1 v47, v44  }
0x163: {  	v47 =	vadd.f32 @p1 v15, v10;
	v43 =	vsub.f32 @p1 v46, v43  }
0x164: {  	v15 =	vmul.f32 @p1 v36, v15;
	v46 =	vadd.f32 @p1 v36, v9;
	v36 =	vadd.f32 @p1 $-5.000000000e-01, v45  }
0x165: {  	vm0 =	veq.f32 @p1 v29, $2.000000000e+00;
	v7 =	vadd.f32 @p0 v42, v7;
	v13 =	vld [tilespmem:s14+$0x5A80]  }
0x166: {  	v40 =	vmul.f32 @p1 v40, v5;
	v35 =	vadd.f32 @p1 $-5.000000000e-01, v35;
	v36 =	vmul.f32 @p1 v36, v36  }
0x167: {  	v60 =	vor.u32 s13, v0;
	v39 =	vmul.f32 @p1 v39, v6;
	v57 =	vmul.f32 $1.442695020e+00, v12  }
0x168: {  	v35 =	vmul.f32 @p1 v35, v35;
	v44 =	vsub.f32 @p1 v47, v44;
	v47 =	vld [tilespmem:s14+$0x5B00];
	v43 =	vsub.f32 @p1 v46, v43  }
0x169: {  	v33 =	vadd.f32 @p0 v41, v33;
	(erf) = vpow2.f32 v57;
	v15 =	vadd.f32 @p1 v15, v11;
	v59 =	vpop (erf)  }
0x16a: {  	v58 =	vmul.f32 $1.442695020e+00, v13;
	v42 =	vmul.f32 @p1 v43, v44;
	v35 =	vadd.f32 @p1 v36, v35;
	v36 =	vpop @p1 (erf)  }
0x16b: {  	v63 =	vmul.u32 $0x9D8A, v60;
	vm1 =	vgt.f32 @p1 v44, $0.0e+00;
	v45 =	vadd.f32 $1.000000000e+00, v59;
	v61 =	vpop (erf)  }
0x16c: {  	(erf) = vpow2.f32 v58;
	v15 =	vsub.f32 @p1 v15, v42;
	v44 =	vadd.f32 $1.000000000e+00, v61  }
0x16d: {  	vm2 =	vgt.f32 @p1 v43, $0.0e+00;
	v62 =	vsub.f32 $0.0e+00, v47;
	(erf) = vrcp.f32 v45  }
0x16e: {  	v35 =	vadd.f32 @p1 v35, v39;
	v15 =	vmul.f32 @p1 $6.000000240e-01, v15;
	(erf) = vrcp.f32 v44  }
0x16f: {  	v49 =	vshrl.u32 v63, $0x15;
	vm1 =	vmand @p1 vm1, vm2;
	v48 =	vmul.f32 $1.442695020e+00, v62  }
0x170: {  	v36 =	vmul.f32 @p1 v36, v36;
	v35 =	vadd.f32 @p1 v35, v40;
	vm2 =	vgt.f32 @p1 v42, v15  }
0x171: {  	v15 =	vcvt.s32.f32 v49;
	vm1 =	vmand @p1 vm1, vm2;
	(erf) = vpow2.f32 v48  }
0x172: {  	vm2 =	veq.f32 @p1 v28, v38;
	v38 =	vcvt.s32.f32 v60;
	v36 =	vsel @p1 vm1, $0x0, v36  }
0x173: {  	v58 =	vpop (erf);
	v57 =	vmul.f32 $-5.200000000e+01, v15;
	vm0 =	vmand @p1 vm0, vm2;
	v35 =	vadd.f32 @p1 v36, v35  }
0x174: {  	v14 =	vnsel @p1 vm0, $0x0, v14;
	v36 =	vmul.f32 $5.055870060e+00, v58;
	v8 =	vnsel @p1 vm0, $0x0, v8  }
0x175: {  	v6 =	vnsel @p1 vm0, $0x0, v6;
	v39 =	vadd.f32 v57, v38;
	v14 =	vadd.f32 @p1 v14, v34;
	v59 =	vpop (erf)  }
0x176: {  	v8 =	vadd.f32 @p1 v8, v30;
	v32 =	vadd.f32 @p1 v35, v32;
	v35 =	vmul.f32 $8.098919860e+00, v59;
	v40 =	vpop (erf)  }
0x177: {  	v6 =	vadd.f32 @p1 v6, v31;
	v61 =	vmul.f32 $5.000000000e-01, v36;
	v60 =	vadd.f32 v40, v39;
	v62 =	vpop (erf)  }
0x178: {  	v48 =	vadd.f32 v36, v10;
	v63 =	vmul.f32 $5.000000000e-01, v35;
	v15 =	vadd.f32 v15, v62  }
0x179: {  	v49 =	vadd.f32 v61, v60;
	v34 =	vsub.f32 v60, v61  }
0x17a: {  	v58 =	vpop (erf);
	v57 =	vadd.f32 v63, v15;
	v15 =	vsub.f32 v15, v63  }
0x17b: {  	v59 =	vadd.f32 v35, v9;
	v44 =	vmax.f32 v19, v49;
	v42 =	vadd.f32 $1.000000000e+00, v58  }
0x17c: {  	v34 =	vmin.f32 v17, v34;
	v39 =	vmax.f32 v18, v57;
	v15 =	vmin.f32 v16, v15  }
0x17d: {  	v34 =	vsub.f32 v44, v34;
	(erf) = vrcp.f32 v42;
	v15 =	vsub.f32 v39, v15  }
0x17e: {  	vm13 =	veq.f32 v29, $2.000000000e+00;
	v60 =	vadd.f32 $-5.000000000e-01, v40;
	v61 =	vadd.f32 $-5.000000000e-01, v62  }
0x17f: {  	v31 =	vmul.f32 v35, v36;
	v30 =	vsub.f32 v48, v34;
	v15 =	vsub.f32 v59, v15  }
0x180: {  	v7 =	vpsel p0, v7, v20;
	v35 =	vmul.f32 v61, v61;
	v34 =	vmul.f32 v60, v60  }
0x181: {  	v33 =	vpsel p0, v33, v21;
	v31 =	vadd.f32 v31, v11;
	v62 =	vmul.f32 v15, v30  }
0x182: {  	v5 =	vnsel @p1 vm0, $0x0, v5;
	v14 =	vpsel p1, v14, v25;
	v25 =	vadd.f32 v35, v34  }
0x183: {  	v37 =	vnsel @p1 vm0, $0x0, v37;
	vm14 =	veq.f32 v28, v38;
	v31 =	vsub.f32 v31, v62  }
0x184: {  	v5 =	vpsel p1, v5, v0;
	v37 =	vpsel p1, v37, v0;
	v63 =	vmul.f32 v12, v12  }
0x185: {  	v8 =	vpsel p1, v8, v23;
	v23 =	vmul.f32 v13, v13;
	v31 =	vmul.f32 $6.000000240e-01, v31  }
0x186: {  	vm10 =	vgt.f32 v30, $0.0e+00;
	vm11 =	vgt.f32 v15, $0.0e+00;
	v15 =	vadd.f32 v25, v63;
	v25 =	vpop (erf)  }
0x187: {  	vm0 =	vmand vm10, vm11;
	v25 =	vmul.f32 v25, v25;
	vm12 =	vgt.f32 v62, v31  }
0x188: {  	vm15 =	vmand vm13, vm14;
	v15 =	vadd.f32 v15, v23;
	vm0 =	vmand vm0, vm12  }
0x189: {  	v5 =	vadd.f32 @p1 v5, v7;
	v6 =	vpsel p1, v6, v22;
	v22 =	vsel vm0, $0x0, v25  }
0x18a: {  	v24 =	vpsel p1, v32, v24;
	v7 =	vadd.f32 v22, v15;
	v15 =	vadd.f32 @p1 v37, v33  }
0x18b: {  	v5 =	vpsel p1, v5, v20;
	v12 =	vnsel vm15, $0x0, v12;
	v22 =	vnsel vm15, $0x0, v27  }
0x18c: {  	v25 =	vadd.f32 v22, v14;
	v22 =	vadd.f32 v12, v6;
	v6 =	vpsel p1, v15, v21;
	p1 =	por $0x1, $0x1  }
.Ltmp9:
0x18d: {  	s13 =	simm.s32 $0x0;
	(pc) =	sbr.rel @!p1 .LBB2_20-.Ltmp9, $4  }
0x18e: {  	s31 =	sand.u32 $0x70, s13;
	s15 =	sand.u32 $0x7C00, s13  }
0x18f: {  	s14 =	sor.u32 s31, s15;
	v26 =	vnsel vm15, $0x0, v26;
	v13 =	vnsel vm15, $0x0, v13  }
0x190: {  	v20 =	vadd.f32 v13, v5;
	v12 =	vld [tilespmem:s14+$0x5B80];
	v23 =	vadd.f32 v7, v24;
	v7 =	vnsel vm15, $0x0, v47  }
0x191: {  	p2 =	por $0x0, $0x0;
	p0 =	por $0x0, $0x0;
	s15 =	simm.s32 $0x10;
	v24 =	vadd.f32 v26, v8;
	v21 =	vadd.f32 v7, v6;
	v7 =	vld [tilespmem:s14+$0xB000]  }
0x192: {  	_ =	sdelay $0x2  }
0x193: {  	v5 =	vsub.f32 $0.0e+00, v12  }
0x194: {  	v6 =	vsub.f32 $0.0e+00, v7  }
0x195: {  	v8 =	vmul.f32 $1.442695020e+00, v5;
	v5 =	vld [tilespmem:s14+$0xB080]  }
0x196: {  	v38 =	vld [tilespmem:s14+$0xB100];
	v6 =	vmul.f32 $1.442695020e+00, v6  }
0x197: {  	(erf) = vpow2.f32 v8  }
0x198: {  	(erf) = vpow2.f32 v6;
	_ =	sdelay $0x1  }
0x199: {  	v6 =	vmul.f32 $1.442695020e+00, v5  }
0x19a: {  	v8 =	vmul.f32 $1.442695020e+00, v38  }
0x19b: {  	v37 =	vld [tilespmem:s14+$0xB180];
	(erf) = vpow2.f32 v6  }
0x19c: {  	(erf) = vpow2.f32 v8;
	_ =	sdelay $0x2  }
0x19d: {  	v6 =	vor.u32 s13, v0;
	v8 =	vpop (erf)  }
0x19e: {  	p3 =	por $0x1, $0x1;
	v14 =	vsub.f32 $0.0e+00, v37;
	v15 =	vmul.u32 $0x9D8A, v6;
	v8 =	vadd.f32 $1.000000000e+00, v8;
	v13 =	vpop (erf)  }
.Ltmp10:
0x19f: {  	s16 =	simm.s32 $0x80;
	v13 =	vadd.f32 $1.000000000e+00, v13;
	(pc) =	sbr.rel @!p3 .LBB2_22-.Ltmp10, $4  }
0x1a0: {  	s17 =	sand.u32 $0x70, s15;
	s16 =	sand.u32 $0x7C00, s16;
	(erf) = vrcp.f32 v8;
	v8 =	vmul.f32 $1.442695020e+00, v14;
	v14 =	vshrl.u32 v15, $0x15  }
0x1a1: {  	s17 =	sor.u32 s17, s16;
	v43 =	vcvt.s32.f32 v14  }
0x1a2: {  	v36 =	vld [tilespmem:s17+$0x5B80];
	v15 =	vcvt.s32.f32 v6;
	(erf) = vrcp.f32 v13;
	v44 =	vpop (erf)  }
0x1a3: {  	p2 =	por $0x1, $0x1;
	s16 =	simm.s32 $0x20;
	v35 =	vld [tilespmem:s17+$0xB000];
	(erf) = vpow2.f32 v8;
	v45 =	vpop (erf);
	v46 =	vmul.f32 $-5.200000000e+01, v43  }
0x1a4: {  	_ =	sdelay $0x3  }
0x1a5: {  	v14 =	vmul.f32 $9.471119880e+00, v44;
	v26 =	vmul.f32 $4.840529920e+00, v45;
	v8 =	vadd.f32 v46, v15  }
0x1a6: {  	vm0 =	veq.f32 v29, $3.000000000e+00;
	vm1 =	veq.f32 v28, v15;
	v59 =	vor.u32 s15, v0;
	v27 =	vpop (erf)  }
0x1a7: {  	v30 =	vmul.f32 $5.000000000e-01, v14;
	v6 =	vsub.f32 $0.0e+00, v36;
	v8 =	vadd.f32 v27, v8  }
0x1a8: {  	v33 =	vmul.f32 $5.000000000e-01, v26;
	v34 =	vadd.f32 v14, v10;
	v13 =	vsub.f32 $0.0e+00, v35;
	v31 =	vpop (erf)  }
0x1a9: {  	v40 =	vadd.f32 v26, v9;
	v6 =	vmul.f32 $1.442695020e+00, v6;
	v32 =	vadd.f32 v43, v31  }
0x1aa: {  	v39 =	vmul.f32 $1.442695020e+00, v13;
	v13 =	vadd.f32 v30, v8;
	v30 =	vsub.f32 v8, v30  }
0x1ab: {  	(erf) = vpow2.f32 v6;
	v6 =	vadd.f32 v33, v32;
	v32 =	vsub.f32 v32, v33;
	v8 =	vpop (erf)  }
0x1ac: {  	v14 =	vmul.f32 v26, v14;
	v13 =	vmax.f32 v19, v13;
	v58 =	vadd.f32 $1.000000000e+00, v8  }
0x1ad: {  	v30 =	vmin.f32 v17, v30;
	v6 =	vmax.f32 v18, v6;
	v32 =	vmin.f32 v16, v32  }
0x1ae: {  	v8 =	vld [tilespmem:s17+$0xB080];
	v30 =	vsub.f32 v13, v30;
	v6 =	vsub.f32 v6, v32;
	(erf) = vrcp.f32 v58  }
0x1af: {  	v26 =	vadd.f32 $-5.000000000e-01, v27;
	v27 =	vadd.f32 $-5.000000000e-01, v31;
	v13 =	vld [tilespmem:s17+$0xB100];
	(erf) = vpow2.f32 v39  }
0x1b0: {  	v63 =	vmul.f32 v38, v38;
	v15 =	vsub.f32 v34, v30;
	v6 =	vsub.f32 v40, v6  }
0x1b1: {  	vm1 =	vmand vm0, vm1;
	v26 =	vmul.f32 v26, v26;
	v27 =	vmul.f32 v27, v27  }
0x1b2: {  	v12 =	vnsel vm1, $0x0, v12;
	v14 =	vadd.f32 v14, v11;
	v31 =	vmul.f32 v6, v15  }
0x1b3: {  	v7 =	vnsel vm1, $0x0, v7;
	v26 =	vadd.f32 v27, v26;
	v30 =	vmul.f32 $1.442695020e+00, v8  }
0x1b4: {  	v27 =	vmul.f32 v5, v5;
	v60 =	vmul.f32 $1.442695020e+00, v13;
	v61 =	vsub.f32 v14, v31  }
0x1b5: {  	vm2 =	vgt.f32 v15, $0.0e+00;
	vm3 =	vgt.f32 v6, $0.0e+00;
	(erf) = vpow2.f32 v30;
	v14 =	vld [tilespmem:s17+$0xB180]  }
0x1b6: {  	v62 =	vpop (erf);
	v15 =	vadd.f32 v26, v27;
	(erf) = vpow2.f32 v60;
	v34 =	vmul.f32 $6.000000240e-01, v61  }
0x1b7: {  	v42 =	vnsel vm1, $0x0, v38;
	v30 =	vadd.f32 $1.000000000e+00, v62;
	vm2 =	vmand vm2, vm3;
	v6 =	vpop (erf)  }
0x1b8: {  	v15 =	vadd.f32 v15, v63;
	v26 =	vpop (erf);
	vm3 =	vgt.f32 v31, v34;
	v6 =	vmul.f32 v6, v6  }
0x1b9: {  	(erf) = vrcp.f32 v30;
	v26 =	vadd.f32 $1.000000000e+00, v26;
	vm2 =	vmand vm2, vm3  }
0x1ba: {  	s18 =	simm.s32 $0x100;
	p4 =	por $0x1, $0x1;
	v30 =	vmul.u32 $0x9D8A, v59;
	v27 =	vsub.f32 $0.0e+00, v14;
	v6 =	vsel vm2, $0x0, v6  }
.Ltmp11:
0x1bb: {  	s31 =	sand.u32 $0x70, s16;
	s19 =	sand.u32 $0x7C00, s18;
	v41 =	vnsel vm1, $0x0, v37;
	(erf) = vrcp.f32 v26;
	v6 =	vadd.f32 v6, v15;
	(pc) =	sbr.rel @!p4 .LBB2_24-.Ltmp11, $4  }
0x1bc: {  	v33 =	vmovc v21;
	v5 =	vnsel vm1, $0x0, v5;
	s17 =	sor.u32 s31, s19;
	v15 =	vmul.f32 $1.442695020e+00, v27;
	v26 =	vshrl.u32 v30, $0x15  }
0x1bd: {  	v40 =	vmovc v13;
	v39 =	vmovc v8;
	v34 =	vadd.f32 v12, v25;
	v31 =	vadd.f32 v5, v22;
	v27 =	vld [tilespmem:s17+$0x5B80];
	v43 =	vcvt.s32.f32 v26  }
0x1be: {  	v30 =	vadd.f32 v7, v24;
	v44 =	vpop (erf);
	v26 =	vld [tilespmem:s17+$0xB000];
	v32 =	vadd.f32 v6, v23;
	(erf) = vpow2.f32 v15  }
0x1bf: {  	p3 =	por $0x1, $0x1;
	s19 =	simm.s32 $0x30;
	v45 =	vpop (erf);
	v15 =	vcvt.s32.f32 v59;
	v46 =	vmul.f32 $-5.200000000e+01, v43;
	v6 =	vmov v20  }
.LBB2_25:
0x1c0: {  	v5 =	vmov v39;
	v7 =	vmov v40  }
0x1c1: {  	p4 =	sne.s32 s19, $0xA80;
	v6 =	vadd.f32 v42, v6;
	v33 =	vadd.f32 v41, v33  }
0x1c2: {  	v38 =	vmul.f32 $9.471119880e+00, v44;
	v12 =	vsub.f32 $0.0e+00, v27;
	v37 =	vadd.f32 v46, v15  }
0x1c3: {  	v41 =	vmul.f32 $4.840529920e+00, v45;
	vm1 =	veq.f32 v28, v15;
	v39 =	vsub.f32 $0.0e+00, v26;
	v15 =	vpop (erf)  }
0x1c4: {  	v40 =	vmul.f32 $5.000000000e-01, v38;
	v12 =	vmul.f32 $1.442695020e+00, v12;
	v37 =	vadd.f32 v15, v37;
	v42 =	vpop (erf)  }
0x1c5: {  	v44 =	vmul.f32 $5.000000000e-01, v41;
	v45 =	vadd.f32 v38, v10;
	v47 =	vadd.f32 v43, v42  }
0x1c6: {  	v46 =	vmul.f32 $1.442695020e+00, v39;
	v39 =	vadd.f32 v40, v37;
	v37 =	vsub.f32 v37, v40  }
0x1c7: {  	(erf) = vpow2.f32 v12;
	v12 =	vadd.f32 v44, v47;
	v40 =	vsub.f32 v47, v44;
	v43 =	vpop (erf)  }
0x1c8: {  	v47 =	vadd.f32 v41, v9;
	v43 =	vadd.f32 $1.000000000e+00, v43;
	v44 =	vmax.f32 v19, v39  }
0x1c9: {  	v37 =	vmin.f32 v17, v37;
	v39 =	vld [tilespmem:s17+$0xB080];
	v12 =	vmax.f32 v18, v12;
	v40 =	vmin.f32 v16, v40  }
0x1ca: {  	v37 =	vsub.f32 v44, v37;
	v12 =	vsub.f32 v12, v40;
	(erf) = vrcp.f32 v43  }
0x1cb: {  	vm1 =	vmand vm0, vm1;
	v40 =	vld [tilespmem:s17+$0xB100];
	(erf) = vpow2.f32 v46  }
0x1cc: {  	v38 =	vmul.f32 v41, v38;
	v37 =	vsub.f32 v45, v37;
	v12 =	vsub.f32 v47, v12  }
0x1cd: {  	v15 =	vadd.f32 $-5.000000000e-01, v15;
	v41 =	vadd.f32 $-5.000000000e-01, v42;
	v46 =	vnsel vm1, $0x0, v36;
	v36 =	vmovc v27  }
0x1ce: {  	v38 =	vadd.f32 v38, v11;
	v27 =	vmul.f32 $1.442695020e+00, v39;
	v42 =	vmul.f32 v12, v37  }
0x1cf: {  	v15 =	vmul.f32 v15, v15;
	v41 =	vmul.f32 v41, v41;
	v47 =	vor.u32 s16, v0;
	s16 =	smov.u32 s19  }
0x1d0: {  	v7 =	vmul.f32 v7, v13;
	v43 =	vmul.f32 $1.442695020e+00, v40;
	v44 =	vpop (erf);
	v38 =	vsub.f32 v38, v42  }
0x1d1: {  	v5 =	vmul.f32 v5, v8;
	v41 =	vadd.f32 v41, v15;
	v48 =	vld [tilespmem:s17+$0xB180];
	(erf) = vpow2.f32 v27  }
0x1d2: {  	v27 =	vadd.f32 $1.000000000e+00, v44;
	(erf) = vpow2.f32 v43;
	v38 =	vmul.f32 $6.000000240e-01, v38  }
0x1d3: {  	vm2 =	vgt.f32 v37, $0.0e+00;
	v5 =	vadd.f32 v41, v5;
	vm3 =	vgt.f32 v12, $0.0e+00;
	v12 =	vpop (erf)  }
0x1d4: {  	vm2 =	vmand vm2, vm3;
	v15 =	vpop (erf);
	vm3 =	vgt.f32 v42, v38;
	v12 =	vmul.f32 v12, v12  }
0x1d5: {  	v5 =	vadd.f32 v5, v7;
	v15 =	vadd.f32 $1.000000000e+00, v15;
	vm2 =	vmand vm2, vm3  }
0x1d6: {  	s18 =	sadd.s32 $0x80, s18;
	v7 =	vsub.f32 $0.0e+00, v48;
	(erf) = vrcp.f32 v27;
	v12 =	vsel vm2, $0x0, v12  }
0x1d7: {  	s20 =	sand.u32 $0x7C00, s18;
	v37 =	vmul.u32 $0x9D8A, v47;
	s17 =	sand.u32 $0x70, s19;
	(erf) = vrcp.f32 v15;
	v5 =	vadd.f32 v12, v5  }
.Ltmp12:
0x1d8: {  	s17 =	sor.u32 s17, s20;
	v38 =	vnsel vm1, $0x0, v8;
	v8 =	vmovc v39;
	v12 =	vnsel vm1, $0x0, v35;
	v35 =	vmovc v26;
	v7 =	vmul.f32 $1.442695020e+00, v7;
	(pc) =	sbr.rel @p4 .LBB2_25-.Ltmp12, $4  }
0x1d9: {  	v42 =	vnsel vm1, $0x0, v13;
	v13 =	vmovc v40;
	v15 =	vshrl.u32 v37, $0x15;
	v27 =	vld [tilespmem:s17+$0x5B80];
	v32 =	vadd.f32 v5, v32  }
0x1da: {  	v41 =	vnsel vm1, $0x0, v14;
	v43 =	vcvt.s32.f32 v15;
	v26 =	vld [tilespmem:s17+$0xB000];
	(erf) = vpow2.f32 v7;
	v44 =	vpop (erf)  }
0x1db: {  	v34 =	vadd.f32 v46, v34;
	v14 =	vmov v48;
	v30 =	vadd.f32 v12, v30;
	v45 =	vpop (erf)  }
0x1dc: {  	s19 =	sadd.s32 $0x10, s19;
	v31 =	vadd.f32 v38, v31;
	v15 =	vcvt.s32.f32 v47;
	v46 =	vmul.f32 $-5.200000000e+01, v43  }
0x1dd: {  	v12 =	vmovc v36;
	v38 =	vmovc v13;
	v5 =	vmov v8;
	v7 =	vmov v35;
	v37 =	vmov v14  }
.LBB2_27:
0x1de: {  	v8 =	vadd.f32 @p2 v46, v15;
	v14 =	vmul.f32 @p2 $9.471119880e+00, v44  }
0x1df: {  	v13 =	vsub.f32 $0.0e+00, v27;
	v36 =	vmul.f32 @p2 $4.840529920e+00, v45;
	v35 =	vpop @p2 (erf)  }
0x1e0: {  	v6 =	vadd.f32 @p3 v42, v6;
	v8 =	vadd.f32 @p2 v35, v8;
	v44 =	vmul.f32 @p2 $5.000000000e-01, v14;
	v45 =	vpop @p2 (erf)  }
0x1e1: {  	v13 =	vmul.f32 $1.442695020e+00, v13;
	v48 =	vmul.f32 @p2 $5.000000000e-01, v36;
	v43 =	vadd.f32 @p2 v43, v45  }
0x1e2: {  	vm0 =	veq.f32 @p2 v29, $3.000000000e+00;
	v62 =	vsub.f32 $0.0e+00, v26;
	v49 =	vadd.f32 @p2 v44, v8  }
0x1e3: {  	v44 =	vsub.f32 @p2 v8, v44;
	v47 =	vpop @p2 (erf);
	(erf) = vpow2.f32 v13;
	v13 =	vadd.f32 @p2 v48, v43  }
0x1e4: {  	v57 =	vor.u32 s16, v0;
	v43 =	vsub.f32 @p2 v43, v48;
	v47 =	vadd.f32 @p2 $1.000000000e+00, v47  }
0x1e5: {  	v40 =	vmul.f32 @p2 v40, v38;
	v46 =	vmul.f32 $1.442695020e+00, v62;
	v44 =	vmin.f32 @p2 v17, v44  }
0x1e6: {  	v43 =	vmin.f32 @p2 v16, v43;
	(erf) = vrcp.f32 @p2 v47;
	v47 =	vmax.f32 @p2 v19, v49  }
0x1e7: {  	v8 =	vld [tilespmem:s17+$0xB080];
	(erf) = vpow2.f32 v46;
	v46 =	vmax.f32 @p2 v18, v13;
	v44 =	vsub.f32 @p2 v47, v44  }
0x1e8: {  	v39 =	vmul.f32 @p2 v39, v5;
	v47 =	vadd.f32 @p2 v14, v10;
	v43 =	vsub.f32 @p2 v46, v43  }
0x1e9: {  	v14 =	vmul.f32 @p2 v36, v14;
	v46 =	vadd.f32 @p2 v36, v9;
	v36 =	vadd.f32 @p2 $-5.000000000e-01, v45  }
0x1ea: {  	v33 =	vadd.f32 @p3 v41, v33;
	vm13 =	veq.f32 v29, $3.000000000e+00;
	v60 =	vmul.u32 $0x9D8A, v57;
	v13 =	vld [tilespmem:s17+$0xB100]  }
0x1eb: {  	v35 =	vadd.f32 @p2 $-5.000000000e-01, v35;
	v6 =	vpsel p3, v6, v20;
	v36 =	vmul.f32 @p2 v36, v36  }
0x1ec: {  	v63 =	vmul.f32 $1.442695020e+00, v8;
	v44 =	vsub.f32 @p2 v47, v44;
	v43 =	vsub.f32 @p2 v46, v43  }
0x1ed: {  	v33 =	vpsel p3, v33, v21;
	v62 =	vshrl.u32 v60, $0x15;
	v35 =	vmul.f32 @p2 v35, v35;
	v47 =	vld [tilespmem:s17+$0xB180]  }
0x1ee: {  	(erf) = vpow2.f32 v63;
	v14 =	vadd.f32 @p2 v14, v11;
	v42 =	vmul.f32 @p2 v43, v44;
	v49 =	vpop (erf)  }
0x1ef: {  	v63 =	vcvt.s32.f32 v62;
	v48 =	vmul.f32 $1.442695020e+00, v13;
	v35 =	vadd.f32 @p2 v36, v35;
	v36 =	vpop @p2 (erf)  }
0x1f0: {  	vm1 =	vgt.f32 @p2 v44, $0.0e+00;
	v45 =	vadd.f32 $1.000000000e+00, v49;
	v14 =	vsub.f32 @p2 v14, v42;
	v58 =	vpop (erf)  }
0x1f1: {  	vm2 =	vgt.f32 @p2 v43, $0.0e+00;
	(erf) = vpow2.f32 v48;
	v44 =	vadd.f32 $1.000000000e+00, v58  }
0x1f2: {  	v59 =	vsub.f32 $0.0e+00, v47;
	(erf) = vrcp.f32 v45;
	v14 =	vmul.f32 @p2 $6.000000240e-01, v14  }
0x1f3: {  	vm1 =	vmand @p2 vm1, vm2;
	v35 =	vadd.f32 @p2 v35, v39;
	(erf) = vrcp.f32 v44  }
0x1f4: {  	v61 =	vmul.f32 $1.442695020e+00, v59;
	v36 =	vmul.f32 @p2 v36, v36;
	vm2 =	vgt.f32 @p2 v42, v14  }
0x1f5: {  	vm1 =	vmand @p2 vm1, vm2;
	vm2 =	veq.f32 @p2 v28, v15;
	v15 =	vadd.f32 @p2 v35, v40  }
0x1f6: {  	v44 =	vmul.f32 $-5.200000000e+01, v63;
	(erf) = vpow2.f32 v61;
	v35 =	vsel @p2 vm1, $0x0, v36  }
0x1f7: {  	v45 =	vpop (erf);
	v36 =	vcvt.s32.f32 v57;
	vm0 =	vmand @p2 vm0, vm2;
	v15 =	vadd.f32 @p2 v35, v15  }
0x1f8: {  	v12 =	vnsel @p2 vm0, $0x0, v12;
	v35 =	vmul.f32 $9.471119880e+00, v45;
	v7 =	vnsel @p2 vm0, $0x0, v7  }
0x1f9: {  	v5 =	vnsel @p2 vm0, $0x0, v5;
	v38 =	vnsel @p2 vm0, $0x0, v38;
	v39 =	vadd.f32 v44, v36  }
0x1fa: {  	v37 =	vnsel @p2 vm0, $0x0, v37;
	v12 =	vadd.f32 @p2 v12, v34;
	v7 =	vadd.f32 @p2 v7, v30;
	v46 =	vpop (erf)  }
0x1fb: {  	v5 =	vadd.f32 @p2 v5, v31;
	v15 =	vadd.f32 @p2 v15, v32;
	v32 =	vmul.f32 $4.840529920e+00, v46;
	v40 =	vpop (erf)  }
0x1fc: {  	v37 =	vpsel p2, v37, v0;
	v49 =	vmul.f32 $5.000000000e-01, v35;
	v48 =	vadd.f32 v40, v39;
	v57 =	vpop (erf)  }
0x1fd: {  	v59 =	vadd.f32 v35, v10;
	v58 =	vmul.f32 $5.000000000e-01, v32;
	v14 =	vadd.f32 v63, v57  }
0x1fe: {  	vm14 =	veq.f32 v28, v36;
	v60 =	vadd.f32 v49, v48;
	v34 =	vsub.f32 v48, v49  }
0x1ff: {  	vm15 =	vmand vm13, vm14;
	v62 =	vpop (erf);
	v61 =	vadd.f32 v58, v14;
	v14 =	vsub.f32 v14, v58  }
0x200: {  	v44 =	vmax.f32 v19, v60;
	v63 =	vadd.f32 v32, v9;
	v42 =	vadd.f32 $1.000000000e+00, v62  }
0x201: {  	v34 =	vmin.f32 v17, v34;
	v39 =	vmax.f32 v18, v61;
	v14 =	vmin.f32 v16, v14  }
0x202: {  	v34 =	vsub.f32 v44, v34;
	(erf) = vrcp.f32 v42;
	v14 =	vsub.f32 v39, v14  }
0x203: {  	v12 =	vpsel p2, v12, v25;
	v5 =	vpsel p2, v5, v22;
	v22 =	vadd.f32 @p2 v37, v33  }
0x204: {  	v31 =	vmul.f32 v32, v35;
	v30 =	vsub.f32 v59, v34;
	v14 =	vsub.f32 v63, v14  }
0x205: {  	v7 =	vpsel p2, v7, v24;
	v43 =	vadd.f32 $-5.000000000e-01, v40;
	v44 =	vadd.f32 $-5.000000000e-01, v57  }
0x206: {  	v15 =	vpsel p2, v15, v23;
	v31 =	vadd.f32 v31, v11;
	v45 =	vmul.f32 v14, v30  }
0x207: {  	v35 =	vpsel p2, v38, v0;
	v32 =	vmul.f32 v43, v43;
	v34 =	vmul.f32 v44, v44  }
0x208: {  	v49 =	vmul.f32 v13, v13;
	v6 =	vadd.f32 @p2 v35, v6;
	v46 =	vsub.f32 v31, v45  }
0x209: {  	v62 =	vnsel vm15, $0x0, v26;
	v48 =	vadd.f32 v34, v32;
	v31 =	vmul.f32 v8, v8  }
0x20a: {  	v13 =	vnsel vm15, $0x0, v13;
	v36 =	vadd.f32 v62, v7;
	v23 =	vmul.f32 $6.000000240e-01, v46  }
0x20b: {  	[tilespmem:$0x1FF80] =	vst v50;
	vm10 =	vgt.f32 v30, $0.0e+00;
	vm11 =	vgt.f32 v14, $0.0e+00;
	v58 =	vpop (erf);
	v57 =	vadd.f32 v48, v31  }
0x20c: {  	[tilespmem:$0x1FF90] =	vst v51;
	vm0 =	vmand vm10, vm11;
	v59 =	vmul.f32 v58, v58;
	vm12 =	vgt.f32 v45, v23  }
.Ltmp13:
0x20d: {  	[tilespmem:$0x1FFA0] =	vst v52;
	v61 =	vnsel vm15, $0x0, v27;
	v14 =	vadd.f32 v57, v49;
	vm0 =	vmand vm0, vm12;
	(pc) =	sbr.rel @!p1 .LBB2_28-.Ltmp13, $4  }
0x20e: {  	[tilespmem:$0x1FFB0] =	vst v53;
	v35 =	vadd.f32 v61, v12;
	v8 =	vnsel vm15, $0x0, v8;
	v60 =	vsel vm0, $0x0, v59  }
0x20f: {  	[tilespmem:$0x1FFC0] =	vst v54;
	v34 =	vadd.f32 v8, v5;
	v5 =	vpsel p2, v6, v20;
	v14 =	vadd.f32 v60, v14  }
0x210: {  	[tilespmem:$0x1FFD0] =	vst v55;
	v39 =	vld [tilespmem:s14+$0xB280];
	v63 =	vnsel vm15, $0x0, v47;
	v6 =	vpsel p2, v22, v21;
	v33 =	vadd.f32 v13, v5  }
0x211: {  	[tilespmem:$0x1FFE0] =	vst v56;
	v8 =	vld [tilespmem:s14+$0xB200];
	v32 =	vadd.f32 v63, v6;
	v31 =	vadd.f32 v14, v15  }
0x212: {  	_ =	sdelay $0x3  }
0x213: {  	v5 =	vsub.f32 $0.0e+00, v8  }
0x214: {  	v6 =	vld [tilespmem:s14+$0xB300];
	v7 =	vsub.f32 $0.0e+00, v39  }
0x215: {  	v12 =	vmul.f32 $1.442695020e+00, v5;
	v5 =	vld [tilespmem:s14+$0xB380]  }
0x216: {  	v7 =	vmul.f32 $1.442695020e+00, v7  }
0x217: {  	(erf) = vpow2.f32 v12  }
0x218: {  	(erf) = vpow2.f32 v7  }
0x219: {  	v7 =	vmul.f32 $1.442695020e+00, v6  }
0x21a: {  	v60 =	vmul.f32 $1.442695020e+00, v5  }
0x21b: {  	v30 =	vld [tilespmem:s14+$0x10800];
	(erf) = vpow2.f32 v7  }
0x21c: {  	(erf) = vpow2.f32 v60;
	_ =	sdelay $0x2  }
0x21d: {  	v7 =	vor.u32 s13, v0  }
0x21e: {  	p2 =	por $0x1, $0x1;
	v14 =	vsub.f32 $0.0e+00, v30;
	v15 =	vmul.u32 $0x9D8A, v7;
	v61 =	vpop (erf)  }
.Ltmp14:
0x21f: {  	s30 =	simm.s32 $0x80;
	v12 =	vadd.f32 $1.000000000e+00, v61;
	v13 =	vpop (erf);
	(pc) =	sbr.rel @!p2 .LBB2_30-.Ltmp14, $4  }
0x220: {  	s31 =	sand.u32 $0x70, s15;
	v62 =	vmul.f32 $1.442695020e+00, v14;
	s13 =	sand.u32 $0x7C00, s30;
	v63 =	vshrl.u32 v15, $0x15;
	v13 =	vadd.f32 $1.000000000e+00, v13  }
0x221: {  	s14 =	sor.u32 s31, s13;
	v43 =	vcvt.s32.f32 v63;
	(erf) = vrcp.f32 v12  }
0x222: {  	v40 =	vcvt.s32.f32 v7;
	v27 =	vld [tilespmem:s14+$0xB200];
	v44 =	vpop (erf);
	(erf) = vrcp.f32 v13  }
0x223: {  	p1 =	por $0x1, $0x1;
	s13 =	simm.s32 $0x20;
	v24 =	vld [tilespmem:s14+$0xB280];
	v46 =	vmul.f32 $-5.200000000e+01, v43;
	(erf) = vpow2.f32 v62;
	v45 =	vpop (erf)  }
0x224: {  	_ =	sdelay $0x2  }
0x225: {  	v13 =	vmul.f32 $1.123639970e+01, v44  }
0x226: {  	v15 =	vmul.f32 $1.000710010e+01, v45;
	vm0 =	veq.f32 v29, $4.000000000e+00;
	v7 =	vsub.f32 $0.0e+00, v27  }
0x227: {  	vm1 =	veq.f32 v28, v40;
	v63 =	vmul.f32 v5, v5;
	v12 =	vadd.f32 v46, v40  }
0x228: {  	vm1 =	vmand vm0, vm1;
	v26 =	vadd.f32 v13, v10;
	v7 =	vmul.f32 $1.442695020e+00, v7;
	v20 =	vpop (erf)  }
0x229: {  	v21 =	vmul.f32 $5.000000000e-01, v13;
	v38 =	vadd.f32 v15, v9;
	v12 =	vadd.f32 v20, v12;
	v22 =	vpop (erf)  }
0x22a: {  	v25 =	vmul.f32 $5.000000000e-01, v15;
	v14 =	vsub.f32 $0.0e+00, v24;
	v23 =	vadd.f32 v43, v22  }
0x22b: {  	v13 =	vmul.f32 v15, v13;
	v37 =	vadd.f32 v21, v12;
	v12 =	vsub.f32 v12, v21  }
0x22c: {  	(erf) = vpow2.f32 v7;
	v7 =	vpop (erf);
	v21 =	vadd.f32 v25, v23;
	v23 =	vsub.f32 v23, v25  }
0x22d: {  	v14 =	vmul.f32 $1.442695020e+00, v14;
	v25 =	vadd.f32 $1.000000000e+00, v7;
	v37 =	vmax.f32 v19, v37  }
0x22e: {  	v7 =	vld [tilespmem:s14+$0xB300];
	v12 =	vmin.f32 v17, v12;
	v21 =	vmax.f32 v18, v21;
	v23 =	vmin.f32 v16, v23  }
0x22f: {  	v37 =	vsub.f32 v37, v12;
	(erf) = vrcp.f32 v25;
	v21 =	vsub.f32 v21, v23  }
0x230: {  	v15 =	vadd.f32 $-5.000000000e-01, v20;
	v20 =	vadd.f32 $-5.000000000e-01, v22;
	v12 =	vld [tilespmem:s14+$0xB380];
	(erf) = vpow2.f32 v14  }
0x231: {  	v8 =	vnsel vm1, $0x0, v8;
	v14 =	vsub.f32 v26, v37;
	v21 =	vsub.f32 v38, v21  }
0x232: {  	v42 =	vnsel vm1, $0x0, v5;
	v15 =	vmul.f32 v15, v15;
	v20 =	vmul.f32 v20, v20  }
0x233: {  	v13 =	vadd.f32 v13, v11;
	v22 =	vmul.f32 $1.442695020e+00, v7;
	v23 =	vmul.f32 v21, v14  }
0x234: {  	v41 =	vnsel vm1, $0x0, v30;
	v15 =	vadd.f32 v20, v15;
	v20 =	vmul.f32 v6, v6  }
0x235: {  	v62 =	vpop (erf);
	v26 =	vmul.f32 $1.442695020e+00, v12;
	(erf) = vpow2.f32 v22;
	v61 =	vsub.f32 v13, v23;
	v13 =	vld [tilespmem:s14+$0x10800]  }
0x236: {  	v15 =	vadd.f32 v15, v20;
	vm2 =	vgt.f32 v14, $0.0e+00;
	v22 =	vadd.f32 $1.000000000e+00, v62  }
0x237: {  	vm3 =	vgt.f32 v21, $0.0e+00;
	(erf) = vpow2.f32 v26;
	v37 =	vmul.f32 $6.000000240e-01, v61  }
0x238: {  	v25 =	vor.u32 s15, v0;
	v15 =	vadd.f32 v15, v63;
	vm2 =	vmand vm2, vm3;
	v14 =	vpop (erf)  }
0x239: {  	(erf) = vrcp.f32 v22;
	v20 =	vpop (erf);
	v14 =	vmul.f32 v14, v14;
	vm3 =	vgt.f32 v23, v37  }
0x23a: {  	v20 =	vadd.f32 $1.000000000e+00, v20;
	vm2 =	vmand vm2, vm3;
	v21 =	vsub.f32 $0.0e+00, v13  }
0x23b: {  	p2 =	por $0x1, $0x1;
	s15 =	simm.s32 $0x100;
	v22 =	vmul.u32 $0x9D8A, v25;
	v23 =	vnsel vm1, $0x0, v39;
	v14 =	vsel vm2, $0x0, v14  }
.Ltmp15:
0x23c: {  	s31 =	sand.u32 $0x70, s13;
	s16 =	sand.u32 $0x7C00, s15;
	(erf) = vrcp.f32 v20;
	v14 =	vadd.f32 v14, v15;
	v15 =	vmul.f32 $1.442695020e+00, v21;
	(pc) =	sbr.rel @!p2 .LBB2_32-.Ltmp15, $4  }
0x23d: {  	v6 =	vnsel vm1, $0x0, v6;
	v40 =	vcvt.s32.f32 v25;
	s14 =	sor.u32 s31, s16;
	v21 =	vshrl.u32 v22, $0x15  }
0x23e: {  	v26 =	vadd.f32 v6, v34;
	v38 =	vld [tilespmem:s14+$0xB200];
	v44 =	vpop (erf);
	v22 =	vadd.f32 v23, v36;
	v43 =	vcvt.s32.f32 v21  }
0x23f: {  	v25 =	vmovc v33;
	v37 =	vld [tilespmem:s14+$0xB280];
	v23 =	vmovc v32;
	v21 =	vadd.f32 v8, v35;
	v20 =	vadd.f32 v14, v31;
	(erf) = vpow2.f32 v15  }
0x240: {  	p0 =	por $0x1, $0x1;
	s16 =	simm.s32 $0x30;
	v45 =	vpop (erf);
	v46 =	vmul.f32 $-5.200000000e+01, v43;
	v15 =	vmov v12;
	v14 =	vmov v7  }
.LBB2_33:
0x241: {  	v5 =	vmov v14;
	v6 =	vmov v15  }
0x242: {  	p2 =	sne.s32 s16, $0xA80;
	v25 =	vadd.f32 v42, v25;
	v23 =	vadd.f32 v41, v23  }
0x243: {  	v30 =	vmul.f32 $1.123639970e+01, v44;
	v8 =	vsub.f32 $0.0e+00, v38;
	v14 =	vadd.f32 v46, v40  }
0x244: {  	v39 =	vmul.f32 $1.000710010e+01, v45;
	vm1 =	veq.f32 v28, v40;
	v15 =	vsub.f32 $0.0e+00, v37;
	v40 =	vpop (erf)  }
0x245: {  	v41 =	vmul.f32 $5.000000000e-01, v30;
	v8 =	vmul.f32 $1.442695020e+00, v8;
	v47 =	vadd.f32 v40, v14;
	v42 =	vpop (erf)  }
0x246: {  	v44 =	vmul.f32 $5.000000000e-01, v39;
	v45 =	vadd.f32 v30, v10;
	v43 =	vadd.f32 v43, v42  }
0x247: {  	v46 =	vmul.f32 $1.442695020e+00, v15;
	v15 =	vadd.f32 v41, v47;
	v41 =	vsub.f32 v47, v41  }
0x248: {  	(erf) = vpow2.f32 v8;
	v8 =	vadd.f32 v44, v43;
	v43 =	vsub.f32 v43, v44;
	v14 =	vpop (erf)  }
0x249: {  	v47 =	vadd.f32 v39, v9;
	v44 =	vadd.f32 $1.000000000e+00, v14;
	v15 =	vmax.f32 v19, v15  }
0x24a: {  	v41 =	vmin.f32 v17, v41;
	v14 =	vld [tilespmem:s14+$0xB300];
	v8 =	vmax.f32 v18, v8;
	v43 =	vmin.f32 v16, v43  }
0x24b: {  	v41 =	vsub.f32 v15, v41;
	v8 =	vsub.f32 v8, v43;
	(erf) = vrcp.f32 v44  }
0x24c: {  	vm1 =	vmand vm0, vm1;
	v15 =	vld [tilespmem:s14+$0xB380];
	(erf) = vpow2.f32 v46  }
0x24d: {  	v30 =	vmul.f32 v39, v30;
	v41 =	vsub.f32 v45, v41;
	v8 =	vsub.f32 v47, v8  }
0x24e: {  	v39 =	vadd.f32 $-5.000000000e-01, v40;
	v40 =	vadd.f32 $-5.000000000e-01, v42;
	v46 =	vnsel vm1, $0x0, v27;
	v27 =	vmovc v38  }
0x24f: {  	v30 =	vadd.f32 v30, v11;
	v38 =	vmul.f32 $1.442695020e+00, v14;
	v42 =	vmul.f32 v8, v41  }
0x250: {  	v39 =	vmul.f32 v39, v39;
	v40 =	vmul.f32 v40, v40;
	v47 =	vor.u32 s13, v0;
	s13 =	smov.u32 s16  }
0x251: {  	v6 =	vmul.f32 v6, v12;
	v43 =	vmul.f32 $1.442695020e+00, v15;
	v44 =	vpop (erf);
	v30 =	vsub.f32 v30, v42  }
0x252: {  	v5 =	vmul.f32 v5, v7;
	v40 =	vadd.f32 v40, v39;
	v48 =	vld [tilespmem:s14+$0x10800];
	(erf) = vpow2.f32 v38  }
0x253: {  	v39 =	vadd.f32 $1.000000000e+00, v44;
	(erf) = vpow2.f32 v43;
	v30 =	vmul.f32 $6.000000240e-01, v30  }
0x254: {  	v5 =	vadd.f32 v40, v5;
	vm2 =	vgt.f32 v41, $0.0e+00;
	vm3 =	vgt.f32 v8, $0.0e+00;
	v8 =	vpop (erf)  }
0x255: {  	vm2 =	vmand vm2, vm3;
	v38 =	vpop (erf);
	vm3 =	vgt.f32 v42, v30;
	v8 =	vmul.f32 v8, v8  }
0x256: {  	v5 =	vadd.f32 v5, v6;
	v30 =	vadd.f32 $1.000000000e+00, v38;
	vm2 =	vmand vm2, vm3  }
0x257: {  	s15 =	sadd.s32 $0x80, s15;
	v6 =	vsub.f32 $0.0e+00, v48;
	(erf) = vrcp.f32 v39;
	v8 =	vsel vm2, $0x0, v8  }
0x258: {  	s17 =	sand.u32 $0x7C00, s15;
	s14 =	sand.u32 $0x70, s16;
	v39 =	vmul.u32 $0x9D8A, v47;
	(erf) = vrcp.f32 v30;
	v5 =	vadd.f32 v8, v5  }
.Ltmp16:
0x259: {  	s14 =	sor.u32 s14, s17;
	v8 =	vnsel vm1, $0x0, v24;
	v30 =	vnsel vm1, $0x0, v7;
	v7 =	vmovc v14;
	v24 =	vmovc v37;
	v6 =	vmul.f32 $1.442695020e+00, v6;
	(pc) =	sbr.rel @p2 .LBB2_33-.Ltmp16, $4  }
0x25a: {  	v42 =	vnsel vm1, $0x0, v12;
	v12 =	vmovc v15;
	v39 =	vshrl.u32 v39, $0x15;
	v38 =	vld [tilespmem:s14+$0xB200];
	v20 =	vadd.f32 v5, v20  }
0x25b: {  	v41 =	vnsel vm1, $0x0, v13;
	v43 =	vcvt.s32.f32 v39;
	v37 =	vld [tilespmem:s14+$0xB280];
	(erf) = vpow2.f32 v6;
	v44 =	vpop (erf)  }
0x25c: {  	v21 =	vadd.f32 v46, v21;
	v13 =	vmov v48;
	v22 =	vadd.f32 v8, v22;
	v45 =	vpop (erf)  }
0x25d: {  	v40 =	vcvt.s32.f32 v47;
	s16 =	sadd.s32 $0x10, s16;
	v26 =	vadd.f32 v30, v26;
	v46 =	vmul.f32 $-5.200000000e+01, v43  }
0x25e: {  	v8 =	vmovc v27;
	v5 =	vmovc v12;
	v6 =	vmov v7;
	v39 =	vmov v24;
	v30 =	vmov v13  }
.LBB2_35:
0x25f: {  	_ =	sdelay $0x2  }
0x260: {  	v7 =	vsub.f32 $0.0e+00, v38;
	v24 =	vpop @p1 (erf)  }
0x261: {  	v27 =	vpop @p1 (erf)  }
0x262: {  	v12 =	vsub.f32 $0.0e+00, v37;
	v7 =	vmul.f32 $1.442695020e+00, v7;
	v13 =	vpop @p1 (erf)  }
0x263: {  	v13 =	vadd.f32 @p1 $1.000000000e+00, v13  }
0x264: {  	v12 =	vmul.f32 $1.442695020e+00, v12;
	(erf) = vpow2.f32 v7  }
0x265: {  	(erf) = vrcp.f32 @p1 v13  }
0x266: {  	(erf) = vpow2.f32 v12;
	_ =	sdelay $0x1  }
0x267: {  	v13 =	vld [tilespmem:s14+$0xB300]  }
0x268: {  	v12 =	vld [tilespmem:s14+$0xB380]  }
0x269: {  	v7 =	vld [tilespmem:s14+$0x10800];
	_ =	sdelay $0x2  }
0x26a: {  	v47 =	vmul.f32 $1.442695020e+00, v13;
	v48 =	vpop (erf)  }
0x26b: {  	v49 =	vmul.f32 $1.442695020e+00, v12;
	v50 =	vpop @p1 (erf)  }
0x26c: {  	v51 =	vsub.f32 $0.0e+00, v7;
	(erf) = vpow2.f32 v47;
	v60 =	vadd.f32 $1.000000000e+00, v48;
	v61 =	vpop (erf)  }
0x26d: {  	(erf) = vpow2.f32 v49;
	v48 =	vadd.f32 $1.000000000e+00, v61  }
0x26e: {  	v62 =	vmul.f32 $1.442695020e+00, v51;
	(erf) = vrcp.f32 v60  }
0x26f: {  	(erf) = vrcp.f32 v48  }
0x270: {  	(erf) = vpow2.f32 v62  }
0x271: {  	v46 =	vadd.f32 @p1 v46, v40;
	v44 =	vmul.f32 @p1 $1.123639970e+01, v44  }
0x272: {  	v45 =	vmul.f32 @p1 $1.000710010e+01, v45  }
0x273: {  	v46 =	vadd.f32 @p1 v24, v46;
	v47 =	vmul.f32 @p1 $5.000000000e-01, v44  }
0x274: {  	v43 =	vadd.f32 @p1 v43, v27;
	v49 =	vmul.f32 @p1 $5.000000000e-01, v45  }
0x275: {  	v53 =	vadd.f32 @p1 v47, v46;
	v46 =	vsub.f32 @p1 v46, v47;
	v63 =	vpop (erf)  }
0x276: {  	v54 =	vadd.f32 @p1 v49, v43;
	v43 =	vsub.f32 @p1 v43, v49;
	v52 =	vpop (erf)  }
0x277: {  	v55 =	vadd.f32 @p1 v45, v9;
	v51 =	vadd.f32 @p1 v44, v10;
	v53 =	vmax.f32 @p1 v19, v53;
	v47 =	vpop (erf)  }
0x278: {  	v46 =	vmin.f32 @p1 v17, v46;
	v54 =	vmax.f32 @p1 v18, v54;
	v43 =	vmin.f32 @p1 v16, v43;
	v49 =	vpop (erf)  }
0x279: {  	v46 =	vsub.f32 @p1 v53, v46;
	v43 =	vsub.f32 @p1 v54, v43;
	v56 =	vpop (erf)  }
0x27a: {  	v56 =	vadd.f32 $1.000000000e+00, v56  }
0x27b: {  	v44 =	vmul.f32 @p1 v45, v44;
	v46 =	vsub.f32 @p1 v51, v46;
	v43 =	vsub.f32 @p1 v55, v43  }
0x27c: {  	v24 =	vadd.f32 @p1 $-5.000000000e-01, v24;
	(erf) = vrcp.f32 v56  }
0x27d: {  	v27 =	vadd.f32 @p1 $-5.000000000e-01, v27;
	v44 =	vadd.f32 @p1 v44, v11;
	v45 =	vmul.f32 @p1 v43, v46  }
0x27e: {  	v42 =	vadd.f32 @p0 v42, v25  }
0x27f: {  	v24 =	vmul.f32 @p1 v24, v24;
	v27 =	vmul.f32 @p1 v27, v27;
	v25 =	vsub.f32 @p1 v44, v45  }
0x280: {  	v14 =	vmul.f32 @p1 v14, v6  }
0x281: {  	v24 =	vadd.f32 @p1 v27, v24;
	v27 =	vmul.f32 @p1 v15, v5;
	v15 =	vmul.f32 @p1 $6.000000240e-01, v25;
	_ =	sdelay $0x1  }
0x282: {  	vm0 =	veq.f32 @p1 v29, $4.000000000e+00;
	v14 =	vadd.f32 @p1 v24, v14;
	v56 =	vor.u32 s13, v0  }
0x283: {  	s14 =	simm.s32 $0x0;
	vm2 =	vgt.f32 @p1 v46, $0.0e+00;
	vm3 =	vgt.f32 @p1 v43, $0.0e+00;
	v24 =	vmul.u32 $0x9D8A, v56  }
0x284: {  	[tilespmem:s9], [sflag:$0x1] =	stream.linear.gather [hbm4b:s5+s14], $0x100, $0x38;
	vm2 =	vmand @p1 vm2, vm3;
	v25 =	vmul.f32 @p1 v50, v50;
	vm3 =	vgt.f32 @p1 v45, v15;
	v15 =	vpop (erf);
	[tilespmem:$0x16180] =	vst v63  }
0x285: {  	v14 =	vadd.f32 @p1 v14, v27;
	vm2 =	vmand @p1 vm2, vm3;
	v24 =	vshrl.u32 v24, $0x15;
	_ =	swait.ge [sflag:s10], $0x100  }
0x286: {  	vm1 =	veq.f32 @p1 v28, v40;
	v25 =	vsel @p1 vm2, $0x0, v25;
	v27 =	vcvt.s32.f32 v24;
	[sflag:s10] =	ssyncset.done $0x0  }
0x287: {  	vm0 =	vmand @p1 vm0, vm1;
	v14 =	vadd.f32 @p1 v25, v14;
	[sflag:s10] =	ssyncadd.s32 $0xFFFFFF00  }
0x288: {  	v40 =	vcvt.s32.f32 v56;
	v24 =	vnsel @p1 vm0, $0x0, v8;
	v25 =	vmul.f32 $-5.200000000e+01, v27;
	v8 =	vld [tilespmem:$0x16000]  }
0x289: {  	v23 =	vadd.f32 @p0 v41, v23;
	v41 =	vnsel @p1 vm0, $0x0, v6;
	v6 =	vld [tilespmem:$0x16010]  }
0x28a: {  	v14 =	vadd.f32 @p1 v14, v20;
	v20 =	vnsel @p1 vm0, $0x0, v30;
	v30 =	vadd.f32 v25, v40;
	v25 =	vld [tilespmem:$0x16020]  }
0x28b: {  	v21 =	vadd.f32 @p1 v24, v21;
	v24 =	vld [tilespmem:$0x16030]  }
0x28c: {  	v58 =	vld [tilespmem:$0x16040]  }
0x28d: {  	v60 =	vld [tilespmem:$0x16050]  }
0x28e: {  	v39 =	vnsel @p1 vm0, $0x0, v39;
	v43 =	vmul.f32 $1.123639970e+01, v63;
	v62 =	vld [tilespmem:$0x16060]  }
0x28f: {  	v22 =	vadd.f32 @p1 v39, v22;
	v39 =	vmul.f32 $1.000710010e+01, v52;
	v52 =	vld [tilespmem:$0x16070]  }
0x290: {  	v57 =	vmul.f32 $5.000000000e-01, v43;
	v30 =	vadd.f32 v47, v30;
	v55 =	vld [tilespmem:$0x16080]  }
0x291: {  	v56 =	vld [tilespmem:$0x16090]  }
0x292: {  	v61 =	vadd.f32 v57, v30;
	v30 =	vsub.f32 v30, v57;
	v57 =	vld [tilespmem:$0x160A0]  }
0x293: {  	v31 =	vpsel p1, v14, v31;
	v14 =	vpsel p1, v21, v35;
	v21 =	vpsel p1, v22, v36;
	v22 =	vld [tilespmem:$0x160B0]  }
0x294: {  	v5 =	vnsel @p1 vm0, $0x0, v5;
	v59 =	vmul.f32 $5.000000000e-01, v39;
	v36 =	vld [tilespmem:$0x160C0]  }
0x295: {  	vm0 =	veq.f32 v29, $4.000000000e+00;
	v29 =	vadd.f32 $-5.000000000e-01, v47;
	v27 =	vadd.f32 v27, v49;
	v47 =	vld [tilespmem:$0x160D0]  }
0x296: {  	v26 =	vadd.f32 @p1 v41, v26;
	vm1 =	veq.f32 v28, v40;
	v28 =	vld [tilespmem:$0x160E0];
	[tilespmem:s14], [sflag:$0x1] =	stream.linear.gather [hbm4b:s6+s14], $0x16000, $0x38  }
0x297: {  	v42 =	vpsel p0, v42, v33;
	v23 =	vpsel p0, v23, v32;
	v63 =	vadd.f32 v59, v27;
	[tilespmem:$0x1FED0] =	vst v58  }
0x298: {  	v26 =	vpsel p1, v26, v34;
	v5 =	vpsel p1, v5, v0;
	v27 =	vsub.f32 v27, v59;
	[tilespmem:$0x1FEE0] =	vst v60  }
0x299: {  	v53 =	vadd.f32 v43, v10;
	v54 =	vadd.f32 v39, v9;
	v41 =	vmax.f32 v18, v63;
	[tilespmem:$0x1FEF0] =	vst v62  }
0x29a: {  	v27 =	vmin.f32 v16, v27;
	v45 =	vmax.f32 v19, v61;
	v30 =	vmin.f32 v17, v30;
	[tilespmem:$0x1FF00] =	vst v52  }
0x29b: {  	v20 =	vpsel p1, v20, v0;
	v27 =	vsub.f32 v41, v27;
	v30 =	vsub.f32 v45, v30;
	[tilespmem:$0x1FF10] =	vst v55  }
0x29c: {  	v34 =	vadd.f32 @p1 v5, v42;
	vm0 =	vmand vm0, vm1;
	v20 =	vadd.f32 @p1 v20, v23;
	[tilespmem:$0x1FF20] =	vst v56  }
0x29d: {  	v5 =	vmul.f32 v29, v29;
	v27 =	vsub.f32 v54, v27;
	[tilespmem:$0x1FF40] =	vst v22;
	v22 =	vsub.f32 v53, v30  }
0x29e: {  	v23 =	vnsel vm0, $0x0, v38;
	v61 =	vmul.f32 v13, v13;
	[tilespmem:$0x1FF30] =	vst v57;
	v58 =	vadd.f32 $-5.000000000e-01, v49  }
0x29f: {  	v13 =	vnsel vm0, $0x0, v13;
	v30 =	vmul.f32 v39, v43;
	_ =	swait.ge [sflag:s10], $0x16000;
	v59 =	vmul.f32 v27, v22  }
0x2a0: {  	s29 =	sand.u32 $0x70, s14;
	s15 =	sand.u32 $0x7C00, s14;
	v29 =	vmul.f32 v58, v58;
	[sflag:s10] =	ssyncset.done $0x0;
	vm1 =	vgt.f32 v22, $0.0e+00;
	v22 =	vadd.f32 v23, v14  }
0x2a1: {  	s16 =	sor.u32 s29, s15;
	v13 =	vadd.f32 v13, v26;
	v30 =	vadd.f32 v30, v11;
	[sflag:s10] =	ssyncadd.s32 $0xFFFEA000  }
0x2a2: {  	v29 =	vadd.f32 v29, v5;
	v5 =	vnsel vm0, $0x0, v37;
	v14 =	vld [tilespmem:s16+$0x0];
	v26 =	vperm.xlane v22, v1  }
0x2a3: {  	vm2 =	vgt.f32 v27, $0.0e+00;
	v60 =	vmul.f32 v12, v12;
	v21 =	vadd.f32 v5, v21;
	v5 =	vld [tilespmem:s16+$0x80]  }
0x2a4: {  	v30 =	vsub.f32 v30, v59;
	v22 =	vadd.f32 v26, v22;
	v26 =	vperm.xlane v13, v1  }
0x2a5: {  	v12 =	vnsel vm0, $0x0, v12;
	vm1 =	vmand vm1, vm2;
	v27 =	vperm.xlane v21, v1  }
0x2a6: {  	v30 =	vmul.f32 $6.000000240e-01, v30;
	v23 =	vadd.f32 v29, v61;
	v13 =	vadd.f32 v26, v13  }
0x2a7: {  	v29 =	vpsel p1, v34, v33;
	v21 =	vadd.f32 v27, v21;
	v27 =	vsub.f32 $0.0e+00, v14  }
0x2a8: {  	vm2 =	vgt.f32 v59, v30;
	v30 =	vperm.xlane v22, v2;
	v26 =	vsub.f32 $0.0e+00, v5  }
0x2a9: {  	v12 =	vadd.f32 v12, v29;
	v62 =	vperm.xlane v13, v2;
	v27 =	vmul.f32 $1.442695020e+00, v27  }
0x2aa: {  	v22 =	vadd.f32 v30, v22;
	v29 =	vperm.xlane v21, v2;
	v26 =	vmul.f32 $1.442695020e+00, v26  }
0x2ab: {  	v30 =	vperm.xlane v12, v1;
	(erf) = vpow2.f32 v27  }
0x2ac: {  	v21 =	vadd.f32 v29, v21;
	(erf) = vpow2.f32 v26;
	v26 =	vperm.xlane v22, v3  }
0x2ad: {  	v13 =	vadd.f32 v62, v13  }
0x2ae: {  	v27 =	vadd.f32 v30, v12;
	v29 =	vperm.xlane v21, v3;
	v41 =	vadd.f32 v26, v22  }
0x2af: {  	v30 =	vperm.xlane v13, v3  }
0x2b0: {  	v22 =	vperm.xlane v27, v2;
	v40 =	vadd.f32 v29, v21;
	v21 =	vperm.xlane v41, v4  }
0x2b1: {  	v7 =	vnsel vm0, $0x0, v7;
	v20 =	vpsel p1, v20, v32  }
0x2b2: {  	v37 =	vadd.f32 v30, v13;
	[tilespmem:$0x1FF50] =	vst v21;
	v21 =	vadd.f32 v22, v27;
	v22 =	vperm.xlane v40, v4  }
0x2b3: {  	v20 =	vadd.f32 v7, v20;
	v7 =	vld [tilespmem:s16+$0x100]  }
0x2b4: {  	v12 =	vld [tilespmem:s16+$0x180];
	[tilespmem:$0x1FF60] =	vst v22;
	v22 =	vperm.xlane v37, v4;
	_ =	sdelay $0x1  }
0x2b5: {  	[tilespmem:$0x1FF70] =	vst v22;
	v22 =	vadd.f32 v23, v60;
	v23 =	vperm.xlane v21, v3  }
0x2b6: {  	v13 =	vperm.xlane v20, v1  }
0x2b7: {  	v26 =	vmul.f32 $1.442695020e+00, v7  }
0x2b8: {  	v15 =	vmul.f32 v15, v15;
	v20 =	vadd.f32 v13, v20;
	v13 =	vld [tilespmem:s16+$0x200];
	v29 =	vmul.f32 $1.442695020e+00, v12;
	v30 =	vpop (erf)  }
0x2b9: {  	(erf) = vpow2.f32 v26;
	v39 =	vadd.f32 v23, v21;
	v21 =	vadd.f32 $1.000000000e+00, v30;
	v23 =	vpop (erf)  }
0x2ba: {  	v27 =	vperm.xlane v20, v2;
	(erf) = vpow2.f32 v29;
	v23 =	vadd.f32 $1.000000000e+00, v23  }
0x2bb: {  	vm0 =	vmand vm1, vm2;
	(erf) = vrcp.f32 v21  }
0x2bc: {  	s30 =	simm.s32 $0x10;
	s31 =	simm.s32 $0x80;
	v15 =	vsel vm0, $0x0, v15;
	v20 =	vadd.f32 v27, v20;
	(erf) = vrcp.f32 v23  }
0x2bd: {  	s17 =	sand.u32 $0x70, s30;
	s15 =	sand.u32 $0x7C00, s31;
	v26 =	vor.u32 s14, v0;
	v27 =	vsub.f32 $0.0e+00, v13;
	v15 =	vadd.f32 v15, v22  }
0x2be: {  	s15 =	sor.u32 s17, s15;
	v29 =	vmul.u32 $0x9D8A, v26;
	v21 =	vperm.xlane v20, v3  }
0x2bf: {  	v53 =	vld [tilespmem:s15+$0x0];
	v22 =	vmul.f32 $1.442695020e+00, v27;
	v43 =	vadd.f32 v15, v31;
	v15 =	vmul.f32 $5.000000000e-01, v24  }
0x2c0: {  	v45 =	vadd.f32 v21, v20;
	v20 =	vmul.f32 $5.000000000e-01, v25;
	v21 =	vshrl.u32 v29, $0x15  }
0x2c1: {  	v52 =	vld [tilespmem:s15+$0x80];
	v33 =	vsub.f32 v6, v15;
	v49 =	vcvt.s32.f32 v21;
	(erf) = vpow2.f32 v22  }
0x2c2: {  	v48 =	vor.u32 s30, v0;
	v35 =	vadd.f32 v15, v6;
	v6 =	vpop (erf);
	v32 =	vsub.f32 v8, v20  }
0x2c3: {  	v34 =	vadd.f32 v20, v8;
	v8 =	vcvt.s32.f32 v26;
	v15 =	vpop (erf);
	v20 =	vmul.f32 $-5.200000000e+01, v49  }
0x2c4: {  	vm1 =	veq.f32 v47, $0.0e+00;
	v21 =	vsub.f32 $0.0e+00, v53;
	v15 =	vmul.f32 $1.731449960e+00, v15;
	v22 =	vpop (erf)  }
0x2c5: {  	vm0 =	veq.f32 v36, v8;
	v50 =	vadd.f32 v20, v8;
	v20 =	vmul.f32 $1.322100040e+00, v6;
	v26 =	vpop (erf)  }
0x2c6: {  	v6 =	vsub.f32 $0.0e+00, v52;
	v8 =	vmul.f32 $1.442695020e+00, v21;
	v27 =	vadd.f32 v49, v26  }
0x2c7: {  	v29 =	vmul.f32 $5.000000000e-01, v15;
	v23 =	vmul.f32 $5.000000000e-01, v20;
	v21 =	vadd.f32 v22, v50  }
0x2c8: {  	v63 =	vadd.f32 v15, v24;
	v30 =	vadd.f32 v20, v25;
	v31 =	vmul.f32 $1.442695020e+00, v6  }
0x2c9: {  	v6 =	vadd.f32 v23, v21;
	v21 =	vsub.f32 v21, v23;
	(erf) = vpow2.f32 v8  }
0x2ca: {  	v15 =	vmul.f32 v15, v20;
	v8 =	vadd.f32 v29, v27;
	v23 =	vsub.f32 v27, v29;
	v27 =	vpop (erf)  }
0x2cb: {  	v20 =	vadd.f32 $-5.000000000e-01, v22;
	v29 =	vmax.f32 v34, v6;
	v6 =	vld [tilespmem:s15+$0x100];
	v27 =	vadd.f32 $1.000000000e+00, v27  }
0x2cc: {  	v21 =	vmin.f32 v32, v21;
	v8 =	vmax.f32 v35, v8;
	v23 =	vmin.f32 v33, v23  }
0x2cd: {  	v21 =	vsub.f32 v29, v21;
	v23 =	vsub.f32 v8, v23;
	(erf) = vrcp.f32 v27  }
0x2ce: {  	vm2 =	vmand vm1, vm0;
	v20 =	vmul.f32 v20, v20;
	v22 =	vadd.f32 $-5.000000000e-01, v26  }
0x2cf: {  	v8 =	vld [tilespmem:s15+$0x180];
	v21 =	vsub.f32 v30, v21;
	v23 =	vsub.f32 v63, v23;
	(erf) = vpow2.f32 v31  }
0x2d0: {  	v26 =	vnsel vm2, $0x0, v14;
	v22 =	vmul.f32 v22, v22;
	v14 =	vmul.f32 $1.442695020e+00, v6  }
0x2d1: {  	v56 =	vimm.f32 $0.0e+00;
	v15 =	vadd.f32 v15, v28;
	v27 =	vmul.f32 v23, v21  }
0x2d2: {  	v31 =	vpop (erf);
	(erf) = vpow2.f32 v14;
	v14 =	vadd.f32 v22, v20;
	v20 =	vmul.f32 v7, v7  }
0x2d3: {  	v44 =	vperm.xlane v39, v4;
	v46 =	vperm.xlane v45, v4;
	v15 =	vsub.f32 v15, v27  }
0x2d4: {  	v59 =	vadd.f32 v26, v56;
	v30 =	vmul.f32 v12, v12;
	v29 =	vmul.f32 $1.442695020e+00, v8  }
0x2d5: {  	v54 =	vld [tilespmem:s15+$0x200];
	vm3 =	vgt.f32 v21, $0.0e+00;
	v22 =	vadd.f32 $1.000000000e+00, v31;
	v15 =	vmul.f32 $6.000000240e-01, v15  }
0x2d6: {  	vm4 =	vgt.f32 v23, $0.0e+00;
	v14 =	vadd.f32 v14, v20;
	(erf) = vpow2.f32 v29;
	v20 =	vpop (erf)  }
0x2d7: {  	vm3 =	vmand vm3, vm4;
	vm15 =	vgt.f32 v27, v15;
	v15 =	vmul.f32 v20, v20  }
0x2d8: {  	v23 =	vnsel vm2, $0x0, v5;
	v14 =	vadd.f32 v14, v30;
	vm3 =	vmand vm3, vm15;
	v21 =	vpop (erf)  }
0x2d9: {  	(erf) = vrcp.f32 v22;
	v20 =	vadd.f32 $1.000000000e+00, v21;
	v15 =	vsel vm3, $0x0, v15  }
0x2da: {  	s19 =	simm.s32 $0x100;
	s13 =	simm.s32 $0x20;
	v22 =	vmul.u32 $0x9D8A, v48;
	v21 =	vsub.f32 $0.0e+00, v54;
	v14 =	vadd.f32 v15, v14  }
0x2db: {  	s18 =	sand.u32 $0x7C00, s19;
	s17 =	sand.u32 $0x70, s13;
	v7 =	vnsel vm2, $0x0, v7;
	v57 =	vadd.f32 v23, v56;
	(erf) = vrcp.f32 v20  }
0x2dc: {  	s20 =	sor.u32 s17, s18;
	v58 =	vadd.f32 v7, v56;
	v51 =	vshrl.u32 v22, $0x15;
	v15 =	vmul.f32 $1.442695020e+00, v21  }
0x2dd: {  	v60 =	vld [tilespmem:s20+$0x0];
	v62 =	vmovc v6;
	v7 =	vimm.f32 $0.0e+00;
	v20 =	vnsel vm2, $0x0, v12;
	v12 =	vcvt.s32.f32 v51  }
0x2de: {  	v55 =	vld [tilespmem:s20+$0x80];
	v61 =	vmov v8;
	v5 =	vadd.f32 v14, v56;
	(erf) = vpow2.f32 v15;
	v14 =	vpop (erf)  }
0x2df: {  	s21 =	simm.s32 $0x30;
	s18 =	simm.s32 $0x20;
	v21 =	vnsel vm2, $0x0, v13;
	v15 =	vcvt.s32.f32 v48;
	v22 =	vmul.f32 $-5.200000000e+01, v12;
	v13 =	vpop (erf)  }
.LBB2_36:
0x2e0: {  	v23 =	vmov v6;
	v26 =	vmov v8  }
0x2e1: {  	p0 =	sne.s32 s21, $0xA80;
	v56 =	vadd.f32 v20, v56;
	v7 =	vadd.f32 v21, v7  }
0x2e2: {  	v14 =	vmul.f32 $1.322100040e+00, v14;
	v6 =	vsub.f32 $0.0e+00, v60;
	v8 =	vadd.f32 v22, v15  }
0x2e3: {  	v13 =	vmul.f32 $1.731449960e+00, v13;
	vm2 =	veq.f32 v36, v15;
	v20 =	vsub.f32 $0.0e+00, v55;
	v15 =	vpop (erf)  }
0x2e4: {  	v21 =	vmul.f32 $5.000000000e-01, v14;
	v31 =	vmul.f32 $1.442695020e+00, v6;
	v8 =	vadd.f32 v15, v8;
	v22 =	vpop (erf)  }
0x2e5: {  	v27 =	vmul.f32 $5.000000000e-01, v13;
	v29 =	vadd.f32 v14, v25;
	v12 =	vadd.f32 v12, v22  }
0x2e6: {  	v20 =	vmul.f32 $1.442695020e+00, v20;
	v30 =	vadd.f32 v21, v8;
	v8 =	vsub.f32 v8, v21  }
0x2e7: {  	(erf) = vpow2.f32 v31;
	v21 =	vadd.f32 v27, v12;
	v12 =	vsub.f32 v12, v27;
	v6 =	vpop (erf)  }
0x2e8: {  	v31 =	vadd.f32 v13, v24;
	v27 =	vadd.f32 $1.000000000e+00, v6;
	v30 =	vmax.f32 v34, v30  }
0x2e9: {  	v8 =	vmin.f32 v32, v8;
	v6 =	vld [tilespmem:s20+$0x100];
	v21 =	vmax.f32 v35, v21;
	v12 =	vmin.f32 v33, v12  }
0x2ea: {  	v30 =	vsub.f32 v30, v8;
	v12 =	vsub.f32 v21, v12;
	(erf) = vrcp.f32 v27  }
0x2eb: {  	vm2 =	vmand vm1, vm2;
	v8 =	vld [tilespmem:s20+$0x180];
	(erf) = vpow2.f32 v20  }
0x2ec: {  	v13 =	vmul.f32 v13, v14;
	v20 =	vsub.f32 v29, v30;
	v12 =	vsub.f32 v31, v12  }
0x2ed: {  	v14 =	vadd.f32 $-5.000000000e-01, v15;
	v15 =	vadd.f32 $-5.000000000e-01, v22;
	v22 =	vnsel vm2, $0x0, v53;
	v53 =	vmovc v60  }
0x2ee: {  	v13 =	vadd.f32 v13, v28;
	v21 =	vmul.f32 $1.442695020e+00, v6;
	v27 =	vmul.f32 v12, v20  }
0x2ef: {  	v14 =	vmul.f32 v14, v14;
	v15 =	vmul.f32 v15, v15;
	v29 =	vor.u32 s18, v0;
	s18 =	smov.u32 s21  }
0x2f0: {  	v26 =	vmul.f32 v26, v61;
	v30 =	vmul.f32 $1.442695020e+00, v8;
	v31 =	vpop (erf);
	v13 =	vsub.f32 v13, v27  }
0x2f1: {  	v23 =	vmul.f32 v23, v62;
	v38 =	vadd.f32 v15, v14;
	v63 =	vld [tilespmem:s20+$0x200];
	(erf) = vpow2.f32 v21  }
0x2f2: {  	v21 =	vadd.f32 $1.000000000e+00, v31;
	(erf) = vpow2.f32 v30;
	v13 =	vmul.f32 $6.000000240e-01, v13  }
0x2f3: {  	vm3 =	vgt.f32 v20, $0.0e+00;
	vm4 =	vgt.f32 v12, $0.0e+00;
	v12 =	vadd.f32 v38, v23;
	v14 =	vpop (erf)  }
0x2f4: {  	vm3 =	vmand vm3, vm4;
	v15 =	vpop (erf);
	vm4 =	vgt.f32 v27, v13;
	v13 =	vmul.f32 v14, v14  }
0x2f5: {  	v12 =	vadd.f32 v12, v26;
	v14 =	vadd.f32 $1.000000000e+00, v15;
	vm3 =	vmand vm3, vm4  }
0x2f6: {  	s19 =	sadd.s32 $0x80, s19;
	v15 =	vsub.f32 $0.0e+00, v63;
	(erf) = vrcp.f32 v21;
	v13 =	vsel vm3, $0x0, v13  }
0x2f7: {  	s22 =	sand.u32 $0x7C00, s19;
	v20 =	vmul.u32 $0x9D8A, v29;
	s20 =	sand.u32 $0x70, s21;
	(erf) = vrcp.f32 v14;
	v12 =	vadd.f32 v13, v12  }
.Ltmp17:
0x2f8: {  	v23 =	vnsel vm2, $0x0, v62;
	v62 =	vmovc v6;
	s20 =	sor.u32 s20, s22;
	v26 =	vmul.f32 $1.442695020e+00, v15;
	v15 =	vnsel vm2, $0x0, v52;
	v52 =	vmovc v55;
	(pc) =	sbr.rel @p0 .LBB2_36-.Ltmp17, $4  }
0x2f9: {  	v21 =	vshrl.u32 v20, $0x15;
	v20 =	vnsel vm2, $0x0, v61;
	v61 =	vmovc v8;
	v60 =	vld [tilespmem:s20+$0x0];
	v5 =	vadd.f32 v12, v5  }
0x2fa: {  	v12 =	vcvt.s32.f32 v21;
	v21 =	vnsel vm2, $0x0, v54;
	v55 =	vld [tilespmem:s20+$0x80];
	(erf) = vpow2.f32 v26;
	v14 =	vpop (erf)  }
0x2fb: {  	v59 =	vadd.f32 v22, v59;
	v57 =	vadd.f32 v15, v57;
	v54 =	vmov v63;
	v13 =	vpop (erf)  }
0x2fc: {  	v58 =	vadd.f32 v23, v58;
	s21 =	sadd.s32 $0x10, s21;
	v15 =	vcvt.s32.f32 v29;
	v22 =	vmul.f32 $-5.200000000e+01, v12  }
0x2fd: {  	_ =	sdelay $0x3  }
0x2fe: {  	v27 =	vmul.f32 $1.322100040e+00, v14;
	v23 =	vsub.f32 $0.0e+00, v60;
	v26 =	vpop (erf)  }
0x2ff: {  	v31 =	vmul.f32 $1.731449960e+00, v13;
	v14 =	vadd.f32 v22, v15;
	v29 =	vpop (erf)  }
0x300: {  	v63 =	vsub.f32 $0.0e+00, v55;
	v13 =	vmul.f32 $5.000000000e-01, v27;
	v23 =	vmul.f32 $1.442695020e+00, v23;
	v30 =	vpop (erf)  }
0x301: {  	v38 =	vmul.f32 $5.000000000e-01, v31;
	v12 =	vadd.f32 v12, v29;
	v30 =	vadd.f32 $1.000000000e+00, v30  }
0x302: {  	v14 =	vadd.f32 v26, v14;
	v22 =	vmul.f32 $1.442695020e+00, v63;
	(erf) = vpow2.f32 v23  }
0x303: {  	v42 =	vadd.f32 v38, v12;
	v23 =	vsub.f32 v12, v38;
	v12 =	vld [tilespmem:s20+$0x100];
	(erf) = vrcp.f32 v30  }
0x304: {  	v30 =	vadd.f32 v13, v14;
	v14 =	vsub.f32 v14, v13;
	v13 =	vld [tilespmem:s20+$0x180];
	(erf) = vpow2.f32 v22  }
0x305: {  	v26 =	vadd.f32 $-5.000000000e-01, v26  }
0x306: {  	v63 =	vadd.f32 v27, v25;
	v30 =	vmax.f32 v34, v30;
	v14 =	vmin.f32 v32, v14  }
0x307: {  	v27 =	vmul.f32 v31, v27;
	v38 =	vadd.f32 v31, v24;
	v14 =	vsub.f32 v30, v14  }
0x308: {  	v23 =	vmin.f32 v33, v23;
	v22 =	vmax.f32 v35, v42;
	v30 =	vmul.f32 $1.442695020e+00, v12  }
0x309: {  	v22 =	vsub.f32 v22, v23;
	v23 =	vsub.f32 v63, v14;
	v14 =	vld [tilespmem:s20+$0x200];
	v31 =	vmul.f32 $1.442695020e+00, v13  }
0x30a: {  	v29 =	vadd.f32 $-5.000000000e-01, v29  }
0x30b: {  	v6 =	vmul.f32 v6, v62;
	v26 =	vmul.f32 v26, v26;
	v22 =	vsub.f32 v38, v22;
	v42 =	vpop (erf)  }
0x30c: {  	v29 =	vmul.f32 v29, v29;
	(erf) = vpow2.f32 v30;
	v38 =	vadd.f32 $1.000000000e+00, v42;
	v30 =	vpop (erf)  }
0x30d: {  	v27 =	vadd.f32 v27, v28;
	v63 =	vmul.f32 v22, v23;
	(erf) = vpow2.f32 v31;
	v31 =	vpop (erf)  }
0x30e: {  	(erf) = vrcp.f32 v38;
	v38 =	vsub.f32 $0.0e+00, v14;
	v31 =	vadd.f32 $1.000000000e+00, v31  }
0x30f: {  	v26 =	vadd.f32 v29, v26;
	v42 =	vor.u32 s18, v0;
	v27 =	vsub.f32 v27, v63  }
0x310: {  	v29 =	vmul.f32 $1.442695020e+00, v38;
	(erf) = vrcp.f32 v31;
	v31 =	vmul.u32 $0x9D8A, v42  }
0x311: {  	v8 =	vmul.f32 v8, v61;
	v6 =	vadd.f32 v26, v6  }
0x312: {  	v27 =	vmul.f32 $6.000000240e-01, v27;
	(erf) = vpow2.f32 v29;
	v38 =	vshrl.u32 v31, $0x15  }
0x313: {  	vm3 =	vgt.f32 v22, $0.0e+00;
	vm2 =	vgt.f32 v23, $0.0e+00;
	v22 =	vcvt.s32.f32 v38  }
0x314: {  	vm2 =	vmand vm2, vm3;
	vm3 =	vgt.f32 v63, v27;
	v27 =	vmul.f32 v30, v30  }
0x315: {  	v23 =	vcvt.s32.f32 v42;
	vm2 =	vmand vm2, vm3;
	v29 =	vpop (erf);
	v26 =	vmul.f32 $-5.200000000e+01, v22  }
0x316: {  	v8 =	vadd.f32 v6, v8;
	v30 =	vadd.f32 v20, v56;
	v20 =	vsel vm2, $0x0, v27;
	v6 =	vpop (erf)  }
0x317: {  	v29 =	vmul.f32 $1.322100040e+00, v29;
	v27 =	vmul.f32 $1.731449960e+00, v6;
	v6 =	vld [tilespmem:s16+$0x280];
	v26 =	vadd.f32 v26, v23  }
0x318: {  	v20 =	vadd.f32 v20, v8;
	v8 =	vld [tilespmem:s16+$0x300];
	v31 =	vpop (erf)  }
0x319: {  	v21 =	vadd.f32 v21, v7;
	v56 =	vmul.f32 $5.000000000e-01, v29;
	v26 =	vadd.f32 v31, v26;
	v42 =	vpop (erf)  }
0x31a: {  	v5 =	vadd.f32 v20, v5;
	v7 =	vadd.f32 v22, v42  }
0x31b: {  	v22 =	vmul.f32 $5.000000000e-01, v27;
	v63 =	vpop (erf);
	v20 =	vadd.f32 v56, v26;
	v26 =	vsub.f32 v26, v56  }
0x31c: {  	vm2 =	veq.f32 v36, v15;
	v15 =	vadd.f32 $1.000000000e+00, v63;
	v56 =	vsub.f32 $0.0e+00, v6  }
0x31d: {  	v63 =	vsub.f32 $0.0e+00, v8;
	v38 =	vadd.f32 v22, v7  }
0x31e: {  	vm2 =	vmand vm1, vm2;
	v7 =	vsub.f32 v7, v22;
	v22 =	vadd.f32 v29, v25  }
0x31f: {  	s14 =	sand.u32 $0x7, s14;
	v20 =	vmax.f32 v34, v20;
	v26 =	vmin.f32 v32, v26;
	v56 =	vmul.f32 $1.442695020e+00, v56  }
0x320: {  	s14 =	sshll.u32 s14, $0x4;
	(erf) = vrcp.f32 v15;
	v15 =	vmul.f32 $1.442695020e+00, v63;
	v20 =	vsub.f32 v20, v26  }
0x321: {  	s14 =	sadd.s32 $0x0, s14;
	v38 =	vmax.f32 v35, v38;
	v7 =	vmin.f32 v33, v7;
	(erf) = vpow2.f32 v56  }
0x322: {  	s14 =	sor.u32 $0x380, s14;
	v42 =	vadd.f32 $-5.000000000e-01, v42;
	v38 =	vsub.f32 v38, v7;
	v7 =	vld [tilespmem:s16+$0x5800];
	(erf) = vpow2.f32 v15  }
0x323: {  	v15 =	vnsel vm2, $0x0, v52;
	v52 =	vadd.f32 v27, v24;
	v22 =	vsub.f32 v22, v20;
	v20 =	vld [tilespmem:s14+$0x0]  }
0x324: {  	v42 =	vmul.f32 v42, v42;
	v63 =	vnsel vm2, $0x0, v62;
	v26 =	vnsel vm2, $0x0, v53  }
0x325: {  	v27 =	vmul.f32 v27, v29;
	v29 =	vadd.f32 $-5.000000000e-01, v31;
	v38 =	vsub.f32 v52, v38  }
0x326: {  	v58 =	vadd.f32 v63, v58;
	v56 =	vnsel vm2, $0x0, v61;
	v26 =	vadd.f32 v26, v59  }
0x327: {  	v31 =	vnsel vm2, $0x0, v54;
	v29 =	vmul.f32 v29, v29;
	v52 =	vmul.f32 v38, v22  }
0x328: {  	v27 =	vadd.f32 v27, v28;
	v61 =	vmul.f32 $1.442695020e+00, v7;
	v62 =	vmul.f32 $1.442695020e+00, v20  }
0x329: {  	v30 =	vadd.f32 v56, v30;
	v54 =	vadd.f32 v15, v57;
	v15 =	vld [tilespmem:s16+$0x5880];
	vm2 =	vgt.f32 v22, $0.0e+00;
	v53 =	vpop (erf)  }
0x32a: {  	v29 =	vadd.f32 v42, v29;
	v27 =	vsub.f32 v27, v52;
	(erf) = vpow2.f32 v61;
	v63 =	vpop (erf)  }
0x32b: {  	(erf) = vpow2.f32 v62;
	v61 =	vadd.f32 $1.000000000e+00, v63;
	v63 =	vmul.f32 v12, v12  }
0x32c: {  	v42 =	vmul.f32 v13, v13;
	vm3 =	vgt.f32 v38, $0.0e+00;
	v27 =	vmul.f32 $6.000000240e-01, v27;
	v62 =	vpop (erf)  }
0x32d: {  	vm2 =	vmand vm2, vm3;
	v57 =	vadd.f32 $1.000000000e+00, v62;
	v29 =	vadd.f32 v29, v63  }
0x32e: {  	v38 =	vsub.f32 $0.0e+00, v15;
	vm3 =	vgt.f32 v52, v27;
	(erf) = vrcp.f32 v61  }
0x32f: {  	v27 =	vmul.f32 v53, v53;
	v52 =	vld [tilespmem:s15+$0x280];
	(erf) = vrcp.f32 v57;
	v29 =	vadd.f32 v29, v42  }
0x330: {  	v22 =	vmul.f32 $1.442695020e+00, v38;
	v53 =	vld [tilespmem:s15+$0x300];
	vm2 =	vmand vm2, vm3;
	vm3 =	veq.f32 v36, v23  }
0x331: {  	v21 =	vadd.f32 v31, v21;
	v56 =	vsel vm2, $0x0, v27;
	vm1 =	vmand vm1, vm3  }
0x332: {  	(erf) = vpow2.f32 v22;
	v59 =	vnsel vm1, $0x0, v60;
	v57 =	vadd.f32 v56, v29  }
0x333: {  	v27 =	vnsel vm1, $0x0, v55;
	v12 =	vnsel vm1, $0x0, v12;
	v23 =	vadd.f32 v59, v26;
	v29 =	vpop (erf)  }
0x334: {  	v13 =	vnsel vm1, $0x0, v13;
	v26 =	vadd.f32 v27, v54;
	v22 =	vadd.f32 v57, v5;
	v5 =	vpop (erf)  }
0x335: {  	v60 =	vsub.f32 $0.0e+00, v53;
	v27 =	vmul.f32 $3.192749980e+00, v5;
	v5 =	vsub.f32 $0.0e+00, v52  }
0x336: {  	v14 =	vnsel vm1, $0x0, v14;
	v31 =	vadd.f32 v12, v58;
	v12 =	vmul.f32 $4.009439950e+00, v29  }
0x337: {  	v55 =	vadd.f32 v13, v30;
	v13 =	vmul.f32 $1.442695020e+00, v60;
	v29 =	vpop (erf);
	v5 =	vmul.f32 $1.442695020e+00, v5  }
0x338: {  	v59 =	vadd.f32 v12, v24;
	v61 =	vadd.f32 v29, v50;
	v62 =	vmul.f32 $5.000000000e-01, v27;
	v54 =	vpop (erf)  }
0x339: {  	v63 =	vmul.f32 $5.000000000e-01, v12;
	v50 =	vadd.f32 v14, v21;
	v49 =	vadd.f32 v49, v54  }
0x33a: {  	s14 =	simm.s32 $0x1;
	v12 =	vmul.f32 v12, v27;
	v30 =	vadd.f32 v62, v61;
	v60 =	vsub.f32 v61, v62  }
0x33b: {  	s30 =	sand.u32 $0x7, s14;
	(erf) = vpow2.f32 v5;
	v61 =	vadd.f32 v63, v49;
	v49 =	vsub.f32 v49, v63;
	v5 =	vpop (erf)  }
0x33c: {  	s16 =	sshll.u32 s30, $0x4;
	v63 =	vadd.f32 v27, v25;
	v30 =	vmax.f32 v34, v30;
	v62 =	vadd.f32 $1.000000000e+00, v5  }
0x33d: {  	s16 =	sadd.s32 $0x80, s16;
	v38 =	vmin.f32 v32, v60;
	v5 =	vld [tilespmem:s15+$0x5800];
	v42 =	vmax.f32 v35, v61;
	v49 =	vmin.f32 v33, v49  }
0x33e: {  	s16 =	sor.u32 $0x380, s16;
	v30 =	vsub.f32 v30, v38;
	v42 =	vsub.f32 v42, v49;
	(erf) = vrcp.f32 v62  }
0x33f: {  	v27 =	vadd.f32 $-5.000000000e-01, v54;
	v60 =	vadd.f32 $-5.000000000e-01, v29;
	v49 =	vld [tilespmem:s16+$0x0];
	(erf) = vpow2.f32 v13  }
0x340: {  	v13 =	vsub.f32 v63, v30;
	v14 =	vsub.f32 v59, v42  }
0x341: {  	v27 =	vmul.f32 v27, v27;
	v21 =	vmul.f32 v60, v60  }
0x342: {  	v12 =	vadd.f32 v12, v28;
	v29 =	vmul.f32 $1.442695020e+00, v5;
	v30 =	vmul.f32 v14, v13  }
0x343: {  	vm1 =	veq.f32 v47, $1.000000000e+00;
	v21 =	vadd.f32 v27, v21;
	v27 =	vmul.f32 v20, v20  }
0x344: {  	v54 =	vld [tilespmem:s15+$0x5880];
	v62 =	vmul.f32 v7, v7;
	v61 =	vmul.f32 $1.442695020e+00, v49;
	v12 =	vsub.f32 v12, v30  }
0x345: {  	vm2 =	vgt.f32 v13, $0.0e+00;
	v21 =	vadd.f32 v21, v27;
	(erf) = vpow2.f32 v29  }
0x346: {  	vm3 =	vgt.f32 v14, $0.0e+00;
	(erf) = vpow2.f32 v61;
	v29 =	vpop (erf);
	v12 =	vmul.f32 $6.000000240e-01, v12  }
0x347: {  	vm0 =	vmand vm1, vm0;
	vm2 =	vmand vm2, vm3;
	v21 =	vadd.f32 v21, v62;
	v13 =	vpop (erf)  }
0x348: {  	v14 =	vadd.f32 $1.000000000e+00, v29;
	vm3 =	vgt.f32 v30, v12;
	v27 =	vpop (erf);
	v12 =	vmul.f32 v13, v13  }
0x349: {  	vm2 =	vmand vm2, vm3;
	v13 =	vadd.f32 $1.000000000e+00, v27;
	v27 =	vsub.f32 $0.0e+00, v54  }
0x34a: {  	s15 =	simm.s32 $0x100;
	v63 =	vnsel vm0, $0x0, v6;
	(erf) = vrcp.f32 v14;
	v12 =	vsel vm2, $0x0, v12  }
0x34b: {  	s31 =	sand.u32 $0x7C00, s15;
	(erf) = vrcp.f32 v13;
	v13 =	vadd.f32 v12, v21;
	v14 =	vmul.f32 $1.442695020e+00, v27  }
0x34c: {  	s16 =	sor.u32 s17, s31;
	v20 =	vnsel vm0, $0x0, v20;
	v6 =	vnsel vm0, $0x0, v15;
	v59 =	vadd.f32 v63, v23  }
0x34d: {  	v58 =	vadd.f32 v20, v31;
	v60 =	vmovc v5;
	v57 =	vadd.f32 v13, v22;
	v13 =	vcvt.s32.f32 v51;
	v51 =	vld [tilespmem:s16+$0x280]  }
0x34e: {  	v56 =	vld [tilespmem:s16+$0x300];
	v27 =	vnsel vm0, $0x0, v8;
	v12 =	vnsel vm0, $0x0, v7;
	v7 =	vpop (erf);
	(erf) = vpow2.f32 v14  }
0x34f: {  	s17 =	simm.s32 $0x30;
	v8 =	vcvt.s32.f32 v48;
	v48 =	vadd.f32 v27, v26;
	v14 =	vpop (erf);
	v15 =	vmul.f32 $-5.200000000e+01, v13  }
.LBB2_38:
0x350: {  	v20 =	vmov v5  }
0x351: {  	p0 =	sne.s32 s17, $0xA80;
	v55 =	vadd.f32 v12, v55;
	v50 =	vadd.f32 v6, v50  }
0x352: {  	v12 =	vmul.f32 $3.192749980e+00, v14;
	v5 =	vsub.f32 $0.0e+00, v51;
	v6 =	vadd.f32 v15, v8  }
0x353: {  	v7 =	vmul.f32 $4.009439950e+00, v7;
	vm0 =	veq.f32 v36, v8;
	v14 =	vsub.f32 $0.0e+00, v56;
	v8 =	vpop (erf)  }
0x354: {  	v15 =	vmul.f32 $5.000000000e-01, v12;
	v27 =	vmul.f32 $1.442695020e+00, v5;
	v6 =	vadd.f32 v8, v6;
	v21 =	vpop (erf)  }
0x355: {  	v22 =	vmul.f32 $5.000000000e-01, v7;
	v23 =	vadd.f32 v7, v24;
	v13 =	vadd.f32 v13, v21  }
0x356: {  	s14 =	sadd.s32 $0x1, s14;
	v14 =	vmul.f32 $1.442695020e+00, v14;
	v26 =	vadd.f32 v15, v6;
	v6 =	vsub.f32 v6, v15  }
0x357: {  	s18 =	sand.u32 $0x7, s14;
	(erf) = vpow2.f32 v27;
	v15 =	vadd.f32 v22, v13;
	v13 =	vsub.f32 v13, v22;
	v5 =	vpop (erf)  }
0x358: {  	s18 =	sshll.u32 s18, $0x4;
	v27 =	vadd.f32 v12, v25;
	v22 =	vadd.f32 $1.000000000e+00, v5;
	v26 =	vmax.f32 v34, v26  }
0x359: {  	s18 =	sadd.s32 s18, s15;
	v6 =	vmin.f32 v32, v6;
	v5 =	vld [tilespmem:s16+$0x5800];
	v15 =	vmax.f32 v35, v15;
	v13 =	vmin.f32 v33, v13  }
0x35a: {  	s18 =	sor.u32 $0x380, s18;
	v6 =	vsub.f32 v26, v6;
	v13 =	vsub.f32 v15, v13;
	(erf) = vrcp.f32 v22  }
0x35b: {  	vm0 =	vmand vm1, vm0;
	v15 =	vld [tilespmem:s18+$0x0];
	(erf) = vpow2.f32 v14  }
0x35c: {  	v7 =	vmul.f32 v7, v12;
	v6 =	vsub.f32 v27, v6;
	v13 =	vsub.f32 v23, v13  }
0x35d: {  	v8 =	vadd.f32 $-5.000000000e-01, v8;
	v12 =	vadd.f32 $-5.000000000e-01, v21;
	v21 =	vnsel vm0, $0x0, v49  }
0x35e: {  	v7 =	vadd.f32 v7, v28;
	v14 =	vmul.f32 $1.442695020e+00, v5;
	v22 =	vmul.f32 v13, v6  }
0x35f: {  	v8 =	vmul.f32 v8, v8;
	v12 =	vmul.f32 v12, v12;
	v23 =	vor.u32 s13, v0;
	s13 =	smov.u32 s17  }
0x360: {  	v20 =	vmul.f32 v20, v60;
	v26 =	vmul.f32 $1.442695020e+00, v15;
	v27 =	vpop (erf);
	v7 =	vsub.f32 v7, v22  }
0x361: {  	v31 =	vmul.f32 v49, v49;
	v30 =	vadd.f32 v12, v8;
	v49 =	vmovc v15;
	v29 =	vld [tilespmem:s16+$0x5880];
	(erf) = vpow2.f32 v14  }
0x362: {  	v14 =	vadd.f32 $1.000000000e+00, v27;
	(erf) = vpow2.f32 v26;
	v7 =	vmul.f32 $6.000000240e-01, v7  }
0x363: {  	vm2 =	vgt.f32 v6, $0.0e+00;
	vm3 =	vgt.f32 v13, $0.0e+00;
	v6 =	vadd.f32 v30, v31;
	v8 =	vpop (erf)  }
0x364: {  	vm2 =	vmand vm2, vm3;
	v12 =	vpop (erf);
	vm3 =	vgt.f32 v22, v7;
	v7 =	vmul.f32 v8, v8  }
0x365: {  	v6 =	vadd.f32 v6, v20;
	v8 =	vadd.f32 $1.000000000e+00, v12;
	vm2 =	vmand vm2, vm3  }
0x366: {  	s15 =	sadd.s32 $0x80, s15;
	v12 =	vsub.f32 $0.0e+00, v29;
	(erf) = vrcp.f32 v14;
	v7 =	vsel vm2, $0x0, v7  }
0x367: {  	s18 =	sand.u32 $0x7C00, s15;
	v13 =	vmul.u32 $0x9D8A, v23;
	s16 =	sand.u32 $0x70, s17;
	(erf) = vrcp.f32 v8;
	v6 =	vadd.f32 v7, v6  }
.Ltmp18:
0x368: {  	v20 =	vnsel vm0, $0x0, v53;
	v53 =	vmovc v56;
	s16 =	sor.u32 s16, s18;
	v8 =	vnsel vm0, $0x0, v52;
	v52 =	vmovc v51;
	v15 =	vmul.f32 $1.442695020e+00, v12;
	(pc) =	sbr.rel @p0 .LBB2_38-.Ltmp18, $4  }
0x369: {  	v13 =	vshrl.u32 v13, $0x15;
	v12 =	vnsel vm0, $0x0, v60;
	v60 =	vmovc v5;
	v51 =	vld [tilespmem:s16+$0x280];
	v57 =	vadd.f32 v6, v57  }
0x36a: {  	v13 =	vcvt.s32.f32 v13;
	v6 =	vnsel vm0, $0x0, v54;
	v56 =	vld [tilespmem:s16+$0x300];
	(erf) = vpow2.f32 v15;
	v7 =	vpop (erf)  }
0x36b: {  	v58 =	vadd.f32 v21, v58;
	v59 =	vadd.f32 v8, v59;
	v54 =	vmov v29;
	v14 =	vpop (erf)  }
0x36c: {  	s17 =	sadd.s32 $0x10, s17;
	v48 =	vadd.f32 v20, v48;
	v8 =	vcvt.s32.f32 v23;
	v15 =	vmul.f32 $-5.200000000e+01, v13  }
0x36d: {  	_ =	sdelay $0x3  }
0x36e: {  	v20 =	vsub.f32 $0.0e+00, v51;
	v21 =	vpop (erf)  }
0x36f: {  	s14 =	sadd.s32 $0x1, s14;
	v14 =	vmul.f32 $3.192749980e+00, v14;
	v22 =	vpop (erf)  }
0x370: {  	s14 =	sand.u32 $0x7, s14;
	v15 =	vadd.f32 v15, v8;
	v23 =	vsub.f32 $0.0e+00, v56;
	v20 =	vmul.f32 $1.442695020e+00, v20;
	v26 =	vpop (erf)  }
0x371: {  	s14 =	sshll.u32 s14, $0x4;
	v61 =	vmul.f32 $5.000000000e-01, v14;
	v26 =	vadd.f32 $1.000000000e+00, v26  }
0x372: {  	s14 =	sadd.s32 s14, s15;
	v15 =	vadd.f32 v21, v15;
	v23 =	vmul.f32 $1.442695020e+00, v23;
	(erf) = vpow2.f32 v20  }
0x373: {  	s14 =	sor.u32 $0x380, s14;
	v20 =	vmul.f32 $4.009439950e+00, v7;
	v7 =	vld [tilespmem:s16+$0x5800];
	(erf) = vrcp.f32 v26  }
0x374: {  	v27 =	vld [tilespmem:s14+$0x0];
	v29 =	vadd.f32 v61, v15;
	v15 =	vsub.f32 v15, v61;
	(erf) = vpow2.f32 v23  }
0x375: {  	v13 =	vadd.f32 v13, v22;
	v26 =	vmul.f32 $5.000000000e-01, v20  }
0x376: {  	v15 =	vmin.f32 v32, v15  }
0x377: {  	v62 =	vadd.f32 v26, v13;
	v13 =	vsub.f32 v13, v26;
	v26 =	vmax.f32 v34, v29  }
0x378: {  	v29 =	vmul.f32 $1.442695020e+00, v7;
	v15 =	vsub.f32 v26, v15  }
0x379: {  	v31 =	vld [tilespmem:s16+$0x5880];
	v26 =	vmul.f32 $1.442695020e+00, v27;
	v23 =	vmax.f32 v35, v62;
	v13 =	vmin.f32 v33, v13  }
0x37a: {  	(erf) = vpow2.f32 v29;
	v29 =	vadd.f32 v20, v24;
	v13 =	vsub.f32 v23, v13  }
0x37b: {  	v30 =	vpop (erf)  }
0x37c: {  	v30 =	vadd.f32 $1.000000000e+00, v30;
	v13 =	vsub.f32 v29, v13;
	v29 =	vor.u32 s13, v0;
	v23 =	vpop (erf)  }
0x37d: {  	(erf) = vpow2.f32 v26;
	v63 =	vmul.u32 $0x9D8A, v29;
	v26 =	vpop (erf)  }
0x37e: {  	(erf) = vrcp.f32 v30;
	v30 =	vsub.f32 $0.0e+00, v31;
	v26 =	vadd.f32 $1.000000000e+00, v26  }
0x37f: {  	v12 =	vadd.f32 v12, v55;
	v5 =	vmul.f32 v5, v60;
	v38 =	vadd.f32 v14, v25  }
0x380: {  	(erf) = vrcp.f32 v26;
	v26 =	vmul.f32 $1.442695020e+00, v30;
	v30 =	vshrl.u32 v63, $0x15  }
0x381: {  	v6 =	vadd.f32 v6, v50;
	vm9 =	veq.f32 v36, v8;
	v30 =	vcvt.s32.f32 v30  }
0x382: {  	v42 =	vadd.f32 $-5.000000000e-01, v22;
	v14 =	vmul.f32 v20, v14;
	v15 =	vsub.f32 v38, v15  }
0x383: {  	v20 =	vadd.f32 $-5.000000000e-01, v21;
	v29 =	vcvt.s32.f32 v29;
	v61 =	vmul.f32 $-5.200000000e+01, v30  }
0x384: {  	v14 =	vadd.f32 v14, v28;
	v21 =	vmul.f32 v42, v42;
	v22 =	vmul.f32 v13, v15  }
0x385: {  	v20 =	vmul.f32 v20, v20;
	(erf) = vpow2.f32 v26;
	v26 =	vpop (erf);
	v38 =	vadd.f32 v61, v29  }
0x386: {  	vm10 =	vmand vm1, vm9;
	v62 =	vmul.f32 v49, v49;
	v14 =	vsub.f32 v14, v22;
	v42 =	vpop (erf)  }
0x387: {  	vm0 =	vgt.f32 v15, $0.0e+00;
	v20 =	vadd.f32 v21, v20;
	v42 =	vmul.f32 $3.192749980e+00, v42  }
0x388: {  	vm2 =	vgt.f32 v13, $0.0e+00;
	v14 =	vmul.f32 $6.000000240e-01, v14;
	v13 =	vmul.f32 $4.009439950e+00, v26;
	v15 =	vpop (erf)  }
0x389: {  	v20 =	vadd.f32 v20, v62;
	v63 =	vadd.f32 v15, v38;
	v26 =	vmul.f32 $5.000000000e-01, v42;
	v38 =	vpop (erf)  }
0x38a: {  	vm3 =	vgt.f32 v22, v14;
	v55 =	vmul.f32 $5.000000000e-01, v13;
	v14 =	vadd.f32 v30, v38  }
0x38b: {  	v50 =	vnsel vm10, $0x0, v49;
	v30 =	vadd.f32 v26, v63;
	v21 =	vsub.f32 v63, v26  }
0x38c: {  	vm14 =	veq.f32 v36, v29;
	v5 =	vadd.f32 v20, v5;
	v8 =	vadd.f32 v55, v14  }
0x38d: {  	v14 =	vsub.f32 v14, v55;
	v20 =	vmax.f32 v34, v30;
	v21 =	vmin.f32 v32, v21  }
0x38e: {  	vm0 =	vmand vm0, vm2;
	vm15 =	vmand vm1, vm14;
	v62 =	vpop (erf);
	v20 =	vsub.f32 v20, v21  }
0x38f: {  	v21 =	vadd.f32 $1.000000000e+00, v62;
	v8 =	vmax.f32 v35, v8;
	v14 =	vmin.f32 v33, v14  }
0x390: {  	v61 =	vmul.f32 v23, v23;
	v8 =	vsub.f32 v8, v14;
	v14 =	vadd.f32 v13, v24  }
0x391: {  	v15 =	vadd.f32 $-5.000000000e-01, v15;
	v63 =	vadd.f32 v42, v25;
	(erf) = vrcp.f32 v21  }
0x392: {  	v8 =	vsub.f32 v14, v8;
	v14 =	vnsel vm10, $0x0, v52;
	v52 =	vadd.f32 $-5.000000000e-01, v38  }
0x393: {  	vm0 =	vmand vm0, vm3;
	v20 =	vsub.f32 v63, v20;
	v13 =	vmul.f32 v13, v42  }
0x394: {  	v22 =	vsel vm0, $0x0, v61;
	v15 =	vmul.f32 v15, v15;
	v21 =	vmul.f32 v52, v52  }
0x395: {  	v5 =	vadd.f32 v22, v5;
	v13 =	vadd.f32 v13, v28;
	v26 =	vmul.f32 v8, v20  }
0x396: {  	v23 =	vadd.f32 v50, v58;
	v61 =	vmul.f32 v27, v27;
	v15 =	vadd.f32 v21, v15  }
0x397: {  	v5 =	vadd.f32 v5, v57;
	v55 =	vnsel vm10, $0x0, v53;
	v13 =	vsub.f32 v13, v26  }
0x398: {  	v30 =	vnsel vm10, $0x0, v60;
	v60 =	vnsel vm10, $0x0, v54;
	v62 =	vmul.f32 v7, v7  }
0x399: {  	v12 =	vadd.f32 v30, v12;
	v6 =	vadd.f32 v60, v6;
	v13 =	vmul.f32 $6.000000240e-01, v13  }
0x39a: {  	vm11 =	vgt.f32 v20, $0.0e+00;
	vm12 =	vgt.f32 v8, $0.0e+00;
	v8 =	vadd.f32 v15, v61;
	v15 =	vpop (erf)  }
0x39b: {  	vm0 =	vmand vm11, vm12;
	vm13 =	vgt.f32 v26, v13;
	v13 =	vmul.f32 v15, v15  }
0x39c: {  	p1 =	por $0x1, $0x1;
	v7 =	vnsel vm15, $0x0, v7;
	v8 =	vadd.f32 v8, v62;
	vm0 =	vmand vm0, vm13  }
.Ltmp19:
0x39d: {  	s13 =	simm.s32 $0x0;
	v63 =	vnsel vm15, $0x0, v56;
	v14 =	vadd.f32 v14, v59;
	v13 =	vsel vm0, $0x0, v13;
	(pc) =	sbr.rel @!p1 .LBB2_40-.Ltmp19, $4  }
0x39e: {  	s30 =	sand.u32 $0x70, s13;
	s31 =	sand.u32 $0x7C00, s13;
	v7 =	vadd.f32 v7, v12;
	v20 =	vnsel vm15, $0x0, v51;
	v8 =	vadd.f32 v13, v8  }
0x39f: {  	s14 =	sor.u32 s30, s31;
	v51 =	vadd.f32 v20, v14;
	v15 =	vadd.f32 v55, v48;
	v13 =	vnsel vm15, $0x0, v27  }
0x3a0: {  	v50 =	vadd.f32 v13, v23;
	v13 =	vld [tilespmem:s14+$0x5900];
	v52 =	vadd.f32 v8, v5;
	v5 =	vnsel vm15, $0x0, v31  }
0x3a1: {  	p2 =	por $0x0, $0x0;
	p0 =	por $0x0, $0x0;
	[tilespmem:$0x1FEC0] =	vst v43;
	s15 =	simm.s32 $0x10;
	v53 =	vadd.f32 v63, v15;
	v8 =	vld [tilespmem:s14+$0x5980];
	v49 =	vadd.f32 v5, v6  }
0x3a2: {  	_ =	sdelay $0x2  }
0x3a3: {  	v5 =	vsub.f32 $0.0e+00, v13  }
0x3a4: {  	v12 =	vsub.f32 $0.0e+00, v8  }
0x3a5: {  	v6 =	vld [tilespmem:s14+$0x5A00];
	v5 =	vmul.f32 $1.442695020e+00, v5  }
0x3a6: {  	v14 =	vld [tilespmem:s14+$0x5A80];
	v12 =	vmul.f32 $1.442695020e+00, v12  }
0x3a7: {  	(erf) = vpow2.f32 v5  }
0x3a8: {  	(erf) = vpow2.f32 v12;
	_ =	sdelay $0x1  }
0x3a9: {  	v5 =	vmul.f32 $1.442695020e+00, v6  }
0x3aa: {  	v12 =	vmul.f32 $1.442695020e+00, v14  }
0x3ab: {  	v63 =	vld [tilespmem:s14+$0x5B00];
	(erf) = vpow2.f32 v5  }
0x3ac: {  	(erf) = vpow2.f32 v12;
	_ =	sdelay $0x2  }
0x3ad: {  	v5 =	vor.u32 s13, v0;
	v12 =	vpop (erf)  }
0x3ae: {  	p3 =	por $0x1, $0x1;
	v20 =	vsub.f32 $0.0e+00, v63;
	v21 =	vmul.u32 $0x9D8A, v5;
	v12 =	vadd.f32 $1.000000000e+00, v12;
	v15 =	vpop (erf)  }
.Ltmp20:
0x3af: {  	s16 =	simm.s32 $0x80;
	v15 =	vadd.f32 $1.000000000e+00, v15;
	(pc) =	sbr.rel @!p3 .LBB2_42-.Ltmp20, $4  }
0x3b0: {  	s17 =	sand.u32 $0x70, s15;
	s16 =	sand.u32 $0x7C00, s16;
	(erf) = vrcp.f32 v12;
	v12 =	vmul.f32 $1.442695020e+00, v20;
	v20 =	vshrl.u32 v21, $0x15  }
0x3b1: {  	s17 =	sor.u32 s17, s16;
	v27 =	vcvt.s32.f32 v20  }
0x3b2: {  	v62 =	vld [tilespmem:s17+$0x5900];
	v29 =	vpop (erf);
	(erf) = vrcp.f32 v15;
	v20 =	vcvt.s32.f32 v5  }
0x3b3: {  	p2 =	por $0x1, $0x1;
	s16 =	simm.s32 $0x20;
	v61 =	vld [tilespmem:s17+$0x5980];
	v30 =	vpop (erf);
	(erf) = vpow2.f32 v12;
	v31 =	vmul.f32 $-5.200000000e+01, v27  }
0x3b4: {  	_ =	sdelay $0x2  }
0x3b5: {  	v15 =	vmul.f32 $5.055870060e+00, v29  }
0x3b6: {  	vm0 =	veq.f32 v47, $2.000000000e+00;
	vm1 =	veq.f32 v36, v20;
	v12 =	vadd.f32 v31, v20  }
0x3b7: {  	v22 =	vmul.f32 $8.098919860e+00, v30;
	v60 =	vmul.f32 v14, v14;
	vm1 =	vmand vm0, vm1;
	v23 =	vpop (erf)  }
0x3b8: {  	v26 =	vmul.f32 $5.000000000e-01, v15;
	v5 =	vsub.f32 $0.0e+00, v62;
	v12 =	vadd.f32 v23, v12  }
0x3b9: {  	v30 =	vmul.f32 $5.000000000e-01, v22;
	v31 =	vadd.f32 v15, v25;
	v42 =	vadd.f32 v22, v24;
	v29 =	vpop (erf)  }
0x3ba: {  	v21 =	vsub.f32 $0.0e+00, v61;
	v5 =	vmul.f32 $1.442695020e+00, v5;
	v27 =	vadd.f32 v27, v29  }
0x3bb: {  	v15 =	vmul.f32 v22, v15;
	v38 =	vadd.f32 v26, v12;
	v26 =	vsub.f32 v12, v26  }
0x3bc: {  	(erf) = vpow2.f32 v5;
	v5 =	vadd.f32 v30, v27;
	v27 =	vsub.f32 v27, v30;
	v12 =	vpop (erf)  }
0x3bd: {  	v21 =	vmul.f32 $1.442695020e+00, v21;
	v38 =	vmax.f32 v34, v38;
	v30 =	vadd.f32 $1.000000000e+00, v12  }
0x3be: {  	v26 =	vmin.f32 v32, v26;
	v5 =	vmax.f32 v35, v5;
	v27 =	vmin.f32 v33, v27  }
0x3bf: {  	v12 =	vld [tilespmem:s17+$0x5A00];
	v26 =	vsub.f32 v38, v26;
	v27 =	vsub.f32 v5, v27;
	(erf) = vrcp.f32 v30  }
0x3c0: {  	v22 =	vadd.f32 $-5.000000000e-01, v23;
	v23 =	vadd.f32 $-5.000000000e-01, v29;
	v5 =	vld [tilespmem:s17+$0x5A80];
	(erf) = vpow2.f32 v21  }
0x3c1: {  	v13 =	vnsel vm1, $0x0, v13;
	v20 =	vsub.f32 v31, v26;
	v21 =	vsub.f32 v42, v27  }
0x3c2: {  	v8 =	vnsel vm1, $0x0, v8;
	v22 =	vmul.f32 v22, v22;
	v23 =	vmul.f32 v23, v23  }
0x3c3: {  	v56 =	vadd.f32 v8, v53;
	v15 =	vadd.f32 v15, v28;
	v27 =	vmul.f32 v21, v20  }
0x3c4: {  	v22 =	vadd.f32 v23, v22;
	v23 =	vmul.f32 v6, v6;
	v26 =	vmul.f32 $1.442695020e+00, v12  }
0x3c5: {  	v6 =	vnsel vm1, $0x0, v6;
	v29 =	vmul.f32 $1.442695020e+00, v5;
	v30 =	vsub.f32 v15, v27;
	v15 =	vld [tilespmem:s17+$0x5B00]  }
0x3c6: {  	vm2 =	vgt.f32 v20, $0.0e+00;
	vm3 =	vgt.f32 v21, $0.0e+00;
	(erf) = vpow2.f32 v26  }
0x3c7: {  	v59 =	vpop (erf);
	v21 =	vadd.f32 v22, v23;
	(erf) = vpow2.f32 v29;
	v30 =	vmul.f32 $6.000000240e-01, v30  }
0x3c8: {  	v31 =	vor.u32 s15, v0;
	v26 =	vadd.f32 $1.000000000e+00, v59;
	vm2 =	vmand vm2, vm3;
	v20 =	vpop (erf)  }
0x3c9: {  	v21 =	vadd.f32 v21, v60;
	v22 =	vpop (erf);
	vm3 =	vgt.f32 v27, v30;
	v20 =	vmul.f32 v20, v20  }
0x3ca: {  	v22 =	vadd.f32 $1.000000000e+00, v22;
	vm2 =	vmand vm2, vm3;
	v23 =	vsub.f32 $0.0e+00, v15  }
0x3cb: {  	s18 =	simm.s32 $0x100;
	p4 =	por $0x1, $0x1;
	(erf) = vrcp.f32 v26;
	v26 =	vmul.u32 $0x9D8A, v31;
	v20 =	vsel vm2, $0x0, v20  }
.Ltmp21:
0x3cc: {  	s31 =	sand.u32 $0x70, s16;
	s19 =	sand.u32 $0x7C00, s18;
	(erf) = vrcp.f32 v22;
	v20 =	vadd.f32 v20, v21;
	v21 =	vmul.f32 $1.442695020e+00, v23;
	(pc) =	sbr.rel @!p4 .LBB2_44-.Ltmp21, $4  }
0x3cd: {  	v57 =	vadd.f32 v6, v50;
	s17 =	sor.u32 s31, s19;
	v60 =	vadd.f32 v13, v51;
	v22 =	vshrl.u32 v26, $0x15  }
0x3ce: {  	v48 =	vmovc v7;
	v59 =	vmovc v49;
	v55 =	vld [tilespmem:s17+$0x5900];
	v26 =	vnsel vm1, $0x0, v14;
	v23 =	vnsel vm1, $0x0, v63;
	v27 =	vcvt.s32.f32 v22  }
0x3cf: {  	v54 =	vld [tilespmem:s17+$0x5980];
	v29 =	vpop (erf);
	v58 =	vadd.f32 v20, v52;
	(erf) = vpow2.f32 v21;
	v20 =	vcvt.s32.f32 v31  }
0x3d0: {  	p3 =	por $0x1, $0x1;
	s19 =	simm.s32 $0x30;
	v30 =	vpop (erf);
	v31 =	vmul.f32 $-5.200000000e+01, v27;
	v22 =	vmov v5;
	v21 =	vmov v12  }
.LBB2_45:
0x3d1: {  	v6 =	vmov v21;
	v8 =	vmov v22  }
0x3d2: {  	p4 =	sne.s32 s19, $0xA80;
	v48 =	vadd.f32 v26, v48;
	v59 =	vadd.f32 v23, v59  }
0x3d3: {  	v23 =	vmul.f32 $5.055870060e+00, v29;
	v13 =	vsub.f32 $0.0e+00, v55;
	v14 =	vadd.f32 v31, v20  }
0x3d4: {  	v26 =	vmul.f32 $8.098919860e+00, v30;
	vm1 =	veq.f32 v36, v20;
	v21 =	vsub.f32 $0.0e+00, v54;
	v20 =	vpop (erf)  }
0x3d5: {  	v22 =	vmul.f32 $5.000000000e-01, v23;
	v13 =	vmul.f32 $1.442695020e+00, v13;
	v14 =	vadd.f32 v20, v14;
	v29 =	vpop (erf)  }
0x3d6: {  	v30 =	vmul.f32 $5.000000000e-01, v26;
	v31 =	vadd.f32 v23, v25;
	v42 =	vadd.f32 v27, v29  }
0x3d7: {  	v38 =	vmul.f32 $1.442695020e+00, v21;
	v21 =	vadd.f32 v22, v14;
	v14 =	vsub.f32 v14, v22  }
0x3d8: {  	(erf) = vpow2.f32 v13;
	v13 =	vadd.f32 v30, v42;
	v22 =	vsub.f32 v42, v30;
	v27 =	vpop (erf)  }
0x3d9: {  	v42 =	vadd.f32 v26, v24;
	v27 =	vadd.f32 $1.000000000e+00, v27;
	v30 =	vmax.f32 v34, v21  }
0x3da: {  	v14 =	vmin.f32 v32, v14;
	v21 =	vld [tilespmem:s17+$0x5A00];
	v13 =	vmax.f32 v35, v13;
	v22 =	vmin.f32 v33, v22  }
0x3db: {  	v14 =	vsub.f32 v30, v14;
	v13 =	vsub.f32 v13, v22;
	(erf) = vrcp.f32 v27  }
0x3dc: {  	vm1 =	vmand vm0, vm1;
	v22 =	vld [tilespmem:s17+$0x5A80];
	(erf) = vpow2.f32 v38  }
0x3dd: {  	v23 =	vmul.f32 v26, v23;
	v14 =	vsub.f32 v31, v14;
	v13 =	vsub.f32 v42, v13  }
0x3de: {  	v20 =	vadd.f32 $-5.000000000e-01, v20;
	v26 =	vadd.f32 $-5.000000000e-01, v29;
	v31 =	vnsel vm1, $0x0, v62;
	v62 =	vmovc v55  }
0x3df: {  	v23 =	vadd.f32 v23, v28;
	v27 =	vmul.f32 $1.442695020e+00, v21;
	v29 =	vmul.f32 v13, v14  }
0x3e0: {  	v20 =	vmul.f32 v20, v20;
	v26 =	vmul.f32 v26, v26;
	v38 =	vor.u32 s16, v0;
	s16 =	smov.u32 s19  }
0x3e1: {  	v8 =	vmul.f32 v8, v5;
	v30 =	vmul.f32 $1.442695020e+00, v22;
	v42 =	vpop (erf);
	v23 =	vsub.f32 v23, v29  }
0x3e2: {  	v6 =	vmul.f32 v6, v12;
	v20 =	vadd.f32 v26, v20;
	v63 =	vld [tilespmem:s17+$0x5B00];
	(erf) = vpow2.f32 v27  }
0x3e3: {  	v26 =	vadd.f32 $1.000000000e+00, v42;
	(erf) = vpow2.f32 v30;
	v23 =	vmul.f32 $6.000000240e-01, v23  }
0x3e4: {  	vm2 =	vgt.f32 v14, $0.0e+00;
	v6 =	vadd.f32 v20, v6;
	vm3 =	vgt.f32 v13, $0.0e+00;
	v13 =	vpop (erf)  }
0x3e5: {  	vm2 =	vmand vm2, vm3;
	v14 =	vpop (erf);
	vm3 =	vgt.f32 v29, v23;
	v13 =	vmul.f32 v13, v13  }
0x3e6: {  	v6 =	vadd.f32 v6, v8;
	v14 =	vadd.f32 $1.000000000e+00, v14;
	vm2 =	vmand vm2, vm3  }
0x3e7: {  	s18 =	sadd.s32 $0x80, s18;
	v8 =	vsub.f32 $0.0e+00, v63;
	(erf) = vrcp.f32 v26;
	v13 =	vsel vm2, $0x0, v13  }
0x3e8: {  	s20 =	sand.u32 $0x7C00, s18;
	v20 =	vmul.u32 $0x9D8A, v38;
	s17 =	sand.u32 $0x70, s19;
	(erf) = vrcp.f32 v14;
	v6 =	vadd.f32 v13, v6  }
.Ltmp22:
0x3e9: {  	s17 =	sor.u32 s17, s20;
	v13 =	vnsel vm1, $0x0, v61;
	v14 =	vnsel vm1, $0x0, v12;
	v12 =	vmovc v21;
	v61 =	vmovc v54;
	v8 =	vmul.f32 $1.442695020e+00, v8;
	(pc) =	sbr.rel @p4 .LBB2_45-.Ltmp22, $4  }
0x3ea: {  	v20 =	vshrl.u32 v20, $0x15;
	v26 =	vnsel vm1, $0x0, v5;
	v5 =	vmovc v22;
	v55 =	vld [tilespmem:s17+$0x5900];
	v58 =	vadd.f32 v6, v58  }
0x3eb: {  	v27 =	vcvt.s32.f32 v20;
	v23 =	vnsel vm1, $0x0, v15;
	v54 =	vld [tilespmem:s17+$0x5980];
	(erf) = vpow2.f32 v8;
	v29 =	vpop (erf)  }
0x3ec: {  	v60 =	vadd.f32 v31, v60;
	v15 =	vmov v63;
	v56 =	vadd.f32 v13, v56;
	v30 =	vpop (erf)  }
0x3ed: {  	s19 =	sadd.s32 $0x10, s19;
	v20 =	vcvt.s32.f32 v38;
	v31 =	vmul.f32 $-5.200000000e+01, v27;
	v57 =	vadd.f32 v14, v57  }
0x3ee: {  	v13 =	vmovc v62;
	v14 =	vmovc v5;
	v6 =	vmov v12;
	v8 =	vmov v61;
	v63 =	vmov v15  }
.LBB2_47:
0x3ef: {  	v5 =	vadd.f32 @p2 v31, v20;
	v15 =	vmul.f32 @p2 $5.055870060e+00, v29  }
0x3f0: {  	v12 =	vsub.f32 $0.0e+00, v55;
	v30 =	vmul.f32 @p2 $8.098919860e+00, v30;
	v29 =	vpop @p2 (erf)  }
0x3f1: {  	v5 =	vadd.f32 @p2 v29, v5;
	v31 =	vmul.f32 @p2 $5.000000000e-01, v15;
	v38 =	vpop @p2 (erf)  }
0x3f2: {  	v12 =	vmul.f32 $1.442695020e+00, v12;
	v62 =	vmul.f32 @p2 $5.000000000e-01, v30;
	v27 =	vadd.f32 @p2 v27, v38  }
0x3f3: {  	v42 =	vsub.f32 $0.0e+00, v54;
	v43 =	vadd.f32 @p2 v31, v5  }
0x3f4: {  	v31 =	vsub.f32 @p2 v5, v31;
	v61 =	vpop @p2 (erf);
	(erf) = vpow2.f32 v12;
	v12 =	vadd.f32 @p2 v62, v27  }
0x3f5: {  	v27 =	vsub.f32 @p2 v27, v62;
	v61 =	vadd.f32 @p2 $1.000000000e+00, v61  }
0x3f6: {  	vm0 =	veq.f32 @p2 v47, $2.000000000e+00;
	v42 =	vmul.f32 $1.442695020e+00, v42;
	v5 =	vld [tilespmem:s17+$0x5A00];
	v43 =	vmax.f32 @p2 v34, v43  }
0x3f7: {  	v31 =	vmin.f32 @p2 v32, v31;
	v27 =	vmin.f32 @p2 v33, v27;
	(erf) = vrcp.f32 @p2 v61  }
0x3f8: {  	v31 =	vsub.f32 @p2 v43, v31;
	(erf) = vpow2.f32 v42;
	v42 =	vmax.f32 @p2 v35, v12  }
0x3f9: {  	v22 =	vmul.f32 @p2 v22, v14;
	v43 =	vadd.f32 @p2 v15, v25;
	v27 =	vsub.f32 @p2 v42, v27  }
0x3fa: {  	v15 =	vmul.f32 @p2 v30, v15;
	v42 =	vadd.f32 @p2 v30, v24;
	v30 =	vadd.f32 @p2 $-5.000000000e-01, v38  }
0x3fb: {  	v26 =	vadd.f32 @p3 v26, v48;
	v21 =	vmul.f32 @p2 v21, v6;
	v12 =	vld [tilespmem:s17+$0x5A80];
	v62 =	vmul.f32 $1.442695020e+00, v5  }
0x3fc: {  	v29 =	vadd.f32 @p2 $-5.000000000e-01, v29;
	v31 =	vsub.f32 @p2 v43, v31;
	v43 =	vld [tilespmem:s17+$0x5B00];
	v30 =	vmul.f32 @p2 v30, v30  }
0x3fd: {  	v23 =	vadd.f32 @p3 v23, v59;
	vm13 =	veq.f32 v47, $2.000000000e+00;
	v27 =	vsub.f32 @p2 v42, v27  }
0x3fe: {  	v26 =	vpsel p3, v26, v7;
	v29 =	vmul.f32 @p2 v29, v29;
	v15 =	vadd.f32 @p2 v15, v28  }
0x3ff: {  	(erf) = vpow2.f32 v62;
	vm1 =	vgt.f32 @p2 v31, $0.0e+00;
	v48 =	vmul.f32 @p2 v27, v31;
	v62 =	vpop (erf)  }
0x400: {  	v61 =	vmul.f32 $1.442695020e+00, v12;
	v29 =	vadd.f32 @p2 v30, v29;
	v38 =	vadd.f32 $1.000000000e+00, v62;
	v30 =	vpop @p2 (erf)  }
0x401: {  	vm2 =	vgt.f32 @p2 v27, $0.0e+00;
	v62 =	vsub.f32 $0.0e+00, v43;
	v15 =	vsub.f32 @p2 v15, v48;
	v31 =	vpop (erf)  }
0x402: {  	vm1 =	vmand @p2 vm1, vm2;
	(erf) = vpow2.f32 v61;
	v31 =	vadd.f32 $1.000000000e+00, v31  }
0x403: {  	v61 =	vor.u32 s16, v0;
	(erf) = vrcp.f32 v38;
	v15 =	vmul.f32 @p2 $6.000000240e-01, v15  }
0x404: {  	v21 =	vadd.f32 @p2 v29, v21;
	(erf) = vrcp.f32 v31;
	v31 =	vmul.u32 $0x9D8A, v61  }
0x405: {  	v27 =	vmul.f32 $1.442695020e+00, v62;
	v29 =	vmul.f32 @p2 v30, v30;
	vm2 =	vgt.f32 @p2 v48, v15  }
0x406: {  	vm1 =	vmand @p2 vm1, vm2;
	vm2 =	veq.f32 @p2 v36, v20;
	v30 =	vshrl.u32 v31, $0x15  }
0x407: {  	v20 =	vadd.f32 @p2 v21, v22;
	(erf) = vpow2.f32 v27;
	v15 =	vcvt.s32.f32 v30  }
0x408: {  	v23 =	vpsel p3, v23, v49;
	v22 =	vcvt.s32.f32 v61;
	v21 =	vsel @p2 vm1, $0x0, v29  }
0x409: {  	v61 =	vpop (erf);
	vm0 =	vmand @p2 vm0, vm2;
	v20 =	vadd.f32 @p2 v21, v20;
	v27 =	vmul.f32 $-5.200000000e+01, v15  }
0x40a: {  	v13 =	vnsel @p2 vm0, $0x0, v13;
	v21 =	vmul.f32 $5.055870060e+00, v61;
	v8 =	vnsel @p2 vm0, $0x0, v8  }
0x40b: {  	v6 =	vnsel @p2 vm0, $0x0, v6;
	v14 =	vnsel @p2 vm0, $0x0, v14;
	v29 =	vpop (erf);
	v27 =	vadd.f32 v27, v22  }
0x40c: {  	v13 =	vadd.f32 @p2 v13, v60;
	v8 =	vadd.f32 @p2 v8, v56;
	v29 =	vmul.f32 $8.098919860e+00, v29;
	v30 =	vpop (erf)  }
0x40d: {  	v20 =	vadd.f32 @p2 v20, v58;
	v31 =	vmul.f32 $5.000000000e-01, v21;
	v27 =	vadd.f32 v30, v27;
	v38 =	vpop (erf)  }
0x40e: {  	v48 =	vadd.f32 v21, v25;
	v62 =	vmul.f32 $5.000000000e-01, v29;
	v15 =	vadd.f32 v15, v38  }
0x40f: {  	vm14 =	veq.f32 v36, v22;
	v60 =	vadd.f32 v31, v27;
	v27 =	vsub.f32 v27, v31  }
0x410: {  	v14 =	vpsel p2, v14, v0;
	v61 =	vpop (erf);
	v31 =	vadd.f32 v62, v15;
	v15 =	vsub.f32 v15, v62  }
0x411: {  	v42 =	vadd.f32 $1.000000000e+00, v61;
	v62 =	vadd.f32 v29, v24;
	v58 =	vmax.f32 v34, v60  }
0x412: {  	v27 =	vmin.f32 v32, v27;
	v31 =	vmax.f32 v35, v31;
	v15 =	vmin.f32 v33, v15  }
0x413: {  	(erf) = vrcp.f32 v42;
	v27 =	vsub.f32 v58, v27;
	v15 =	vsub.f32 v31, v15  }
0x414: {  	v6 =	vadd.f32 @p2 v6, v57;
	vm15 =	vmand vm13, vm14;
	v14 =	vadd.f32 @p2 v14, v26  }
0x415: {  	v21 =	vmul.f32 v29, v21;
	v27 =	vsub.f32 v48, v27;
	v15 =	vsub.f32 v62, v15  }
0x416: {  	v13 =	vpsel p2, v13, v51;
	v29 =	vadd.f32 $-5.000000000e-01, v30;
	v30 =	vadd.f32 $-5.000000000e-01, v38  }
0x417: {  	v8 =	vpsel p2, v8, v53;
	v21 =	vadd.f32 v21, v28;
	v59 =	vmul.f32 v15, v27  }
0x418: {  	v6 =	vpsel p2, v6, v50;
	v29 =	vmul.f32 v29, v29;
	v30 =	vmul.f32 v30, v30  }
0x419: {  	v20 =	vpsel p2, v20, v52;
	v60 =	vmul.f32 v12, v12;
	v21 =	vsub.f32 v21, v59  }
0x41a: {  	v12 =	vnsel vm15, $0x0, v12;
	v29 =	vadd.f32 v30, v29;
	v30 =	vmul.f32 v5, v5  }
0x41b: {  	v31 =	vnsel @p2 vm0, $0x0, v63;
	v63 =	vnsel vm15, $0x0, v54;
	v21 =	vmul.f32 $6.000000240e-01, v21  }
0x41c: {  	vm10 =	vgt.f32 v27, $0.0e+00;
	vm11 =	vgt.f32 v15, $0.0e+00;
	v15 =	vadd.f32 v29, v30;
	v27 =	vpop (erf)  }
0x41d: {  	vm0 =	vmand vm10, vm11;
	v61 =	vmul.f32 v27, v27;
	vm12 =	vgt.f32 v59, v21  }
0x41e: {  	v31 =	vpsel p2, v31, v0;
	v15 =	vadd.f32 v15, v60;
	vm0 =	vmand vm0, vm12  }
.Ltmp23:
0x41f: {  	v5 =	vnsel vm15, $0x0, v5;
	v51 =	vadd.f32 v63, v8;
	v21 =	vsel vm0, $0x0, v61;
	(pc) =	sbr.rel @!p1 .LBB2_48-.Ltmp23, $4  }
0x420: {  	v62 =	vnsel vm15, $0x0, v55;
	v15 =	vadd.f32 v21, v15;
	v21 =	vadd.f32 @p2 v31, v23  }
0x421: {  	v50 =	vadd.f32 v5, v6;
	v5 =	vpsel p2, v14, v7;
	v52 =	vadd.f32 v62, v13  }
0x422: {  	v14 =	vld [tilespmem:s14+$0x5B80];
	v53 =	vadd.f32 v15, v20;
	v15 =	vnsel vm15, $0x0, v43;
	v6 =	vpsel p2, v21, v49  }
0x423: {  	v61 =	vld [tilespmem:s14+$0xB000];
	v49 =	vadd.f32 v12, v5;
	v48 =	vadd.f32 v15, v6  }
0x424: {  	_ =	sdelay $0x2  }
0x425: {  	v5 =	vsub.f32 $0.0e+00, v14  }
0x426: {  	v6 =	vsub.f32 $0.0e+00, v61  }
0x427: {  	v8 =	vld [tilespmem:s14+$0xB080];
	v5 =	vmul.f32 $1.442695020e+00, v5  }
0x428: {  	v7 =	vmul.f32 $1.442695020e+00, v6;
	v6 =	vld [tilespmem:s14+$0xB100]  }
0x429: {  	(erf) = vpow2.f32 v5  }
0x42a: {  	(erf) = vpow2.f32 v7;
	_ =	sdelay $0x1  }
0x42b: {  	v5 =	vmul.f32 $1.442695020e+00, v8  }
0x42c: {  	v12 =	vmul.f32 $1.442695020e+00, v6  }
0x42d: {  	v7 =	vld [tilespmem:s14+$0xB180];
	(erf) = vpow2.f32 v5  }
0x42e: {  	(erf) = vpow2.f32 v12;
	_ =	sdelay $0x2  }
0x42f: {  	v5 =	vor.u32 s13, v0;
	v12 =	vpop (erf)  }
0x430: {  	p2 =	por $0x1, $0x1;
	v20 =	vmul.u32 $0x9D8A, v5;
	v15 =	vsub.f32 $0.0e+00, v7;
	v12 =	vadd.f32 $1.000000000e+00, v12;
	v13 =	vpop (erf)  }
.Ltmp24:
0x431: {  	s30 =	simm.s32 $0x80;
	v13 =	vadd.f32 $1.000000000e+00, v13;
	(pc) =	sbr.rel @!p2 .LBB2_50-.Ltmp24, $4  }
0x432: {  	s31 =	sand.u32 $0x70, s15;
	s13 =	sand.u32 $0x7C00, s30;
	(erf) = vrcp.f32 v12;
	v12 =	vmul.f32 $1.442695020e+00, v15;
	v15 =	vshrl.u32 v20, $0x15  }
0x433: {  	s14 =	sor.u32 s31, s13;
	v23 =	vcvt.s32.f32 v15  }
0x434: {  	v22 =	vcvt.s32.f32 v5;
	v60 =	vld [tilespmem:s14+$0x5B80];
	v29 =	vpop (erf);
	(erf) = vrcp.f32 v13  }
0x435: {  	p1 =	por $0x1, $0x1;
	s13 =	simm.s32 $0x20;
	v57 =	vld [tilespmem:s14+$0xB000];
	(erf) = vpow2.f32 v12;
	v30 =	vpop (erf);
	v31 =	vmul.f32 $-5.200000000e+01, v23  }
0x436: {  	_ =	sdelay $0x3  }
0x437: {  	v15 =	vmul.f32 $9.471119880e+00, v29;
	v12 =	vadd.f32 v31, v22  }
0x438: {  	v20 =	vmul.f32 $4.840529920e+00, v30;
	vm0 =	veq.f32 v47, $3.000000000e+00;
	vm1 =	veq.f32 v36, v22;
	v21 =	vpop (erf)  }
0x439: {  	v26 =	vmul.f32 $5.000000000e-01, v15;
	v5 =	vsub.f32 $0.0e+00, v60;
	v12 =	vadd.f32 v21, v12  }
0x43a: {  	v29 =	vmul.f32 $5.000000000e-01, v20;
	v30 =	vadd.f32 v15, v25;
	v13 =	vsub.f32 $0.0e+00, v57;
	v27 =	vpop (erf)  }
0x43b: {  	v38 =	vadd.f32 v20, v24;
	v5 =	vmul.f32 $1.442695020e+00, v5;
	v23 =	vadd.f32 v23, v27  }
0x43c: {  	v31 =	vmul.f32 $1.442695020e+00, v13;
	v13 =	vadd.f32 v26, v12;
	v26 =	vsub.f32 v12, v26  }
0x43d: {  	(erf) = vpow2.f32 v5;
	v5 =	vadd.f32 v29, v23;
	v23 =	vsub.f32 v23, v29;
	v12 =	vpop (erf)  }
0x43e: {  	v15 =	vmul.f32 v20, v15;
	v13 =	vmax.f32 v34, v13;
	v29 =	vadd.f32 $1.000000000e+00, v12  }
0x43f: {  	v26 =	vmin.f32 v32, v26;
	v12 =	vld [tilespmem:s14+$0xB080];
	v5 =	vmax.f32 v35, v5;
	v23 =	vmin.f32 v33, v23  }
0x440: {  	v26 =	vsub.f32 v13, v26;
	v13 =	vld [tilespmem:s14+$0xB100];
	v5 =	vsub.f32 v5, v23;
	(erf) = vrcp.f32 v29  }
0x441: {  	v20 =	vadd.f32 $-5.000000000e-01, v21;
	v21 =	vadd.f32 $-5.000000000e-01, v27;
	(erf) = vpow2.f32 v31  }
0x442: {  	v63 =	vmul.f32 v6, v6;
	v22 =	vsub.f32 v30, v26;
	v5 =	vsub.f32 v38, v5  }
0x443: {  	vm1 =	vmand vm0, vm1;
	v20 =	vmul.f32 v20, v20;
	v21 =	vmul.f32 v21, v21  }
0x444: {  	v15 =	vadd.f32 v15, v28;
	v23 =	vmul.f32 $1.442695020e+00, v12;
	v26 =	vmul.f32 v5, v22  }
0x445: {  	v20 =	vadd.f32 v21, v20;
	v21 =	vmul.f32 v8, v8;
	v27 =	vmul.f32 $1.442695020e+00, v13  }
0x446: {  	v14 =	vnsel vm1, $0x0, v14;
	(erf) = vpow2.f32 v23;
	v29 =	vsub.f32 v15, v26;
	v15 =	vld [tilespmem:s14+$0xB180]  }
0x447: {  	v59 =	vadd.f32 v14, v52;
	v20 =	vadd.f32 v20, v21;
	v30 =	vpop (erf);
	(erf) = vpow2.f32 v27  }
0x448: {  	v31 =	vor.u32 s15, v0;
	vm2 =	vgt.f32 v22, $0.0e+00;
	v29 =	vmul.f32 $6.000000240e-01, v29  }
0x449: {  	v20 =	vadd.f32 v20, v63;
	vm3 =	vgt.f32 v5, $0.0e+00;
	v23 =	vadd.f32 $1.000000000e+00, v30;
	v5 =	vpop (erf)  }
0x44a: {  	vm2 =	vmand vm2, vm3;
	v21 =	vpop (erf);
	vm3 =	vgt.f32 v26, v29;
	v5 =	vmul.f32 v5, v5  }
0x44b: {  	v21 =	vadd.f32 $1.000000000e+00, v21;
	vm2 =	vmand vm2, vm3;
	v22 =	vsub.f32 $0.0e+00, v15  }
0x44c: {  	p2 =	por $0x1, $0x1;
	s15 =	simm.s32 $0x100;
	(erf) = vrcp.f32 v23;
	v23 =	vmul.u32 $0x9D8A, v31;
	v5 =	vsel vm2, $0x0, v5  }
.Ltmp25:
0x44d: {  	s31 =	sand.u32 $0x70, s13;
	s16 =	sand.u32 $0x7C00, s15;
	(erf) = vrcp.f32 v21;
	v5 =	vadd.f32 v5, v20;
	v20 =	vmul.f32 $1.442695020e+00, v22;
	(pc) =	sbr.rel @!p2 .LBB2_52-.Ltmp25, $4  }
0x44e: {  	v62 =	vmovc v48;
	v8 =	vnsel vm1, $0x0, v8;
	v63 =	vmovc v49;
	s14 =	sor.u32 s31, s16;
	v21 =	vnsel vm1, $0x0, v61;
	v22 =	vshrl.u32 v23, $0x15  }
0x44f: {  	v27 =	vnsel vm1, $0x0, v6;
	v55 =	vld [tilespmem:s14+$0x5B80];
	v26 =	vnsel vm1, $0x0, v7;
	v23 =	vcvt.s32.f32 v22;
	v29 =	vpop (erf)  }
0x450: {  	v54 =	vld [tilespmem:s14+$0xB000];
	v58 =	vadd.f32 v21, v51;
	v22 =	vcvt.s32.f32 v31;
	(erf) = vpow2.f32 v20;
	v30 =	vpop (erf)  }
0x451: {  	p0 =	por $0x1, $0x1;
	s16 =	simm.s32 $0x30;
	v56 =	vadd.f32 v5, v53;
	v5 =	vadd.f32 v8, v50;
	v31 =	vmul.f32 $-5.200000000e+01, v23;
	v21 =	vmovc v13;
	v20 =	vmovc v12  }
.LBB2_53:
0x452: {  	v6 =	vmov v20;
	v7 =	vmov v21  }
0x453: {  	p2 =	sne.s32 s16, $0xA80;
	v63 =	vadd.f32 v27, v63;
	v62 =	vadd.f32 v26, v62  }
0x454: {  	v26 =	vmul.f32 $9.471119880e+00, v29;
	v8 =	vsub.f32 $0.0e+00, v55;
	v14 =	vadd.f32 v31, v22  }
0x455: {  	v27 =	vmul.f32 $4.840529920e+00, v30;
	vm1 =	veq.f32 v36, v22;
	v20 =	vsub.f32 $0.0e+00, v54;
	v22 =	vpop (erf)  }
0x456: {  	v21 =	vmul.f32 $5.000000000e-01, v26;
	v8 =	vmul.f32 $1.442695020e+00, v8;
	v14 =	vadd.f32 v22, v14;
	v29 =	vpop (erf)  }
0x457: {  	v30 =	vmul.f32 $5.000000000e-01, v27;
	v31 =	vadd.f32 v26, v25;
	v42 =	vadd.f32 v23, v29  }
0x458: {  	v38 =	vmul.f32 $1.442695020e+00, v20;
	v20 =	vadd.f32 v21, v14;
	v14 =	vsub.f32 v14, v21  }
0x459: {  	(erf) = vpow2.f32 v8;
	v8 =	vadd.f32 v30, v42;
	v21 =	vsub.f32 v42, v30;
	v23 =	vpop (erf)  }
0x45a: {  	v42 =	vadd.f32 v27, v24;
	v23 =	vadd.f32 $1.000000000e+00, v23;
	v30 =	vmax.f32 v34, v20  }
0x45b: {  	v14 =	vmin.f32 v32, v14;
	v20 =	vld [tilespmem:s14+$0xB080];
	v8 =	vmax.f32 v35, v8;
	v21 =	vmin.f32 v33, v21  }
0x45c: {  	v14 =	vsub.f32 v30, v14;
	v8 =	vsub.f32 v8, v21;
	(erf) = vrcp.f32 v23  }
0x45d: {  	vm1 =	vmand vm0, vm1;
	v21 =	vld [tilespmem:s14+$0xB100];
	(erf) = vpow2.f32 v38  }
0x45e: {  	v23 =	vmul.f32 v27, v26;
	v14 =	vsub.f32 v31, v14;
	v8 =	vsub.f32 v42, v8  }
0x45f: {  	v22 =	vadd.f32 $-5.000000000e-01, v22;
	v26 =	vadd.f32 $-5.000000000e-01, v29;
	v31 =	vnsel vm1, $0x0, v60;
	v60 =	vmovc v55  }
0x460: {  	v23 =	vadd.f32 v23, v28;
	v27 =	vmul.f32 $1.442695020e+00, v20;
	v29 =	vmul.f32 v8, v14  }
0x461: {  	v22 =	vmul.f32 v22, v22;
	v38 =	vor.u32 s13, v0;
	s13 =	smov.u32 s16;
	v26 =	vmul.f32 v26, v26  }
0x462: {  	v7 =	vmul.f32 v7, v13;
	v30 =	vmul.f32 $1.442695020e+00, v21;
	v42 =	vpop (erf);
	v23 =	vsub.f32 v23, v29  }
0x463: {  	v6 =	vmul.f32 v6, v12;
	v22 =	vadd.f32 v26, v22;
	v43 =	vld [tilespmem:s14+$0xB180];
	(erf) = vpow2.f32 v27  }
0x464: {  	v26 =	vadd.f32 $1.000000000e+00, v42;
	(erf) = vpow2.f32 v30;
	v23 =	vmul.f32 $6.000000240e-01, v23  }
0x465: {  	vm2 =	vgt.f32 v14, $0.0e+00;
	vm3 =	vgt.f32 v8, $0.0e+00;
	v6 =	vadd.f32 v22, v6;
	v8 =	vpop (erf)  }
0x466: {  	vm2 =	vmand vm2, vm3;
	v14 =	vpop (erf);
	vm3 =	vgt.f32 v29, v23;
	v8 =	vmul.f32 v8, v8  }
0x467: {  	v6 =	vadd.f32 v6, v7;
	v14 =	vadd.f32 $1.000000000e+00, v14;
	vm2 =	vmand vm2, vm3  }
0x468: {  	s15 =	sadd.s32 $0x80, s15;
	v7 =	vsub.f32 $0.0e+00, v43;
	(erf) = vrcp.f32 v26;
	v8 =	vsel vm2, $0x0, v8  }
0x469: {  	s17 =	sand.u32 $0x7C00, s15;
	v22 =	vmul.u32 $0x9D8A, v38;
	s14 =	sand.u32 $0x70, s16;
	(erf) = vrcp.f32 v14;
	v6 =	vadd.f32 v8, v6  }
.Ltmp26:
0x46a: {  	s14 =	sor.u32 s14, s17;
	v8 =	vnsel vm1, $0x0, v57;
	v14 =	vnsel vm1, $0x0, v12;
	v12 =	vmovc v20;
	v57 =	vmovc v54;
	v7 =	vmul.f32 $1.442695020e+00, v7;
	(pc) =	sbr.rel @p2 .LBB2_53-.Ltmp26, $4  }
0x46b: {  	v27 =	vnsel vm1, $0x0, v13;
	v13 =	vmovc v21;
	v22 =	vshrl.u32 v22, $0x15;
	v55 =	vld [tilespmem:s14+$0x5B80];
	v56 =	vadd.f32 v6, v56  }
0x46c: {  	v23 =	vcvt.s32.f32 v22;
	v26 =	vnsel vm1, $0x0, v15;
	v54 =	vld [tilespmem:s14+$0xB000];
	(erf) = vpow2.f32 v7;
	v29 =	vpop (erf)  }
0x46d: {  	v59 =	vadd.f32 v31, v59;
	v15 =	vmov v43;
	v58 =	vadd.f32 v8, v58;
	v30 =	vpop (erf)  }
0x46e: {  	s16 =	sadd.s32 $0x10, s16;
	v22 =	vcvt.s32.f32 v38;
	v31 =	vmul.f32 $-5.200000000e+01, v23;
	v5 =	vadd.f32 v14, v5  }
0x46f: {  	v14 =	vmovc v60;
	v6 =	vmovc v13;
	v8 =	vmov v12;
	v61 =	vmov v57;
	v7 =	vmov v15  }
.LBB2_55:
0x470: {  	v12 =	vadd.f32 @p1 v31, v22;
	v15 =	vmul.f32 @p1 $9.471119880e+00, v29  }
0x471: {  	v27 =	vadd.f32 @p0 v27, v63;
	v13 =	vsub.f32 $0.0e+00, v55;
	v29 =	vmul.f32 @p1 $4.840529920e+00, v30  }
0x472: {  	vm0 =	veq.f32 @p1 v47, $3.000000000e+00;
	v26 =	vadd.f32 @p0 v26, v62;
	v30 =	vpop @p1 (erf);
	v38 =	vmul.f32 @p1 $5.000000000e-01, v15  }
0x473: {  	vm1 =	veq.f32 @p1 v36, v22;
	v31 =	vsub.f32 $0.0e+00, v54;
	v12 =	vadd.f32 @p1 v30, v12;
	v42 =	vpop @p1 (erf)  }
0x474: {  	v13 =	vmul.f32 $1.442695020e+00, v13;
	v43 =	vmul.f32 @p1 $5.000000000e-01, v29;
	v23 =	vadd.f32 @p1 v23, v42  }
0x475: {  	v21 =	vmul.f32 @p1 v21, v6;
	v57 =	vadd.f32 @p1 v38, v12;
	v12 =	vsub.f32 @p1 v12, v38  }
0x476: {  	(erf) = vpow2.f32 v13;
	v13 =	vadd.f32 @p1 v43, v23;
	v23 =	vsub.f32 @p1 v23, v43;
	v38 =	vpop @p1 (erf)  }
0x477: {  	v43 =	vmax.f32 @p1 v34, v57;
	v12 =	vmin.f32 @p1 v32, v12;
	v38 =	vadd.f32 @p1 $1.000000000e+00, v38  }
0x478: {  	v31 =	vmul.f32 $1.442695020e+00, v31;
	v57 =	vadd.f32 @p1 v15, v25;
	v43 =	vsub.f32 @p1 v43, v12  }
0x479: {  	v13 =	vmax.f32 @p1 v35, v13;
	v23 =	vmin.f32 @p1 v33, v23;
	(erf) = vrcp.f32 @p1 v38  }
0x47a: {  	v12 =	vld [tilespmem:s14+$0xB080];
	v23 =	vsub.f32 @p1 v13, v23;
	v38 =	vadd.f32 @p1 v29, v24;
	(erf) = vpow2.f32 v31  }
0x47b: {  	v22 =	vadd.f32 @p1 $-5.000000000e-01, v42;
	v15 =	vmul.f32 @p1 v29, v15;
	v13 =	vld [tilespmem:s14+$0xB100];
	v29 =	vadd.f32 @p1 $-5.000000000e-01, v30  }
0x47c: {  	v20 =	vmul.f32 @p1 v20, v8;
	v31 =	vsub.f32 @p1 v57, v43;
	v23 =	vsub.f32 @p1 v38, v23  }
0x47d: {  	vm0 =	vmand @p1 vm0, vm1;
	v22 =	vmul.f32 @p1 v22, v22;
	v29 =	vmul.f32 @p1 v29, v29  }
0x47e: {  	v14 =	vnsel @p1 vm0, $0x0, v14;
	v15 =	vadd.f32 @p1 v15, v28;
	v38 =	vmul.f32 @p1 v23, v31  }
0x47f: {  	v42 =	vor.u32 s13, v0;
	v30 =	vmul.f32 $1.442695020e+00, v12;
	v22 =	vadd.f32 @p1 v22, v29  }
0x480: {  	vm2 =	vgt.f32 @p1 v31, $0.0e+00;
	v43 =	vmul.f32 $1.442695020e+00, v13;
	v57 =	vpop (erf);
	v60 =	vsub.f32 @p1 v15, v38;
	v15 =	vld [tilespmem:s14+$0xB180]  }
0x481: {  	(erf) = vpow2.f32 v30;
	v29 =	vadd.f32 $1.000000000e+00, v57;
	v20 =	vadd.f32 @p1 v22, v20  }
0x482: {  	vm3 =	vgt.f32 @p1 v23, $0.0e+00;
	v30 =	vmul.f32 @p1 $6.000000240e-01, v60;
	v23 =	vpop @p1 (erf);
	(erf) = vpow2.f32 v43  }
0x483: {  	v20 =	vadd.f32 @p1 v20, v21;
	v21 =	vmul.u32 $0x9D8A, v42;
	v22 =	vpop (erf);
	(erf) = vrcp.f32 v29  }
0x484: {  	vm2 =	vmand @p1 vm2, vm3;
	vm3 =	vgt.f32 @p1 v38, v30;
	v22 =	vadd.f32 $1.000000000e+00, v22  }
0x485: {  	v23 =	vmul.f32 @p1 v23, v23;
	v21 =	vshrl.u32 v21, $0x15;
	v30 =	vsub.f32 $0.0e+00, v15  }
0x486: {  	s25 =	simm.s32 $0x0;
	vm2 =	vmand @p1 vm2, vm3;
	v21 =	vcvt.s32.f32 v21;
	(erf) = vrcp.f32 v22  }
0x487: {  	s26 =	sand.u32 $0x70, s25;
	s15 =	sand.u32 $0x7C00, s25;
	v8 =	vnsel @p1 vm0, $0x0, v8;
	v22 =	vsel @p1 vm2, $0x0, v23;
	v23 =	vmul.f32 $1.442695020e+00, v30  }
0x488: {  	v6 =	vnsel @p1 vm0, $0x0, v6;
	v7 =	vnsel @p1 vm0, $0x0, v7;
	s14 =	sor.u32 s26, s15;
	v29 =	vmul.f32 $-5.200000000e+01, v21  }
0x489: {  	v31 =	vpsel p1, v6, v0;
	v6 =	vld [tilespmem:s14+$0xB200];
	(erf) = vpow2.f32 v23;
	v23 =	vcvt.s32.f32 v42  }
0x48a: {  	v27 =	vpsel p0, v27, v49;
	v14 =	vadd.f32 @p1 v14, v59;
	v8 =	vadd.f32 @p1 v8, v5;
	v30 =	vpop (erf)  }
0x48b: {  	v20 =	vadd.f32 @p1 v22, v20;
	v30 =	vmul.f32 $9.471119880e+00, v30;
	v29 =	vadd.f32 v29, v23;
	v5 =	vpop (erf)  }
0x48c: {  	v26 =	vpsel p0, v26, v48;
	v14 =	vpsel p1, v14, v52;
	v43 =	vpsel p1, v7, v0;
	v42 =	vpop (erf)  }
0x48d: {  	v20 =	vadd.f32 @p1 v20, v56;
	v7 =	vadd.f32 v42, v29;
	v29 =	vmul.f32 $5.000000000e-01, v30  }
0x48e: {  	v27 =	vadd.f32 @p1 v31, v27;
	v62 =	vsub.f32 $0.0e+00, v6;
	v38 =	vmul.f32 $4.840529920e+00, v5;
	v5 =	vld [tilespmem:s14+$0xB280]  }
0x48f: {  	v22 =	vnsel @p1 vm0, $0x0, v61;
	v53 =	vpsel p1, v20, v53;
	v56 =	vpop (erf);
	v63 =	vadd.f32 v29, v7  }
0x490: {  	v7 =	vsub.f32 v7, v29;
	v20 =	vadd.f32 v21, v56;
	v21 =	vmul.f32 $5.000000000e-01, v38  }
0x491: {  	v50 =	vpsel p1, v8, v50;
	v22 =	vadd.f32 @p1 v22, v58;
	v52 =	vadd.f32 v30, v25  }
0x492: {  	v60 =	vpop (erf);
	v7 =	vmin.f32 v32, v7;
	v29 =	vadd.f32 v21, v20;
	v8 =	vsub.f32 v20, v21  }
0x493: {  	v20 =	vadd.f32 $1.000000000e+00, v60;
	v21 =	vmax.f32 v34, v63;
	v63 =	vsub.f32 $0.0e+00, v5  }
0x494: {  	v7 =	vsub.f32 v21, v7;
	v29 =	vmax.f32 v35, v29;
	v8 =	vmin.f32 v33, v8  }
0x495: {  	v61 =	vadd.f32 v38, v24;
	v21 =	vmul.f32 $1.442695020e+00, v62;
	v8 =	vsub.f32 v29, v8  }
0x496: {  	(erf) = vrcp.f32 v20;
	v20 =	vmul.f32 $1.442695020e+00, v63;
	v29 =	vsub.f32 v52, v7  }
0x497: {  	(erf) = vpow2.f32 v21;
	v7 =	vmul.f32 v38, v30;
	v21 =	vsub.f32 v61, v8  }
0x498: {  	(erf) = vpow2.f32 v20;
	v20 =	vadd.f32 $-5.000000000e-01, v56;
	v8 =	vadd.f32 $-5.000000000e-01, v42  }
0x499: {  	vm1 =	veq.f32 v36, v23;
	v30 =	vadd.f32 v7, v28;
	v7 =	vld [tilespmem:s14+$0xB300];
	v23 =	vmul.f32 v21, v29  }
0x49a: {  	v26 =	vadd.f32 @p1 v43, v26;
	v20 =	vmul.f32 v20, v20;
	v31 =	vmul.f32 v8, v8  }
0x49b: {  	vm0 =	veq.f32 v47, $3.000000000e+00;
	v22 =	vpsel p1, v22, v51;
	v30 =	vsub.f32 v30, v23  }
0x49c: {  	vm0 =	vmand vm0, vm1;
	v56 =	vmul.f32 v12, v12;
	v8 =	vld [tilespmem:s14+$0xB380];
	v31 =	vadd.f32 v20, v31  }
0x49d: {  	v51 =	vnsel vm0, $0x0, v55;
	v55 =	vmul.f32 v13, v13;
	v20 =	vld [tilespmem:s14+$0x10800];
	v30 =	vmul.f32 $6.000000240e-01, v30  }
0x49e: {  	vm2 =	vgt.f32 v21, $0.0e+00;
	v21 =	vadd.f32 v31, v56;
	v31 =	vmul.f32 $1.442695020e+00, v7  }
0x49f: {  	v13 =	vnsel vm0, $0x0, v13;
	v15 =	vnsel vm0, $0x0, v15;
	vm1 =	vgt.f32 v29, $0.0e+00;
	v29 =	vpop (erf)  }
0x4a0: {  	vm1 =	vmand vm1, vm2;
	vm2 =	vgt.f32 v23, v30;
	v23 =	vmul.f32 v29, v29  }
0x4a1: {  	v29 =	vmul.f32 $1.442695020e+00, v8;
	(erf) = vpow2.f32 v31;
	v21 =	vadd.f32 v21, v55;
	v30 =	vpop (erf)  }
0x4a2: {  	s28 =	simm.s32 $0x10;
	s29 =	simm.s32 $0x80;
	vm1 =	vmand vm1, vm2;
	v57 =	vsub.f32 $0.0e+00, v20;
	v30 =	vadd.f32 $1.000000000e+00, v30;
	v31 =	vpop (erf)  }
0x4a3: {  	s30 =	sand.u32 $0x70, s28;
	s13 =	sand.u32 $0x7C00, s29;
	(erf) = vpow2.f32 v29;
	v23 =	vsel vm1, $0x0, v23;
	v29 =	vadd.f32 $1.000000000e+00, v31  }
0x4a4: {  	s13 =	sor.u32 s30, s13;
	v21 =	vadd.f32 v23, v21;
	v31 =	vor.u32 s25, v0;
	(erf) = vrcp.f32 v30  }
0x4a5: {  	v55 =	vld [tilespmem:s13+$0xB200];
	v23 =	vnsel vm0, $0x0, v54;
	v30 =	vmul.u32 $0x9D8A, v31;
	(erf) = vrcp.f32 v29  }
0x4a6: {  	v12 =	vnsel vm0, $0x0, v12;
	v22 =	vadd.f32 v23, v22;
	v29 =	vmul.f32 $1.442695020e+00, v57  }
0x4a7: {  	v42 =	vadd.f32 v21, v53;
	v23 =	vcvt.s32.f32 v31;
	v30 =	vshrl.u32 v30, $0x15  }
0x4a8: {  	v54 =	vld [tilespmem:s13+$0xB280];
	v31 =	vadd.f32 v12, v50;
	v21 =	vcvt.s32.f32 v30;
	(erf) = vpow2.f32 v29  }
0x4a9: {  	v12 =	vpsel p1, v26, v48;
	v30 =	vadd.f32 v51, v14;
	v14 =	vpsel p1, v27, v49  }
0x4aa: {  	v26 =	vsub.f32 $0.0e+00, v55;
	v51 =	vadd.f32 v13, v14;
	v13 =	vpop (erf);
	v27 =	vmul.f32 $-5.200000000e+01, v21  }
0x4ab: {  	v52 =	vor.u32 s28, v0;
	vm0 =	veq.f32 v47, $4.000000000e+00;
	v13 =	vmul.f32 $1.123639970e+01, v13  }
0x4ac: {  	v53 =	vadd.f32 v15, v12;
	v26 =	vmul.f32 $1.442695020e+00, v26;
	v14 =	vpop (erf);
	v27 =	vadd.f32 v27, v23  }
0x4ad: {  	v12 =	vsub.f32 $0.0e+00, v54;
	v14 =	vmul.f32 $1.000710010e+01, v14;
	v29 =	vmul.f32 $5.000000000e-01, v13;
	v15 =	vpop (erf)  }
0x4ae: {  	vm1 =	veq.f32 v36, v23;
	v60 =	vadd.f32 v13, v25;
	v27 =	vadd.f32 v15, v27;
	v58 =	vpop (erf)  }
0x4af: {  	v59 =	vmul.f32 $5.000000000e-01, v14;
	v63 =	vadd.f32 v14, v24;
	v21 =	vadd.f32 v21, v58  }
0x4b0: {  	v12 =	vmul.f32 $1.442695020e+00, v12;
	v61 =	vadd.f32 v29, v27;
	v27 =	vsub.f32 v27, v29  }
0x4b1: {  	(erf) = vpow2.f32 v26;
	v29 =	vpop (erf);
	v26 =	vadd.f32 v59, v21;
	v21 =	vsub.f32 v21, v59  }
0x4b2: {  	v13 =	vmul.f32 v14, v13;
	v29 =	vadd.f32 $1.000000000e+00, v29;
	v62 =	vmax.f32 v34, v61  }
0x4b3: {  	v27 =	vmin.f32 v32, v27;
	v26 =	vmax.f32 v35, v26;
	v21 =	vmin.f32 v33, v21  }
0x4b4: {  	v49 =	vld [tilespmem:s13+$0xB300];
	v27 =	vsub.f32 v62, v27;
	(erf) = vrcp.f32 v29;
	v21 =	vsub.f32 v26, v21  }
0x4b5: {  	v48 =	vld [tilespmem:s13+$0xB380];
	v14 =	vadd.f32 $-5.000000000e-01, v15;
	v15 =	vadd.f32 $-5.000000000e-01, v58;
	(erf) = vpow2.f32 v12  }
0x4b6: {  	vm1 =	vmand vm0, vm1;
	v12 =	vsub.f32 v60, v27;
	v21 =	vsub.f32 v63, v21  }
0x4b7: {  	v6 =	vnsel vm1, $0x0, v6;
	v14 =	vmul.f32 v14, v14;
	v15 =	vmul.f32 v15, v15  }
0x4b8: {  	v5 =	vnsel vm1, $0x0, v5;
	v13 =	vadd.f32 v13, v28;
	v26 =	vmul.f32 v21, v12  }
0x4b9: {  	v23 =	vmul.f32 $1.442695020e+00, v49;
	v14 =	vadd.f32 v15, v14;
	v15 =	vmul.f32 v7, v7  }
0x4ba: {  	v7 =	vnsel vm1, $0x0, v7;
	v27 =	vmul.f32 $1.442695020e+00, v48;
	v13 =	vsub.f32 v13, v26  }
0x4bb: {  	v56 =	vld [tilespmem:s13+$0x10800];
	v14 =	vadd.f32 v14, v15;
	v63 =	vmul.f32 v8, v8;
	v29 =	vpop (erf);
	(erf) = vpow2.f32 v23  }
0x4bc: {  	vm2 =	vgt.f32 v12, $0.0e+00;
	(erf) = vpow2.f32 v27;
	v13 =	vmul.f32 $6.000000240e-01, v13  }
0x4bd: {  	v23 =	vadd.f32 $1.000000000e+00, v29;
	vm3 =	vgt.f32 v21, $0.0e+00;
	v14 =	vadd.f32 v14, v63;
	v12 =	vpop (erf)  }
0x4be: {  	vm2 =	vmand vm2, vm3;
	v15 =	vpop (erf);
	v12 =	vmul.f32 v12, v12;
	vm3 =	vgt.f32 v26, v13  }
0x4bf: {  	v21 =	vmul.u32 $0x9D8A, v52;
	v13 =	vadd.f32 $1.000000000e+00, v15;
	vm2 =	vmand vm2, vm3  }
0x4c0: {  	s14 =	simm.s32 $0x100;
	s13 =	simm.s32 $0x20;
	(erf) = vrcp.f32 v23;
	v15 =	vsub.f32 $0.0e+00, v56;
	v12 =	vsel vm2, $0x0, v12  }
0x4c1: {  	s16 =	sand.u32 $0x7C00, s14;
	s31 =	sand.u32 $0x70, s13;
	(erf) = vrcp.f32 v13;
	v12 =	vadd.f32 v12, v14;
	v14 =	vshrl.u32 v21, $0x15  }
0x4c2: {  	s16 =	sor.u32 s31, s16;
	v62 =	vadd.f32 v5, v22;
	v57 =	vadd.f32 v7, v31;
	v13 =	vmul.f32 $1.442695020e+00, v15  }
0x4c3: {  	v50 =	vmovc v48;
	v27 =	vld [tilespmem:s16+$0xB200];
	v29 =	vnsel vm1, $0x0, v20;
	v47 =	vadd.f32 v12, v42;
	v12 =	vcvt.s32.f32 v14  }
0x4c4: {  	v63 =	vld [tilespmem:s16+$0xB280];
	v20 =	vcvt.s32.f32 v52;
	v52 =	vmov v49;
	(erf) = vpow2.f32 v13;
	v14 =	vpop (erf)  }
0x4c5: {  	s15 =	simm.s32 $0x30;
	v21 =	vnsel vm1, $0x0, v8;
	v13 =	vadd.f32 v6, v30;
	v15 =	vpop (erf);
	v23 =	vmul.f32 $-5.200000000e+01, v12  }
.LBB2_56:
0x4c6: {  	v5 =	vmov v49;
	v6 =	vmov v48  }
0x4c7: {  	p0 =	sne.s32 s15, $0xA80;
	v51 =	vadd.f32 v21, v51;
	v53 =	vadd.f32 v29, v53  }
0x4c8: {  	v14 =	vmul.f32 $1.123639970e+01, v14;
	v7 =	vsub.f32 $0.0e+00, v27;
	v8 =	vadd.f32 v23, v20  }
0x4c9: {  	v15 =	vmul.f32 $1.000710010e+01, v15;
	vm1 =	veq.f32 v36, v20;
	v21 =	vsub.f32 $0.0e+00, v63;
	v20 =	vpop (erf)  }
0x4ca: {  	v31 =	vmul.f32 $5.000000000e-01, v14;
	v7 =	vmul.f32 $1.442695020e+00, v7;
	v8 =	vadd.f32 v20, v8;
	v23 =	vpop (erf)  }
0x4cb: {  	v26 =	vmul.f32 $5.000000000e-01, v15;
	v29 =	vadd.f32 v14, v25;
	v12 =	vadd.f32 v12, v23  }
0x4cc: {  	v21 =	vmul.f32 $1.442695020e+00, v21;
	v30 =	vadd.f32 v31, v8;
	v8 =	vsub.f32 v8, v31  }
0x4cd: {  	(erf) = vpow2.f32 v7;
	v7 =	vadd.f32 v26, v12;
	v12 =	vsub.f32 v12, v26;
	v22 =	vpop (erf)  }
0x4ce: {  	v22 =	vadd.f32 $1.000000000e+00, v22;
	v26 =	vmax.f32 v34, v30;
	v30 =	vadd.f32 v15, v24  }
0x4cf: {  	v8 =	vmin.f32 v32, v8;
	v49 =	vld [tilespmem:s16+$0xB300];
	v7 =	vmax.f32 v35, v7;
	v12 =	vmin.f32 v33, v12  }
0x4d0: {  	v8 =	vsub.f32 v26, v8;
	v7 =	vsub.f32 v7, v12;
	(erf) = vrcp.f32 v22  }
0x4d1: {  	vm1 =	vmand vm0, vm1;
	v48 =	vld [tilespmem:s16+$0xB380];
	(erf) = vpow2.f32 v21  }
0x4d2: {  	v12 =	vmul.f32 v15, v14;
	v8 =	vsub.f32 v29, v8;
	v7 =	vsub.f32 v30, v7  }
0x4d3: {  	v14 =	vadd.f32 $-5.000000000e-01, v20;
	v15 =	vadd.f32 $-5.000000000e-01, v23;
	v20 =	vnsel vm1, $0x0, v55;
	v55 =	vmovc v27  }
0x4d4: {  	v12 =	vadd.f32 v12, v28;
	v21 =	vmul.f32 $1.442695020e+00, v49;
	v22 =	vmul.f32 v7, v8  }
0x4d5: {  	v23 =	vor.u32 s13, v0;
	s13 =	smov.u32 s15;
	v14 =	vmul.f32 v14, v14;
	v15 =	vmul.f32 v15, v15  }
0x4d6: {  	v6 =	vmul.f32 v6, v50;
	v26 =	vmul.f32 $1.442695020e+00, v48;
	v27 =	vpop (erf);
	v12 =	vsub.f32 v12, v22  }
0x4d7: {  	v5 =	vmul.f32 v5, v52;
	v14 =	vadd.f32 v15, v14;
	v30 =	vld [tilespmem:s16+$0x10800];
	(erf) = vpow2.f32 v21  }
0x4d8: {  	v15 =	vadd.f32 $1.000000000e+00, v27;
	(erf) = vpow2.f32 v26;
	v12 =	vmul.f32 $6.000000240e-01, v12  }
0x4d9: {  	vm2 =	vgt.f32 v8, $0.0e+00;
	vm3 =	vgt.f32 v7, $0.0e+00;
	v5 =	vadd.f32 v14, v5;
	v7 =	vpop (erf)  }
0x4da: {  	vm2 =	vmand vm2, vm3;
	v8 =	vpop (erf);
	vm3 =	vgt.f32 v22, v12;
	v7 =	vmul.f32 v7, v7  }
0x4db: {  	v5 =	vadd.f32 v5, v6;
	v8 =	vadd.f32 $1.000000000e+00, v8;
	vm2 =	vmand vm2, vm3  }
0x4dc: {  	s14 =	sadd.s32 $0x80, s14;
	v6 =	vsub.f32 $0.0e+00, v30;
	(erf) = vrcp.f32 v15;
	v7 =	vsel vm2, $0x0, v7  }
0x4dd: {  	s17 =	sand.u32 $0x7C00, s14;
	s16 =	sand.u32 $0x70, s15;
	v12 =	vmul.u32 $0x9D8A, v23;
	(erf) = vrcp.f32 v8;
	v5 =	vadd.f32 v7, v5  }
.Ltmp27:
0x4de: {  	s16 =	sor.u32 s16, s17;
	v7 =	vnsel vm1, $0x0, v54;
	v8 =	vnsel vm1, $0x0, v52;
	v52 =	vmovc v49;
	v54 =	vmovc v63;
	v6 =	vmul.f32 $1.442695020e+00, v6;
	(pc) =	sbr.rel @p0 .LBB2_56-.Ltmp27, $4  }
0x4df: {  	v21 =	vnsel vm1, $0x0, v50;
	v50 =	vmovc v48;
	v12 =	vshrl.u32 v12, $0x15;
	v27 =	vld [tilespmem:s16+$0xB200];
	v47 =	vadd.f32 v5, v47  }
0x4e0: {  	v29 =	vnsel vm1, $0x0, v56;
	v12 =	vcvt.s32.f32 v12;
	v63 =	vld [tilespmem:s16+$0xB280];
	(erf) = vpow2.f32 v6;
	v14 =	vpop (erf)  }
0x4e1: {  	v13 =	vadd.f32 v20, v13;
	v56 =	vmov v30;
	v62 =	vadd.f32 v7, v62;
	v15 =	vpop (erf)  }
0x4e2: {  	v20 =	vcvt.s32.f32 v23;
	s15 =	sadd.s32 $0x10, s15;
	v57 =	vadd.f32 v8, v57;
	v23 =	vmul.f32 $-5.200000000e+01, v12  }
0x4e3: {  	_ =	sdelay $0x3  }
0x4e4: {  	v6 =	vsub.f32 $0.0e+00, v27;
	v61 =	vpop (erf)  }
0x4e5: {  	v5 =	vpop (erf)  }
0x4e6: {  	v7 =	vsub.f32 $0.0e+00, v63;
	v6 =	vmul.f32 $1.442695020e+00, v6;
	v8 =	vpop (erf)  }
0x4e7: {  	v8 =	vadd.f32 $1.000000000e+00, v8  }
0x4e8: {  	(erf) = vpow2.f32 v6;
	v6 =	vmul.f32 $1.442695020e+00, v7  }
0x4e9: {  	(erf) = vrcp.f32 v8  }
0x4ea: {  	(erf) = vpow2.f32 v6;
	_ =	sdelay $0x1  }
0x4eb: {  	v60 =	vld [tilespmem:s16+$0xB300]  }
0x4ec: {  	v58 =	vld [tilespmem:s16+$0xB380]  }
0x4ed: {  	v30 =	vld [tilespmem:s16+$0x10800];
	_ =	sdelay $0x2  }
0x4ee: {  	v6 =	vmul.f32 $1.442695020e+00, v60;
	v7 =	vpop (erf)  }
0x4ef: {  	v31 =	vmul.f32 $1.442695020e+00, v58;
	v59 =	vpop (erf)  }
0x4f0: {  	v22 =	vsub.f32 $0.0e+00, v30;
	(erf) = vpow2.f32 v6;
	v6 =	vadd.f32 $1.000000000e+00, v7;
	v7 =	vpop (erf)  }
0x4f1: {  	(erf) = vpow2.f32 v31;
	v7 =	vadd.f32 $1.000000000e+00, v7  }
0x4f2: {  	(erf) = vrcp.f32 v6;
	v6 =	vmul.f32 $1.442695020e+00, v22  }
0x4f3: {  	(erf) = vrcp.f32 v7  }
0x4f4: {  	(erf) = vpow2.f32 v6;
	_ =	sdelay $0x1  }
0x4f5: {  	v6 =	vld [tilespmem:$0x1FF50];
	_ =	sdelay $0x2  }
0x4f6: {  	v26 =	vpop (erf)  }
0x4f7: {  	v22 =	vpop (erf)  }
0x4f8: {  	v6 =	vadd.f32 v6, v41;
	v41 =	vpop (erf)  }
0x4f9: {  	v7 =	vpop (erf)  }
0x4fa: {  	v6 =	vsub.f32 $0.0e+00, v6;
	v38 =	vpop (erf)  }
0x4fb: {  	v8 =	vadd.f32 $1.000000000e+00, v38  }
0x4fc: {  	v6 =	vmul.f32 $1.442695020e+00, v6  }
0x4fd: {  	(erf) = vrcp.f32 v8  }
0x4fe: {  	(erf) = vpow2.f32 v6;
	_ =	sdelay $0x1  }
0x4ff: {  	v6 =	vld [tilespmem:$0x1FF60];
	_ =	sdelay $0x4  }
0x500: {  	v6 =	vadd.f32 v6, v40  }
0x501: {  	v40 =	vpop (erf)  }
0x502: {  	v6 =	vsub.f32 $0.0e+00, v6;
	v42 =	vpop (erf)  }
0x503: {  	v8 =	vadd.f32 $1.000000000e+00, v42  }
0x504: {  	v6 =	vmul.f32 $1.442695020e+00, v6  }
0x505: {  	(erf) = vrcp.f32 v8  }
0x506: {  	(erf) = vpow2.f32 v6;
	_ =	sdelay $0x6  }
0x507: {  	v6 =	vadd.f32 v46, v45  }
0x508: {  	v8 =	vpop (erf)  }
0x509: {  	v6 =	vsub.f32 $0.0e+00, v6;
	v31 =	vpop (erf)  }
0x50a: {  	v31 =	vadd.f32 $1.000000000e+00, v31  }
0x50b: {  	v6 =	vmul.f32 $1.442695020e+00, v6  }
0x50c: {  	(erf) = vrcp.f32 v31  }
0x50d: {  	(erf) = vpow2.f32 v6;
	_ =	sdelay $0x3  }
0x50e: {  	v43 =	vld [tilespmem:$0x1FF70];
	_ =	sdelay $0x3  }
0x50f: {  	v6 =	vpop (erf)  }
0x510: {  	v38 =	vadd.f32 v43, v37;
	v45 =	vpop (erf)  }
0x511: {  	v31 =	vadd.f32 $1.000000000e+00, v45  }
0x512: {  	v42 =	vmul.f32 $1.442695020e+00, v38  }
0x513: {  	v37 =	vadd.f32 v44, v39;
	(erf) = vrcp.f32 v31  }
0x514: {  	(erf) = vpow2.f32 v42;
	v42 =	vor.u32 s13, v0  }
0x515: {  	v46 =	vmul.f32 $1.442695020e+00, v37;
	v39 =	vcvt.s32.f32 v42;
	_ =	sdelay $0x1  }
0x516: {  	vm1 =	veq.f32 v36, v20;
	(erf) = vpow2.f32 v46;
	vm2 =	veq.f32 v36, v39  }
0x517: {  	vm1 =	vmand vm0, vm1;
	vm7 =	vmand vm0, vm2  }
0x518: {  	v55 =	vnsel vm1, $0x0, v55;
	v44 =	vld [tilespmem:$0x1FFE0];
	v36 =	vnsel vm7, $0x0, v27  }
0x519: {  	v13 =	vadd.f32 v55, v13;
	v46 =	vld [tilespmem:$0x1FFC0];
	_ =	sdelay $0x1  }
0x51a: {  	v55 =	vld [tilespmem:$0x1FFD0];
	v13 =	vadd.f32 v36, v13;
	v36 =	vpop (erf)  }
0x51b: {  	v43 =	vpop (erf)  }
0x51c: {  	v45 =	vperm.xlane v13, v1;
	v27 =	vmul.f32 v43, v44  }
0x51d: {  	v31 =	vadd.f32 v8, v46;
	v46 =	vnsel vm1, $0x0, v54;
	v54 =	vld [tilespmem:$0x1FFB0]  }
0x51e: {  	v13 =	vadd.f32 v45, v13;
	v43 =	vpop (erf);
	v44 =	vmul.f32 $5.000000000e-01, v27  }
0x51f: {  	v43 =	vmul.f32 v43, v55  }
0x520: {  	v45 =	vadd.f32 v44, v31;
	v31 =	vsub.f32 v31, v44;
	v44 =	vperm.xlane v13, v2  }
0x521: {  	v63 =	vnsel vm7, $0x0, v63  }
0x522: {  	v54 =	vadd.f32 v6, v54;
	v55 =	vmul.f32 $5.000000000e-01, v43;
	v13 =	vadd.f32 v44, v13  }
0x523: {  	v46 =	vadd.f32 v46, v62;
	v10 =	vadd.f32 v27, v10;
	v17 =	vmin.f32 v17, v31  }
0x524: {  	v31 =	vadd.f32 v55, v54;
	v44 =	vsub.f32 v54, v55;
	v62 =	vperm.xlane v13, v3  }
0x525: {  	v9 =	vadd.f32 v43, v9;
	v19 =	vmax.f32 v19, v45;
	v45 =	vadd.f32 v63, v46  }
0x526: {  	v18 =	vmax.f32 v18, v31;
	v16 =	vmin.f32 v16, v44;
	v13 =	vadd.f32 v62, v13  }
0x527: {  	v17 =	vsub.f32 v19, v17;
	v16 =	vsub.f32 v18, v16  }
0x528: {  	v27 =	vmul.f32 v43, v27;
	v63 =	vperm.xlane v13, v4  }
0x529: {  	v31 =	vperm.xlane v45, v1;
	v10 =	vsub.f32 v10, v17;
	v9 =	vsub.f32 v9, v16  }
0x52a: {  	v13 =	vadd.f32 v63, v13  }
0x52b: {  	v43 =	vadd.f32 v31, v45;
	v16 =	vadd.f32 v27, v11;
	v11 =	vmul.f32 v9, v10  }
0x52c: {  	v13 =	vsub.f32 $0.0e+00, v13  }
0x52d: {  	v18 =	vperm.xlane v43, v2;
	v16 =	vsub.f32 v16, v11  }
0x52e: {  	v13 =	vmul.f32 $1.442695020e+00, v13  }
0x52f: {  	v45 =	vadd.f32 v29, v53;
	v44 =	vadd.f32 v18, v43;
	(erf) = vrcp.f32 v16  }
0x530: {  	v46 =	vnsel vm1, $0x0, v56;
	(erf) = vpow2.f32 v13  }
0x531: {  	v18 =	vperm.xlane v44, v3;
	v13 =	vadd.f32 v46, v45  }
0x532: {  	v53 =	vnsel vm7, $0x0, v30  }
0x533: {  	v16 =	vadd.f32 v18, v44;
	v17 =	vadd.f32 v53, v13;
	_ =	sdelay $0x1  }
0x534: {  	v54 =	vperm.xlane v16, v4;
	v55 =	vperm.xlane v17, v1;
	_ =	sdelay $0x1  }
0x535: {  	v16 =	vadd.f32 v54, v16;
	v17 =	vadd.f32 v55, v17  }
0x536: {  	v13 =	vpop (erf)  }
0x537: {  	v12 =	vadd.f32 v12, v5;
	v16 =	vsub.f32 $0.0e+00, v16;
	v62 =	vperm.xlane v17, v2;
	v56 =	vpop (erf)  }
0x538: {  	v5 =	vadd.f32 $-5.000000000e-01, v5;
	v18 =	vadd.f32 $1.000000000e+00, v56  }
0x539: {  	v29 =	vnsel vm1, $0x0, v52;
	v16 =	vmul.f32 $1.442695020e+00, v16;
	v17 =	vadd.f32 v62, v17  }
0x53a: {  	v31 =	vnsel vm7, $0x0, v60;
	v19 =	vadd.f32 v29, v57;
	(erf) = vrcp.f32 v18  }
0x53b: {  	v27 =	vadd.f32 v21, v51;
	v63 =	vperm.xlane v17, v3;
	(erf) = vpow2.f32 v16  }
0x53c: {  	v15 =	vmul.f32 $1.000710010e+01, v15;
	v30 =	vnsel vm1, $0x0, v50;
	v18 =	vadd.f32 v31, v19  }
0x53d: {  	v5 =	vmul.f32 v5, v5;
	v16 =	vadd.f32 v63, v17;
	v17 =	vadd.f32 v30, v27  }
0x53e: {  	v44 =	vnsel vm7, $0x0, v58;
	v56 =	vadd.f32 v23, v20;
	v20 =	vmul.f32 $1.123639970e+01, v14  }
0x53f: {  	v22 =	vmul.f32 $1.000710010e+01, v22;
	v46 =	vperm.xlane v18, v1;
	v17 =	vadd.f32 v44, v17  }
0x540: {  	v62 =	vadd.f32 v61, v56;
	v63 =	vmul.f32 $5.000000000e-01, v20;
	v43 =	vperm.xlane v16, v4  }
0x541: {  	v60 =	vmul.f32 v60, v60;
	v18 =	vadd.f32 v46, v18;
	v27 =	vperm.xlane v17, v1  }
0x542: {  	vm12 =	vgt.f32 v10, $0.0e+00;
	v46 =	vadd.f32 v63, v62;
	v45 =	vadd.f32 v43, v16  }
0x543: {  	vm4 =	vgt.f32 v9, $0.0e+00;
	v54 =	vperm.xlane v18, v2;
	v17 =	vadd.f32 v27, v17;
	v16 =	vpop (erf)  }
0x544: {  	v23 =	vadd.f32 v20, v25;
	v56 =	vmax.f32 v34, v46;
	v19 =	vsub.f32 $0.0e+00, v45;
	v51 =	vpop (erf)  }
0x545: {  	v57 =	vadd.f32 v54, v18;
	v55 =	vperm.xlane v17, v2;
	v53 =	vadd.f32 $1.000000000e+00, v51  }
0x546: {  	v45 =	vmul.f32 $5.000000000e-01, v15;
	v18 =	vsub.f32 v62, v63;
	v19 =	vmul.f32 $1.442695020e+00, v19  }
0x547: {  	v43 =	vperm.xlane v57, v3;
	v17 =	vadd.f32 v55, v17;
	(erf) = vrcp.f32 v53  }
0x548: {  	v54 =	vsub.f32 v12, v45;
	v18 =	vmin.f32 v32, v18;
	(erf) = vpow2.f32 v19  }
0x549: {  	v14 =	vadd.f32 v43, v57;
	v57 =	vmul.u32 $0x9D8A, v42;
	v44 =	vperm.xlane v17, v3  }
0x54a: {  	v18 =	vsub.f32 v56, v18;
	v56 =	vmul.f32 $5.000000000e-01, v22;
	v53 =	vadd.f32 v45, v12  }
0x54b: {  	v55 =	vperm.xlane v14, v4;
	v30 =	vshrl.u32 v57, $0x15;
	v51 =	vadd.f32 v44, v17  }
0x54c: {  	v27 =	vmin.f32 v33, v54;
	v18 =	vsub.f32 v23, v18;
	v30 =	vcvt.s32.f32 v30  }
0x54d: {  	v21 =	vmax.f32 v35, v53;
	v14 =	vadd.f32 v55, v14;
	v62 =	vperm.xlane v51, v4  }
0x54e: {  	v21 =	vsub.f32 v21, v27;
	v53 =	vmul.f32 $-5.200000000e+01, v30;
	v55 =	vadd.f32 v30, v7  }
0x54f: {  	vm9 =	vgt.f32 v18, $0.0e+00;
	v12 =	vadd.f32 v62, v51;
	v51 =	vadd.f32 v15, v24  }
0x550: {  	v7 =	vadd.f32 $-5.000000000e-01, v7;
	v45 =	vmul.f32 $1.442695020e+00, v14;
	v54 =	vadd.f32 v53, v39;
	v17 =	vpop (erf)  }
0x551: {  	v43 =	vsub.f32 v55, v56;
	v15 =	vmul.f32 v15, v20;
	v19 =	vsub.f32 v51, v21;
	v63 =	vpop (erf)  }
0x552: {  	v53 =	vadd.f32 v22, v24;
	v21 =	vmul.f32 $1.123639970e+01, v26;
	v44 =	vadd.f32 $1.000000000e+00, v63  }
0x553: {  	v46 =	vmul.f32 $1.442695020e+00, v12;
	v15 =	vadd.f32 v15, v28;
	v23 =	vmul.f32 v19, v18  }
0x554: {  	v20 =	vadd.f32 v41, v54;
	v26 =	vmul.f32 $5.000000000e-01, v21;
	(erf) = vrcp.f32 v44  }
0x555: {  	v63 =	vadd.f32 v56, v55;
	v15 =	vsub.f32 v15, v23;
	(erf) = vpow2.f32 v45  }
0x556: {  	v54 =	vld [tilespmem:$0x1FED0];
	v57 =	vadd.f32 v26, v20;
	v20 =	vsub.f32 v20, v26;
	(erf) = vpow2.f32 v46  }
0x557: {  	v7 =	vmul.f32 v7, v7;
	v55 =	vld [tilespmem:$0x1FEE0];
	vm3 =	vgt.f32 v19, $0.0e+00;
	v31 =	vmax.f32 v35, v63  }
0x558: {  	v62 =	vmul.f32 $6.000000240e-01, v15;
	v30 =	vmax.f32 v34, v57;
	v20 =	vmin.f32 v32, v20  }
0x559: {  	v46 =	vadd.f32 v21, v25;
	v57 =	vmul.f32 v49, v52;
	v52 =	vadd.f32 $-5.000000000e-01, v41  }
0x55a: {  	v45 =	vld [tilespmem:$0x1FF30];
	v41 =	vadd.f32 $-5.000000000e-01, v17;
	vm8 =	vgt.f32 v23, v62;
	v23 =	vmin.f32 v33, v43  }
0x55b: {  	v51 =	vld [tilespmem:$0x1FF40];
	v21 =	vmul.f32 v22, v21;
	v20 =	vsub.f32 v30, v20;
	v23 =	vsub.f32 v31, v23  }
0x55c: {  	v29 =	vadd.f32 v17, v55;
	v31 =	vadd.f32 v16, v54;
	v54 =	vmul.f32 v52, v52  }
0x55d: {  	vm2 =	vmand vm9, vm3;
	v20 =	vsub.f32 v46, v20;
	v23 =	vsub.f32 v53, v23;
	v15 =	vpop (erf)  }
0x55e: {  	vm3 =	vmand vm12, vm4;
	v21 =	vadd.f32 v21, v28;
	v7 =	vadd.f32 v7, v54;
	v42 =	vpop (erf)  }
0x55f: {  	vm1 =	vmand vm2, vm8;
	v46 =	vmul.f32 v23, v20;
	v44 =	vpop (erf);
	v27 =	vmul.f32 v42, v45  }
0x560: {  	vm10 =	vgt.f32 v20, $0.0e+00;
	v7 =	vadd.f32 v7, v60;
	v26 =	vmul.f32 v44, v51  }
0x561: {  	vm11 =	vgt.f32 v23, $0.0e+00;
	v21 =	vsub.f32 v21, v46;
	v39 =	vmul.f32 $5.000000000e-01, v27  }
0x562: {  	v44 =	vadd.f32 $-5.000000000e-01, v61;
	v45 =	vadd.f32 v27, v25;
	v56 =	vmul.f32 $5.000000000e-01, v26  }
0x563: {  	v60 =	vmul.f32 v15, v15;
	v62 =	vadd.f32 v39, v31;
	v31 =	vsub.f32 v31, v39  }
0x564: {  	v42 =	vmul.f32 v41, v41;
	v63 =	vadd.f32 v56, v29;
	v29 =	vsub.f32 v29, v56  }
0x565: {  	v49 =	vmul.f32 v44, v44;
	v51 =	vadd.f32 v26, v24;
	v39 =	vmax.f32 v34, v62  }
0x566: {  	v61 =	vld [tilespmem:$0x1FFA0];
	v31 =	vmin.f32 v32, v31;
	v22 =	vmax.f32 v35, v63;
	v29 =	vmin.f32 v33, v29  }
0x567: {  	v21 =	vmul.f32 $6.000000240e-01, v21;
	v30 =	vsub.f32 v39, v31;
	v22 =	vsub.f32 v22, v29  }
0x568: {  	v53 =	vmul.f32 v26, v27;
	v44 =	vmul.f32 v38, v38;
	v5 =	vadd.f32 v5, v49  }
0x569: {  	v43 =	vld [tilespmem:$0x1FF10];
	vm0 =	vgt.f32 v46, v21;
	v25 =	vsub.f32 v45, v30;
	v22 =	vsub.f32 v51, v22  }
0x56a: {  	v24 =	vadd.f32 v53, v28;
	v56 =	vmul.f32 v48, v50;
	v50 =	vmul.f32 v14, v14  }
0x56b: {  	v28 =	vld [tilespmem:$0x1FF80];
	v53 =	vmul.f32 v37, v37;
	v26 =	vsub.f32 v8, v61;
	v55 =	vmul.f32 v22, v25  }
0x56c: {  	v8 =	vadd.f32 $-5.000000000e-01, v8;
	v61 =	vmul.f32 v40, v40;
	v5 =	vadd.f32 v5, v57;
	v29 =	vld [tilespmem:$0x1FEF0]  }
0x56d: {  	v63 =	vmul.f32 v59, v59;
	v33 =	vmul.f32 v13, v11;
	v57 =	vsub.f32 v24, v55;
	v24 =	vld [tilespmem:$0x1FF90]  }
0x56e: {  	v32 =	vld [tilespmem:$0x1FF00];
	v13 =	vsub.f32 v14, v43;
	v62 =	vmul.f32 v26, v26;
	v8 =	vmul.f32 v8, v8  }
0x56f: {  	v59 =	vmul.f32 v36, v36;
	v5 =	vadd.f32 v5, v56;
	(erf) = vrcp.f32 v57  }
0x570: {  	v19 =	vsel vm1, $0x0, v63;
	v8 =	vsub.f32 v62, v8;
	v18 =	vsub.f32 v38, v28  }
0x571: {  	v26 =	vmul.f32 v58, v58;
	v5 =	vadd.f32 v19, v5;
	v19 =	vsub.f32 v16, v29  }
0x572: {  	v9 =	vnsel vm3, $0x0, v33;
	v16 =	vadd.f32 $-5.000000000e-01, v16;
	v21 =	vsub.f32 v6, v24  }
0x573: {  	v30 =	vmul.f32 v18, v18;
	v18 =	vsub.f32 v17, v32;
	v31 =	vmul.f32 v19, v19  }
0x574: {  	v16 =	vmul.f32 v16, v16;
	v6 =	vadd.f32 $-5.000000000e-01, v6;
	v21 =	vmul.f32 v21, v21  }
0x575: {  	v45 =	vld [tilespmem:$0x1FFF0];
	v46 =	vmul.f32 v13, v13;
	vm1 =	vmand vm10, vm11;
	v39 =	vmul.f32 v18, v18  }
0x576: {  	v51 =	vld [tilespmem:$0x1FF20];
	v34 =	vsub.f32 v31, v16;
	v6 =	vmul.f32 v6, v6;
	v8 =	vadd.f32 v21, v8  }
0x577: {  	v7 =	vadd.f32 v7, v26;
	v49 =	vsub.f32 v36, v9;
	vm14 =	vgt.f32 v9, $6.000000240e-01  }
0x578: {  	vm0 =	vmand vm1, vm0;
	v6 =	vsub.f32 v8, v6;
	v35 =	vpop (erf);
	v8 =	vadd.f32 v39, v34  }
0x579: {  	vm5 =	vgt.f32 v25, $0.0e+00;
	vm6 =	vgt.f32 v22, $0.0e+00;
	v10 =	vmul.f32 v35, v55  }
0x57a: {  	vm13 =	vmand vm5, vm6;
	v17 =	vsub.f32 v37, v45;
	v8 =	vsub.f32 v8, v42  }
0x57b: {  	v14 =	vsub.f32 v12, v51;
	v6 =	vadd.f32 v6, v30;
	v10 =	vnsel vm13, $0x0, v10  }
0x57c: {  	v11 =	vsel vm14, $0x0, v59;
	v8 =	vadd.f32 v8, v46;
	v52 =	vsub.f32 v15, v10  }
0x57d: {  	v54 =	vmul.f32 $5.000000000e+00, v49;
	v48 =	vmul.f32 v17, v17;
	v6 =	vsub.f32 v6, v44  }
0x57e: {  	v55 =	vmul.f32 v14, v14;
	v8 =	vsub.f32 v8, v50;
	v56 =	vmul.f32 $5.000000000e+00, v52  }
0x57f: {  	v12 =	vmul.f32 v12, v12;
	v57 =	vmul.f32 v54, v49;
	v6 =	vadd.f32 v6, v48  }
0x580: {  	vm15 =	vgt.f32 v10, $6.000000240e-01;
	v8 =	vadd.f32 v8, v55;
	v58 =	vmul.f32 v56, v52  }
0x581: {  	v11 =	vsub.f32 v57, v11;
	v10 =	vsel vm15, $0x0, v60;
	v6 =	vsub.f32 v6, v53  }
0x582: {  	v62 =	vsel vm0, $0x0, v61;
	v8 =	vsub.f32 v8, v12;
	v9 =	vsub.f32 v58, v10  }
0x583: {  	v63 =	vld [tilespmem:$0x1FEC0];
	v7 =	vadd.f32 v62, v7;
	v5 =	vadd.f32 v5, v47  }
0x584: {  	v6 =	vadd.f32 v11, v6;
	v8 =	vadd.f32 v9, v8;
	_ =	sdelay $0x1  }
0x585: {  	v5 =	vadd.f32 v7, v5;
	v6 =	vmul.f32 $6.250000000e-02, v6;
	v7 =	vmul.f32 $6.250000000e-02, v8;
	_ =	sdelay $0x1  }
0x586: {  	v6 =	vadd.f32 v6, v63;
	v5 =	vadd.f32 v7, v5;
	_ =	sdelay $0x1  }
0x587: {  	v5 =	vadd.f32 v5, v6  }
0x588: {  	s12 =	sadd.s32 $0x1, s12  }
0x589: {  	p0 =	sne.s32 s12, s8;
	[tilespmem:$0x16100] =	vst v5  }
0x58a: {  	[hbm4b:s7+s1] =	stream.linear.scatter [tilespmem:s11], [sflag:$0x1], $0x10, $0x38;
	[tilespmem:$0x16180] =	vst v63  }
.Ltmp28:
0x58b: {  	_ = 	snop;
	(pc) =	sbr.rel @p0 .LBB2_1-.Ltmp28, $4  }
.Ltmp29:
0x58c: {  	_ = 	snop;
	(pc) =	sbr.rel @!p0 .LBB2_58-.Ltmp29, $4  }
0x58d: {  	_ =	swait.ge [sflag:s10], $0x10  }
0x58e: {  	[sflag:s10] =	ssyncset.done $0x0  }
0x58f: {  	[sflag:s10] =	ssyncadd.s32 $0xFFFFFFF0  }
0x590: {  	_ = 	snop  }
.LBB2_4:
.Ltmp30:
0x591: {  	_ = 	snop;
	(pc) =	sbr.rel .LBB2_11-.Ltmp30, $3  }
0x592: {  	_ =	sdelay $0x1  }
0x593: {  	s17 =	simm.s32 $0x0;
	v33 =	vmov v20;
	s19 =	simm.s32 $0x0;
	v34 =	vmov v24;
	v30 =	vmov v23  }
0x594: {  	s18 =	smov.u32 s14;
	s16 =	simm.s32 $0x0;
	v31 =	vmovc v22;
	p3 =	por $0x0, $0x0;
	v7 =	vmovc v21;
	v32 =	vmov v25;
	v27 =	vmov v37;
	v26 =	vmov v40  }
.LBB2_12:
.Ltmp31:
0x595: {  	_ = 	snop;
	(pc) =	sbr.rel .LBB2_19-.Ltmp31, $3  }
0x596: {  	_ =	sdelay $0x1  }
0x597: {  	v32 =	vmov v24;
	v34 =	vmov v25;
	v30 =	vmov v23  }
0x598: {  	v31 =	vmovc v22;
	p1 =	por $0x0, $0x0;
	v7 =	vmovc v20;
	v33 =	vmov v21;
	v27 =	vmov v14;
	v26 =	vmov v8  }
.LBB2_20:
.Ltmp32:
0x599: {  	_ = 	snop;
	(pc) =	sbr.rel .LBB2_27-.Ltmp32, $3  }
0x59a: {  	_ =	sdelay $0x1  }
0x59b: {  	v6 =	vmov v20;
	v32 =	vmov v23;
	v34 =	vmov v25  }
0x59c: {  	s17 =	smov.u32 s14;
	s16 =	simm.s32 $0x0;
	v31 =	vmovc v22;
	p3 =	por $0x0, $0x0;
	v33 =	vmovc v21;
	v30 =	vmov v24;
	v27 =	vmov v12;
	v26 =	vmov v7  }
.LBB2_28:
.Ltmp33:
0x59d: {  	_ = 	snop;
	(pc) =	sbr.rel .LBB2_35-.Ltmp33, $3  }
0x59e: {  	_ =	sdelay $0x1  }
0x59f: {  	v25 =	vmov v33;
	v21 =	vmov v35;
	v22 =	vmov v36  }
0x5a0: {  	v26 =	vmovc v34;
	p1 =	por $0x0, $0x0;
	v23 =	vmovc v32;
	v20 =	vmov v31;
	v37 =	vmov v39;
	v38 =	vmov v8  }
.LBB2_40:
.Ltmp34:
0x5a1: {  	_ = 	snop;
	(pc) =	sbr.rel .LBB2_47-.Ltmp34, $3  }
0x5a2: {  	_ =	sdelay $0x1  }
0x5a3: {  	v48 =	vmov v7;
	v58 =	vmov v52;
	v60 =	vmov v51  }
0x5a4: {  	s17 =	smov.u32 s14;
	s16 =	simm.s32 $0x0;
	v57 =	vmovc v50;
	p3 =	por $0x0, $0x0;
	v59 =	vmovc v49;
	v56 =	vmov v53;
	v55 =	vmov v13;
	v54 =	vmov v8  }
.LBB2_48:
.Ltmp35:
0x5a5: {  	_ = 	snop;
	(pc) =	sbr.rel .LBB2_55-.Ltmp35, $3  }
0x5a6: {  	_ =	sdelay $0x1  }
0x5a7: {  	v56 =	vmov v53;
	v59 =	vmov v52;
	v58 =	vmov v51  }
0x5a8: {  	v5 =	vmovc v50;
	p1 =	por $0x0, $0x0;
	v63 =	vmovc v49;
	v62 =	vmov v48;
	v55 =	vmov v14;
	v54 =	vmov v61  }
.LBB2_6:
.Ltmp36:
0x5a9: {  	_ = 	snop;
	(pc) =	sbr.rel .LBB2_11-.Ltmp36, $3  }
0x5aa: {  	_ =	sdelay $0x1  }
0x5ab: {  	v7 =	vmovc v21;
	v33 =	vmov v20;
	v14 =	vmov v39;
	v32 =	vmov v25  }
0x5ac: {  	s17 =	simm.s32 $0x0;
	s16 =	simm.s32 $0x10;
	v34 =	vmovc v24;
	v30 =	vmovc v23;
	v31 =	vmov v22;
	p3 =	por $0x0, $0x0;
	v26 =	vmov v35;
	v27 =	vmov v36  }
.LBB2_14:
.Ltmp37:
0x5ad: {  	_ = 	snop;
	(pc) =	sbr.rel .LBB2_19-.Ltmp37, $3  }
0x5ae: {  	_ =	sdelay $0x1  }
0x5af: {  	v7 =	vmovc v20;
	v33 =	vmovc v21;
	v40 =	vmov v5;
	v39 =	vmov v6;
	v32 =	vmov v24  }
0x5b0: {  	s13 =	simm.s32 $0x10;
	v34 =	vmovc v25;
	v30 =	vmovc v23;
	v31 =	vmov v22;
	v27 =	vmov v36;
	v26 =	vmov v35  }
.LBB2_22:
.Ltmp38:
0x5b1: {  	_ = 	snop;
	(pc) =	sbr.rel .LBB2_27-.Ltmp38, $3  }
0x5b2: {  	_ =	sdelay $0x1  }
0x5b3: {  	v6 =	vmovc v20;
	v33 =	vmovc v21;
	v40 =	vmov v38;
	v39 =	vmov v5;
	v32 =	vmov v23  }
0x5b4: {  	s16 =	simm.s32 $0x10;
	v34 =	vmovc v25;
	v30 =	vmovc v24;
	v31 =	vmov v22;
	p3 =	por $0x0, $0x0;
	v27 =	vmov v36;
	v26 =	vmov v35  }
.LBB2_30:
.Ltmp39:
0x5b5: {  	_ = 	snop;
	(pc) =	sbr.rel .LBB2_35-.Ltmp39, $3  }
0x5b6: {  	_ =	sdelay $0x1  }
0x5b7: {  	v25 =	vmovc v33;
	v23 =	vmovc v32;
	v15 =	vmov v5;
	v14 =	vmov v6;
	v20 =	vmov v31  }
0x5b8: {  	s13 =	simm.s32 $0x10;
	v21 =	vmovc v35;
	v22 =	vmovc v36;
	v26 =	vmov v34;
	v38 =	vmov v27;
	v37 =	vmov v24  }
.LBB2_42:
.Ltmp40:
0x5b9: {  	_ = 	snop;
	(pc) =	sbr.rel .LBB2_47-.Ltmp40, $3  }
0x5ba: {  	_ =	sdelay $0x1  }
0x5bb: {  	v48 =	vmovc v7;
	v59 =	vmovc v49;
	v22 =	vmov v14;
	v21 =	vmov v6;
	v58 =	vmov v52  }
0x5bc: {  	s16 =	simm.s32 $0x10;
	v60 =	vmovc v51;
	v56 =	vmovc v53;
	v57 =	vmov v50;
	p3 =	por $0x0, $0x0;
	v55 =	vmov v62;
	v54 =	vmov v61  }
.LBB2_50:
.Ltmp41:
0x5bd: {  	_ = 	snop;
	(pc) =	sbr.rel .LBB2_55-.Ltmp41, $3  }
0x5be: {  	_ =	sdelay $0x1  }
0x5bf: {  	v63 =	vmovc v49;
	v62 =	vmovc v48;
	v21 =	vmov v6;
	v20 =	vmov v8;
	v56 =	vmov v53  }
0x5c0: {  	s13 =	simm.s32 $0x10;
	v59 =	vmovc v52;
	v58 =	vmovc v51;
	v5 =	vmov v50;
	v55 =	vmov v60;
	v54 =	vmov v57  }
.LBB2_8:
.Ltmp42:
0x5c1: {  	(pc) =	sbr.rel .LBB2_11-.Ltmp42, $3  }
0x5c2: {  	_ =	sdelay $0x1  }
0x5c3: {  	v7 =	vmov v21;
	v33 =	vmov v20;
	v6 =	vmov v8  }
0x5c4: {  	v39 =	vmovc v5;
	v14 =	vmovc v5;
	v40 =	vmov v35;
	v37 =	vmov v36;
	v38 =	vmov v12  }
.LBB2_16:
.Ltmp43:
0x5c5: {  	(pc) =	sbr.rel .LBB2_19-.Ltmp43, $3  }
0x5c6: {  	_ =	sdelay $0x1  }
0x5c7: {  	v7 =	vmovc v20;
	v33 =	vmov v21;
	v14 =	vmov v36;
	v5 =	vmov v13  }
0x5c8: {  	v40 =	vmovc v13;
	v6 =	vmovc v12;
	v39 =	vmov v12;
	v8 =	vmov v35;
	v37 =	vmov v15  }
.LBB2_24:
.Ltmp44:
0x5c9: {  	(pc) =	sbr.rel .LBB2_27-.Ltmp44, $3  }
0x5ca: {  	_ =	sdelay $0x1  }
0x5cb: {  	v6 =	vmovc v20;
	v33 =	vmov v21;
	v12 =	vmov v36;
	v38 =	vmov v13  }
0x5cc: {  	v40 =	vmovc v13;
	v5 =	vmovc v8;
	v39 =	vmov v8;
	v7 =	vmov v35;
	v37 =	vmov v14  }
.LBB2_32:
.Ltmp45:
0x5cd: {  	(pc) =	sbr.rel .LBB2_35-.Ltmp45, $3  }
0x5ce: {  	_ =	sdelay $0x1  }
0x5cf: {  	v25 =	vmovc v33;
	v23 =	vmov v32;
	v8 =	vmov v27;
	v5 =	vmov v12  }
0x5d0: {  	v15 =	vmovc v12;
	v6 =	vmovc v7;
	v14 =	vmov v7;
	v39 =	vmov v24;
	v30 =	vmov v13  }
.LBB2_44:
.Ltmp46:
0x5d1: {  	(pc) =	sbr.rel .LBB2_47-.Ltmp46, $3  }
0x5d2: {  	_ =	sdelay $0x1  }
0x5d3: {  	v48 =	vmovc v7;
	v59 =	vmov v49;
	v13 =	vmov v62;
	v14 =	vmov v5  }
0x5d4: {  	v22 =	vmovc v5;
	v6 =	vmovc v12;
	v21 =	vmov v12;
	v8 =	vmov v61;
	v63 =	vmov v15  }
.LBB2_52:
.Ltmp47:
0x5d5: {  	(pc) =	sbr.rel .LBB2_55-.Ltmp47, $3  }
0x5d6: {  	_ =	sdelay $0x1  }
0x5d7: {  	v63 =	vmovc v49;
	v62 =	vmov v48;
	v14 =	vmov v60;
	v6 =	vmov v13  }
0x5d8: {  	v21 =	vmovc v13;
	v8 =	vmovc v12;
	v20 =	vmov v12;
	v61 =	vmov v57;
	v7 =	vmov v15  }
.LBB2_58:
0x5d9: {  	_ =	sfence.sel $0x180000  }
0x5da: {  	[bflag:$0x0] =	sbarrier.arrive $0xFFFF  }
0x5db: {  	p0 =	sne.s32 s2, $0x0;
	_ =	strace $0x90000047  }
0x5dc: {  	s0 =	sadd.s32 @!p0 $0x100000, s0;
	[bflag:$0x2] =	sbarrier.arrive $0xFFFF  }
0x5dd: {  	[sflag:s0] =	ssyncadd.tile.s32 @!p0 $0x1;
	_ =	shalt  }
.Lfunc_end2:
_tile_overlayer_lowered:
.L_overlay_start_2:
0x5de: {  	(tag) =	ssettag $0x2  }
0x5df: {  	s0 =	rddreg [dreg:$0x0];
	s2 =	stileid.u32  }
0x5e0: {  	s1 =	rddreg [dreg:$0x1];
	p0 =	sne.s32 s2, $0x0  }
0x5e1: {  	s3 =	rddreg [dreg:$0x2];
	[bflag:$0x3] =	sbarrier.arrive $0xFFFF;
	s2 =	simm.s32 @!p0 $0x1C01  }
0x5e2: {  	[timem:s3], [sflag:s2] =	dma.local @!p0 [hbm:s0], s1  }
0x5e3: {  	s0 =	simm.s32 @!p0 $0x1  }
0x5e4: {  	_ =	swait.ge @!p0 [sflag:s0], s1  }
0x5e5: {  	s1 =	ssub.s32 @!p0 $0x0, s1;
	[sflag:s0] =	ssyncset.done @!p0 $0x0  }
0x5e6: {  	[sflag:s0] =	ssyncadd.s32 @!p0 s1  }
0x5e7: {  	[bflag:$0x3] =	sbarrier.arrive $0xFFFF  }
0x5e8: {  	_ =	shalt  }

</sc_bundles>
